<compile_context>
chip_gen: v7x
topology: tpu7x:2x2x1
jax: 0.10.2.dev20260603
libtpu: 0.0.44.dev20260713+nightly
codegen_flags: <defaults>
</compile_context>

<pallas_src>
import functools

import jax
import jax.numpy as jnp
from jax import lax
from jax.experimental import pallas as pl
from jax.experimental.pallas import tpu as pltpu
from jax.experimental.pallas import tpu_sc as plsc

B, C, N, K = 16, 96, 1024, 16
C2 = 2 * C
COUT = 96
NSAMP = B * N
GN = 128
NSUB = GN // 16



NODES_PER_W = (B * N) // 32
NGROUPS = NODES_PER_W // GN
KH = K // 2
CP = C // 2


CCH = 32


def _sc_body(xc_hbm, e_hbm, msg_hbm, chunk, table,
             idx0a, idx1a, idx0b, idx1b, msgbufa, msgbufb,
             stab, sina, sinb, souta, soutb):
    cid = lax.axis_index("c")
    sid = lax.axis_index("s")
    wid = sid * 2 + cid
    b = wid // 2
    half = wid % 2
    lanes = lax.iota(jnp.int32, 16)
    ninf = jnp.full((32,), -jnp.inf, jnp.bfloat16)

    idxs = [(idx0a, idx1a), (idx0b, idx1b)]
    mbufs = [msgbufa, msgbufb]
    sins = [sina, sinb]
    souts = [souta, soutb]

    def idx_start(g, slot):
        n0 = half * NODES_PER_W + g * GN
        i0, i1 = idxs[slot]
        h0 = pltpu.async_copy(e_hbm.at[0, b, pl.ds(n0 * K, GN * K)], i0,
                              sins[slot])
        h1 = pltpu.async_copy(e_hbm.at[1, b, pl.ds(n0 * K, GN * K)], i1,
                              sins[slot])
        return (h0, h1)

    pend = idx_start(0, 0)

    for ci in range(C // CCH):
        pltpu.async_copy(xc_hbm.at[b, pl.ds(ci * CCH, CCH)], chunk,
                         stab).wait()

        def packv(v, pc_):
            for pp in range(CCH // 2):
                a = chunk[2 * pp, pl.ds(v * 16, 16)]
                o = chunk[2 * pp + 1, pl.ds(v * 16, 16)]
                w = plsc.bitcast(
                    plsc.pack(a, o, format=plsc.PackFormat.INTERLEAVED),
                    jnp.int32)
                table[ci * (CCH // 2) + pp, pl.ds(v * 16, 16)] = w
            return pc_

        lax.fori_loop(0, N // 16, packv, 0)

    out_handles = [None, None]
    for g in range(NGROUPS):
        slot = g % 2
        for h in pend:
            h.wait()
        if g + 1 < NGROUPS:
            pend = idx_start(g + 1, (g + 1) % 2)
        if out_handles[slot] is not None:
            out_handles[slot].wait()
        idx0, idx1 = idxs[slot]
        msgbuf = mbufs[slot]

        def sub(sg, sc_):
            nodes = sg * 16 + lanes

            def khalf(k0, first):
                rs = [plsc.load_gather(idx0, [nodes * K + (k0 + k)])
                      for k in range(KH)]
                rd = [plsc.load_gather(idx1, [nodes * K + (k0 + k)])
                      for k in range(KH)]

                def cbody(c, cc):
                    cvec = jnp.full((16,), c, jnp.int32)
                    acc = ninf
                    for k in range(KH):
                        s = plsc.load_gather(table, [cvec, rs[k]])
                        d = plsc.load_gather(table, [cvec, rd[k]])
                        diff = (plsc.bitcast(s, jnp.bfloat16)
                                - plsc.bitcast(d, jnp.bfloat16))
                        acc = jnp.maximum(acc, diff)
                    if not first:
                        prev = plsc.load_gather(msgbuf, [cvec, nodes])
                        acc = jnp.maximum(acc, plsc.bitcast(prev, jnp.bfloat16))
                    plsc.store_scatter(msgbuf, [cvec, nodes],
                                       plsc.bitcast(acc, jnp.int32))
                    return cc

                lax.fori_loop(0, CP, cbody, 0)

            khalf(0, True)
            khalf(KH, False)
            return sc_

        lax.fori_loop(0, NSUB, sub, 0)
        n0 = half * NODES_PER_W + g * GN
        out_handles[slot] = pltpu.async_copy(
            msgbuf, msg_hbm.at[b, :, pl.ds(n0, GN)], souts[slot])

    for h in out_handles:
        if h is not None:
            h.wait()


@functools.cache
def _sc_msg():
    return pl.kernel(
        _sc_body,
        out_type=jax.ShapeDtypeStruct((B, CP, N), jnp.int32),
        mesh=plsc.VectorSubcoreMesh(core_axis_name="c", subcore_axis_name="s",
                                    num_cores=2, num_subcores=16),
        compiler_params=pltpu.CompilerParams(needs_layout_passes=False),
        scratch_types=[
            pltpu.VMEM((CCH, N), jnp.float32),
            pltpu.VMEM((CP, N), jnp.int32),
            pltpu.VMEM((GN * K,), jnp.int32),
            pltpu.VMEM((GN * K,), jnp.int32),
            pltpu.VMEM((GN * K,), jnp.int32),
            pltpu.VMEM((GN * K,), jnp.int32),
            pltpu.VMEM((CP, GN), jnp.int32),
            pltpu.VMEM((CP, GN), jnp.int32),
            pltpu.SemaphoreType.DMA,
            pltpu.SemaphoreType.DMA,
            pltpu.SemaphoreType.DMA,
            pltpu.SemaphoreType.DMA,
            pltpu.SemaphoreType.DMA,
        ],
    )



_DOT = dict(preferred_element_type=jnp.float32, precision=lax.Precision.HIGHEST)


def _gelu(x):
    return 0.5 * x * (1.0 + lax.erf(x * 0.7071067811865476))


def _h1(x_ref, m_ref, wx_ref, wme_ref, wmo_ref, b1_ref):
    m = m_ref[0]
    mlo = lax.bitcast_convert_type(m << 16, jnp.float32)
    mhi = lax.bitcast_convert_type(m & jnp.int32(-65536), jnp.float32)
    return (jnp.dot(wx_ref[...], x_ref[0], **_DOT)
            + jnp.dot(wme_ref[...], mlo, **_DOT)
            + jnp.dot(wmo_ref[...], mhi, **_DOT) + b1_ref[...])


def _norm_gelu(h, s_ref, g_ref, be_ref):
    inv = 1.0 / NSAMP
    mean = s_ref[:, 0:1] * inv
    var = s_ref[:, 1:2] * inv - mean * mean
    scale = g_ref[...] * lax.rsqrt(var + 1e-5)
    return _gelu((h - mean) * scale + be_ref[...])


def _stats(h, s_ref, is_first):
    @pl.when(is_first)
    def _():
        s_ref[...] = jnp.zeros_like(s_ref)

    s_ref[...] += jnp.concatenate(
        [jnp.sum(h, 1, keepdims=True), jnp.sum(h * h, 1, keepdims=True)], 1)


def _mlp(x_ref, m_ref, wx_ref, wme_ref, wmo_ref, b1_ref, g1_ref, be1_ref,
         w2_ref, b2_ref, g2_ref, be2_ref, o_ref, s1_ref, s2_ref, h2s_ref):
    p = pl.program_id(0)
    b = pl.program_id(1)

    @pl.when(p == 0)
    def _():
        _stats(_h1(x_ref, m_ref, wx_ref, wme_ref, wmo_ref, b1_ref),
               s1_ref, b == 0)

    @pl.when(p == 1)
    def _():
        h = _h1(x_ref, m_ref, wx_ref, wme_ref, wmo_ref, b1_ref)
        g = _norm_gelu(h, s1_ref, g1_ref, be1_ref)
        h2 = jnp.dot(w2_ref[...], g, **_DOT) + b2_ref[...]
        h2s_ref[b] = h2
        _stats(h2, s2_ref, b == 0)

    @pl.when(p == 2)
    def _():
        o_ref[0] = _norm_gelu(h2s_ref[b], s2_ref, g2_ref, be2_ref)


def kernel(x, edge_idx, conv1_w, conv1_b, bn1_g, bn1_b,
           conv2_w, conv2_b, bn2_g, bn2_b):
    xc = x.reshape(B, C, N)
    ef = edge_idx.reshape(2, B, N * K)

    msg = _sc_msg()(xc, ef)

    w1x = conv1_w[:, 0::2]
    w1m = conv1_w[:, 1::2]
    w1me = w1m[:, 0::2]
    w1mo = w1m[:, 1::2]
    b1 = conv1_b.reshape(C2, 1)
    g1 = bn1_g.reshape(C2, 1)
    be1 = bn1_b.reshape(C2, 1)
    b2 = conv2_b.reshape(COUT, 1)
    g2 = bn2_g.reshape(COUT, 1)
    be2 = bn2_b.reshape(COUT, 1)

    xspec = pl.BlockSpec((1, C, N), lambda p, b: (b, 0, 0))
    mspec = pl.BlockSpec((1, CP, N), lambda p, b: (b, 0, 0))

    def _fullpb(shape):
        return pl.BlockSpec(shape, lambda p, b: tuple(0 for _ in shape))

    out = pl.pallas_call(
        _mlp,
        grid=(3, B),
        in_specs=[xspec, mspec, _fullpb((C2, C)), _fullpb((C2, CP)),
                  _fullpb((C2, CP)), _fullpb((C2, 1)), _fullpb((C2, 1)),
                  _fullpb((C2, 1)), _fullpb((COUT, C2)), _fullpb((COUT, 1)),
                  _fullpb((COUT, 1)), _fullpb((COUT, 1))],
        out_specs=pl.BlockSpec((1, COUT, N), lambda p, b: (b, 0, 0)),
        out_shape=jax.ShapeDtypeStruct((B, COUT, N), jnp.float32),
        scratch_shapes=[
            pltpu.VMEM((C2, 2), jnp.float32),
            pltpu.VMEM((COUT, 2), jnp.float32),
            pltpu.VMEM((B, COUT, N), jnp.float32),
        ],
    )(xc, msg, w1x, w1me, w1mo, b1, g1, be1, conv2_w, b2, g2, be2)

    return out.reshape(B, COUT, 32, 32)

# --- scband reference (transcript-rebuilt; emitter-appended) ---
"""Pipeline reference for scband-gnn-36077725286460 (READ-ONLY COPY).

The authoritative reference and input builder live on the scoring server;
editing this copy changes nothing except your own understanding.
"""

import jax, jax.numpy as jnp
import numpy as np


def _gather(x, idx):
    # x: [B, C, N], idx: [B, Nv, K] -> [B, C, Nv, K]
    B, C, N = x.shape
    _, Nv, K = idx.shape
    idxf = jnp.broadcast_to(idx.reshape(B, 1, Nv * K), (B, C, Nv * K))
    return jnp.take_along_axis(x, idxf, axis=2).reshape(B, C, Nv, K)


def _bn(x, gamma, beta, eps=1e-5):
    # BatchNorm2d in training mode: biased batch statistics over (B, H, W)
    mean = jnp.mean(x, axis=(0, 2, 3), keepdims=True)
    var = jnp.var(x, axis=(0, 2, 3), keepdims=True)
    xh = (x - mean) / jnp.sqrt(var + eps)
    return xh * gamma[None, :, None, None] + beta[None, :, None, None]


def setup_inputs(seed: int = 0) -> dict:
    key = jax.random.key(seed)
    ks = jax.random.split(key, 10)
    B, C, H, W, K = 16, 96, 32, 32, 16
    N = H * W
    Cout = 96
    x = jax.random.normal(ks[0], (B, C, H, W), dtype=jnp.float32)
    edge_idx = jax.random.randint(ks[1], (2, B, N, K), 0, N, dtype=jnp.int32)
    s1 = 1.0 / np.sqrt(2 * C)
    s2 = 1.0 / np.sqrt(2 * C)
    conv1_w = jax.random.normal(ks[2], (2 * C, 2 * C), dtype=jnp.float32) * s1
    conv1_b = jax.random.normal(ks[3], (2 * C,), dtype=jnp.float32) * s1
    bn1_g = jnp.ones((2 * C,), dtype=jnp.float32)
    bn1_b = jnp.zeros((2 * C,), dtype=jnp.float32)
    conv2_w = jax.random.normal(ks[4], (Cout, 2 * C), dtype=jnp.float32) * s2
    conv2_b = jax.random.normal(ks[5], (Cout,), dtype=jnp.float32) * s2
    bn2_g = jnp.ones((Cout,), dtype=jnp.float32)
    bn2_b = jnp.zeros((Cout,), dtype=jnp.float32)
    return {"x": x, "edge_idx": edge_idx, "conv1_w": conv1_w, "conv1_b": conv1_b,
            "bn1_g": bn1_g, "bn1_b": bn1_b, "conv2_w": conv2_w, "conv2_b": conv2_b,
            "bn2_g": bn2_g, "bn2_b": bn2_b}


def reference(x, edge_idx, conv1_w, conv1_b, bn1_g, bn1_b, conv2_w, conv2_b, bn2_g, bn2_b):
    B, C, H, W = x.shape
    N = H * W
    xv = x.reshape(B, C, N)
    x_i = _gather(xv, edge_idx[1])   # [B, C, N, K]
    x_j = _gather(xv, edge_idx[0])   # [B, C, N, K]
    x_j = jnp.max(x_j - x_i, axis=-1, keepdims=True)  # [B, C, N, 1]
    x4 = xv[:, :, :, None]                              # [B, C, N, 1]
    xs = jnp.stack([x4, x_j], axis=2)                   # [B, C, 2, N, 1]
    xs = xs.reshape(B, 2 * C, N, 1)
    h = jnp.einsum('oc,bcnk->bonk', conv1_w, xs) + conv1_b[None, :, None, None]
    h = _bn(h, bn1_g, bn1_b)
    h = jax.nn.gelu(h, approximate=False)
    h = jnp.einsum('oc,bcnk->bonk', conv2_w, h) + conv2_b[None, :, None, None]
    h = _bn(h, bn2_g, bn2_b)
    h = jax.nn.gelu(h, approximate=False)
    return h.reshape(B, -1, H, W)

if __name__ == "__main__":
    import jax
    _d = setup_inputs()
    print(jax.jit(kernel)(*tuple(_d.values())))

</pallas_src>

<mosaic_0001>
#map = affine_map<(d0, d1) -> (0, 0, 0)>
module attributes {stable_mosaic.version = 14 : i64} {
  func.func @_sc_body(%arg0: i32, %arg1: i32, %arg2: memref<16x96x1024xf32, #tpu.memory_space<hbm>>, %arg3: memref<2x16x16384xi32, #tpu.memory_space<hbm>>, %arg4: memref<16x48x1024xi32, #tpu.memory_space<hbm>>, %arg5: memref<32x1024xf32, #tpu.memory_space<vmem>>, %arg6: memref<48x1024xi32, #tpu.memory_space<vmem>>, %arg7: memref<2048xi32, #tpu.memory_space<vmem>>, %arg8: memref<2048xi32, #tpu.memory_space<vmem>>, %arg9: memref<2048xi32, #tpu.memory_space<vmem>>, %arg10: memref<2048xi32, #tpu.memory_space<vmem>>, %arg11: memref<48x128xi32, #tpu.memory_space<vmem>>, %arg12: memref<48x128xi32, #tpu.memory_space<vmem>>, %arg13: memref<!tpu.dma_semaphore, #tpu.memory_space<semaphore_mem>>, %arg14: memref<!tpu.dma_semaphore, #tpu.memory_space<semaphore_mem>>, %arg15: memref<!tpu.dma_semaphore, #tpu.memory_space<semaphore_mem>>, %arg16: memref<!tpu.dma_semaphore, #tpu.memory_space<semaphore_mem>>, %arg17: memref<!tpu.dma_semaphore, #tpu.memory_space<semaphore_mem>>) attributes {dimension_semantics = [#tpu.dimension_semantics<core_parallel>, #tpu.dimension_semantics<subcore_parallel>], iteration_bounds = array<i64: 2, 16>, scalar_prefetch = 0 : i64, scratch_operands = 13 : i64, tpu.core_type = #tpu.core_type<sc_vector_subcore>, window_params = [{transform_indices = #map}, {transform_indices = #map}, {transform_indices = #map}]} {
    %mul3A = arith.constant 2 : i32
    %mul3A_0 = arith.muli %arg1, %mul3A : i32
    %add3A = arith.addi %mul3A_0, %arg0 : i32
    %jit3A = arith.constant 2 : i32
    %div3A = arith.divsi %add3A, %jit3A : i32
    %sign3A = arith.constant 0 : i32
    %sign3A_1 = arith.cmpi sgt, %add3A, %sign3A : i32
    %sign3A_2 = arith.extui %sign3A_1 : i1 to i32
    %sign3A_3 = arith.constant 0 : i32
    %sign3A_4 = arith.cmpi slt, %add3A, %sign3A_3 : i32
    %sign3A_5 = arith.extui %sign3A_4 : i1 to i32
    %sign3A_6 = arith.subi %sign3A_2, %sign3A_5 : i32
    %sign3A_7 = arith.constant 0 : i32
    %sign3A_8 = arith.cmpi sgt, %jit3A, %sign3A_7 : i32
    %sign3A_9 = arith.extui %sign3A_8 : i1 to i32
    %sign3A_10 = arith.constant 0 : i32
    %sign3A_11 = arith.cmpi slt, %jit3A, %sign3A_10 : i32
    %sign3A_12 = arith.extui %sign3A_11 : i1 to i32
    %sign3A_13 = arith.subi %sign3A_9, %sign3A_12 : i32
    %ne3A = arith.cmpi ne, %sign3A_6, %sign3A_13 : i32
    %rem3A = arith.remsi %add3A, %jit3A : i32
    %ne3A_14 = arith.constant 0 : i32
    %ne3A_15 = arith.cmpi ne, %rem3A, %ne3A_14 : i32
    %and3A = arith.andi %ne3A, %ne3A_15 : i1
    %sub3A = arith.constant 1 : i32
    %sub3A_16 = arith.subi %div3A, %sub3A : i32
    %select_n3A = arith.select %and3A, %sub3A_16, %div3A : i32
    %jit3A_17 = arith.constant 2 : i32
    %eq3A = arith.constant 0 : i32
    %eq3A_18 = arith.cmpi eq, %jit3A_17, %eq3A : i32
    %jit3A_19 = arith.constant 1 : i32
    %select_n3A_20 = arith.select %eq3A_18, %jit3A_19, %jit3A_17 : i32
    %rem3A_21 = arith.remsi %add3A, %select_n3A_20 : i32
    %ne3A_22 = arith.constant 0 : i32
    %ne3A_23 = arith.cmpi ne, %rem3A_21, %ne3A_22 : i32
    %lt3A = arith.constant 0 : i32
    %lt3A_24 = arith.cmpi slt, %rem3A_21, %lt3A : i32
    %lt3A_25 = arith.constant 0 : i32
    %lt3A_26 = arith.cmpi slt, %select_n3A_20, %lt3A_25 : i32
    %ne3A_27 = arith.xori %lt3A_24, %lt3A_26 : i1
    %and3A_28 = arith.andi %ne3A_27, %ne3A_23 : i1
    %add3A_29 = arith.addi %rem3A_21, %select_n3A_20 : i32
    %select_n3A_30 = arith.select %and3A_28, %add3A_29, %rem3A_21 : i32
    %iota3A = tpu.iota {dimensions = array<i32: 0>} : vector<16xi32>
    %broadcast_in_dim3A = arith.constant 0xFF80 : bf16
    %broadcast_in_dim3A_31 = vector.broadcast %broadcast_in_dim3A : bf16 to vector<32xbf16>
    %mul3A_32 = arith.constant 512 : i32
    %mul3A_33 = arith.muli %select_n3A_30, %mul3A_32 : i32
    %add3A_34 = arith.constant 0 : i32
    %add3A_35 = arith.addi %mul3A_33, %add3A_34 : i32
    %mul3A_36 = arith.constant 16 : i32
    %mul3A_37 = arith.muli %add3A_35, %mul3A_36 : i32
    %dma_start3A = arith.constant 0 : i32
    %dma_start3A_38 = tpu.memref_slice %arg3[%dma_start3A, %select_n3A, %mul3A_37] : memref<2x16x16384xi32, #tpu.memory_space<hbm>> -> memref<1x1x2048xi32, #tpu.memory_space<hbm>>
    %dma_start3A_39 = tpu.memref_squeeze %dma_start3A_38 : memref<1x1x2048xi32, #tpu.memory_space<hbm>> -> memref<2048xi32, #tpu.memory_space<hbm>>
    %dma_start3A_40 = tpu.memref_slice %arg3[%dma_start3A, %select_n3A, %mul3A_37] : memref<2x16x16384xi32, #tpu.memory_space<hbm>> -> memref<1x1x2048xi32, #tpu.memory_space<hbm>>
    %dma_start3A_41 = tpu.memref_squeeze %dma_start3A_40 : memref<1x1x2048xi32, #tpu.memory_space<hbm>> -> memref<2048xi32, #tpu.memory_space<hbm>>
    tpu.enqueue_dma source(%dma_start3A_41 : memref<2048xi32, #tpu.memory_space<hbm>>) target(%arg7 : memref<2048xi32, #tpu.memory_space<vmem>>) target_semaphore(%arg14 : memref<!tpu.dma_semaphore, #tpu.memory_space<semaphore_mem>>)
    %mul3A_42 = arith.constant 16 : i32
    %mul3A_43 = arith.muli %add3A_35, %mul3A_42 : i32
    %dma_start3A_44 = arith.constant 1 : i32
    %dma_start3A_45 = tpu.memref_slice %arg3[%dma_start3A_44, %select_n3A, %mul3A_43] : memref<2x16x16384xi32, #tpu.memory_space<hbm>> -> memref<1x1x2048xi32, #tpu.memory_space<hbm>>
    %dma_start3A_46 = tpu.memref_squeeze %dma_start3A_45 : memref<1x1x2048xi32, #tpu.memory_space<hbm>> -> memref<2048xi32, #tpu.memory_space<hbm>>
    %dma_start3A_47 = tpu.memref_slice %arg3[%dma_start3A_44, %select_n3A, %mul3A_43] : memref<2x16x16384xi32, #tpu.memory_space<hbm>> -> memref<1x1x2048xi32, #tpu.memory_space<hbm>>
    %dma_start3A_48 = tpu.memref_squeeze %dma_start3A_47 : memref<1x1x2048xi32, #tpu.memory_space<hbm>> -> memref<2048xi32, #tpu.memory_space<hbm>>
    tpu.enqueue_dma source(%dma_start3A_48 : memref<2048xi32, #tpu.memory_space<hbm>>) target(%arg8 : memref<2048xi32, #tpu.memory_space<vmem>>) target_semaphore(%arg14 : memref<!tpu.dma_semaphore, #tpu.memory_space<semaphore_mem>>)
    %dma_start3A_49 = arith.constant 0 : i32
    %dma_start3A_50 = arith.constant 0 : i32
    %dma_start3A_51 = tpu.memref_slice %arg2[%select_n3A, %dma_start3A_49, %dma_start3A_50] : memref<16x96x1024xf32, #tpu.memory_space<hbm>> -> memref<1x32x1024xf32, #tpu.memory_space<hbm>>
    %dma_start3A_52 = tpu.memref_squeeze %dma_start3A_51 : memref<1x32x1024xf32, #tpu.memory_space<hbm>> -> memref<32x1024xf32, #tpu.memory_space<hbm>>
    %dma_start3A_53 = arith.constant 0 : i32
    %dma_start3A_54 = arith.constant 0 : i32
    %dma_start3A_55 = tpu.memref_slice %arg2[%select_n3A, %dma_start3A_53, %dma_start3A_54] : memref<16x96x1024xf32, #tpu.memory_space<hbm>> -> memref<1x32x1024xf32, #tpu.memory_space<hbm>>
    %dma_start3A_56 = tpu.memref_squeeze %dma_start3A_55 : memref<1x32x1024xf32, #tpu.memory_space<hbm>> -> memref<32x1024xf32, #tpu.memory_space<hbm>>
    tpu.enqueue_dma source(%dma_start3A_56 : memref<32x1024xf32, #tpu.memory_space<hbm>>) target(%arg5 : memref<32x1024xf32, #tpu.memory_space<vmem>>) target_semaphore(%arg13 : memref<!tpu.dma_semaphore, #tpu.memory_space<semaphore_mem>>)
    %dma_wait3A = arith.constant 0 : i32
    %dma_wait3A_57 = arith.constant 0 : i32
    %dma_wait3A_58 = tpu.memref_slice %arg2[%select_n3A, %dma_wait3A, %dma_wait3A_57] : memref<16x96x1024xf32, #tpu.memory_space<hbm>> -> memref<1x32x1024xf32, #tpu.memory_space<hbm>>
    %dma_wait3A_59 = tpu.memref_squeeze %dma_wait3A_58 : memref<1x32x1024xf32, #tpu.memory_space<hbm>> -> memref<32x1024xf32, #tpu.memory_space<hbm>>
    %dma_wait3A_60 = arith.constant 0 : i32
    %dma_wait3A_61 = arith.constant 0 : i32
    %dma_wait3A_62 = tpu.memref_slice %arg2[%select_n3A, %dma_wait3A_60, %dma_wait3A_61] : memref<16x96x1024xf32, #tpu.memory_space<hbm>> -> memref<1x32x1024xf32, #tpu.memory_space<hbm>>
    %dma_wait3A_63 = tpu.memref_squeeze %dma_wait3A_62 : memref<1x32x1024xf32, #tpu.memory_space<hbm>> -> memref<32x1024xf32, #tpu.memory_space<hbm>>
    tpu.wait_dma2 semaphore(%arg13 : memref<!tpu.dma_semaphore, #tpu.memory_space<semaphore_mem>>) src(%dma_wait3A_63 : memref<32x1024xf32, #tpu.memory_space<hbm>>) dst(%arg5 : memref<32x1024xf32, #tpu.memory_space<vmem>>)
    %scan3A = arith.constant 0 : i32
    %scan3A_64 = arith.constant 0 : i32
    %scan3A_65 = arith.constant 64 : i32
    %scan3A_66 = arith.addi %scan3A_64, %scan3A_65 : i32
    %scan3A_67 = arith.constant 1 : i32
    scf.for %scan3A_295 = %scan3A_64 to %scan3A_66 step %scan3A_67  : i32 {
      %mul3A_296 = arith.constant 16 : i32
      %mul3A_297 = arith.muli %scan3A_295, %mul3A_296 : i32
      %get3A = arith.constant 0 : i32
      %get3A_298 = arith.index_cast %get3A : i32 to index
      %get3A_299 = arith.index_cast %mul3A_297 : i32 to index
      %get3A_300 = tpu.vector_load %arg5[%get3A_298, %get3A_299] {strides = array<i32>} : memref<32x1024xf32, #tpu.memory_space<vmem>>, vector<16xf32>,
      %mul3A_301 = arith.constant 16 : i32
      %mul3A_302 = arith.muli %scan3A_295, %mul3A_301 : i32
      %get3A_303 = arith.constant 1 : i32
      %get3A_304 = arith.index_cast %get3A_303 : i32 to index
      %get3A_305 = arith.index_cast %mul3A_302 : i32 to index
      %get3A_306 = tpu.vector_load %arg5[%get3A_304, %get3A_305] {strides = array<i32>} : memref<32x1024xf32, #tpu.memory_space<vmem>>, vector<16xf32>,
      %pack3A = tpu.pack_subelements %get3A_300, %get3A_306 {pack_format = #tpu.pack_format<interleaved>, positions = array<i32: 0, 1>} : vector<16xf32>, vector<16xf32> -> vector<32xbf16>
      %bitcast3A = vector.bitcast %pack3A : vector<32xbf16> to vector<16xi32>
      %mul3A_307 = arith.constant 16 : i32
      %mul3A_308 = arith.muli %scan3A_295, %mul3A_307 : i32
      %swap3A = arith.constant 0 : i32
      %swap3A_309 = arith.index_cast %swap3A : i32 to index
      %swap3A_310 = arith.index_cast %mul3A_308 : i32 to index
      %swap3A_311 = tpu.vector_load %arg6[%swap3A_309, %swap3A_310] {strides = array<i32>} : memref<48x1024xi32, #tpu.memory_space<vmem>>, vector<16xi32>,
      tpu.vector_store %arg6[%swap3A_309, %swap3A_310], %bitcast3A {strides = array<i32>} : memref<48x1024xi32, #tpu.memory_space<vmem>>, vector<16xi32>,
      %mul3A_312 = arith.constant 16 : i32
      %mul3A_313 = arith.muli %scan3A_295, %mul3A_312 : i32
      %get3A_314 = arith.constant 2 : i32
      %get3A_315 = arith.index_cast %get3A_314 : i32 to index
      %get3A_316 = arith.index_cast %mul3A_313 : i32 to index
      %get3A_317 = tpu.vector_load %arg5[%get3A_315, %get3A_316] {strides = array<i32>} : memref<32x1024xf32, #tpu.memory_space<vmem>>, vector<16xf32>,
      %mul3A_318 = arith.constant 16 : i32
      %mul3A_319 = arith.muli %scan3A_295, %mul3A_318 : i32
      %get3A_320 = arith.constant 3 : i32
      %get3A_321 = arith.index_cast %get3A_320 : i32 to index
      %get3A_322 = arith.index_cast %mul3A_319 : i32 to index
      %get3A_323 = tpu.vector_load %arg5[%get3A_321, %get3A_322] {strides = array<i32>} : memref<32x1024xf32, #tpu.memory_space<vmem>>, vector<16xf32>,
      %pack3A_324 = tpu.pack_subelements %get3A_317, %get3A_323 {pack_format = #tpu.pack_format<interleaved>, positions = array<i32: 0, 1>} : vector<16xf32>, vector<16xf32> -> vector<32xbf16>
      %bitcast3A_325 = vector.bitcast %pack3A_324 : vector<32xbf16> to vector<16xi32>
      %mul3A_326 = arith.constant 16 : i32
      %mul3A_327 = arith.muli %scan3A_295, %mul3A_326 : i32
      %swap3A_328 = arith.constant 1 : i32
      %swap3A_329 = arith.index_cast %swap3A_328 : i32 to index
      %swap3A_330 = arith.index_cast %mul3A_327 : i32 to index
      %swap3A_331 = tpu.vector_load %arg6[%swap3A_329, %swap3A_330] {strides = array<i32>} : memref<48x1024xi32, #tpu.memory_space<vmem>>, vector<16xi32>,
      tpu.vector_store %arg6[%swap3A_329, %swap3A_330], %bitcast3A_325 {strides = array<i32>} : memref<48x1024xi32, #tpu.memory_space<vmem>>, vector<16xi32>,
      %mul3A_332 = arith.constant 16 : i32
      %mul3A_333 = arith.muli %scan3A_295, %mul3A_332 : i32
      %get3A_334 = arith.constant 4 : i32
      %get3A_335 = arith.index_cast %get3A_334 : i32 to index
      %get3A_336 = arith.index_cast %mul3A_333 : i32 to index
      %get3A_337 = tpu.vector_load %arg5[%get3A_335, %get3A_336] {strides = array<i32>} : memref<32x1024xf32, #tpu.memory_space<vmem>>, vector<16xf32>,
      %mul3A_338 = arith.constant 16 : i32
      %mul3A_339 = arith.muli %scan3A_295, %mul3A_338 : i32
      %get3A_340 = arith.constant 5 : i32
      %get3A_341 = arith.index_cast %get3A_340 : i32 to index
      %get3A_342 = arith.index_cast %mul3A_339 : i32 to index
      %get3A_343 = tpu.vector_load %arg5[%get3A_341, %get3A_342] {strides = array<i32>} : memref<32x1024xf32, #tpu.memory_space<vmem>>, vector<16xf32>,
      %pack3A_344 = tpu.pack_subelements %get3A_337, %get3A_343 {pack_format = #tpu.pack_format<interleaved>, positions = array<i32: 0, 1>} : vector<16xf32>, vector<16xf32> -> vector<32xbf16>
      %bitcast3A_345 = vector.bitcast %pack3A_344 : vector<32xbf16> to vector<16xi32>
      %mul3A_346 = arith.constant 16 : i32
      %mul3A_347 = arith.muli %scan3A_295, %mul3A_346 : i32
      %swap3A_348 = arith.constant 2 : i32
      %swap3A_349 = arith.index_cast %swap3A_348 : i32 to index
      %swap3A_350 = arith.index_cast %mul3A_347 : i32 to index
      %swap3A_351 = tpu.vector_load %arg6[%swap3A_349, %swap3A_350] {strides = array<i32>} : memref<48x1024xi32, #tpu.memory_space<vmem>>, vector<16xi32>,
      tpu.vector_store %arg6[%swap3A_349, %swap3A_350], %bitcast3A_345 {strides = array<i32>} : memref<48x1024xi32, #tpu.memory_space<vmem>>, vector<16xi32>,
      %mul3A_352 = arith.constant 16 : i32
      %mul3A_353 = arith.muli %scan3A_295, %mul3A_352 : i32
      %get3A_354 = arith.constant 6 : i32
      %get3A_355 = arith.index_cast %get3A_354 : i32 to index
      %get3A_356 = arith.index_cast %mul3A_353 : i32 to index
      %get3A_357 = tpu.vector_load %arg5[%get3A_355, %get3A_356] {strides = array<i32>} : memref<32x1024xf32, #tpu.memory_space<vmem>>, vector<16xf32>,
      %mul3A_358 = arith.constant 16 : i32
      %mul3A_359 = arith.muli %scan3A_295, %mul3A_358 : i32
      %get3A_360 = arith.constant 7 : i32
      %get3A_361 = arith.index_cast %get3A_360 : i32 to index
      %get3A_362 = arith.index_cast %mul3A_359 : i32 to index
      %get3A_363 = tpu.vector_load %arg5[%get3A_361, %get3A_362] {strides = array<i32>} : memref<32x1024xf32, #tpu.memory_space<vmem>>, vector<16xf32>,
      %pack3A_364 = tpu.pack_subelements %get3A_357, %get3A_363 {pack_format = #tpu.pack_format<interleaved>, positions = array<i32: 0, 1>} : vector<16xf32>, vector<16xf32> -> vector<32xbf16>
      %bitcast3A_365 = vector.bitcast %pack3A_364 : vector<32xbf16> to vector<16xi32>
      %mul3A_366 = arith.constant 16 : i32
      %mul3A_367 = arith.muli %scan3A_295, %mul3A_366 : i32
      %swap3A_368 = arith.constant 3 : i32
      %swap3A_369 = arith.index_cast %swap3A_368 : i32 to index
      %swap3A_370 = arith.index_cast %mul3A_367 : i32 to index
      %swap3A_371 = tpu.vector_load %arg6[%swap3A_369, %swap3A_370] {strides = array<i32>} : memref<48x1024xi32, #tpu.memory_space<vmem>>, vector<16xi32>,
      tpu.vector_store %arg6[%swap3A_369, %swap3A_370], %bitcast3A_365 {strides = array<i32>} : memref<48x1024xi32, #tpu.memory_space<vmem>>, vector<16xi32>,
      %mul3A_372 = arith.constant 16 : i32
      %mul3A_373 = arith.muli %scan3A_295, %mul3A_372 : i32
      %get3A_374 = arith.constant 8 : i32
      %get3A_375 = arith.index_cast %get3A_374 : i32 to index
      %get3A_376 = arith.index_cast %mul3A_373 : i32 to index
      %get3A_377 = tpu.vector_load %arg5[%get3A_375, %get3A_376] {strides = array<i32>} : memref<32x1024xf32, #tpu.memory_space<vmem>>, vector<16xf32>,
      %mul3A_378 = arith.constant 16 : i32
      %mul3A_379 = arith.muli %scan3A_295, %mul3A_378 : i32
      %get3A_380 = arith.constant 9 : i32
      %get3A_381 = arith.index_cast %get3A_380 : i32 to index
      %get3A_382 = arith.index_cast %mul3A_379 : i32 to index
      %get3A_383 = tpu.vector_load %arg5[%get3A_381, %get3A_382] {strides = array<i32>} : memref<32x1024xf32, #tpu.memory_space<vmem>>, vector<16xf32>,
      %pack3A_384 = tpu.pack_subelements %get3A_377, %get3A_383 {pack_format = #tpu.pack_format<interleaved>, positions = array<i32: 0, 1>} : vector<16xf32>, vector<16xf32> -> vector<32xbf16>
      %bitcast3A_385 = vector.bitcast %pack3A_384 : vector<32xbf16> to vector<16xi32>
      %mul3A_386 = arith.constant 16 : i32
      %mul3A_387 = arith.muli %scan3A_295, %mul3A_386 : i32
      %swap3A_388 = arith.constant 4 : i32
      %swap3A_389 = arith.index_cast %swap3A_388 : i32 to index
      %swap3A_390 = arith.index_cast %mul3A_387 : i32 to index
      %swap3A_391 = tpu.vector_load %arg6[%swap3A_389, %swap3A_390] {strides = array<i32>} : memref<48x1024xi32, #tpu.memory_space<vmem>>, vector<16xi32>,
      tpu.vector_store %arg6[%swap3A_389, %swap3A_390], %bitcast3A_385 {strides = array<i32>} : memref<48x1024xi32, #tpu.memory_space<vmem>>, vector<16xi32>,
      %mul3A_392 = arith.constant 16 : i32
      %mul3A_393 = arith.muli %scan3A_295, %mul3A_392 : i32
      %get3A_394 = arith.constant 10 : i32
      %get3A_395 = arith.index_cast %get3A_394 : i32 to index
      %get3A_396 = arith.index_cast %mul3A_393 : i32 to index
      %get3A_397 = tpu.vector_load %arg5[%get3A_395, %get3A_396] {strides = array<i32>} : memref<32x1024xf32, #tpu.memory_space<vmem>>, vector<16xf32>,
      %mul3A_398 = arith.constant 16 : i32
      %mul3A_399 = arith.muli %scan3A_295, %mul3A_398 : i32
      %get3A_400 = arith.constant 11 : i32
      %get3A_401 = arith.index_cast %get3A_400 : i32 to index
      %get3A_402 = arith.index_cast %mul3A_399 : i32 to index
      %get3A_403 = tpu.vector_load %arg5[%get3A_401, %get3A_402] {strides = array<i32>} : memref<32x1024xf32, #tpu.memory_space<vmem>>, vector<16xf32>,
      %pack3A_404 = tpu.pack_subelements %get3A_397, %get3A_403 {pack_format = #tpu.pack_format<interleaved>, positions = array<i32: 0, 1>} : vector<16xf32>, vector<16xf32> -> vector<32xbf16>
      %bitcast3A_405 = vector.bitcast %pack3A_404 : vector<32xbf16> to vector<16xi32>
      %mul3A_406 = arith.constant 16 : i32
      %mul3A_407 = arith.muli %scan3A_295, %mul3A_406 : i32
      %swap3A_408 = arith.constant 5 : i32
      %swap3A_409 = arith.index_cast %swap3A_408 : i32 to index
      %swap3A_410 = arith.index_cast %mul3A_407 : i32 to index
      %swap3A_411 = tpu.vector_load %arg6[%swap3A_409, %swap3A_410] {strides = array<i32>} : memref<48x1024xi32, #tpu.memory_space<vmem>>, vector<16xi32>,
      tpu.vector_store %arg6[%swap3A_409, %swap3A_410], %bitcast3A_405 {strides = array<i32>} : memref<48x1024xi32, #tpu.memory_space<vmem>>, vector<16xi32>,
      %mul3A_412 = arith.constant 16 : i32
      %mul3A_413 = arith.muli %scan3A_295, %mul3A_412 : i32
      %get3A_414 = arith.constant 12 : i32
      %get3A_415 = arith.index_cast %get3A_414 : i32 to index
      %get3A_416 = arith.index_cast %mul3A_413 : i32 to index
      %get3A_417 = tpu.vector_load %arg5[%get3A_415, %get3A_416] {strides = array<i32>} : memref<32x1024xf32, #tpu.memory_space<vmem>>, vector<16xf32>,
      %mul3A_418 = arith.constant 16 : i32
      %mul3A_419 = arith.muli %scan3A_295, %mul3A_418 : i32
      %get3A_420 = arith.constant 13 : i32
      %get3A_421 = arith.index_cast %get3A_420 : i32 to index
      %get3A_422 = arith.index_cast %mul3A_419 : i32 to index
      %get3A_423 = tpu.vector_load %arg5[%get3A_421, %get3A_422] {strides = array<i32>} : memref<32x1024xf32, #tpu.memory_space<vmem>>, vector<16xf32>,
      %pack3A_424 = tpu.pack_subelements %get3A_417, %get3A_423 {pack_format = #tpu.pack_format<interleaved>, positions = array<i32: 0, 1>} : vector<16xf32>, vector<16xf32> -> vector<32xbf16>
      %bitcast3A_425 = vector.bitcast %pack3A_424 : vector<32xbf16> to vector<16xi32>
      %mul3A_426 = arith.constant 16 : i32
      %mul3A_427 = arith.muli %scan3A_295, %mul3A_426 : i32
      %swap3A_428 = arith.constant 6 : i32
      %swap3A_429 = arith.index_cast %swap3A_428 : i32 to index
      %swap3A_430 = arith.index_cast %mul3A_427 : i32 to index
      %swap3A_431 = tpu.vector_load %arg6[%swap3A_429, %swap3A_430] {strides = array<i32>} : memref<48x1024xi32, #tpu.memory_space<vmem>>, vector<16xi32>,
      tpu.vector_store %arg6[%swap3A_429, %swap3A_430], %bitcast3A_425 {strides = array<i32>} : memref<48x1024xi32, #tpu.memory_space<vmem>>, vector<16xi32>,
      %mul3A_432 = arith.constant 16 : i32
      %mul3A_433 = arith.muli %scan3A_295, %mul3A_432 : i32
      %get3A_434 = arith.constant 14 : i32
      %get3A_435 = arith.index_cast %get3A_434 : i32 to index
      %get3A_436 = arith.index_cast %mul3A_433 : i32 to index
      %get3A_437 = tpu.vector_load %arg5[%get3A_435, %get3A_436] {strides = array<i32>} : memref<32x1024xf32, #tpu.memory_space<vmem>>, vector<16xf32>,
      %mul3A_438 = arith.constant 16 : i32
      %mul3A_439 = arith.muli %scan3A_295, %mul3A_438 : i32
      %get3A_440 = arith.constant 15 : i32
      %get3A_441 = arith.index_cast %get3A_440 : i32 to index
      %get3A_442 = arith.index_cast %mul3A_439 : i32 to index
      %get3A_443 = tpu.vector_load %arg5[%get3A_441, %get3A_442] {strides = array<i32>} : memref<32x1024xf32, #tpu.memory_space<vmem>>, vector<16xf32>,
      %pack3A_444 = tpu.pack_subelements %get3A_437, %get3A_443 {pack_format = #tpu.pack_format<interleaved>, positions = array<i32: 0, 1>} : vector<16xf32>, vector<16xf32> -> vector<32xbf16>
      %bitcast3A_445 = vector.bitcast %pack3A_444 : vector<32xbf16> to vector<16xi32>
      %mul3A_446 = arith.constant 16 : i32
      %mul3A_447 = arith.muli %scan3A_295, %mul3A_446 : i32
      %swap3A_448 = arith.constant 7 : i32
      %swap3A_449 = arith.index_cast %swap3A_448 : i32 to index
      %swap3A_450 = arith.index_cast %mul3A_447 : i32 to index
      %swap3A_451 = tpu.vector_load %arg6[%swap3A_449, %swap3A_450] {strides = array<i32>} : memref<48x1024xi32, #tpu.memory_space<vmem>>, vector<16xi32>,
      tpu.vector_store %arg6[%swap3A_449, %swap3A_450], %bitcast3A_445 {strides = array<i32>} : memref<48x1024xi32, #tpu.memory_space<vmem>>, vector<16xi32>,
      %mul3A_452 = arith.constant 16 : i32
      %mul3A_453 = arith.muli %scan3A_295, %mul3A_452 : i32
      %get3A_454 = arith.constant 16 : i32
      %get3A_455 = arith.index_cast %get3A_454 : i32 to index
      %get3A_456 = arith.index_cast %mul3A_453 : i32 to index
      %get3A_457 = tpu.vector_load %arg5[%get3A_455, %get3A_456] {strides = array<i32>} : memref<32x1024xf32, #tpu.memory_space<vmem>>, vector<16xf32>,
      %mul3A_458 = arith.constant 16 : i32
      %mul3A_459 = arith.muli %scan3A_295, %mul3A_458 : i32
      %get3A_460 = arith.constant 17 : i32
      %get3A_461 = arith.index_cast %get3A_460 : i32 to index
      %get3A_462 = arith.index_cast %mul3A_459 : i32 to index
      %get3A_463 = tpu.vector_load %arg5[%get3A_461, %get3A_462] {strides = array<i32>} : memref<32x1024xf32, #tpu.memory_space<vmem>>, vector<16xf32>,
      %pack3A_464 = tpu.pack_subelements %get3A_457, %get3A_463 {pack_format = #tpu.pack_format<interleaved>, positions = array<i32: 0, 1>} : vector<16xf32>, vector<16xf32> -> vector<32xbf16>
      %bitcast3A_465 = vector.bitcast %pack3A_464 : vector<32xbf16> to vector<16xi32>
      %mul3A_466 = arith.constant 16 : i32
      %mul3A_467 = arith.muli %scan3A_295, %mul3A_466 : i32
      %swap3A_468 = arith.constant 8 : i32
      %swap3A_469 = arith.index_cast %swap3A_468 : i32 to index
      %swap3A_470 = arith.index_cast %mul3A_467 : i32 to index
      %swap3A_471 = tpu.vector_load %arg6[%swap3A_469, %swap3A_470] {strides = array<i32>} : memref<48x1024xi32, #tpu.memory_space<vmem>>, vector<16xi32>,
      tpu.vector_store %arg6[%swap3A_469, %swap3A_470], %bitcast3A_465 {strides = array<i32>} : memref<48x1024xi32, #tpu.memory_space<vmem>>, vector<16xi32>,
      %mul3A_472 = arith.constant 16 : i32
      %mul3A_473 = arith.muli %scan3A_295, %mul3A_472 : i32
      %get3A_474 = arith.constant 18 : i32
      %get3A_475 = arith.index_cast %get3A_474 : i32 to index
      %get3A_476 = arith.index_cast %mul3A_473 : i32 to index
      %get3A_477 = tpu.vector_load %arg5[%get3A_475, %get3A_476] {strides = array<i32>} : memref<32x1024xf32, #tpu.memory_space<vmem>>, vector<16xf32>,
      %mul3A_478 = arith.constant 16 : i32
      %mul3A_479 = arith.muli %scan3A_295, %mul3A_478 : i32
      %get3A_480 = arith.constant 19 : i32
      %get3A_481 = arith.index_cast %get3A_480 : i32 to index
      %get3A_482 = arith.index_cast %mul3A_479 : i32 to index
      %get3A_483 = tpu.vector_load %arg5[%get3A_481, %get3A_482] {strides = array<i32>} : memref<32x1024xf32, #tpu.memory_space<vmem>>, vector<16xf32>,
      %pack3A_484 = tpu.pack_subelements %get3A_477, %get3A_483 {pack_format = #tpu.pack_format<interleaved>, positions = array<i32: 0, 1>} : vector<16xf32>, vector<16xf32> -> vector<32xbf16>
      %bitcast3A_485 = vector.bitcast %pack3A_484 : vector<32xbf16> to vector<16xi32>
      %mul3A_486 = arith.constant 16 : i32
      %mul3A_487 = arith.muli %scan3A_295, %mul3A_486 : i32
      %swap3A_488 = arith.constant 9 : i32
      %swap3A_489 = arith.index_cast %swap3A_488 : i32 to index
      %swap3A_490 = arith.index_cast %mul3A_487 : i32 to index
      %swap3A_491 = tpu.vector_load %arg6[%swap3A_489, %swap3A_490] {strides = array<i32>} : memref<48x1024xi32, #tpu.memory_space<vmem>>, vector<16xi32>,
      tpu.vector_store %arg6[%swap3A_489, %swap3A_490], %bitcast3A_485 {strides = array<i32>} : memref<48x1024xi32, #tpu.memory_space<vmem>>, vector<16xi32>,
      %mul3A_492 = arith.constant 16 : i32
      %mul3A_493 = arith.muli %scan3A_295, %mul3A_492 : i32
      %get3A_494 = arith.constant 20 : i32
      %get3A_495 = arith.index_cast %get3A_494 : i32 to index
      %get3A_496 = arith.index_cast %mul3A_493 : i32 to index
      %get3A_497 = tpu.vector_load %arg5[%get3A_495, %get3A_496] {strides = array<i32>} : memref<32x1024xf32, #tpu.memory_space<vmem>>, vector<16xf32>,
      %mul3A_498 = arith.constant 16 : i32
      %mul3A_499 = arith.muli %scan3A_295, %mul3A_498 : i32
      %get3A_500 = arith.constant 21 : i32
      %get3A_501 = arith.index_cast %get3A_500 : i32 to index
      %get3A_502 = arith.index_cast %mul3A_499 : i32 to index
      %get3A_503 = tpu.vector_load %arg5[%get3A_501, %get3A_502] {strides = array<i32>} : memref<32x1024xf32, #tpu.memory_space<vmem>>, vector<16xf32>,
      %pack3A_504 = tpu.pack_subelements %get3A_497, %get3A_503 {pack_format = #tpu.pack_format<interleaved>, positions = array<i32: 0, 1>} : vector<16xf32>, vector<16xf32> -> vector<32xbf16>
      %bitcast3A_505 = vector.bitcast %pack3A_504 : vector<32xbf16> to vector<16xi32>
      %mul3A_506 = arith.constant 16 : i32
      %mul3A_507 = arith.muli %scan3A_295, %mul3A_506 : i32
      %swap3A_508 = arith.constant 10 : i32
      %swap3A_509 = arith.index_cast %swap3A_508 : i32 to index
      %swap3A_510 = arith.index_cast %mul3A_507 : i32 to index
      %swap3A_511 = tpu.vector_load %arg6[%swap3A_509, %swap3A_510] {strides = array<i32>} : memref<48x1024xi32, #tpu.memory_space<vmem>>, vector<16xi32>,
      tpu.vector_store %arg6[%swap3A_509, %swap3A_510], %bitcast3A_505 {strides = array<i32>} : memref<48x1024xi32, #tpu.memory_space<vmem>>, vector<16xi32>,
      %mul3A_512 = arith.constant 16 : i32
      %mul3A_513 = arith.muli %scan3A_295, %mul3A_512 : i32
      %get3A_514 = arith.constant 22 : i32
      %get3A_515 = arith.index_cast %get3A_514 : i32 to index
      %get3A_516 = arith.index_cast %mul3A_513 : i32 to index
      %get3A_517 = tpu.vector_load %arg5[%get3A_515, %get3A_516] {strides = array<i32>} : memref<32x1024xf32, #tpu.memory_space<vmem>>, vector<16xf32>,
      %mul3A_518 = arith.constant 16 : i32
      %mul3A_519 = arith.muli %scan3A_295, %mul3A_518 : i32
      %get3A_520 = arith.constant 23 : i32
      %get3A_521 = arith.index_cast %get3A_520 : i32 to index
      %get3A_522 = arith.index_cast %mul3A_519 : i32 to index
      %get3A_523 = tpu.vector_load %arg5[%get3A_521, %get3A_522] {strides = array<i32>} : memref<32x1024xf32, #tpu.memory_space<vmem>>, vector<16xf32>,
      %pack3A_524 = tpu.pack_subelements %get3A_517, %get3A_523 {pack_format = #tpu.pack_format<interleaved>, positions = array<i32: 0, 1>} : vector<16xf32>, vector<16xf32> -> vector<32xbf16>
      %bitcast3A_525 = vector.bitcast %pack3A_524 : vector<32xbf16> to vector<16xi32>
      %mul3A_526 = arith.constant 16 : i32
      %mul3A_527 = arith.muli %scan3A_295, %mul3A_526 : i32
      %swap3A_528 = arith.constant 11 : i32
      %swap3A_529 = arith.index_cast %swap3A_528 : i32 to index
      %swap3A_530 = arith.index_cast %mul3A_527 : i32 to index
      %swap3A_531 = tpu.vector_load %arg6[%swap3A_529, %swap3A_530] {strides = array<i32>} : memref<48x1024xi32, #tpu.memory_space<vmem>>, vector<16xi32>,
      tpu.vector_store %arg6[%swap3A_529, %swap3A_530], %bitcast3A_525 {strides = array<i32>} : memref<48x1024xi32, #tpu.memory_space<vmem>>, vector<16xi32>,
      %mul3A_532 = arith.constant 16 : i32
      %mul3A_533 = arith.muli %scan3A_295, %mul3A_532 : i32
      %get3A_534 = arith.constant 24 : i32
      %get3A_535 = arith.index_cast %get3A_534 : i32 to index
      %get3A_536 = arith.index_cast %mul3A_533 : i32 to index
      %get3A_537 = tpu.vector_load %arg5[%get3A_535, %get3A_536] {strides = array<i32>} : memref<32x1024xf32, #tpu.memory_space<vmem>>, vector<16xf32>,
      %mul3A_538 = arith.constant 16 : i32
      %mul3A_539 = arith.muli %scan3A_295, %mul3A_538 : i32
      %get3A_540 = arith.constant 25 : i32
      %get3A_541 = arith.index_cast %get3A_540 : i32 to index
      %get3A_542 = arith.index_cast %mul3A_539 : i32 to index
      %get3A_543 = tpu.vector_load %arg5[%get3A_541, %get3A_542] {strides = array<i32>} : memref<32x1024xf32, #tpu.memory_space<vmem>>, vector<16xf32>,
      %pack3A_544 = tpu.pack_subelements %get3A_537, %get3A_543 {pack_format = #tpu.pack_format<interleaved>, positions = array<i32: 0, 1>} : vector<16xf32>, vector<16xf32> -> vector<32xbf16>
      %bitcast3A_545 = vector.bitcast %pack3A_544 : vector<32xbf16> to vector<16xi32>
      %mul3A_546 = arith.constant 16 : i32
      %mul3A_547 = arith.muli %scan3A_295, %mul3A_546 : i32
      %swap3A_548 = arith.constant 12 : i32
      %swap3A_549 = arith.index_cast %swap3A_548 : i32 to index
      %swap3A_550 = arith.index_cast %mul3A_547 : i32 to index
      %swap3A_551 = tpu.vector_load %arg6[%swap3A_549, %swap3A_550] {strides = array<i32>} : memref<48x1024xi32, #tpu.memory_space<vmem>>, vector<16xi32>,
      tpu.vector_store %arg6[%swap3A_549, %swap3A_550], %bitcast3A_545 {strides = array<i32>} : memref<48x1024xi32, #tpu.memory_space<vmem>>, vector<16xi32>,
      %mul3A_552 = arith.constant 16 : i32
      %mul3A_553 = arith.muli %scan3A_295, %mul3A_552 : i32
      %get3A_554 = arith.constant 26 : i32
      %get3A_555 = arith.index_cast %get3A_554 : i32 to index
      %get3A_556 = arith.index_cast %mul3A_553 : i32 to index
      %get3A_557 = tpu.vector_load %arg5[%get3A_555, %get3A_556] {strides = array<i32>} : memref<32x1024xf32, #tpu.memory_space<vmem>>, vector<16xf32>,
      %mul3A_558 = arith.constant 16 : i32
      %mul3A_559 = arith.muli %scan3A_295, %mul3A_558 : i32
      %get3A_560 = arith.constant 27 : i32
      %get3A_561 = arith.index_cast %get3A_560 : i32 to index
      %get3A_562 = arith.index_cast %mul3A_559 : i32 to index
      %get3A_563 = tpu.vector_load %arg5[%get3A_561, %get3A_562] {strides = array<i32>} : memref<32x1024xf32, #tpu.memory_space<vmem>>, vector<16xf32>,
      %pack3A_564 = tpu.pack_subelements %get3A_557, %get3A_563 {pack_format = #tpu.pack_format<interleaved>, positions = array<i32: 0, 1>} : vector<16xf32>, vector<16xf32> -> vector<32xbf16>
      %bitcast3A_565 = vector.bitcast %pack3A_564 : vector<32xbf16> to vector<16xi32>
      %mul3A_566 = arith.constant 16 : i32
      %mul3A_567 = arith.muli %scan3A_295, %mul3A_566 : i32
      %swap3A_568 = arith.constant 13 : i32
      %swap3A_569 = arith.index_cast %swap3A_568 : i32 to index
      %swap3A_570 = arith.index_cast %mul3A_567 : i32 to index
      %swap3A_571 = tpu.vector_load %arg6[%swap3A_569, %swap3A_570] {strides = array<i32>} : memref<48x1024xi32, #tpu.memory_space<vmem>>, vector<16xi32>,
      tpu.vector_store %arg6[%swap3A_569, %swap3A_570], %bitcast3A_565 {strides = array<i32>} : memref<48x1024xi32, #tpu.memory_space<vmem>>, vector<16xi32>,
      %mul3A_572 = arith.constant 16 : i32
      %mul3A_573 = arith.muli %scan3A_295, %mul3A_572 : i32
      %get3A_574 = arith.constant 28 : i32
      %get3A_575 = arith.index_cast %get3A_574 : i32 to index
      %get3A_576 = arith.index_cast %mul3A_573 : i32 to index
      %get3A_577 = tpu.vector_load %arg5[%get3A_575, %get3A_576] {strides = array<i32>} : memref<32x1024xf32, #tpu.memory_space<vmem>>, vector<16xf32>,
      %mul3A_578 = arith.constant 16 : i32
      %mul3A_579 = arith.muli %scan3A_295, %mul3A_578 : i32
      %get3A_580 = arith.constant 29 : i32
      %get3A_581 = arith.index_cast %get3A_580 : i32 to index
      %get3A_582 = arith.index_cast %mul3A_579 : i32 to index
      %get3A_583 = tpu.vector_load %arg5[%get3A_581, %get3A_582] {strides = array<i32>} : memref<32x1024xf32, #tpu.memory_space<vmem>>, vector<16xf32>,
      %pack3A_584 = tpu.pack_subelements %get3A_577, %get3A_583 {pack_format = #tpu.pack_format<interleaved>, positions = array<i32: 0, 1>} : vector<16xf32>, vector<16xf32> -> vector<32xbf16>
      %bitcast3A_585 = vector.bitcast %pack3A_584 : vector<32xbf16> to vector<16xi32>
      %mul3A_586 = arith.constant 16 : i32
      %mul3A_587 = arith.muli %scan3A_295, %mul3A_586 : i32
      %swap3A_588 = arith.constant 14 : i32
      %swap3A_589 = arith.index_cast %swap3A_588 : i32 to index
      %swap3A_590 = arith.index_cast %mul3A_587 : i32 to index
      %swap3A_591 = tpu.vector_load %arg6[%swap3A_589, %swap3A_590] {strides = array<i32>} : memref<48x1024xi32, #tpu.memory_space<vmem>>, vector<16xi32>,
      tpu.vector_store %arg6[%swap3A_589, %swap3A_590], %bitcast3A_585 {strides = array<i32>} : memref<48x1024xi32, #tpu.memory_space<vmem>>, vector<16xi32>,
      %mul3A_592 = arith.constant 16 : i32
      %mul3A_593 = arith.muli %scan3A_295, %mul3A_592 : i32
      %get3A_594 = arith.constant 30 : i32
      %get3A_595 = arith.index_cast %get3A_594 : i32 to index
      %get3A_596 = arith.index_cast %mul3A_593 : i32 to index
      %get3A_597 = tpu.vector_load %arg5[%get3A_595, %get3A_596] {strides = array<i32>} : memref<32x1024xf32, #tpu.memory_space<vmem>>, vector<16xf32>,
      %mul3A_598 = arith.constant 16 : i32
      %mul3A_599 = arith.muli %scan3A_295, %mul3A_598 : i32
      %get3A_600 = arith.constant 31 : i32
      %get3A_601 = arith.index_cast %get3A_600 : i32 to index
      %get3A_602 = arith.index_cast %mul3A_599 : i32 to index
      %get3A_603 = tpu.vector_load %arg5[%get3A_601, %get3A_602] {strides = array<i32>} : memref<32x1024xf32, #tpu.memory_space<vmem>>, vector<16xf32>,
      %pack3A_604 = tpu.pack_subelements %get3A_597, %get3A_603 {pack_format = #tpu.pack_format<interleaved>, positions = array<i32: 0, 1>} : vector<16xf32>, vector<16xf32> -> vector<32xbf16>
      %bitcast3A_605 = vector.bitcast %pack3A_604 : vector<32xbf16> to vector<16xi32>
      %mul3A_606 = arith.constant 16 : i32
      %mul3A_607 = arith.muli %scan3A_295, %mul3A_606 : i32
      %swap3A_608 = arith.constant 15 : i32
      %swap3A_609 = arith.index_cast %swap3A_608 : i32 to index
      %swap3A_610 = arith.index_cast %mul3A_607 : i32 to index
      %swap3A_611 = tpu.vector_load %arg6[%swap3A_609, %swap3A_610] {strides = array<i32>} : memref<48x1024xi32, #tpu.memory_space<vmem>>, vector<16xi32>,
      tpu.vector_store %arg6[%swap3A_609, %swap3A_610], %bitcast3A_605 {strides = array<i32>} : memref<48x1024xi32, #tpu.memory_space<vmem>>, vector<16xi32>,
    }
    %scan3A_68 = arith.constant 64 : i32
    %dma_start3A_69 = arith.constant 32 : i32
    %dma_start3A_70 = arith.constant 0 : i32
    %dma_start3A_71 = tpu.memref_slice %arg2[%select_n3A, %dma_start3A_69, %dma_start3A_70] : memref<16x96x1024xf32, #tpu.memory_space<hbm>> -> memref<1x32x1024xf32, #tpu.memory_space<hbm>>
    %dma_start3A_72 = tpu.memref_squeeze %dma_start3A_71 : memref<1x32x1024xf32, #tpu.memory_space<hbm>> -> memref<32x1024xf32, #tpu.memory_space<hbm>>
    %dma_start3A_73 = arith.constant 32 : i32
    %dma_start3A_74 = arith.constant 0 : i32
    %dma_start3A_75 = tpu.memref_slice %arg2[%select_n3A, %dma_start3A_73, %dma_start3A_74] : memref<16x96x1024xf32, #tpu.memory_space<hbm>> -> memref<1x32x1024xf32, #tpu.memory_space<hbm>>
    %dma_start3A_76 = tpu.memref_squeeze %dma_start3A_75 : memref<1x32x1024xf32, #tpu.memory_space<hbm>> -> memref<32x1024xf32, #tpu.memory_space<hbm>>
    tpu.enqueue_dma source(%dma_start3A_76 : memref<32x1024xf32, #tpu.memory_space<hbm>>) target(%arg5 : memref<32x1024xf32, #tpu.memory_space<vmem>>) target_semaphore(%arg13 : memref<!tpu.dma_semaphore, #tpu.memory_space<semaphore_mem>>)
    %dma_wait3A_77 = arith.constant 32 : i32
    %dma_wait3A_78 = arith.constant 0 : i32
    %dma_wait3A_79 = tpu.memref_slice %arg2[%select_n3A, %dma_wait3A_77, %dma_wait3A_78] : memref<16x96x1024xf32, #tpu.memory_space<hbm>> -> memref<1x32x1024xf32, #tpu.memory_space<hbm>>
    %dma_wait3A_80 = tpu.memref_squeeze %dma_wait3A_79 : memref<1x32x1024xf32, #tpu.memory_space<hbm>> -> memref<32x1024xf32, #tpu.memory_space<hbm>>
    %dma_wait3A_81 = arith.constant 32 : i32
    %dma_wait3A_82 = arith.constant 0 : i32
    %dma_wait3A_83 = tpu.memref_slice %arg2[%select_n3A, %dma_wait3A_81, %dma_wait3A_82] : memref<16x96x1024xf32, #tpu.memory_space<hbm>> -> memref<1x32x1024xf32, #tpu.memory_space<hbm>>
    %dma_wait3A_84 = tpu.memref_squeeze %dma_wait3A_83 : memref<1x32x1024xf32, #tpu.memory_space<hbm>> -> memref<32x1024xf32, #tpu.memory_space<hbm>>
    tpu.wait_dma2 semaphore(%arg13 : memref<!tpu.dma_semaphore, #tpu.memory_space<semaphore_mem>>) src(%dma_wait3A_84 : memref<32x1024xf32, #tpu.memory_space<hbm>>) dst(%arg5 : memref<32x1024xf32, #tpu.memory_space<vmem>>)
    %scan3A_85 = arith.constant 0 : i32
    %scan3A_86 = arith.constant 0 : i32
    %scan3A_87 = arith.constant 64 : i32
    %scan3A_88 = arith.addi %scan3A_86, %scan3A_87 : i32
    %scan3A_89 = arith.constant 1 : i32
    scf.for %scan3A_295 = %scan3A_86 to %scan3A_88 step %scan3A_89  : i32 {
      %mul3A_296 = arith.constant 16 : i32
      %mul3A_297 = arith.muli %scan3A_295, %mul3A_296 : i32
      %get3A = arith.constant 0 : i32
      %get3A_298 = arith.index_cast %get3A : i32 to index
      %get3A_299 = arith.index_cast %mul3A_297 : i32 to index
      %get3A_300 = tpu.vector_load %arg5[%get3A_298, %get3A_299] {strides = array<i32>} : memref<32x1024xf32, #tpu.memory_space<vmem>>, vector<16xf32>,
      %mul3A_301 = arith.constant 16 : i32
      %mul3A_302 = arith.muli %scan3A_295, %mul3A_301 : i32
      %get3A_303 = arith.constant 1 : i32
      %get3A_304 = arith.index_cast %get3A_303 : i32 to index
      %get3A_305 = arith.index_cast %mul3A_302 : i32 to index
      %get3A_306 = tpu.vector_load %arg5[%get3A_304, %get3A_305] {strides = array<i32>} : memref<32x1024xf32, #tpu.memory_space<vmem>>, vector<16xf32>,
      %pack3A = tpu.pack_subelements %get3A_300, %get3A_306 {pack_format = #tpu.pack_format<interleaved>, positions = array<i32: 0, 1>} : vector<16xf32>, vector<16xf32> -> vector<32xbf16>
      %bitcast3A = vector.bitcast %pack3A : vector<32xbf16> to vector<16xi32>
      %mul3A_307 = arith.constant 16 : i32
      %mul3A_308 = arith.muli %scan3A_295, %mul3A_307 : i32
      %swap3A = arith.constant 16 : i32
      %swap3A_309 = arith.index_cast %swap3A : i32 to index
      %swap3A_310 = arith.index_cast %mul3A_308 : i32 to index
      %swap3A_311 = tpu.vector_load %arg6[%swap3A_309, %swap3A_310] {strides = array<i32>} : memref<48x1024xi32, #tpu.memory_space<vmem>>, vector<16xi32>,
      tpu.vector_store %arg6[%swap3A_309, %swap3A_310], %bitcast3A {strides = array<i32>} : memref<48x1024xi32, #tpu.memory_space<vmem>>, vector<16xi32>,
      %mul3A_312 = arith.constant 16 : i32
      %mul3A_313 = arith.muli %scan3A_295, %mul3A_312 : i32
      %get3A_314 = arith.constant 2 : i32
      %get3A_315 = arith.index_cast %get3A_314 : i32 to index
      %get3A_316 = arith.index_cast %mul3A_313 : i32 to index
      %get3A_317 = tpu.vector_load %arg5[%get3A_315, %get3A_316] {strides = array<i32>} : memref<32x1024xf32, #tpu.memory_space<vmem>>, vector<16xf32>,
      %mul3A_318 = arith.constant 16 : i32
      %mul3A_319 = arith.muli %scan3A_295, %mul3A_318 : i32
      %get3A_320 = arith.constant 3 : i32
      %get3A_321 = arith.index_cast %get3A_320 : i32 to index
      %get3A_322 = arith.index_cast %mul3A_319 : i32 to index
      %get3A_323 = tpu.vector_load %arg5[%get3A_321, %get3A_322] {strides = array<i32>} : memref<32x1024xf32, #tpu.memory_space<vmem>>, vector<16xf32>,
      %pack3A_324 = tpu.pack_subelements %get3A_317, %get3A_323 {pack_format = #tpu.pack_format<interleaved>, positions = array<i32: 0, 1>} : vector<16xf32>, vector<16xf32> -> vector<32xbf16>
      %bitcast3A_325 = vector.bitcast %pack3A_324 : vector<32xbf16> to vector<16xi32>
      %mul3A_326 = arith.constant 16 : i32
      %mul3A_327 = arith.muli %scan3A_295, %mul3A_326 : i32
      %swap3A_328 = arith.constant 17 : i32
      %swap3A_329 = arith.index_cast %swap3A_328 : i32 to index
      %swap3A_330 = arith.index_cast %mul3A_327 : i32 to index
      %swap3A_331 = tpu.vector_load %arg6[%swap3A_329, %swap3A_330] {strides = array<i32>} : memref<48x1024xi32, #tpu.memory_space<vmem>>, vector<16xi32>,
      tpu.vector_store %arg6[%swap3A_329, %swap3A_330], %bitcast3A_325 {strides = array<i32>} : memref<48x1024xi32, #tpu.memory_space<vmem>>, vector<16xi32>,
      %mul3A_332 = arith.constant 16 : i32
      %mul3A_333 = arith.muli %scan3A_295, %mul3A_332 : i32
      %get3A_334 = arith.constant 4 : i32
      %get3A_335 = arith.index_cast %get3A_334 : i32 to index
      %get3A_336 = arith.index_cast %mul3A_333 : i32 to index
      %get3A_337 = tpu.vector_load %arg5[%get3A_335, %get3A_336] {strides = array<i32>} : memref<32x1024xf32, #tpu.memory_space<vmem>>, vector<16xf32>,
      %mul3A_338 = arith.constant 16 : i32
      %mul3A_339 = arith.muli %scan3A_295, %mul3A_338 : i32
      %get3A_340 = arith.constant 5 : i32
      %get3A_341 = arith.index_cast %get3A_340 : i32 to index
      %get3A_342 = arith.index_cast %mul3A_339 : i32 to index
      %get3A_343 = tpu.vector_load %arg5[%get3A_341, %get3A_342] {strides = array<i32>} : memref<32x1024xf32, #tpu.memory_space<vmem>>, vector<16xf32>,
      %pack3A_344 = tpu.pack_subelements %get3A_337, %get3A_343 {pack_format = #tpu.pack_format<interleaved>, positions = array<i32: 0, 1>} : vector<16xf32>, vector<16xf32> -> vector<32xbf16>
      %bitcast3A_345 = vector.bitcast %pack3A_344 : vector<32xbf16> to vector<16xi32>
      %mul3A_346 = arith.constant 16 : i32
      %mul3A_347 = arith.muli %scan3A_295, %mul3A_346 : i32
      %swap3A_348 = arith.constant 18 : i32
      %swap3A_349 = arith.index_cast %swap3A_348 : i32 to index
      %swap3A_350 = arith.index_cast %mul3A_347 : i32 to index
      %swap3A_351 = tpu.vector_load %arg6[%swap3A_349, %swap3A_350] {strides = array<i32>} : memref<48x1024xi32, #tpu.memory_space<vmem>>, vector<16xi32>,
      tpu.vector_store %arg6[%swap3A_349, %swap3A_350], %bitcast3A_345 {strides = array<i32>} : memref<48x1024xi32, #tpu.memory_space<vmem>>, vector<16xi32>,
      %mul3A_352 = arith.constant 16 : i32
      %mul3A_353 = arith.muli %scan3A_295, %mul3A_352 : i32
      %get3A_354 = arith.constant 6 : i32
      %get3A_355 = arith.index_cast %get3A_354 : i32 to index
      %get3A_356 = arith.index_cast %mul3A_353 : i32 to index
      %get3A_357 = tpu.vector_load %arg5[%get3A_355, %get3A_356] {strides = array<i32>} : memref<32x1024xf32, #tpu.memory_space<vmem>>, vector<16xf32>,
      %mul3A_358 = arith.constant 16 : i32
      %mul3A_359 = arith.muli %scan3A_295, %mul3A_358 : i32
      %get3A_360 = arith.constant 7 : i32
      %get3A_361 = arith.index_cast %get3A_360 : i32 to index
      %get3A_362 = arith.index_cast %mul3A_359 : i32 to index
      %get3A_363 = tpu.vector_load %arg5[%get3A_361, %get3A_362] {strides = array<i32>} : memref<32x1024xf32, #tpu.memory_space<vmem>>, vector<16xf32>,
      %pack3A_364 = tpu.pack_subelements %get3A_357, %get3A_363 {pack_format = #tpu.pack_format<interleaved>, positions = array<i32: 0, 1>} : vector<16xf32>, vector<16xf32> -> vector<32xbf16>
      %bitcast3A_365 = vector.bitcast %pack3A_364 : vector<32xbf16> to vector<16xi32>
      %mul3A_366 = arith.constant 16 : i32
      %mul3A_367 = arith.muli %scan3A_295, %mul3A_366 : i32
      %swap3A_368 = arith.constant 19 : i32
      %swap3A_369 = arith.index_cast %swap3A_368 : i32 to index
      %swap3A_370 = arith.index_cast %mul3A_367 : i32 to index
      %swap3A_371 = tpu.vector_load %arg6[%swap3A_369, %swap3A_370] {strides = array<i32>} : memref<48x1024xi32, #tpu.memory_space<vmem>>, vector<16xi32>,
      tpu.vector_store %arg6[%swap3A_369, %swap3A_370], %bitcast3A_365 {strides = array<i32>} : memref<48x1024xi32, #tpu.memory_space<vmem>>, vector<16xi32>,
      %mul3A_372 = arith.constant 16 : i32
      %mul3A_373 = arith.muli %scan3A_295, %mul3A_372 : i32
      %get3A_374 = arith.constant 8 : i32
      %get3A_375 = arith.index_cast %get3A_374 : i32 to index
      %get3A_376 = arith.index_cast %mul3A_373 : i32 to index
      %get3A_377 = tpu.vector_load %arg5[%get3A_375, %get3A_376] {strides = array<i32>} : memref<32x1024xf32, #tpu.memory_space<vmem>>, vector<16xf32>,
      %mul3A_378 = arith.constant 16 : i32
      %mul3A_379 = arith.muli %scan3A_295, %mul3A_378 : i32
      %get3A_380 = arith.constant 9 : i32
      %get3A_381 = arith.index_cast %get3A_380 : i32 to index
      %get3A_382 = arith.index_cast %mul3A_379 : i32 to index
      %get3A_383 = tpu.vector_load %arg5[%get3A_381, %get3A_382] {strides = array<i32>} : memref<32x1024xf32, #tpu.memory_space<vmem>>, vector<16xf32>,
      %pack3A_384 = tpu.pack_subelements %get3A_377, %get3A_383 {pack_format = #tpu.pack_format<interleaved>, positions = array<i32: 0, 1>} : vector<16xf32>, vector<16xf32> -> vector<32xbf16>
      %bitcast3A_385 = vector.bitcast %pack3A_384 : vector<32xbf16> to vector<16xi32>
      %mul3A_386 = arith.constant 16 : i32
      %mul3A_387 = arith.muli %scan3A_295, %mul3A_386 : i32
      %swap3A_388 = arith.constant 20 : i32
      %swap3A_389 = arith.index_cast %swap3A_388 : i32 to index
      %swap3A_390 = arith.index_cast %mul3A_387 : i32 to index
      %swap3A_391 = tpu.vector_load %arg6[%swap3A_389, %swap3A_390] {strides = array<i32>} : memref<48x1024xi32, #tpu.memory_space<vmem>>, vector<16xi32>,
      tpu.vector_store %arg6[%swap3A_389, %swap3A_390], %bitcast3A_385 {strides = array<i32>} : memref<48x1024xi32, #tpu.memory_space<vmem>>, vector<16xi32>,
      %mul3A_392 = arith.constant 16 : i32
      %mul3A_393 = arith.muli %scan3A_295, %mul3A_392 : i32
      %get3A_394 = arith.constant 10 : i32
      %get3A_395 = arith.index_cast %get3A_394 : i32 to index
      %get3A_396 = arith.index_cast %mul3A_393 : i32 to index
      %get3A_397 = tpu.vector_load %arg5[%get3A_395, %get3A_396] {strides = array<i32>} : memref<32x1024xf32, #tpu.memory_space<vmem>>, vector<16xf32>,
      %mul3A_398 = arith.constant 16 : i32
      %mul3A_399 = arith.muli %scan3A_295, %mul3A_398 : i32
      %get3A_400 = arith.constant 11 : i32
      %get3A_401 = arith.index_cast %get3A_400 : i32 to index
      %get3A_402 = arith.index_cast %mul3A_399 : i32 to index
      %get3A_403 = tpu.vector_load %arg5[%get3A_401, %get3A_402] {strides = array<i32>} : memref<32x1024xf32, #tpu.memory_space<vmem>>, vector<16xf32>,
      %pack3A_404 = tpu.pack_subelements %get3A_397, %get3A_403 {pack_format = #tpu.pack_format<interleaved>, positions = array<i32: 0, 1>} : vector<16xf32>, vector<16xf32> -> vector<32xbf16>
      %bitcast3A_405 = vector.bitcast %pack3A_404 : vector<32xbf16> to vector<16xi32>
      %mul3A_406 = arith.constant 16 : i32
      %mul3A_407 = arith.muli %scan3A_295, %mul3A_406 : i32
      %swap3A_408 = arith.constant 21 : i32
      %swap3A_409 = arith.index_cast %swap3A_408 : i32 to index
      %swap3A_410 = arith.index_cast %mul3A_407 : i32 to index
      %swap3A_411 = tpu.vector_load %arg6[%swap3A_409, %swap3A_410] {strides = array<i32>} : memref<48x1024xi32, #tpu.memory_space<vmem>>, vector<16xi32>,
      tpu.vector_store %arg6[%swap3A_409, %swap3A_410], %bitcast3A_405 {strides = array<i32>} : memref<48x1024xi32, #tpu.memory_space<vmem>>, vector<16xi32>,
      %mul3A_412 = arith.constant 16 : i32
      %mul3A_413 = arith.muli %scan3A_295, %mul3A_412 : i32
      %get3A_414 = arith.constant 12 : i32
      %get3A_415 = arith.index_cast %get3A_414 : i32 to index
      %get3A_416 = arith.index_cast %mul3A_413 : i32 to index
      %get3A_417 = tpu.vector_load %arg5[%get3A_415, %get3A_416] {strides = array<i32>} : memref<32x1024xf32, #tpu.memory_space<vmem>>, vector<16xf32>,
      %mul3A_418 = arith.constant 16 : i32
      %mul3A_419 = arith.muli %scan3A_295, %mul3A_418 : i32
      %get3A_420 = arith.constant 13 : i32
      %get3A_421 = arith.index_cast %get3A_420 : i32 to index
      %get3A_422 = arith.index_cast %mul3A_419 : i32 to index
      %get3A_423 = tpu.vector_load %arg5[%get3A_421, %get3A_422] {strides = array<i32>} : memref<32x1024xf32, #tpu.memory_space<vmem>>, vector<16xf32>,
      %pack3A_424 = tpu.pack_subelements %get3A_417, %get3A_423 {pack_format = #tpu.pack_format<interleaved>, positions = array<i32: 0, 1>} : vector<16xf32>, vector<16xf32> -> vector<32xbf16>
      %bitcast3A_425 = vector.bitcast %pack3A_424 : vector<32xbf16> to vector<16xi32>
      %mul3A_426 = arith.constant 16 : i32
      %mul3A_427 = arith.muli %scan3A_295, %mul3A_426 : i32
      %swap3A_428 = arith.constant 22 : i32
      %swap3A_429 = arith.index_cast %swap3A_428 : i32 to index
      %swap3A_430 = arith.index_cast %mul3A_427 : i32 to index
      %swap3A_431 = tpu.vector_load %arg6[%swap3A_429, %swap3A_430] {strides = array<i32>} : memref<48x1024xi32, #tpu.memory_space<vmem>>, vector<16xi32>,
      tpu.vector_store %arg6[%swap3A_429, %swap3A_430], %bitcast3A_425 {strides = array<i32>} : memref<48x1024xi32, #tpu.memory_space<vmem>>, vector<16xi32>,
      %mul3A_432 = arith.constant 16 : i32
      %mul3A_433 = arith.muli %scan3A_295, %mul3A_432 : i32
      %get3A_434 = arith.constant 14 : i32
      %get3A_435 = arith.index_cast %get3A_434 : i32 to index
      %get3A_436 = arith.index_cast %mul3A_433 : i32 to index
      %get3A_437 = tpu.vector_load %arg5[%get3A_435, %get3A_436] {strides = array<i32>} : memref<32x1024xf32, #tpu.memory_space<vmem>>, vector<16xf32>,
      %mul3A_438 = arith.constant 16 : i32
      %mul3A_439 = arith.muli %scan3A_295, %mul3A_438 : i32
      %get3A_440 = arith.constant 15 : i32
      %get3A_441 = arith.index_cast %get3A_440 : i32 to index
      %get3A_442 = arith.index_cast %mul3A_439 : i32 to index
      %get3A_443 = tpu.vector_load %arg5[%get3A_441, %get3A_442] {strides = array<i32>} : memref<32x1024xf32, #tpu.memory_space<vmem>>, vector<16xf32>,
      %pack3A_444 = tpu.pack_subelements %get3A_437, %get3A_443 {pack_format = #tpu.pack_format<interleaved>, positions = array<i32: 0, 1>} : vector<16xf32>, vector<16xf32> -> vector<32xbf16>
      %bitcast3A_445 = vector.bitcast %pack3A_444 : vector<32xbf16> to vector<16xi32>
      %mul3A_446 = arith.constant 16 : i32
      %mul3A_447 = arith.muli %scan3A_295, %mul3A_446 : i32
      %swap3A_448 = arith.constant 23 : i32
      %swap3A_449 = arith.index_cast %swap3A_448 : i32 to index
      %swap3A_450 = arith.index_cast %mul3A_447 : i32 to index
      %swap3A_451 = tpu.vector_load %arg6[%swap3A_449, %swap3A_450] {strides = array<i32>} : memref<48x1024xi32, #tpu.memory_space<vmem>>, vector<16xi32>,
      tpu.vector_store %arg6[%swap3A_449, %swap3A_450], %bitcast3A_445 {strides = array<i32>} : memref<48x1024xi32, #tpu.memory_space<vmem>>, vector<16xi32>,
      %mul3A_452 = arith.constant 16 : i32
      %mul3A_453 = arith.muli %scan3A_295, %mul3A_452 : i32
      %get3A_454 = arith.constant 16 : i32
      %get3A_455 = arith.index_cast %get3A_454 : i32 to index
      %get3A_456 = arith.index_cast %mul3A_453 : i32 to index
      %get3A_457 = tpu.vector_load %arg5[%get3A_455, %get3A_456] {strides = array<i32>} : memref<32x1024xf32, #tpu.memory_space<vmem>>, vector<16xf32>,
      %mul3A_458 = arith.constant 16 : i32
      %mul3A_459 = arith.muli %scan3A_295, %mul3A_458 : i32
      %get3A_460 = arith.constant 17 : i32
      %get3A_461 = arith.index_cast %get3A_460 : i32 to index
      %get3A_462 = arith.index_cast %mul3A_459 : i32 to index
      %get3A_463 = tpu.vector_load %arg5[%get3A_461, %get3A_462] {strides = array<i32>} : memref<32x1024xf32, #tpu.memory_space<vmem>>, vector<16xf32>,
      %pack3A_464 = tpu.pack_subelements %get3A_457, %get3A_463 {pack_format = #tpu.pack_format<interleaved>, positions = array<i32: 0, 1>} : vector<16xf32>, vector<16xf32> -> vector<32xbf16>
      %bitcast3A_465 = vector.bitcast %pack3A_464 : vector<32xbf16> to vector<16xi32>
      %mul3A_466 = arith.constant 16 : i32
      %mul3A_467 = arith.muli %scan3A_295, %mul3A_466 : i32
      %swap3A_468 = arith.constant 24 : i32
      %swap3A_469 = arith.index_cast %swap3A_468 : i32 to index
      %swap3A_470 = arith.index_cast %mul3A_467 : i32 to index
      %swap3A_471 = tpu.vector_load %arg6[%swap3A_469, %swap3A_470] {strides = array<i32>} : memref<48x1024xi32, #tpu.memory_space<vmem>>, vector<16xi32>,
      tpu.vector_store %arg6[%swap3A_469, %swap3A_470], %bitcast3A_465 {strides = array<i32>} : memref<48x1024xi32, #tpu.memory_space<vmem>>, vector<16xi32>,
      %mul3A_472 = arith.constant 16 : i32
      %mul3A_473 = arith.muli %scan3A_295, %mul3A_472 : i32
      %get3A_474 = arith.constant 18 : i32
      %get3A_475 = arith.index_cast %get3A_474 : i32 to index
      %get3A_476 = arith.index_cast %mul3A_473 : i32 to index
      %get3A_477 = tpu.vector_load %arg5[%get3A_475, %get3A_476] {strides = array<i32>} : memref<32x1024xf32, #tpu.memory_space<vmem>>, vector<16xf32>,
      %mul3A_478 = arith.constant 16 : i32
      %mul3A_479 = arith.muli %scan3A_295, %mul3A_478 : i32
      %get3A_480 = arith.constant 19 : i32
      %get3A_481 = arith.index_cast %get3A_480 : i32 to index
      %get3A_482 = arith.index_cast %mul3A_479 : i32 to index
      %get3A_483 = tpu.vector_load %arg5[%get3A_481, %get3A_482] {strides = array<i32>} : memref<32x1024xf32, #tpu.memory_space<vmem>>, vector<16xf32>,
      %pack3A_484 = tpu.pack_subelements %get3A_477, %get3A_483 {pack_format = #tpu.pack_format<interleaved>, positions = array<i32: 0, 1>} : vector<16xf32>, vector<16xf32> -> vector<32xbf16>
      %bitcast3A_485 = vector.bitcast %pack3A_484 : vector<32xbf16> to vector<16xi32>
      %mul3A_486 = arith.constant 16 : i32
      %mul3A_487 = arith.muli %scan3A_295, %mul3A_486 : i32
      %swap3A_488 = arith.constant 25 : i32
      %swap3A_489 = arith.index_cast %swap3A_488 : i32 to index
      %swap3A_490 = arith.index_cast %mul3A_487 : i32 to index
      %swap3A_491 = tpu.vector_load %arg6[%swap3A_489, %swap3A_490] {strides = array<i32>} : memref<48x1024xi32, #tpu.memory_space<vmem>>, vector<16xi32>,
      tpu.vector_store %arg6[%swap3A_489, %swap3A_490], %bitcast3A_485 {strides = array<i32>} : memref<48x1024xi32, #tpu.memory_space<vmem>>, vector<16xi32>,
      %mul3A_492 = arith.constant 16 : i32
      %mul3A_493 = arith.muli %scan3A_295, %mul3A_492 : i32
      %get3A_494 = arith.constant 20 : i32
      %get3A_495 = arith.index_cast %get3A_494 : i32 to index
      %get3A_496 = arith.index_cast %mul3A_493 : i32 to index
      %get3A_497 = tpu.vector_load %arg5[%get3A_495, %get3A_496] {strides = array<i32>} : memref<32x1024xf32, #tpu.memory_space<vmem>>, vector<16xf32>,
      %mul3A_498 = arith.constant 16 : i32
      %mul3A_499 = arith.muli %scan3A_295, %mul3A_498 : i32
      %get3A_500 = arith.constant 21 : i32
      %get3A_501 = arith.index_cast %get3A_500 : i32 to index
      %get3A_502 = arith.index_cast %mul3A_499 : i32 to index
      %get3A_503 = tpu.vector_load %arg5[%get3A_501, %get3A_502] {strides = array<i32>} : memref<32x1024xf32, #tpu.memory_space<vmem>>, vector<16xf32>,
      %pack3A_504 = tpu.pack_subelements %get3A_497, %get3A_503 {pack_format = #tpu.pack_format<interleaved>, positions = array<i32: 0, 1>} : vector<16xf32>, vector<16xf32> -> vector<32xbf16>
      %bitcast3A_505 = vector.bitcast %pack3A_504 : vector<32xbf16> to vector<16xi32>
      %mul3A_506 = arith.constant 16 : i32
      %mul3A_507 = arith.muli %scan3A_295, %mul3A_506 : i32
      %swap3A_508 = arith.constant 26 : i32
      %swap3A_509 = arith.index_cast %swap3A_508 : i32 to index
      %swap3A_510 = arith.index_cast %mul3A_507 : i32 to index
      %swap3A_511 = tpu.vector_load %arg6[%swap3A_509, %swap3A_510] {strides = array<i32>} : memref<48x1024xi32, #tpu.memory_space<vmem>>, vector<16xi32>,
      tpu.vector_store %arg6[%swap3A_509, %swap3A_510], %bitcast3A_505 {strides = array<i32>} : memref<48x1024xi32, #tpu.memory_space<vmem>>, vector<16xi32>,
      %mul3A_512 = arith.constant 16 : i32
      %mul3A_513 = arith.muli %scan3A_295, %mul3A_512 : i32
      %get3A_514 = arith.constant 22 : i32
      %get3A_515 = arith.index_cast %get3A_514 : i32 to index
      %get3A_516 = arith.index_cast %mul3A_513 : i32 to index
      %get3A_517 = tpu.vector_load %arg5[%get3A_515, %get3A_516] {strides = array<i32>} : memref<32x1024xf32, #tpu.memory_space<vmem>>, vector<16xf32>,
      %mul3A_518 = arith.constant 16 : i32
      %mul3A_519 = arith.muli %scan3A_295, %mul3A_518 : i32
      %get3A_520 = arith.constant 23 : i32
      %get3A_521 = arith.index_cast %get3A_520 : i32 to index
      %get3A_522 = arith.index_cast %mul3A_519 : i32 to index
      %get3A_523 = tpu.vector_load %arg5[%get3A_521, %get3A_522] {strides = array<i32>} : memref<32x1024xf32, #tpu.memory_space<vmem>>, vector<16xf32>,
      %pack3A_524 = tpu.pack_subelements %get3A_517, %get3A_523 {pack_format = #tpu.pack_format<interleaved>, positions = array<i32: 0, 1>} : vector<16xf32>, vector<16xf32> -> vector<32xbf16>
      %bitcast3A_525 = vector.bitcast %pack3A_524 : vector<32xbf16> to vector<16xi32>
      %mul3A_526 = arith.constant 16 : i32
      %mul3A_527 = arith.muli %scan3A_295, %mul3A_526 : i32
      %swap3A_528 = arith.constant 27 : i32
      %swap3A_529 = arith.index_cast %swap3A_528 : i32 to index
      %swap3A_530 = arith.index_cast %mul3A_527 : i32 to index
      %swap3A_531 = tpu.vector_load %arg6[%swap3A_529, %swap3A_530] {strides = array<i32>} : memref<48x1024xi32, #tpu.memory_space<vmem>>, vector<16xi32>,
      tpu.vector_store %arg6[%swap3A_529, %swap3A_530], %bitcast3A_525 {strides = array<i32>} : memref<48x1024xi32, #tpu.memory_space<vmem>>, vector<16xi32>,
      %mul3A_532 = arith.constant 16 : i32
      %mul3A_533 = arith.muli %scan3A_295, %mul3A_532 : i32
      %get3A_534 = arith.constant 24 : i32
      %get3A_535 = arith.index_cast %get3A_534 : i32 to index
      %get3A_536 = arith.index_cast %mul3A_533 : i32 to index
      %get3A_537 = tpu.vector_load %arg5[%get3A_535, %get3A_536] {strides = array<i32>} : memref<32x1024xf32, #tpu.memory_space<vmem>>, vector<16xf32>,
      %mul3A_538 = arith.constant 16 : i32
      %mul3A_539 = arith.muli %scan3A_295, %mul3A_538 : i32
      %get3A_540 = arith.constant 25 : i32
      %get3A_541 = arith.index_cast %get3A_540 : i32 to index
      %get3A_542 = arith.index_cast %mul3A_539 : i32 to index
      %get3A_543 = tpu.vector_load %arg5[%get3A_541, %get3A_542] {strides = array<i32>} : memref<32x1024xf32, #tpu.memory_space<vmem>>, vector<16xf32>,
      %pack3A_544 = tpu.pack_subelements %get3A_537, %get3A_543 {pack_format = #tpu.pack_format<interleaved>, positions = array<i32: 0, 1>} : vector<16xf32>, vector<16xf32> -> vector<32xbf16>
      %bitcast3A_545 = vector.bitcast %pack3A_544 : vector<32xbf16> to vector<16xi32>
      %mul3A_546 = arith.constant 16 : i32
      %mul3A_547 = arith.muli %scan3A_295, %mul3A_546 : i32
      %swap3A_548 = arith.constant 28 : i32
      %swap3A_549 = arith.index_cast %swap3A_548 : i32 to index
      %swap3A_550 = arith.index_cast %mul3A_547 : i32 to index
      %swap3A_551 = tpu.vector_load %arg6[%swap3A_549, %swap3A_550] {strides = array<i32>} : memref<48x1024xi32, #tpu.memory_space<vmem>>, vector<16xi32>,
      tpu.vector_store %arg6[%swap3A_549, %swap3A_550], %bitcast3A_545 {strides = array<i32>} : memref<48x1024xi32, #tpu.memory_space<vmem>>, vector<16xi32>,
      %mul3A_552 = arith.constant 16 : i32
      %mul3A_553 = arith.muli %scan3A_295, %mul3A_552 : i32
      %get3A_554 = arith.constant 26 : i32
      %get3A_555 = arith.index_cast %get3A_554 : i32 to index
      %get3A_556 = arith.index_cast %mul3A_553 : i32 to index
      %get3A_557 = tpu.vector_load %arg5[%get3A_555, %get3A_556] {strides = array<i32>} : memref<32x1024xf32, #tpu.memory_space<vmem>>, vector<16xf32>,
      %mul3A_558 = arith.constant 16 : i32
      %mul3A_559 = arith.muli %scan3A_295, %mul3A_558 : i32
      %get3A_560 = arith.constant 27 : i32
      %get3A_561 = arith.index_cast %get3A_560 : i32 to index
      %get3A_562 = arith.index_cast %mul3A_559 : i32 to index
      %get3A_563 = tpu.vector_load %arg5[%get3A_561, %get3A_562] {strides = array<i32>} : memref<32x1024xf32, #tpu.memory_space<vmem>>, vector<16xf32>,
      %pack3A_564 = tpu.pack_subelements %get3A_557, %get3A_563 {pack_format = #tpu.pack_format<interleaved>, positions = array<i32: 0, 1>} : vector<16xf32>, vector<16xf32> -> vector<32xbf16>
      %bitcast3A_565 = vector.bitcast %pack3A_564 : vector<32xbf16> to vector<16xi32>
      %mul3A_566 = arith.constant 16 : i32
      %mul3A_567 = arith.muli %scan3A_295, %mul3A_566 : i32
      %swap3A_568 = arith.constant 29 : i32
      %swap3A_569 = arith.index_cast %swap3A_568 : i32 to index
      %swap3A_570 = arith.index_cast %mul3A_567 : i32 to index
      %swap3A_571 = tpu.vector_load %arg6[%swap3A_569, %swap3A_570] {strides = array<i32>} : memref<48x1024xi32, #tpu.memory_space<vmem>>, vector<16xi32>,
      tpu.vector_store %arg6[%swap3A_569, %swap3A_570], %bitcast3A_565 {strides = array<i32>} : memref<48x1024xi32, #tpu.memory_space<vmem>>, vector<16xi32>,
      %mul3A_572 = arith.constant 16 : i32
      %mul3A_573 = arith.muli %scan3A_295, %mul3A_572 : i32
      %get3A_574 = arith.constant 28 : i32
      %get3A_575 = arith.index_cast %get3A_574 : i32 to index
      %get3A_576 = arith.index_cast %mul3A_573 : i32 to index
      %get3A_577 = tpu.vector_load %arg5[%get3A_575, %get3A_576] {strides = array<i32>} : memref<32x1024xf32, #tpu.memory_space<vmem>>, vector<16xf32>,
      %mul3A_578 = arith.constant 16 : i32
      %mul3A_579 = arith.muli %scan3A_295, %mul3A_578 : i32
      %get3A_580 = arith.constant 29 : i32
      %get3A_581 = arith.index_cast %get3A_580 : i32 to index
      %get3A_582 = arith.index_cast %mul3A_579 : i32 to index
      %get3A_583 = tpu.vector_load %arg5[%get3A_581, %get3A_582] {strides = array<i32>} : memref<32x1024xf32, #tpu.memory_space<vmem>>, vector<16xf32>,
      %pack3A_584 = tpu.pack_subelements %get3A_577, %get3A_583 {pack_format = #tpu.pack_format<interleaved>, positions = array<i32: 0, 1>} : vector<16xf32>, vector<16xf32> -> vector<32xbf16>
      %bitcast3A_585 = vector.bitcast %pack3A_584 : vector<32xbf16> to vector<16xi32>
      %mul3A_586 = arith.constant 16 : i32
      %mul3A_587 = arith.muli %scan3A_295, %mul3A_586 : i32
      %swap3A_588 = arith.constant 30 : i32
      %swap3A_589 = arith.index_cast %swap3A_588 : i32 to index
      %swap3A_590 = arith.index_cast %mul3A_587 : i32 to index
      %swap3A_591 = tpu.vector_load %arg6[%swap3A_589, %swap3A_590] {strides = array<i32>} : memref<48x1024xi32, #tpu.memory_space<vmem>>, vector<16xi32>,
      tpu.vector_store %arg6[%swap3A_589, %swap3A_590], %bitcast3A_585 {strides = array<i32>} : memref<48x1024xi32, #tpu.memory_space<vmem>>, vector<16xi32>,
      %mul3A_592 = arith.constant 16 : i32
      %mul3A_593 = arith.muli %scan3A_295, %mul3A_592 : i32
      %get3A_594 = arith.constant 30 : i32
      %get3A_595 = arith.index_cast %get3A_594 : i32 to index
      %get3A_596 = arith.index_cast %mul3A_593 : i32 to index
      %get3A_597 = tpu.vector_load %arg5[%get3A_595, %get3A_596] {strides = array<i32>} : memref<32x1024xf32, #tpu.memory_space<vmem>>, vector<16xf32>,
      %mul3A_598 = arith.constant 16 : i32
      %mul3A_599 = arith.muli %scan3A_295, %mul3A_598 : i32
      %get3A_600 = arith.constant 31 : i32
      %get3A_601 = arith.index_cast %get3A_600 : i32 to index
      %get3A_602 = arith.index_cast %mul3A_599 : i32 to index
      %get3A_603 = tpu.vector_load %arg5[%get3A_601, %get3A_602] {strides = array<i32>} : memref<32x1024xf32, #tpu.memory_space<vmem>>, vector<16xf32>,
      %pack3A_604 = tpu.pack_subelements %get3A_597, %get3A_603 {pack_format = #tpu.pack_format<interleaved>, positions = array<i32: 0, 1>} : vector<16xf32>, vector<16xf32> -> vector<32xbf16>
      %bitcast3A_605 = vector.bitcast %pack3A_604 : vector<32xbf16> to vector<16xi32>
      %mul3A_606 = arith.constant 16 : i32
      %mul3A_607 = arith.muli %scan3A_295, %mul3A_606 : i32
      %swap3A_608 = arith.constant 31 : i32
      %swap3A_609 = arith.index_cast %swap3A_608 : i32 to index
      %swap3A_610 = arith.index_cast %mul3A_607 : i32 to index
      %swap3A_611 = tpu.vector_load %arg6[%swap3A_609, %swap3A_610] {strides = array<i32>} : memref<48x1024xi32, #tpu.memory_space<vmem>>, vector<16xi32>,
      tpu.vector_store %arg6[%swap3A_609, %swap3A_610], %bitcast3A_605 {strides = array<i32>} : memref<48x1024xi32, #tpu.memory_space<vmem>>, vector<16xi32>,
    }
    %scan3A_90 = arith.constant 64 : i32
    %dma_start3A_91 = arith.constant 64 : i32
    %dma_start3A_92 = arith.constant 0 : i32
    %dma_start3A_93 = tpu.memref_slice %arg2[%select_n3A, %dma_start3A_91, %dma_start3A_92] : memref<16x96x1024xf32, #tpu.memory_space<hbm>> -> memref<1x32x1024xf32, #tpu.memory_space<hbm>>
    %dma_start3A_94 = tpu.memref_squeeze %dma_start3A_93 : memref<1x32x1024xf32, #tpu.memory_space<hbm>> -> memref<32x1024xf32, #tpu.memory_space<hbm>>
    %dma_start3A_95 = arith.constant 64 : i32
    %dma_start3A_96 = arith.constant 0 : i32
    %dma_start3A_97 = tpu.memref_slice %arg2[%select_n3A, %dma_start3A_95, %dma_start3A_96] : memref<16x96x1024xf32, #tpu.memory_space<hbm>> -> memref<1x32x1024xf32, #tpu.memory_space<hbm>>
    %dma_start3A_98 = tpu.memref_squeeze %dma_start3A_97 : memref<1x32x1024xf32, #tpu.memory_space<hbm>> -> memref<32x1024xf32, #tpu.memory_space<hbm>>
    tpu.enqueue_dma source(%dma_start3A_98 : memref<32x1024xf32, #tpu.memory_space<hbm>>) target(%arg5 : memref<32x1024xf32, #tpu.memory_space<vmem>>) target_semaphore(%arg13 : memref<!tpu.dma_semaphore, #tpu.memory_space<semaphore_mem>>)
    %dma_wait3A_99 = arith.constant 64 : i32
    %dma_wait3A_100 = arith.constant 0 : i32
    %dma_wait3A_101 = tpu.memref_slice %arg2[%select_n3A, %dma_wait3A_99, %dma_wait3A_100] : memref<16x96x1024xf32, #tpu.memory_space<hbm>> -> memref<1x32x1024xf32, #tpu.memory_space<hbm>>
    %dma_wait3A_102 = tpu.memref_squeeze %dma_wait3A_101 : memref<1x32x1024xf32, #tpu.memory_space<hbm>> -> memref<32x1024xf32, #tpu.memory_space<hbm>>
    %dma_wait3A_103 = arith.constant 64 : i32
    %dma_wait3A_104 = arith.constant 0 : i32
    %dma_wait3A_105 = tpu.memref_slice %arg2[%select_n3A, %dma_wait3A_103, %dma_wait3A_104] : memref<16x96x1024xf32, #tpu.memory_space<hbm>> -> memref<1x32x1024xf32, #tpu.memory_space<hbm>>
    %dma_wait3A_106 = tpu.memref_squeeze %dma_wait3A_105 : memref<1x32x1024xf32, #tpu.memory_space<hbm>> -> memref<32x1024xf32, #tpu.memory_space<hbm>>
    tpu.wait_dma2 semaphore(%arg13 : memref<!tpu.dma_semaphore, #tpu.memory_space<semaphore_mem>>) src(%dma_wait3A_106 : memref<32x1024xf32, #tpu.memory_space<hbm>>) dst(%arg5 : memref<32x1024xf32, #tpu.memory_space<vmem>>)
    %scan3A_107 = arith.constant 0 : i32
    %scan3A_108 = arith.constant 0 : i32
    %scan3A_109 = arith.constant 64 : i32
    %scan3A_110 = arith.addi %scan3A_108, %scan3A_109 : i32
    %scan3A_111 = arith.constant 1 : i32
    scf.for %scan3A_295 = %scan3A_108 to %scan3A_110 step %scan3A_111  : i32 {
      %mul3A_296 = arith.constant 16 : i32
      %mul3A_297 = arith.muli %scan3A_295, %mul3A_296 : i32
      %get3A = arith.constant 0 : i32
      %get3A_298 = arith.index_cast %get3A : i32 to index
      %get3A_299 = arith.index_cast %mul3A_297 : i32 to index
      %get3A_300 = tpu.vector_load %arg5[%get3A_298, %get3A_299] {strides = array<i32>} : memref<32x1024xf32, #tpu.memory_space<vmem>>, vector<16xf32>,
      %mul3A_301 = arith.constant 16 : i32
      %mul3A_302 = arith.muli %scan3A_295, %mul3A_301 : i32
      %get3A_303 = arith.constant 1 : i32
      %get3A_304 = arith.index_cast %get3A_303 : i32 to index
      %get3A_305 = arith.index_cast %mul3A_302 : i32 to index
      %get3A_306 = tpu.vector_load %arg5[%get3A_304, %get3A_305] {strides = array<i32>} : memref<32x1024xf32, #tpu.memory_space<vmem>>, vector<16xf32>,
      %pack3A = tpu.pack_subelements %get3A_300, %get3A_306 {pack_format = #tpu.pack_format<interleaved>, positions = array<i32: 0, 1>} : vector<16xf32>, vector<16xf32> -> vector<32xbf16>
      %bitcast3A = vector.bitcast %pack3A : vector<32xbf16> to vector<16xi32>
      %mul3A_307 = arith.constant 16 : i32
      %mul3A_308 = arith.muli %scan3A_295, %mul3A_307 : i32
      %swap3A = arith.constant 32 : i32
      %swap3A_309 = arith.index_cast %swap3A : i32 to index
      %swap3A_310 = arith.index_cast %mul3A_308 : i32 to index
      %swap3A_311 = tpu.vector_load %arg6[%swap3A_309, %swap3A_310] {strides = array<i32>} : memref<48x1024xi32, #tpu.memory_space<vmem>>, vector<16xi32>,
      tpu.vector_store %arg6[%swap3A_309, %swap3A_310], %bitcast3A {strides = array<i32>} : memref<48x1024xi32, #tpu.memory_space<vmem>>, vector<16xi32>,
      %mul3A_312 = arith.constant 16 : i32
      %mul3A_313 = arith.muli %scan3A_295, %mul3A_312 : i32
      %get3A_314 = arith.constant 2 : i32
      %get3A_315 = arith.index_cast %get3A_314 : i32 to index
      %get3A_316 = arith.index_cast %mul3A_313 : i32 to index
      %get3A_317 = tpu.vector_load %arg5[%get3A_315, %get3A_316] {strides = array<i32>} : memref<32x1024xf32, #tpu.memory_space<vmem>>, vector<16xf32>,
      %mul3A_318 = arith.constant 16 : i32
      %mul3A_319 = arith.muli %scan3A_295, %mul3A_318 : i32
      %get3A_320 = arith.constant 3 : i32
      %get3A_321 = arith.index_cast %get3A_320 : i32 to index
      %get3A_322 = arith.index_cast %mul3A_319 : i32 to index
      %get3A_323 = tpu.vector_load %arg5[%get3A_321, %get3A_322] {strides = array<i32>} : memref<32x1024xf32, #tpu.memory_space<vmem>>, vector<16xf32>,
      %pack3A_324 = tpu.pack_subelements %get3A_317, %get3A_323 {pack_format = #tpu.pack_format<interleaved>, positions = array<i32: 0, 1>} : vector<16xf32>, vector<16xf32> -> vector<32xbf16>
      %bitcast3A_325 = vector.bitcast %pack3A_324 : vector<32xbf16> to vector<16xi32>
      %mul3A_326 = arith.constant 16 : i32
      %mul3A_327 = arith.muli %scan3A_295, %mul3A_326 : i32
      %swap3A_328 = arith.constant 33 : i32
      %swap3A_329 = arith.index_cast %swap3A_328 : i32 to index
      %swap3A_330 = arith.index_cast %mul3A_327 : i32 to index
      %swap3A_331 = tpu.vector_load %arg6[%swap3A_329, %swap3A_330] {strides = array<i32>} : memref<48x1024xi32, #tpu.memory_space<vmem>>, vector<16xi32>,
      tpu.vector_store %arg6[%swap3A_329, %swap3A_330], %bitcast3A_325 {strides = array<i32>} : memref<48x1024xi32, #tpu.memory_space<vmem>>, vector<16xi32>,
      %mul3A_332 = arith.constant 16 : i32
      %mul3A_333 = arith.muli %scan3A_295, %mul3A_332 : i32
      %get3A_334 = arith.constant 4 : i32
      %get3A_335 = arith.index_cast %get3A_334 : i32 to index
      %get3A_336 = arith.index_cast %mul3A_333 : i32 to index
      %get3A_337 = tpu.vector_load %arg5[%get3A_335, %get3A_336] {strides = array<i32>} : memref<32x1024xf32, #tpu.memory_space<vmem>>, vector<16xf32>,
      %mul3A_338 = arith.constant 16 : i32
      %mul3A_339 = arith.muli %scan3A_295, %mul3A_338 : i32
      %get3A_340 = arith.constant 5 : i32
      %get3A_341 = arith.index_cast %get3A_340 : i32 to index
      %get3A_342 = arith.index_cast %mul3A_339 : i32 to index
      %get3A_343 = tpu.vector_load %arg5[%get3A_341, %get3A_342] {strides = array<i32>} : memref<32x1024xf32, #tpu.memory_space<vmem>>, vector<16xf32>,
      %pack3A_344 = tpu.pack_subelements %get3A_337, %get3A_343 {pack_format = #tpu.pack_format<interleaved>, positions = array<i32: 0, 1>} : vector<16xf32>, vector<16xf32> -> vector<32xbf16>
      %bitcast3A_345 = vector.bitcast %pack3A_344 : vector<32xbf16> to vector<16xi32>
      %mul3A_346 = arith.constant 16 : i32
      %mul3A_347 = arith.muli %scan3A_295, %mul3A_346 : i32
      %swap3A_348 = arith.constant 34 : i32
      %swap3A_349 = arith.index_cast %swap3A_348 : i32 to index
      %swap3A_350 = arith.index_cast %mul3A_347 : i32 to index
      %swap3A_351 = tpu.vector_load %arg6[%swap3A_349, %swap3A_350] {strides = array<i32>} : memref<48x1024xi32, #tpu.memory_space<vmem>>, vector<16xi32>,
      tpu.vector_store %arg6[%swap3A_349, %swap3A_350], %bitcast3A_345 {strides = array<i32>} : memref<48x1024xi32, #tpu.memory_space<vmem>>, vector<16xi32>,
      %mul3A_352 = arith.constant 16 : i32
      %mul3A_353 = arith.muli %scan3A_295, %mul3A_352 : i32
      %get3A_354 = arith.constant 6 : i32
      %get3A_355 = arith.index_cast %get3A_354 : i32 to index
      %get3A_356 = arith.index_cast %mul3A_353 : i32 to index
      %get3A_357 = tpu.vector_load %arg5[%get3A_355, %get3A_356] {strides = array<i32>} : memref<32x1024xf32, #tpu.memory_space<vmem>>, vector<16xf32>,
      %mul3A_358 = arith.constant 16 : i32
      %mul3A_359 = arith.muli %scan3A_295, %mul3A_358 : i32
      %get3A_360 = arith.constant 7 : i32
      %get3A_361 = arith.index_cast %get3A_360 : i32 to index
      %get3A_362 = arith.index_cast %mul3A_359 : i32 to index
      %get3A_363 = tpu.vector_load %arg5[%get3A_361, %get3A_362] {strides = array<i32>} : memref<32x1024xf32, #tpu.memory_space<vmem>>, vector<16xf32>,
      %pack3A_364 = tpu.pack_subelements %get3A_357, %get3A_363 {pack_format = #tpu.pack_format<interleaved>, positions = array<i32: 0, 1>} : vector<16xf32>, vector<16xf32> -> vector<32xbf16>
      %bitcast3A_365 = vector.bitcast %pack3A_364 : vector<32xbf16> to vector<16xi32>
      %mul3A_366 = arith.constant 16 : i32
      %mul3A_367 = arith.muli %scan3A_295, %mul3A_366 : i32
      %swap3A_368 = arith.constant 35 : i32
      %swap3A_369 = arith.index_cast %swap3A_368 : i32 to index
      %swap3A_370 = arith.index_cast %mul3A_367 : i32 to index
      %swap3A_371 = tpu.vector_load %arg6[%swap3A_369, %swap3A_370] {strides = array<i32>} : memref<48x1024xi32, #tpu.memory_space<vmem>>, vector<16xi32>,
      tpu.vector_store %arg6[%swap3A_369, %swap3A_370], %bitcast3A_365 {strides = array<i32>} : memref<48x1024xi32, #tpu.memory_space<vmem>>, vector<16xi32>,
      %mul3A_372 = arith.constant 16 : i32
      %mul3A_373 = arith.muli %scan3A_295, %mul3A_372 : i32
      %get3A_374 = arith.constant 8 : i32
      %get3A_375 = arith.index_cast %get3A_374 : i32 to index
      %get3A_376 = arith.index_cast %mul3A_373 : i32 to index
      %get3A_377 = tpu.vector_load %arg5[%get3A_375, %get3A_376] {strides = array<i32>} : memref<32x1024xf32, #tpu.memory_space<vmem>>, vector<16xf32>,
      %mul3A_378 = arith.constant 16 : i32
      %mul3A_379 = arith.muli %scan3A_295, %mul3A_378 : i32
      %get3A_380 = arith.constant 9 : i32
      %get3A_381 = arith.index_cast %get3A_380 : i32 to index
      %get3A_382 = arith.index_cast %mul3A_379 : i32 to index
      %get3A_383 = tpu.vector_load %arg5[%get3A_381, %get3A_382] {strides = array<i32>} : memref<32x1024xf32, #tpu.memory_space<vmem>>, vector<16xf32>,
      %pack3A_384 = tpu.pack_subelements %get3A_377, %get3A_383 {pack_format = #tpu.pack_format<interleaved>, positions = array<i32: 0, 1>} : vector<16xf32>, vector<16xf32> -> vector<32xbf16>
      %bitcast3A_385 = vector.bitcast %pack3A_384 : vector<32xbf16> to vector<16xi32>
      %mul3A_386 = arith.constant 16 : i32
      %mul3A_387 = arith.muli %scan3A_295, %mul3A_386 : i32
      %swap3A_388 = arith.constant 36 : i32
      %swap3A_389 = arith.index_cast %swap3A_388 : i32 to index
      %swap3A_390 = arith.index_cast %mul3A_387 : i32 to index
      %swap3A_391 = tpu.vector_load %arg6[%swap3A_389, %swap3A_390] {strides = array<i32>} : memref<48x1024xi32, #tpu.memory_space<vmem>>, vector<16xi32>,
      tpu.vector_store %arg6[%swap3A_389, %swap3A_390], %bitcast3A_385 {strides = array<i32>} : memref<48x1024xi32, #tpu.memory_space<vmem>>, vector<16xi32>,
      %mul3A_392 = arith.constant 16 : i32
      %mul3A_393 = arith.muli %scan3A_295, %mul3A_392 : i32
      %get3A_394 = arith.constant 10 : i32
      %get3A_395 = arith.index_cast %get3A_394 : i32 to index
      %get3A_396 = arith.index_cast %mul3A_393 : i32 to index
      %get3A_397 = tpu.vector_load %arg5[%get3A_395, %get3A_396] {strides = array<i32>} : memref<32x1024xf32, #tpu.memory_space<vmem>>, vector<16xf32>,
      %mul3A_398 = arith.constant 16 : i32
      %mul3A_399 = arith.muli %scan3A_295, %mul3A_398 : i32
      %get3A_400 = arith.constant 11 : i32
      %get3A_401 = arith.index_cast %get3A_400 : i32 to index
      %get3A_402 = arith.index_cast %mul3A_399 : i32 to index
      %get3A_403 = tpu.vector_load %arg5[%get3A_401, %get3A_402] {strides = array<i32>} : memref<32x1024xf32, #tpu.memory_space<vmem>>, vector<16xf32>,
      %pack3A_404 = tpu.pack_subelements %get3A_397, %get3A_403 {pack_format = #tpu.pack_format<interleaved>, positions = array<i32: 0, 1>} : vector<16xf32>, vector<16xf32> -> vector<32xbf16>
      %bitcast3A_405 = vector.bitcast %pack3A_404 : vector<32xbf16> to vector<16xi32>
      %mul3A_406 = arith.constant 16 : i32
      %mul3A_407 = arith.muli %scan3A_295, %mul3A_406 : i32
      %swap3A_408 = arith.constant 37 : i32
      %swap3A_409 = arith.index_cast %swap3A_408 : i32 to index
      %swap3A_410 = arith.index_cast %mul3A_407 : i32 to index
      %swap3A_411 = tpu.vector_load %arg6[%swap3A_409, %swap3A_410] {strides = array<i32>} : memref<48x1024xi32, #tpu.memory_space<vmem>>, vector<16xi32>,
      tpu.vector_store %arg6[%swap3A_409, %swap3A_410], %bitcast3A_405 {strides = array<i32>} : memref<48x1024xi32, #tpu.memory_space<vmem>>, vector<16xi32>,
      %mul3A_412 = arith.constant 16 : i32
      %mul3A_413 = arith.muli %scan3A_295, %mul3A_412 : i32
      %get3A_414 = arith.constant 12 : i32
      %get3A_415 = arith.index_cast %get3A_414 : i32 to index
      %get3A_416 = arith.index_cast %mul3A_413 : i32 to index
      %get3A_417 = tpu.vector_load %arg5[%get3A_415, %get3A_416] {strides = array<i32>} : memref<32x1024xf32, #tpu.memory_space<vmem>>, vector<16xf32>,
      %mul3A_418 = arith.constant 16 : i32
      %mul3A_419 = arith.muli %scan3A_295, %mul3A_418 : i32
      %get3A_420 = arith.constant 13 : i32
      %get3A_421 = arith.index_cast %get3A_420 : i32 to index
      %get3A_422 = arith.index_cast %mul3A_419 : i32 to index
      %get3A_423 = tpu.vector_load %arg5[%get3A_421, %get3A_422] {strides = array<i32>} : memref<32x1024xf32, #tpu.memory_space<vmem>>, vector<16xf32>,
      %pack3A_424 = tpu.pack_subelements %get3A_417, %get3A_423 {pack_format = #tpu.pack_format<interleaved>, positions = array<i32: 0, 1>} : vector<16xf32>, vector<16xf32> -> vector<32xbf16>
      %bitcast3A_425 = vector.bitcast %pack3A_424 : vector<32xbf16> to vector<16xi32>
      %mul3A_426 = arith.constant 16 : i32
      %mul3A_427 = arith.muli %scan3A_295, %mul3A_426 : i32
      %swap3A_428 = arith.constant 38 : i32
      %swap3A_429 = arith.index_cast %swap3A_428 : i32 to index
      %swap3A_430 = arith.index_cast %mul3A_427 : i32 to index
      %swap3A_431 = tpu.vector_load %arg6[%swap3A_429, %swap3A_430] {strides = array<i32>} : memref<48x1024xi32, #tpu.memory_space<vmem>>, vector<16xi32>,
      tpu.vector_store %arg6[%swap3A_429, %swap3A_430], %bitcast3A_425 {strides = array<i32>} : memref<48x1024xi32, #tpu.memory_space<vmem>>, vector<16xi32>,
      %mul3A_432 = arith.constant 16 : i32
      %mul3A_433 = arith.muli %scan3A_295, %mul3A_432 : i32
      %get3A_434 = arith.constant 14 : i32
      %get3A_435 = arith.index_cast %get3A_434 : i32 to index
      %get3A_436 = arith.index_cast %mul3A_433 : i32 to index
      %get3A_437 = tpu.vector_load %arg5[%get3A_435, %get3A_436] {strides = array<i32>} : memref<32x1024xf32, #tpu.memory_space<vmem>>, vector<16xf32>,
      %mul3A_438 = arith.constant 16 : i32
      %mul3A_439 = arith.muli %scan3A_295, %mul3A_438 : i32
      %get3A_440 = arith.constant 15 : i32
      %get3A_441 = arith.index_cast %get3A_440 : i32 to index
      %get3A_442 = arith.index_cast %mul3A_439 : i32 to index
      %get3A_443 = tpu.vector_load %arg5[%get3A_441, %get3A_442] {strides = array<i32>} : memref<32x1024xf32, #tpu.memory_space<vmem>>, vector<16xf32>,
      %pack3A_444 = tpu.pack_subelements %get3A_437, %get3A_443 {pack_format = #tpu.pack_format<interleaved>, positions = array<i32: 0, 1>} : vector<16xf32>, vector<16xf32> -> vector<32xbf16>
      %bitcast3A_445 = vector.bitcast %pack3A_444 : vector<32xbf16> to vector<16xi32>
      %mul3A_446 = arith.constant 16 : i32
      %mul3A_447 = arith.muli %scan3A_295, %mul3A_446 : i32
      %swap3A_448 = arith.constant 39 : i32
      %swap3A_449 = arith.index_cast %swap3A_448 : i32 to index
      %swap3A_450 = arith.index_cast %mul3A_447 : i32 to index
      %swap3A_451 = tpu.vector_load %arg6[%swap3A_449, %swap3A_450] {strides = array<i32>} : memref<48x1024xi32, #tpu.memory_space<vmem>>, vector<16xi32>,
      tpu.vector_store %arg6[%swap3A_449, %swap3A_450], %bitcast3A_445 {strides = array<i32>} : memref<48x1024xi32, #tpu.memory_space<vmem>>, vector<16xi32>,
      %mul3A_452 = arith.constant 16 : i32
      %mul3A_453 = arith.muli %scan3A_295, %mul3A_452 : i32
      %get3A_454 = arith.constant 16 : i32
      %get3A_455 = arith.index_cast %get3A_454 : i32 to index
      %get3A_456 = arith.index_cast %mul3A_453 : i32 to index
      %get3A_457 = tpu.vector_load %arg5[%get3A_455, %get3A_456] {strides = array<i32>} : memref<32x1024xf32, #tpu.memory_space<vmem>>, vector<16xf32>,
      %mul3A_458 = arith.constant 16 : i32
      %mul3A_459 = arith.muli %scan3A_295, %mul3A_458 : i32
      %get3A_460 = arith.constant 17 : i32
      %get3A_461 = arith.index_cast %get3A_460 : i32 to index
      %get3A_462 = arith.index_cast %mul3A_459 : i32 to index
      %get3A_463 = tpu.vector_load %arg5[%get3A_461, %get3A_462] {strides = array<i32>} : memref<32x1024xf32, #tpu.memory_space<vmem>>, vector<16xf32>,
      %pack3A_464 = tpu.pack_subelements %get3A_457, %get3A_463 {pack_format = #tpu.pack_format<interleaved>, positions = array<i32: 0, 1>} : vector<16xf32>, vector<16xf32> -> vector<32xbf16>
      %bitcast3A_465 = vector.bitcast %pack3A_464 : vector<32xbf16> to vector<16xi32>
      %mul3A_466 = arith.constant 16 : i32
      %mul3A_467 = arith.muli %scan3A_295, %mul3A_466 : i32
      %swap3A_468 = arith.constant 40 : i32
      %swap3A_469 = arith.index_cast %swap3A_468 : i32 to index
      %swap3A_470 = arith.index_cast %mul3A_467 : i32 to index
      %swap3A_471 = tpu.vector_load %arg6[%swap3A_469, %swap3A_470] {strides = array<i32>} : memref<48x1024xi32, #tpu.memory_space<vmem>>, vector<16xi32>,
      tpu.vector_store %arg6[%swap3A_469, %swap3A_470], %bitcast3A_465 {strides = array<i32>} : memref<48x1024xi32, #tpu.memory_space<vmem>>, vector<16xi32>,
      %mul3A_472 = arith.constant 16 : i32
      %mul3A_473 = arith.muli %scan3A_295, %mul3A_472 : i32
      %get3A_474 = arith.constant 18 : i32
      %get3A_475 = arith.index_cast %get3A_474 : i32 to index
      %get3A_476 = arith.index_cast %mul3A_473 : i32 to index
      %get3A_477 = tpu.vector_load %arg5[%get3A_475, %get3A_476] {strides = array<i32>} : memref<32x1024xf32, #tpu.memory_space<vmem>>, vector<16xf32>,
      %mul3A_478 = arith.constant 16 : i32
      %mul3A_479 = arith.muli %scan3A_295, %mul3A_478 : i32
      %get3A_480 = arith.constant 19 : i32
      %get3A_481 = arith.index_cast %get3A_480 : i32 to index
      %get3A_482 = arith.index_cast %mul3A_479 : i32 to index
      %get3A_483 = tpu.vector_load %arg5[%get3A_481, %get3A_482] {strides = array<i32>} : memref<32x1024xf32, #tpu.memory_space<vmem>>, vector<16xf32>,
      %pack3A_484 = tpu.pack_subelements %get3A_477, %get3A_483 {pack_format = #tpu.pack_format<interleaved>, positions = array<i32: 0, 1>} : vector<16xf32>, vector<16xf32> -> vector<32xbf16>
      %bitcast3A_485 = vector.bitcast %pack3A_484 : vector<32xbf16> to vector<16xi32>
      %mul3A_486 = arith.constant 16 : i32
      %mul3A_487 = arith.muli %scan3A_295, %mul3A_486 : i32
      %swap3A_488 = arith.constant 41 : i32
      %swap3A_489 = arith.index_cast %swap3A_488 : i32 to index
      %swap3A_490 = arith.index_cast %mul3A_487 : i32 to index
      %swap3A_491 = tpu.vector_load %arg6[%swap3A_489, %swap3A_490] {strides = array<i32>} : memref<48x1024xi32, #tpu.memory_space<vmem>>, vector<16xi32>,
      tpu.vector_store %arg6[%swap3A_489, %swap3A_490], %bitcast3A_485 {strides = array<i32>} : memref<48x1024xi32, #tpu.memory_space<vmem>>, vector<16xi32>,
      %mul3A_492 = arith.constant 16 : i32
      %mul3A_493 = arith.muli %scan3A_295, %mul3A_492 : i32
      %get3A_494 = arith.constant 20 : i32
      %get3A_495 = arith.index_cast %get3A_494 : i32 to index
      %get3A_496 = arith.index_cast %mul3A_493 : i32 to index
      %get3A_497 = tpu.vector_load %arg5[%get3A_495, %get3A_496] {strides = array<i32>} : memref<32x1024xf32, #tpu.memory_space<vmem>>, vector<16xf32>,
      %mul3A_498 = arith.constant 16 : i32
      %mul3A_499 = arith.muli %scan3A_295, %mul3A_498 : i32
      %get3A_500 = arith.constant 21 : i32
      %get3A_501 = arith.index_cast %get3A_500 : i32 to index
      %get3A_502 = arith.index_cast %mul3A_499 : i32 to index
      %get3A_503 = tpu.vector_load %arg5[%get3A_501, %get3A_502] {strides = array<i32>} : memref<32x1024xf32, #tpu.memory_space<vmem>>, vector<16xf32>,
      %pack3A_504 = tpu.pack_subelements %get3A_497, %get3A_503 {pack_format = #tpu.pack_format<interleaved>, positions = array<i32: 0, 1>} : vector<16xf32>, vector<16xf32> -> vector<32xbf16>
      %bitcast3A_505 = vector.bitcast %pack3A_504 : vector<32xbf16> to vector<16xi32>
      %mul3A_506 = arith.constant 16 : i32
      %mul3A_507 = arith.muli %scan3A_295, %mul3A_506 : i32
      %swap3A_508 = arith.constant 42 : i32
      %swap3A_509 = arith.index_cast %swap3A_508 : i32 to index
      %swap3A_510 = arith.index_cast %mul3A_507 : i32 to index
      %swap3A_511 = tpu.vector_load %arg6[%swap3A_509, %swap3A_510] {strides = array<i32>} : memref<48x1024xi32, #tpu.memory_space<vmem>>, vector<16xi32>,
      tpu.vector_store %arg6[%swap3A_509, %swap3A_510], %bitcast3A_505 {strides = array<i32>} : memref<48x1024xi32, #tpu.memory_space<vmem>>, vector<16xi32>,
      %mul3A_512 = arith.constant 16 : i32
      %mul3A_513 = arith.muli %scan3A_295, %mul3A_512 : i32
      %get3A_514 = arith.constant 22 : i32
      %get3A_515 = arith.index_cast %get3A_514 : i32 to index
      %get3A_516 = arith.index_cast %mul3A_513 : i32 to index
      %get3A_517 = tpu.vector_load %arg5[%get3A_515, %get3A_516] {strides = array<i32>} : memref<32x1024xf32, #tpu.memory_space<vmem>>, vector<16xf32>,
      %mul3A_518 = arith.constant 16 : i32
      %mul3A_519 = arith.muli %scan3A_295, %mul3A_518 : i32
      %get3A_520 = arith.constant 23 : i32
      %get3A_521 = arith.index_cast %get3A_520 : i32 to index
      %get3A_522 = arith.index_cast %mul3A_519 : i32 to index
      %get3A_523 = tpu.vector_load %arg5[%get3A_521, %get3A_522] {strides = array<i32>} : memref<32x1024xf32, #tpu.memory_space<vmem>>, vector<16xf32>,
      %pack3A_524 = tpu.pack_subelements %get3A_517, %get3A_523 {pack_format = #tpu.pack_format<interleaved>, positions = array<i32: 0, 1>} : vector<16xf32>, vector<16xf32> -> vector<32xbf16>
      %bitcast3A_525 = vector.bitcast %pack3A_524 : vector<32xbf16> to vector<16xi32>
      %mul3A_526 = arith.constant 16 : i32
      %mul3A_527 = arith.muli %scan3A_295, %mul3A_526 : i32
      %swap3A_528 = arith.constant 43 : i32
      %swap3A_529 = arith.index_cast %swap3A_528 : i32 to index
      %swap3A_530 = arith.index_cast %mul3A_527 : i32 to index
      %swap3A_531 = tpu.vector_load %arg6[%swap3A_529, %swap3A_530] {strides = array<i32>} : memref<48x1024xi32, #tpu.memory_space<vmem>>, vector<16xi32>,
      tpu.vector_store %arg6[%swap3A_529, %swap3A_530], %bitcast3A_525 {strides = array<i32>} : memref<48x1024xi32, #tpu.memory_space<vmem>>, vector<16xi32>,
      %mul3A_532 = arith.constant 16 : i32
      %mul3A_533 = arith.muli %scan3A_295, %mul3A_532 : i32
      %get3A_534 = arith.constant 24 : i32
      %get3A_535 = arith.index_cast %get3A_534 : i32 to index
      %get3A_536 = arith.index_cast %mul3A_533 : i32 to index
      %get3A_537 = tpu.vector_load %arg5[%get3A_535, %get3A_536] {strides = array<i32>} : memref<32x1024xf32, #tpu.memory_space<vmem>>, vector<16xf32>,
      %mul3A_538 = arith.constant 16 : i32
      %mul3A_539 = arith.muli %scan3A_295, %mul3A_538 : i32
      %get3A_540 = arith.constant 25 : i32
      %get3A_541 = arith.index_cast %get3A_540 : i32 to index
      %get3A_542 = arith.index_cast %mul3A_539 : i32 to index
      %get3A_543 = tpu.vector_load %arg5[%get3A_541, %get3A_542] {strides = array<i32>} : memref<32x1024xf32, #tpu.memory_space<vmem>>, vector<16xf32>,
      %pack3A_544 = tpu.pack_subelements %get3A_537, %get3A_543 {pack_format = #tpu.pack_format<interleaved>, positions = array<i32: 0, 1>} : vector<16xf32>, vector<16xf32> -> vector<32xbf16>
      %bitcast3A_545 = vector.bitcast %pack3A_544 : vector<32xbf16> to vector<16xi32>
      %mul3A_546 = arith.constant 16 : i32
      %mul3A_547 = arith.muli %scan3A_295, %mul3A_546 : i32
      %swap3A_548 = arith.constant 44 : i32
      %swap3A_549 = arith.index_cast %swap3A_548 : i32 to index
      %swap3A_550 = arith.index_cast %mul3A_547 : i32 to index
      %swap3A_551 = tpu.vector_load %arg6[%swap3A_549, %swap3A_550] {strides = array<i32>} : memref<48x1024xi32, #tpu.memory_space<vmem>>, vector<16xi32>,
      tpu.vector_store %arg6[%swap3A_549, %swap3A_550], %bitcast3A_545 {strides = array<i32>} : memref<48x1024xi32, #tpu.memory_space<vmem>>, vector<16xi32>,
      %mul3A_552 = arith.constant 16 : i32
      %mul3A_553 = arith.muli %scan3A_295, %mul3A_552 : i32
      %get3A_554 = arith.constant 26 : i32
      %get3A_555 = arith.index_cast %get3A_554 : i32 to index
      %get3A_556 = arith.index_cast %mul3A_553 : i32 to index
      %get3A_557 = tpu.vector_load %arg5[%get3A_555, %get3A_556] {strides = array<i32>} : memref<32x1024xf32, #tpu.memory_space<vmem>>, vector<16xf32>,
      %mul3A_558 = arith.constant 16 : i32
      %mul3A_559 = arith.muli %scan3A_295, %mul3A_558 : i32
      %get3A_560 = arith.constant 27 : i32
      %get3A_561 = arith.index_cast %get3A_560 : i32 to index
      %get3A_562 = arith.index_cast %mul3A_559 : i32 to index
      %get3A_563 = tpu.vector_load %arg5[%get3A_561, %get3A_562] {strides = array<i32>} : memref<32x1024xf32, #tpu.memory_space<vmem>>, vector<16xf32>,
      %pack3A_564 = tpu.pack_subelements %get3A_557, %get3A_563 {pack_format = #tpu.pack_format<interleaved>, positions = array<i32: 0, 1>} : vector<16xf32>, vector<16xf32> -> vector<32xbf16>
      %bitcast3A_565 = vector.bitcast %pack3A_564 : vector<32xbf16> to vector<16xi32>
      %mul3A_566 = arith.constant 16 : i32
      %mul3A_567 = arith.muli %scan3A_295, %mul3A_566 : i32
      %swap3A_568 = arith.constant 45 : i32
      %swap3A_569 = arith.index_cast %swap3A_568 : i32 to index
      %swap3A_570 = arith.index_cast %mul3A_567 : i32 to index
      %swap3A_571 = tpu.vector_load %arg6[%swap3A_569, %swap3A_570] {strides = array<i32>} : memref<48x1024xi32, #tpu.memory_space<vmem>>, vector<16xi32>,
      tpu.vector_store %arg6[%swap3A_569, %swap3A_570], %bitcast3A_565 {strides = array<i32>} : memref<48x1024xi32, #tpu.memory_space<vmem>>, vector<16xi32>,
      %mul3A_572 = arith.constant 16 : i32
      %mul3A_573 = arith.muli %scan3A_295, %mul3A_572 : i32
      %get3A_574 = arith.constant 28 : i32
      %get3A_575 = arith.index_cast %get3A_574 : i32 to index
      %get3A_576 = arith.index_cast %mul3A_573 : i32 to index
      %get3A_577 = tpu.vector_load %arg5[%get3A_575, %get3A_576] {strides = array<i32>} : memref<32x1024xf32, #tpu.memory_space<vmem>>, vector<16xf32>,
      %mul3A_578 = arith.constant 16 : i32
      %mul3A_579 = arith.muli %scan3A_295, %mul3A_578 : i32
      %get3A_580 = arith.constant 29 : i32
      %get3A_581 = arith.index_cast %get3A_580 : i32 to index
      %get3A_582 = arith.index_cast %mul3A_579 : i32 to index
      %get3A_583 = tpu.vector_load %arg5[%get3A_581, %get3A_582] {strides = array<i32>} : memref<32x1024xf32, #tpu.memory_space<vmem>>, vector<16xf32>,
      %pack3A_584 = tpu.pack_subelements %get3A_577, %get3A_583 {pack_format = #tpu.pack_format<interleaved>, positions = array<i32: 0, 1>} : vector<16xf32>, vector<16xf32> -> vector<32xbf16>
      %bitcast3A_585 = vector.bitcast %pack3A_584 : vector<32xbf16> to vector<16xi32>
      %mul3A_586 = arith.constant 16 : i32
      %mul3A_587 = arith.muli %scan3A_295, %mul3A_586 : i32
      %swap3A_588 = arith.constant 46 : i32
      %swap3A_589 = arith.index_cast %swap3A_588 : i32 to index
      %swap3A_590 = arith.index_cast %mul3A_587 : i32 to index
      %swap3A_591 = tpu.vector_load %arg6[%swap3A_589, %swap3A_590] {strides = array<i32>} : memref<48x1024xi32, #tpu.memory_space<vmem>>, vector<16xi32>,
      tpu.vector_store %arg6[%swap3A_589, %swap3A_590], %bitcast3A_585 {strides = array<i32>} : memref<48x1024xi32, #tpu.memory_space<vmem>>, vector<16xi32>,
      %mul3A_592 = arith.constant 16 : i32
      %mul3A_593 = arith.muli %scan3A_295, %mul3A_592 : i32
      %get3A_594 = arith.constant 30 : i32
      %get3A_595 = arith.index_cast %get3A_594 : i32 to index
      %get3A_596 = arith.index_cast %mul3A_593 : i32 to index
      %get3A_597 = tpu.vector_load %arg5[%get3A_595, %get3A_596] {strides = array<i32>} : memref<32x1024xf32, #tpu.memory_space<vmem>>, vector<16xf32>,
      %mul3A_598 = arith.constant 16 : i32
      %mul3A_599 = arith.muli %scan3A_295, %mul3A_598 : i32
      %get3A_600 = arith.constant 31 : i32
      %get3A_601 = arith.index_cast %get3A_600 : i32 to index
      %get3A_602 = arith.index_cast %mul3A_599 : i32 to index
      %get3A_603 = tpu.vector_load %arg5[%get3A_601, %get3A_602] {strides = array<i32>} : memref<32x1024xf32, #tpu.memory_space<vmem>>, vector<16xf32>,
      %pack3A_604 = tpu.pack_subelements %get3A_597, %get3A_603 {pack_format = #tpu.pack_format<interleaved>, positions = array<i32: 0, 1>} : vector<16xf32>, vector<16xf32> -> vector<32xbf16>
      %bitcast3A_605 = vector.bitcast %pack3A_604 : vector<32xbf16> to vector<16xi32>
      %mul3A_606 = arith.constant 16 : i32
      %mul3A_607 = arith.muli %scan3A_295, %mul3A_606 : i32
      %swap3A_608 = arith.constant 47 : i32
      %swap3A_609 = arith.index_cast %swap3A_608 : i32 to index
      %swap3A_610 = arith.index_cast %mul3A_607 : i32 to index
      %swap3A_611 = tpu.vector_load %arg6[%swap3A_609, %swap3A_610] {strides = array<i32>} : memref<48x1024xi32, #tpu.memory_space<vmem>>, vector<16xi32>,
      tpu.vector_store %arg6[%swap3A_609, %swap3A_610], %bitcast3A_605 {strides = array<i32>} : memref<48x1024xi32, #tpu.memory_space<vmem>>, vector<16xi32>,
    }
    %scan3A_112 = arith.constant 64 : i32
    %dma_wait3A_113 = arith.constant 0 : i32
    %dma_wait3A_114 = tpu.memref_slice %arg3[%dma_wait3A_113, %select_n3A, %mul3A_37] : memref<2x16x16384xi32, #tpu.memory_space<hbm>> -> memref<1x1x2048xi32, #tpu.memory_space<hbm>>
    %dma_wait3A_115 = tpu.memref_squeeze %dma_wait3A_114 : memref<1x1x2048xi32, #tpu.memory_space<hbm>> -> memref<2048xi32, #tpu.memory_space<hbm>>
    %dma_wait3A_116 = tpu.memref_slice %arg3[%dma_wait3A_113, %select_n3A, %mul3A_37] : memref<2x16x16384xi32, #tpu.memory_space<hbm>> -> memref<1x1x2048xi32, #tpu.memory_space<hbm>>
    %dma_wait3A_117 = tpu.memref_squeeze %dma_wait3A_116 : memref<1x1x2048xi32, #tpu.memory_space<hbm>> -> memref<2048xi32, #tpu.memory_space<hbm>>
    tpu.wait_dma2 semaphore(%arg14 : memref<!tpu.dma_semaphore, #tpu.memory_space<semaphore_mem>>) src(%dma_wait3A_117 : memref<2048xi32, #tpu.memory_space<hbm>>) dst(%arg7 : memref<2048xi32, #tpu.memory_space<vmem>>)
    %dma_wait3A_118 = arith.constant 1 : i32
    %dma_wait3A_119 = tpu.memref_slice %arg3[%dma_wait3A_118, %select_n3A, %mul3A_43] : memref<2x16x16384xi32, #tpu.memory_space<hbm>> -> memref<1x1x2048xi32, #tpu.memory_space<hbm>>
    %dma_wait3A_120 = tpu.memref_squeeze %dma_wait3A_119 : memref<1x1x2048xi32, #tpu.memory_space<hbm>> -> memref<2048xi32, #tpu.memory_space<hbm>>
    %dma_wait3A_121 = tpu.memref_slice %arg3[%dma_wait3A_118, %select_n3A, %mul3A_43] : memref<2x16x16384xi32, #tpu.memory_space<hbm>> -> memref<1x1x2048xi32, #tpu.memory_space<hbm>>
    %dma_wait3A_122 = tpu.memref_squeeze %dma_wait3A_121 : memref<1x1x2048xi32, #tpu.memory_space<hbm>> -> memref<2048xi32, #tpu.memory_space<hbm>>
    tpu.wait_dma2 semaphore(%arg14 : memref<!tpu.dma_semaphore, #tpu.memory_space<semaphore_mem>>) src(%dma_wait3A_122 : memref<2048xi32, #tpu.memory_space<hbm>>) dst(%arg8 : memref<2048xi32, #tpu.memory_space<vmem>>)
    %mul3A_123 = arith.constant 512 : i32
    %mul3A_124 = arith.muli %select_n3A_30, %mul3A_123 : i32
    %add3A_125 = arith.constant 128 : i32
    %add3A_126 = arith.addi %mul3A_124, %add3A_125 : i32
    %mul3A_127 = arith.constant 16 : i32
    %mul3A_128 = arith.muli %add3A_126, %mul3A_127 : i32
    %dma_start3A_129 = arith.constant 0 : i32
    %dma_start3A_130 = tpu.memref_slice %arg3[%dma_start3A_129, %select_n3A, %mul3A_128] : memref<2x16x16384xi32, #tpu.memory_space<hbm>> -> memref<1x1x2048xi32, #tpu.memory_space<hbm>>
    %dma_start3A_131 = tpu.memref_squeeze %dma_start3A_130 : memref<1x1x2048xi32, #tpu.memory_space<hbm>> -> memref<2048xi32, #tpu.memory_space<hbm>>
    %dma_start3A_132 = tpu.memref_slice %arg3[%dma_start3A_129, %select_n3A, %mul3A_128] : memref<2x16x16384xi32, #tpu.memory_space<hbm>> -> memref<1x1x2048xi32, #tpu.memory_space<hbm>>
    %dma_start3A_133 = tpu.memref_squeeze %dma_start3A_132 : memref<1x1x2048xi32, #tpu.memory_space<hbm>> -> memref<2048xi32, #tpu.memory_space<hbm>>
    tpu.enqueue_dma source(%dma_start3A_133 : memref<2048xi32, #tpu.memory_space<hbm>>) target(%arg9 : memref<2048xi32, #tpu.memory_space<vmem>>) target_semaphore(%arg15 : memref<!tpu.dma_semaphore, #tpu.memory_space<semaphore_mem>>)
    %mul3A_134 = arith.constant 16 : i32
    %mul3A_135 = arith.muli %add3A_126, %mul3A_134 : i32
    %dma_start3A_136 = arith.constant 1 : i32
    %dma_start3A_137 = tpu.memref_slice %arg3[%dma_start3A_136, %select_n3A, %mul3A_135] : memref<2x16x16384xi32, #tpu.memory_space<hbm>> -> memref<1x1x2048xi32, #tpu.memory_space<hbm>>
    %dma_start3A_138 = tpu.memref_squeeze %dma_start3A_137 : memref<1x1x2048xi32, #tpu.memory_space<hbm>> -> memref<2048xi32, #tpu.memory_space<hbm>>
    %dma_start3A_139 = tpu.memref_slice %arg3[%dma_start3A_136, %select_n3A, %mul3A_135] : memref<2x16x16384xi32, #tpu.memory_space<hbm>> -> memref<1x1x2048xi32, #tpu.memory_space<hbm>>
    %dma_start3A_140 = tpu.memref_squeeze %dma_start3A_139 : memref<1x1x2048xi32, #tpu.memory_space<hbm>> -> memref<2048xi32, #tpu.memory_space<hbm>>
    tpu.enqueue_dma source(%dma_start3A_140 : memref<2048xi32, #tpu.memory_space<hbm>>) target(%arg10 : memref<2048xi32, #tpu.memory_space<vmem>>) target_semaphore(%arg15 : memref<!tpu.dma_semaphore, #tpu.memory_space<semaphore_mem>>)
    %scan3A_141 = arith.constant 0 : i32
    %scan3A_142 = arith.constant 0 : i32
    %scan3A_143 = arith.constant 8 : i32
    %scan3A_144 = arith.addi %scan3A_142, %scan3A_143 : i32
    %scan3A_145 = arith.constant 1 : i32
    scf.for %scan3A_295 = %scan3A_142 to %scan3A_144 step %scan3A_145  : i32 {
      %mul3A_296 = arith.constant 16 : i32
      %mul3A_297 = arith.muli %scan3A_295, %mul3A_296 : i32
      %add3A_298 = vector.broadcast %mul3A_297 : i32 to vector<16xi32>
      %add3A_299 = arith.addi %add3A_298, %iota3A : vector<16xi32>
      %mul3A_300 = arith.constant 16 : i32
      %mul3A_301 = vector.broadcast %mul3A_300 : i32 to vector<16xi32>
      %mul3A_302 = arith.muli %add3A_299, %mul3A_301 : vector<16xi32>
      %add3A_303 = arith.constant 0 : i32
      %add3A_304 = vector.broadcast %add3A_303 : i32 to vector<16xi32>
      %add3A_305 = arith.addi %mul3A_302, %add3A_304 : vector<16xi32>
      %gather3A = tpu.vector_load_idx %arg7[%add3A_305] : memref<2048xi32, #tpu.memory_space<vmem>>[vector<16xi32>], vector<16xi32>,
      %mul3A_306 = arith.constant 16 : i32
      %mul3A_307 = vector.broadcast %mul3A_306 : i32 to vector<16xi32>
      %mul3A_308 = arith.muli %add3A_299, %mul3A_307 : vector<16xi32>
      %add3A_309 = arith.constant 1 : i32
      %add3A_310 = vector.broadcast %add3A_309 : i32 to vector<16xi32>
      %add3A_311 = arith.addi %mul3A_308, %add3A_310 : vector<16xi32>
      %gather3A_312 = tpu.vector_load_idx %arg7[%add3A_311] : memref<2048xi32, #tpu.memory_space<vmem>>[vector<16xi32>], vector<16xi32>,
      %mul3A_313 = arith.constant 16 : i32
      %mul3A_314 = vector.broadcast %mul3A_313 : i32 to vector<16xi32>
      %mul3A_315 = arith.muli %add3A_299, %mul3A_314 : vector<16xi32>
      %add3A_316 = arith.constant 2 : i32
      %add3A_317 = vector.broadcast %add3A_316 : i32 to vector<16xi32>
      %add3A_318 = arith.addi %mul3A_315, %add3A_317 : vector<16xi32>
      %gather3A_319 = tpu.vector_load_idx %arg7[%add3A_318] : memref<2048xi32, #tpu.memory_space<vmem>>[vector<16xi32>], vector<16xi32>,
      %mul3A_320 = arith.constant 16 : i32
      %mul3A_321 = vector.broadcast %mul3A_320 : i32 to vector<16xi32>
      %mul3A_322 = arith.muli %add3A_299, %mul3A_321 : vector<16xi32>
      %add3A_323 = arith.constant 3 : i32
      %add3A_324 = vector.broadcast %add3A_323 : i32 to vector<16xi32>
      %add3A_325 = arith.addi %mul3A_322, %add3A_324 : vector<16xi32>
      %gather3A_326 = tpu.vector_load_idx %arg7[%add3A_325] : memref<2048xi32, #tpu.memory_space<vmem>>[vector<16xi32>], vector<16xi32>,
      %mul3A_327 = arith.constant 16 : i32
      %mul3A_328 = vector.broadcast %mul3A_327 : i32 to vector<16xi32>
      %mul3A_329 = arith.muli %add3A_299, %mul3A_328 : vector<16xi32>
      %add3A_330 = arith.constant 4 : i32
      %add3A_331 = vector.broadcast %add3A_330 : i32 to vector<16xi32>
      %add3A_332 = arith.addi %mul3A_329, %add3A_331 : vector<16xi32>
      %gather3A_333 = tpu.vector_load_idx %arg7[%add3A_332] : memref<2048xi32, #tpu.memory_space<vmem>>[vector<16xi32>], vector<16xi32>,
      %mul3A_334 = arith.constant 16 : i32
      %mul3A_335 = vector.broadcast %mul3A_334 : i32 to vector<16xi32>
      %mul3A_336 = arith.muli %add3A_299, %mul3A_335 : vector<16xi32>
      %add3A_337 = arith.constant 5 : i32
      %add3A_338 = vector.broadcast %add3A_337 : i32 to vector<16xi32>
      %add3A_339 = arith.addi %mul3A_336, %add3A_338 : vector<16xi32>
      %gather3A_340 = tpu.vector_load_idx %arg7[%add3A_339] : memref<2048xi32, #tpu.memory_space<vmem>>[vector<16xi32>], vector<16xi32>,
      %mul3A_341 = arith.constant 16 : i32
      %mul3A_342 = vector.broadcast %mul3A_341 : i32 to vector<16xi32>
      %mul3A_343 = arith.muli %add3A_299, %mul3A_342 : vector<16xi32>
      %add3A_344 = arith.constant 6 : i32
      %add3A_345 = vector.broadcast %add3A_344 : i32 to vector<16xi32>
      %add3A_346 = arith.addi %mul3A_343, %add3A_345 : vector<16xi32>
      %gather3A_347 = tpu.vector_load_idx %arg7[%add3A_346] : memref<2048xi32, #tpu.memory_space<vmem>>[vector<16xi32>], vector<16xi32>,
      %mul3A_348 = arith.constant 16 : i32
      %mul3A_349 = vector.broadcast %mul3A_348 : i32 to vector<16xi32>
      %mul3A_350 = arith.muli %add3A_299, %mul3A_349 : vector<16xi32>
      %add3A_351 = arith.constant 7 : i32
      %add3A_352 = vector.broadcast %add3A_351 : i32 to vector<16xi32>
      %add3A_353 = arith.addi %mul3A_350, %add3A_352 : vector<16xi32>
      %gather3A_354 = tpu.vector_load_idx %arg7[%add3A_353] : memref<2048xi32, #tpu.memory_space<vmem>>[vector<16xi32>], vector<16xi32>,
      %mul3A_355 = arith.constant 16 : i32
      %mul3A_356 = vector.broadcast %mul3A_355 : i32 to vector<16xi32>
      %mul3A_357 = arith.muli %add3A_299, %mul3A_356 : vector<16xi32>
      %add3A_358 = arith.constant 0 : i32
      %add3A_359 = vector.broadcast %add3A_358 : i32 to vector<16xi32>
      %add3A_360 = arith.addi %mul3A_357, %add3A_359 : vector<16xi32>
      %gather3A_361 = tpu.vector_load_idx %arg8[%add3A_360] : memref<2048xi32, #tpu.memory_space<vmem>>[vector<16xi32>], vector<16xi32>,
      %mul3A_362 = arith.constant 16 : i32
      %mul3A_363 = vector.broadcast %mul3A_362 : i32 to vector<16xi32>
      %mul3A_364 = arith.muli %add3A_299, %mul3A_363 : vector<16xi32>
      %add3A_365 = arith.constant 1 : i32
      %add3A_366 = vector.broadcast %add3A_365 : i32 to vector<16xi32>
      %add3A_367 = arith.addi %mul3A_364, %add3A_366 : vector<16xi32>
      %gather3A_368 = tpu.vector_load_idx %arg8[%add3A_367] : memref<2048xi32, #tpu.memory_space<vmem>>[vector<16xi32>], vector<16xi32>,
      %mul3A_369 = arith.constant 16 : i32
      %mul3A_370 = vector.broadcast %mul3A_369 : i32 to vector<16xi32>
      %mul3A_371 = arith.muli %add3A_299, %mul3A_370 : vector<16xi32>
      %add3A_372 = arith.constant 2 : i32
      %add3A_373 = vector.broadcast %add3A_372 : i32 to vector<16xi32>
      %add3A_374 = arith.addi %mul3A_371, %add3A_373 : vector<16xi32>
      %gather3A_375 = tpu.vector_load_idx %arg8[%add3A_374] : memref<2048xi32, #tpu.memory_space<vmem>>[vector<16xi32>], vector<16xi32>,
      %mul3A_376 = arith.constant 16 : i32
      %mul3A_377 = vector.broadcast %mul3A_376 : i32 to vector<16xi32>
      %mul3A_378 = arith.muli %add3A_299, %mul3A_377 : vector<16xi32>
      %add3A_379 = arith.constant 3 : i32
      %add3A_380 = vector.broadcast %add3A_379 : i32 to vector<16xi32>
      %add3A_381 = arith.addi %mul3A_378, %add3A_380 : vector<16xi32>
      %gather3A_382 = tpu.vector_load_idx %arg8[%add3A_381] : memref<2048xi32, #tpu.memory_space<vmem>>[vector<16xi32>], vector<16xi32>,
      %mul3A_383 = arith.constant 16 : i32
      %mul3A_384 = vector.broadcast %mul3A_383 : i32 to vector<16xi32>
      %mul3A_385 = arith.muli %add3A_299, %mul3A_384 : vector<16xi32>
      %add3A_386 = arith.constant 4 : i32
      %add3A_387 = vector.broadcast %add3A_386 : i32 to vector<16xi32>
      %add3A_388 = arith.addi %mul3A_385, %add3A_387 : vector<16xi32>
      %gather3A_389 = tpu.vector_load_idx %arg8[%add3A_388] : memref<2048xi32, #tpu.memory_space<vmem>>[vector<16xi32>], vector<16xi32>,
      %mul3A_390 = arith.constant 16 : i32
      %mul3A_391 = vector.broadcast %mul3A_390 : i32 to vector<16xi32>
      %mul3A_392 = arith.muli %add3A_299, %mul3A_391 : vector<16xi32>
      %add3A_393 = arith.constant 5 : i32
      %add3A_394 = vector.broadcast %add3A_393 : i32 to vector<16xi32>
      %add3A_395 = arith.addi %mul3A_392, %add3A_394 : vector<16xi32>
      %gather3A_396 = tpu.vector_load_idx %arg8[%add3A_395] : memref<2048xi32, #tpu.memory_space<vmem>>[vector<16xi32>], vector<16xi32>,
      %mul3A_397 = arith.constant 16 : i32
      %mul3A_398 = vector.broadcast %mul3A_397 : i32 to vector<16xi32>
      %mul3A_399 = arith.muli %add3A_299, %mul3A_398 : vector<16xi32>
      %add3A_400 = arith.constant 6 : i32
      %add3A_401 = vector.broadcast %add3A_400 : i32 to vector<16xi32>
      %add3A_402 = arith.addi %mul3A_399, %add3A_401 : vector<16xi32>
      %gather3A_403 = tpu.vector_load_idx %arg8[%add3A_402] : memref<2048xi32, #tpu.memory_space<vmem>>[vector<16xi32>], vector<16xi32>,
      %mul3A_404 = arith.constant 16 : i32
      %mul3A_405 = vector.broadcast %mul3A_404 : i32 to vector<16xi32>
      %mul3A_406 = arith.muli %add3A_299, %mul3A_405 : vector<16xi32>
      %add3A_407 = arith.constant 7 : i32
      %add3A_408 = vector.broadcast %add3A_407 : i32 to vector<16xi32>
      %add3A_409 = arith.addi %mul3A_406, %add3A_408 : vector<16xi32>
      %gather3A_410 = tpu.vector_load_idx %arg8[%add3A_409] : memref<2048xi32, #tpu.memory_space<vmem>>[vector<16xi32>], vector<16xi32>,
      %scan3A_411 = arith.constant 0 : i32
      %scan3A_412 = arith.constant 0 : i32
      %scan3A_413 = arith.constant 48 : i32
      %scan3A_414 = arith.addi %scan3A_412, %scan3A_413 : i32
      %scan3A_415 = arith.constant 1 : i32
      scf.for %scan3A_535 = %scan3A_412 to %scan3A_414 step %scan3A_415  : i32 {
        %broadcast_in_dim3A_536 = vector.broadcast %scan3A_535 : i32 to vector<16xi32>
        %gather3A_537 = tpu.vector_load_idx %arg6[%broadcast_in_dim3A_536, %gather3A] : memref<48x1024xi32, #tpu.memory_space<vmem>>[vector<16xi32>, vector<16xi32>], vector<16xi32>,
        %gather3A_538 = tpu.vector_load_idx %arg6[%broadcast_in_dim3A_536, %gather3A_361] : memref<48x1024xi32, #tpu.memory_space<vmem>>[vector<16xi32>, vector<16xi32>], vector<16xi32>,
        %bitcast3A = vector.bitcast %gather3A_537 : vector<16xi32> to vector<32xbf16>
        %bitcast3A_539 = vector.bitcast %gather3A_538 : vector<16xi32> to vector<32xbf16>
        %sub3A_540 = arith.subf %bitcast3A, %bitcast3A_539 : vector<32xbf16>
        %max3A = arith.maximumf %broadcast_in_dim3A_31, %sub3A_540 : vector<32xbf16>
        %gather3A_541 = tpu.vector_load_idx %arg6[%broadcast_in_dim3A_536, %gather3A_312] : memref<48x1024xi32, #tpu.memory_space<vmem>>[vector<16xi32>, vector<16xi32>], vector<16xi32>,
        %gather3A_542 = tpu.vector_load_idx %arg6[%broadcast_in_dim3A_536, %gather3A_368] : memref<48x1024xi32, #tpu.memory_space<vmem>>[vector<16xi32>, vector<16xi32>], vector<16xi32>,
        %bitcast3A_543 = vector.bitcast %gather3A_541 : vector<16xi32> to vector<32xbf16>
        %bitcast3A_544 = vector.bitcast %gather3A_542 : vector<16xi32> to vector<32xbf16>
        %sub3A_545 = arith.subf %bitcast3A_543, %bitcast3A_544 : vector<32xbf16>
        %max3A_546 = arith.maximumf %max3A, %sub3A_545 : vector<32xbf16>
        %gather3A_547 = tpu.vector_load_idx %arg6[%broadcast_in_dim3A_536, %gather3A_319] : memref<48x1024xi32, #tpu.memory_space<vmem>>[vector<16xi32>, vector<16xi32>], vector<16xi32>,
        %gather3A_548 = tpu.vector_load_idx %arg6[%broadcast_in_dim3A_536, %gather3A_375] : memref<48x1024xi32, #tpu.memory_space<vmem>>[vector<16xi32>, vector<16xi32>], vector<16xi32>,
        %bitcast3A_549 = vector.bitcast %gather3A_547 : vector<16xi32> to vector<32xbf16>
        %bitcast3A_550 = vector.bitcast %gather3A_548 : vector<16xi32> to vector<32xbf16>
        %sub3A_551 = arith.subf %bitcast3A_549, %bitcast3A_550 : vector<32xbf16>
        %max3A_552 = arith.maximumf %max3A_546, %sub3A_551 : vector<32xbf16>
        %gather3A_553 = tpu.vector_load_idx %arg6[%broadcast_in_dim3A_536, %gather3A_326] : memref<48x1024xi32, #tpu.memory_space<vmem>>[vector<16xi32>, vector<16xi32>], vector<16xi32>,
        %gather3A_554 = tpu.vector_load_idx %arg6[%broadcast_in_dim3A_536, %gather3A_382] : memref<48x1024xi32, #tpu.memory_space<vmem>>[vector<16xi32>, vector<16xi32>], vector<16xi32>,
        %bitcast3A_555 = vector.bitcast %gather3A_553 : vector<16xi32> to vector<32xbf16>
        %bitcast3A_556 = vector.bitcast %gather3A_554 : vector<16xi32> to vector<32xbf16>
        %sub3A_557 = arith.subf %bitcast3A_555, %bitcast3A_556 : vector<32xbf16>
        %max3A_558 = arith.maximumf %max3A_552, %sub3A_557 : vector<32xbf16>
        %gather3A_559 = tpu.vector_load_idx %arg6[%broadcast_in_dim3A_536, %gather3A_333] : memref<48x1024xi32, #tpu.memory_space<vmem>>[vector<16xi32>, vector<16xi32>], vector<16xi32>,
        %gather3A_560 = tpu.vector_load_idx %arg6[%broadcast_in_dim3A_536, %gather3A_389] : memref<48x1024xi32, #tpu.memory_space<vmem>>[vector<16xi32>, vector<16xi32>], vector<16xi32>,
        %bitcast3A_561 = vector.bitcast %gather3A_559 : vector<16xi32> to vector<32xbf16>
        %bitcast3A_562 = vector.bitcast %gather3A_560 : vector<16xi32> to vector<32xbf16>
        %sub3A_563 = arith.subf %bitcast3A_561, %bitcast3A_562 : vector<32xbf16>
        %max3A_564 = arith.maximumf %max3A_558, %sub3A_563 : vector<32xbf16>
        %gather3A_565 = tpu.vector_load_idx %arg6[%broadcast_in_dim3A_536, %gather3A_340] : memref<48x1024xi32, #tpu.memory_space<vmem>>[vector<16xi32>, vector<16xi32>], vector<16xi32>,
        %gather3A_566 = tpu.vector_load_idx %arg6[%broadcast_in_dim3A_536, %gather3A_396] : memref<48x1024xi32, #tpu.memory_space<vmem>>[vector<16xi32>, vector<16xi32>], vector<16xi32>,
        %bitcast3A_567 = vector.bitcast %gather3A_565 : vector<16xi32> to vector<32xbf16>
        %bitcast3A_568 = vector.bitcast %gather3A_566 : vector<16xi32> to vector<32xbf16>
        %sub3A_569 = arith.subf %bitcast3A_567, %bitcast3A_568 : vector<32xbf16>
        %max3A_570 = arith.maximumf %max3A_564, %sub3A_569 : vector<32xbf16>
        %gather3A_571 = tpu.vector_load_idx %arg6[%broadcast_in_dim3A_536, %gather3A_347] : memref<48x1024xi32, #tpu.memory_space<vmem>>[vector<16xi32>, vector<16xi32>], vector<16xi32>,
        %gather3A_572 = tpu.vector_load_idx %arg6[%broadcast_in_dim3A_536, %gather3A_403] : memref<48x1024xi32, #tpu.memory_space<vmem>>[vector<16xi32>, vector<16xi32>], vector<16xi32>,
        %bitcast3A_573 = vector.bitcast %gather3A_571 : vector<16xi32> to vector<32xbf16>
        %bitcast3A_574 = vector.bitcast %gather3A_572 : vector<16xi32> to vector<32xbf16>
        %sub3A_575 = arith.subf %bitcast3A_573, %bitcast3A_574 : vector<32xbf16>
        %max3A_576 = arith.maximumf %max3A_570, %sub3A_575 : vector<32xbf16>
        %gather3A_577 = tpu.vector_load_idx %arg6[%broadcast_in_dim3A_536, %gather3A_354] : memref<48x1024xi32, #tpu.memory_space<vmem>>[vector<16xi32>, vector<16xi32>], vector<16xi32>,
        %gather3A_578 = tpu.vector_load_idx %arg6[%broadcast_in_dim3A_536, %gather3A_410] : memref<48x1024xi32, #tpu.memory_space<vmem>>[vector<16xi32>, vector<16xi32>], vector<16xi32>,
        %bitcast3A_579 = vector.bitcast %gather3A_577 : vector<16xi32> to vector<32xbf16>
        %bitcast3A_580 = vector.bitcast %gather3A_578 : vector<16xi32> to vector<32xbf16>
        %sub3A_581 = arith.subf %bitcast3A_579, %bitcast3A_580 : vector<32xbf16>
        %max3A_582 = arith.maximumf %max3A_576, %sub3A_581 : vector<32xbf16>
        %bitcast3A_583 = vector.bitcast %max3A_582 : vector<32xbf16> to vector<16xi32>
        tpu.vector_store_idx %arg11[%broadcast_in_dim3A_536, %add3A_299], %bitcast3A_583 : memref<48x128xi32, #tpu.memory_space<vmem>>[vector<16xi32>, vector<16xi32>], vector<16xi32>,
      }
      %scan3A_416 = arith.constant 48 : i32
      %mul3A_417 = arith.constant 16 : i32
      %mul3A_418 = vector.broadcast %mul3A_417 : i32 to vector<16xi32>
      %mul3A_419 = arith.muli %add3A_299, %mul3A_418 : vector<16xi32>
      %add3A_420 = arith.constant 8 : i32
      %add3A_421 = vector.broadcast %add3A_420 : i32 to vector<16xi32>
      %add3A_422 = arith.addi %mul3A_419, %add3A_421 : vector<16xi32>
      %gather3A_423 = tpu.vector_load_idx %arg7[%add3A_422] : memref<2048xi32, #tpu.memory_space<vmem>>[vector<16xi32>], vector<16xi32>,
      %mul3A_424 = arith.constant 16 : i32
      %mul3A_425 = vector.broadcast %mul3A_424 : i32 to vector<16xi32>
      %mul3A_426 = arith.muli %add3A_299, %mul3A_425 : vector<16xi32>
      %add3A_427 = arith.constant 9 : i32
      %add3A_428 = vector.broadcast %add3A_427 : i32 to vector<16xi32>
      %add3A_429 = arith.addi %mul3A_426, %add3A_428 : vector<16xi32>
      %gather3A_430 = tpu.vector_load_idx %arg7[%add3A_429] : memref<2048xi32, #tpu.memory_space<vmem>>[vector<16xi32>], vector<16xi32>,
      %mul3A_431 = arith.constant 16 : i32
      %mul3A_432 = vector.broadcast %mul3A_431 : i32 to vector<16xi32>
      %mul3A_433 = arith.muli %add3A_299, %mul3A_432 : vector<16xi32>
      %add3A_434 = arith.constant 10 : i32
      %add3A_435 = vector.broadcast %add3A_434 : i32 to vector<16xi32>
      %add3A_436 = arith.addi %mul3A_433, %add3A_435 : vector<16xi32>
      %gather3A_437 = tpu.vector_load_idx %arg7[%add3A_436] : memref<2048xi32, #tpu.memory_space<vmem>>[vector<16xi32>], vector<16xi32>,
      %mul3A_438 = arith.constant 16 : i32
      %mul3A_439 = vector.broadcast %mul3A_438 : i32 to vector<16xi32>
      %mul3A_440 = arith.muli %add3A_299, %mul3A_439 : vector<16xi32>
      %add3A_441 = arith.constant 11 : i32
      %add3A_442 = vector.broadcast %add3A_441 : i32 to vector<16xi32>
      %add3A_443 = arith.addi %mul3A_440, %add3A_442 : vector<16xi32>
      %gather3A_444 = tpu.vector_load_idx %arg7[%add3A_443] : memref<2048xi32, #tpu.memory_space<vmem>>[vector<16xi32>], vector<16xi32>,
      %mul3A_445 = arith.constant 16 : i32
      %mul3A_446 = vector.broadcast %mul3A_445 : i32 to vector<16xi32>
      %mul3A_447 = arith.muli %add3A_299, %mul3A_446 : vector<16xi32>
      %add3A_448 = arith.constant 12 : i32
      %add3A_449 = vector.broadcast %add3A_448 : i32 to vector<16xi32>
      %add3A_450 = arith.addi %mul3A_447, %add3A_449 : vector<16xi32>
      %gather3A_451 = tpu.vector_load_idx %arg7[%add3A_450] : memref<2048xi32, #tpu.memory_space<vmem>>[vector<16xi32>], vector<16xi32>,
      %mul3A_452 = arith.constant 16 : i32
      %mul3A_453 = vector.broadcast %mul3A_452 : i32 to vector<16xi32>
      %mul3A_454 = arith.muli %add3A_299, %mul3A_453 : vector<16xi32>
      %add3A_455 = arith.constant 13 : i32
      %add3A_456 = vector.broadcast %add3A_455 : i32 to vector<16xi32>
      %add3A_457 = arith.addi %mul3A_454, %add3A_456 : vector<16xi32>
      %gather3A_458 = tpu.vector_load_idx %arg7[%add3A_457] : memref<2048xi32, #tpu.memory_space<vmem>>[vector<16xi32>], vector<16xi32>,
      %mul3A_459 = arith.constant 16 : i32
      %mul3A_460 = vector.broadcast %mul3A_459 : i32 to vector<16xi32>
      %mul3A_461 = arith.muli %add3A_299, %mul3A_460 : vector<16xi32>
      %add3A_462 = arith.constant 14 : i32
      %add3A_463 = vector.broadcast %add3A_462 : i32 to vector<16xi32>
      %add3A_464 = arith.addi %mul3A_461, %add3A_463 : vector<16xi32>
      %gather3A_465 = tpu.vector_load_idx %arg7[%add3A_464] : memref<2048xi32, #tpu.memory_space<vmem>>[vector<16xi32>], vector<16xi32>,
      %mul3A_466 = arith.constant 16 : i32
      %mul3A_467 = vector.broadcast %mul3A_466 : i32 to vector<16xi32>
      %mul3A_468 = arith.muli %add3A_299, %mul3A_467 : vector<16xi32>
      %add3A_469 = arith.constant 15 : i32
      %add3A_470 = vector.broadcast %add3A_469 : i32 to vector<16xi32>
      %add3A_471 = arith.addi %mul3A_468, %add3A_470 : vector<16xi32>
      %gather3A_472 = tpu.vector_load_idx %arg7[%add3A_471] : memref<2048xi32, #tpu.memory_space<vmem>>[vector<16xi32>], vector<16xi32>,
      %mul3A_473 = arith.constant 16 : i32
      %mul3A_474 = vector.broadcast %mul3A_473 : i32 to vector<16xi32>
      %mul3A_475 = arith.muli %add3A_299, %mul3A_474 : vector<16xi32>
      %add3A_476 = arith.constant 8 : i32
      %add3A_477 = vector.broadcast %add3A_476 : i32 to vector<16xi32>
      %add3A_478 = arith.addi %mul3A_475, %add3A_477 : vector<16xi32>
      %gather3A_479 = tpu.vector_load_idx %arg8[%add3A_478] : memref<2048xi32, #tpu.memory_space<vmem>>[vector<16xi32>], vector<16xi32>,
      %mul3A_480 = arith.constant 16 : i32
      %mul3A_481 = vector.broadcast %mul3A_480 : i32 to vector<16xi32>
      %mul3A_482 = arith.muli %add3A_299, %mul3A_481 : vector<16xi32>
      %add3A_483 = arith.constant 9 : i32
      %add3A_484 = vector.broadcast %add3A_483 : i32 to vector<16xi32>
      %add3A_485 = arith.addi %mul3A_482, %add3A_484 : vector<16xi32>
      %gather3A_486 = tpu.vector_load_idx %arg8[%add3A_485] : memref<2048xi32, #tpu.memory_space<vmem>>[vector<16xi32>], vector<16xi32>,
      %mul3A_487 = arith.constant 16 : i32
      %mul3A_488 = vector.broadcast %mul3A_487 : i32 to vector<16xi32>
      %mul3A_489 = arith.muli %add3A_299, %mul3A_488 : vector<16xi32>
      %add3A_490 = arith.constant 10 : i32
      %add3A_491 = vector.broadcast %add3A_490 : i32 to vector<16xi32>
      %add3A_492 = arith.addi %mul3A_489, %add3A_491 : vector<16xi32>
      %gather3A_493 = tpu.vector_load_idx %arg8[%add3A_492] : memref<2048xi32, #tpu.memory_space<vmem>>[vector<16xi32>], vector<16xi32>,
      %mul3A_494 = arith.constant 16 : i32
      %mul3A_495 = vector.broadcast %mul3A_494 : i32 to vector<16xi32>
      %mul3A_496 = arith.muli %add3A_299, %mul3A_495 : vector<16xi32>
      %add3A_497 = arith.constant 11 : i32
      %add3A_498 = vector.broadcast %add3A_497 : i32 to vector<16xi32>
      %add3A_499 = arith.addi %mul3A_496, %add3A_498 : vector<16xi32>
      %gather3A_500 = tpu.vector_load_idx %arg8[%add3A_499] : memref<2048xi32, #tpu.memory_space<vmem>>[vector<16xi32>], vector<16xi32>,
      %mul3A_501 = arith.constant 16 : i32
      %mul3A_502 = vector.broadcast %mul3A_501 : i32 to vector<16xi32>
      %mul3A_503 = arith.muli %add3A_299, %mul3A_502 : vector<16xi32>
      %add3A_504 = arith.constant 12 : i32
      %add3A_505 = vector.broadcast %add3A_504 : i32 to vector<16xi32>
      %add3A_506 = arith.addi %mul3A_503, %add3A_505 : vector<16xi32>
      %gather3A_507 = tpu.vector_load_idx %arg8[%add3A_506] : memref<2048xi32, #tpu.memory_space<vmem>>[vector<16xi32>], vector<16xi32>,
      %mul3A_508 = arith.constant 16 : i32
      %mul3A_509 = vector.broadcast %mul3A_508 : i32 to vector<16xi32>
      %mul3A_510 = arith.muli %add3A_299, %mul3A_509 : vector<16xi32>
      %add3A_511 = arith.constant 13 : i32
      %add3A_512 = vector.broadcast %add3A_511 : i32 to vector<16xi32>
      %add3A_513 = arith.addi %mul3A_510, %add3A_512 : vector<16xi32>
      %gather3A_514 = tpu.vector_load_idx %arg8[%add3A_513] : memref<2048xi32, #tpu.memory_space<vmem>>[vector<16xi32>], vector<16xi32>,
      %mul3A_515 = arith.constant 16 : i32
      %mul3A_516 = vector.broadcast %mul3A_515 : i32 to vector<16xi32>
      %mul3A_517 = arith.muli %add3A_299, %mul3A_516 : vector<16xi32>
      %add3A_518 = arith.constant 14 : i32
      %add3A_519 = vector.broadcast %add3A_518 : i32 to vector<16xi32>
      %add3A_520 = arith.addi %mul3A_517, %add3A_519 : vector<16xi32>
      %gather3A_521 = tpu.vector_load_idx %arg8[%add3A_520] : memref<2048xi32, #tpu.memory_space<vmem>>[vector<16xi32>], vector<16xi32>,
      %mul3A_522 = arith.constant 16 : i32
      %mul3A_523 = vector.broadcast %mul3A_522 : i32 to vector<16xi32>
      %mul3A_524 = arith.muli %add3A_299, %mul3A_523 : vector<16xi32>
      %add3A_525 = arith.constant 15 : i32
      %add3A_526 = vector.broadcast %add3A_525 : i32 to vector<16xi32>
      %add3A_527 = arith.addi %mul3A_524, %add3A_526 : vector<16xi32>
      %gather3A_528 = tpu.vector_load_idx %arg8[%add3A_527] : memref<2048xi32, #tpu.memory_space<vmem>>[vector<16xi32>], vector<16xi32>,
      %scan3A_529 = arith.constant 0 : i32
      %scan3A_530 = arith.constant 0 : i32
      %scan3A_531 = arith.constant 48 : i32
      %scan3A_532 = arith.addi %scan3A_530, %scan3A_531 : i32
      %scan3A_533 = arith.constant 1 : i32
      scf.for %scan3A_535 = %scan3A_530 to %scan3A_532 step %scan3A_533  : i32 {
        %broadcast_in_dim3A_536 = vector.broadcast %scan3A_535 : i32 to vector<16xi32>
        %gather3A_537 = tpu.vector_load_idx %arg6[%broadcast_in_dim3A_536, %gather3A_423] : memref<48x1024xi32, #tpu.memory_space<vmem>>[vector<16xi32>, vector<16xi32>], vector<16xi32>,
        %gather3A_538 = tpu.vector_load_idx %arg6[%broadcast_in_dim3A_536, %gather3A_479] : memref<48x1024xi32, #tpu.memory_space<vmem>>[vector<16xi32>, vector<16xi32>], vector<16xi32>,
        %bitcast3A = vector.bitcast %gather3A_537 : vector<16xi32> to vector<32xbf16>
        %bitcast3A_539 = vector.bitcast %gather3A_538 : vector<16xi32> to vector<32xbf16>
        %sub3A_540 = arith.subf %bitcast3A, %bitcast3A_539 : vector<32xbf16>
        %max3A = arith.maximumf %broadcast_in_dim3A_31, %sub3A_540 : vector<32xbf16>
        %gather3A_541 = tpu.vector_load_idx %arg6[%broadcast_in_dim3A_536, %gather3A_430] : memref<48x1024xi32, #tpu.memory_space<vmem>>[vector<16xi32>, vector<16xi32>], vector<16xi32>,
        %gather3A_542 = tpu.vector_load_idx %arg6[%broadcast_in_dim3A_536, %gather3A_486] : memref<48x1024xi32, #tpu.memory_space<vmem>>[vector<16xi32>, vector<16xi32>], vector<16xi32>,
        %bitcast3A_543 = vector.bitcast %gather3A_541 : vector<16xi32> to vector<32xbf16>
        %bitcast3A_544 = vector.bitcast %gather3A_542 : vector<16xi32> to vector<32xbf16>
        %sub3A_545 = arith.subf %bitcast3A_543, %bitcast3A_544 : vector<32xbf16>
        %max3A_546 = arith.maximumf %max3A, %sub3A_545 : vector<32xbf16>
        %gather3A_547 = tpu.vector_load_idx %arg6[%broadcast_in_dim3A_536, %gather3A_437] : memref<48x1024xi32, #tpu.memory_space<vmem>>[vector<16xi32>, vector<16xi32>], vector<16xi32>,
        %gather3A_548 = tpu.vector_load_idx %arg6[%broadcast_in_dim3A_536, %gather3A_493] : memref<48x1024xi32, #tpu.memory_space<vmem>>[vector<16xi32>, vector<16xi32>], vector<16xi32>,
        %bitcast3A_549 = vector.bitcast %gather3A_547 : vector<16xi32> to vector<32xbf16>
        %bitcast3A_550 = vector.bitcast %gather3A_548 : vector<16xi32> to vector<32xbf16>
        %sub3A_551 = arith.subf %bitcast3A_549, %bitcast3A_550 : vector<32xbf16>
        %max3A_552 = arith.maximumf %max3A_546, %sub3A_551 : vector<32xbf16>
        %gather3A_553 = tpu.vector_load_idx %arg6[%broadcast_in_dim3A_536, %gather3A_444] : memref<48x1024xi32, #tpu.memory_space<vmem>>[vector<16xi32>, vector<16xi32>], vector<16xi32>,
        %gather3A_554 = tpu.vector_load_idx %arg6[%broadcast_in_dim3A_536, %gather3A_500] : memref<48x1024xi32, #tpu.memory_space<vmem>>[vector<16xi32>, vector<16xi32>], vector<16xi32>,
        %bitcast3A_555 = vector.bitcast %gather3A_553 : vector<16xi32> to vector<32xbf16>
        %bitcast3A_556 = vector.bitcast %gather3A_554 : vector<16xi32> to vector<32xbf16>
        %sub3A_557 = arith.subf %bitcast3A_555, %bitcast3A_556 : vector<32xbf16>
        %max3A_558 = arith.maximumf %max3A_552, %sub3A_557 : vector<32xbf16>
        %gather3A_559 = tpu.vector_load_idx %arg6[%broadcast_in_dim3A_536, %gather3A_451] : memref<48x1024xi32, #tpu.memory_space<vmem>>[vector<16xi32>, vector<16xi32>], vector<16xi32>,
        %gather3A_560 = tpu.vector_load_idx %arg6[%broadcast_in_dim3A_536, %gather3A_507] : memref<48x1024xi32, #tpu.memory_space<vmem>>[vector<16xi32>, vector<16xi32>], vector<16xi32>,
        %bitcast3A_561 = vector.bitcast %gather3A_559 : vector<16xi32> to vector<32xbf16>
        %bitcast3A_562 = vector.bitcast %gather3A_560 : vector<16xi32> to vector<32xbf16>
        %sub3A_563 = arith.subf %bitcast3A_561, %bitcast3A_562 : vector<32xbf16>
        %max3A_564 = arith.maximumf %max3A_558, %sub3A_563 : vector<32xbf16>
        %gather3A_565 = tpu.vector_load_idx %arg6[%broadcast_in_dim3A_536, %gather3A_458] : memref<48x1024xi32, #tpu.memory_space<vmem>>[vector<16xi32>, vector<16xi32>], vector<16xi32>,
        %gather3A_566 = tpu.vector_load_idx %arg6[%broadcast_in_dim3A_536, %gather3A_514] : memref<48x1024xi32, #tpu.memory_space<vmem>>[vector<16xi32>, vector<16xi32>], vector<16xi32>,
        %bitcast3A_567 = vector.bitcast %gather3A_565 : vector<16xi32> to vector<32xbf16>
        %bitcast3A_568 = vector.bitcast %gather3A_566 : vector<16xi32> to vector<32xbf16>
        %sub3A_569 = arith.subf %bitcast3A_567, %bitcast3A_568 : vector<32xbf16>
        %max3A_570 = arith.maximumf %max3A_564, %sub3A_569 : vector<32xbf16>
        %gather3A_571 = tpu.vector_load_idx %arg6[%broadcast_in_dim3A_536, %gather3A_465] : memref<48x1024xi32, #tpu.memory_space<vmem>>[vector<16xi32>, vector<16xi32>], vector<16xi32>,
        %gather3A_572 = tpu.vector_load_idx %arg6[%broadcast_in_dim3A_536, %gather3A_521] : memref<48x1024xi32, #tpu.memory_space<vmem>>[vector<16xi32>, vector<16xi32>], vector<16xi32>,
        %bitcast3A_573 = vector.bitcast %gather3A_571 : vector<16xi32> to vector<32xbf16>
        %bitcast3A_574 = vector.bitcast %gather3A_572 : vector<16xi32> to vector<32xbf16>
        %sub3A_575 = arith.subf %bitcast3A_573, %bitcast3A_574 : vector<32xbf16>
        %max3A_576 = arith.maximumf %max3A_570, %sub3A_575 : vector<32xbf16>
        %gather3A_577 = tpu.vector_load_idx %arg6[%broadcast_in_dim3A_536, %gather3A_472] : memref<48x1024xi32, #tpu.memory_space<vmem>>[vector<16xi32>, vector<16xi32>], vector<16xi32>,
        %gather3A_578 = tpu.vector_load_idx %arg6[%broadcast_in_dim3A_536, %gather3A_528] : memref<48x1024xi32, #tpu.memory_space<vmem>>[vector<16xi32>, vector<16xi32>], vector<16xi32>,
        %bitcast3A_579 = vector.bitcast %gather3A_577 : vector<16xi32> to vector<32xbf16>
        %bitcast3A_580 = vector.bitcast %gather3A_578 : vector<16xi32> to vector<32xbf16>
        %sub3A_581 = arith.subf %bitcast3A_579, %bitcast3A_580 : vector<32xbf16>
        %max3A_582 = arith.maximumf %max3A_576, %sub3A_581 : vector<32xbf16>
        %gather3A_583 = tpu.vector_load_idx %arg11[%broadcast_in_dim3A_536, %add3A_299] : memref<48x128xi32, #tpu.memory_space<vmem>>[vector<16xi32>, vector<16xi32>], vector<16xi32>,
        %bitcast3A_584 = vector.bitcast %gather3A_583 : vector<16xi32> to vector<32xbf16>
        %max3A_585 = arith.maximumf %max3A_582, %bitcast3A_584 : vector<32xbf16>
        %bitcast3A_586 = vector.bitcast %max3A_585 : vector<32xbf16> to vector<16xi32>
        tpu.vector_store_idx %arg11[%broadcast_in_dim3A_536, %add3A_299], %bitcast3A_586 : memref<48x128xi32, #tpu.memory_space<vmem>>[vector<16xi32>, vector<16xi32>], vector<16xi32>,
      }
      %scan3A_534 = arith.constant 48 : i32
    }
    %scan3A_146 = arith.constant 8 : i32
    %mul3A_147 = arith.constant 512 : i32
    %mul3A_148 = arith.muli %select_n3A_30, %mul3A_147 : i32
    %add3A_149 = arith.constant 0 : i32
    %add3A_150 = arith.addi %mul3A_148, %add3A_149 : i32
    %dma_start3A_151 = arith.constant 0 : i32
    %dma_start3A_152 = tpu.memref_slice %arg4[%select_n3A, %dma_start3A_151, %add3A_150] : memref<16x48x1024xi32, #tpu.memory_space<hbm>> -> memref<1x48x128xi32, #tpu.memory_space<hbm>>
    %dma_start3A_153 = tpu.memref_squeeze %dma_start3A_152 : memref<1x48x128xi32, #tpu.memory_space<hbm>> -> memref<48x128xi32, #tpu.memory_space<hbm>>
    %dma_start3A_154 = arith.constant 0 : i32
    %dma_start3A_155 = tpu.memref_slice %arg4[%select_n3A, %dma_start3A_154, %add3A_150] : memref<16x48x1024xi32, #tpu.memory_space<hbm>> -> memref<1x48x128xi32, #tpu.memory_space<hbm>>
    %dma_start3A_156 = tpu.memref_squeeze %dma_start3A_155 : memref<1x48x128xi32, #tpu.memory_space<hbm>> -> memref<48x128xi32, #tpu.memory_space<hbm>>
    tpu.enqueue_dma source(%arg11 : memref<48x128xi32, #tpu.memory_space<vmem>>) target(%dma_start3A_156 : memref<48x128xi32, #tpu.memory_space<hbm>>) target_semaphore(%arg16 : memref<!tpu.dma_semaphore, #tpu.memory_space<semaphore_mem>>)
    %dma_wait3A_157 = arith.constant 0 : i32
    %dma_wait3A_158 = tpu.memref_slice %arg3[%dma_wait3A_157, %select_n3A, %mul3A_128] : memref<2x16x16384xi32, #tpu.memory_space<hbm>> -> memref<1x1x2048xi32, #tpu.memory_space<hbm>>
    %dma_wait3A_159 = tpu.memref_squeeze %dma_wait3A_158 : memref<1x1x2048xi32, #tpu.memory_space<hbm>> -> memref<2048xi32, #tpu.memory_space<hbm>>
    %dma_wait3A_160 = tpu.memref_slice %arg3[%dma_wait3A_157, %select_n3A, %mul3A_128] : memref<2x16x16384xi32, #tpu.memory_space<hbm>> -> memref<1x1x2048xi32, #tpu.memory_space<hbm>>
    %dma_wait3A_161 = tpu.memref_squeeze %dma_wait3A_160 : memref<1x1x2048xi32, #tpu.memory_space<hbm>> -> memref<2048xi32, #tpu.memory_space<hbm>>
    tpu.wait_dma2 semaphore(%arg15 : memref<!tpu.dma_semaphore, #tpu.memory_space<semaphore_mem>>) src(%dma_wait3A_161 : memref<2048xi32, #tpu.memory_space<hbm>>) dst(%arg9 : memref<2048xi32, #tpu.memory_space<vmem>>)
    %dma_wait3A_162 = arith.constant 1 : i32
    %dma_wait3A_163 = tpu.memref_slice %arg3[%dma_wait3A_162, %select_n3A, %mul3A_135] : memref<2x16x16384xi32, #tpu.memory_space<hbm>> -> memref<1x1x2048xi32, #tpu.memory_space<hbm>>
    %dma_wait3A_164 = tpu.memref_squeeze %dma_wait3A_163 : memref<1x1x2048xi32, #tpu.memory_space<hbm>> -> memref<2048xi32, #tpu.memory_space<hbm>>
    %dma_wait3A_165 = tpu.memref_slice %arg3[%dma_wait3A_162, %select_n3A, %mul3A_135] : memref<2x16x16384xi32, #tpu.memory_space<hbm>> -> memref<1x1x2048xi32, #tpu.memory_space<hbm>>
    %dma_wait3A_166 = tpu.memref_squeeze %dma_wait3A_165 : memref<1x1x2048xi32, #tpu.memory_space<hbm>> -> memref<2048xi32, #tpu.memory_space<hbm>>
    tpu.wait_dma2 semaphore(%arg15 : memref<!tpu.dma_semaphore, #tpu.memory_space<semaphore_mem>>) src(%dma_wait3A_166 : memref<2048xi32, #tpu.memory_space<hbm>>) dst(%arg10 : memref<2048xi32, #tpu.memory_space<vmem>>)
    %mul3A_167 = arith.constant 512 : i32
    %mul3A_168 = arith.muli %select_n3A_30, %mul3A_167 : i32
    %add3A_169 = arith.constant 256 : i32
    %add3A_170 = arith.addi %mul3A_168, %add3A_169 : i32
    %mul3A_171 = arith.constant 16 : i32
    %mul3A_172 = arith.muli %add3A_170, %mul3A_171 : i32
    %dma_start3A_173 = arith.constant 0 : i32
    %dma_start3A_174 = tpu.memref_slice %arg3[%dma_start3A_173, %select_n3A, %mul3A_172] : memref<2x16x16384xi32, #tpu.memory_space<hbm>> -> memref<1x1x2048xi32, #tpu.memory_space<hbm>>
    %dma_start3A_175 = tpu.memref_squeeze %dma_start3A_174 : memref<1x1x2048xi32, #tpu.memory_space<hbm>> -> memref<2048xi32, #tpu.memory_space<hbm>>
    %dma_start3A_176 = tpu.memref_slice %arg3[%dma_start3A_173, %select_n3A, %mul3A_172] : memref<2x16x16384xi32, #tpu.memory_space<hbm>> -> memref<1x1x2048xi32, #tpu.memory_space<hbm>>
    %dma_start3A_177 = tpu.memref_squeeze %dma_start3A_176 : memref<1x1x2048xi32, #tpu.memory_space<hbm>> -> memref<2048xi32, #tpu.memory_space<hbm>>
    tpu.enqueue_dma source(%dma_start3A_177 : memref<2048xi32, #tpu.memory_space<hbm>>) target(%arg7 : memref<2048xi32, #tpu.memory_space<vmem>>) target_semaphore(%arg14 : memref<!tpu.dma_semaphore, #tpu.memory_space<semaphore_mem>>)
    %mul3A_178 = arith.constant 16 : i32
    %mul3A_179 = arith.muli %add3A_170, %mul3A_178 : i32
    %dma_start3A_180 = arith.constant 1 : i32
    %dma_start3A_181 = tpu.memref_slice %arg3[%dma_start3A_180, %select_n3A, %mul3A_179] : memref<2x16x16384xi32, #tpu.memory_space<hbm>> -> memref<1x1x2048xi32, #tpu.memory_space<hbm>>
    %dma_start3A_182 = tpu.memref_squeeze %dma_start3A_181 : memref<1x1x2048xi32, #tpu.memory_space<hbm>> -> memref<2048xi32, #tpu.memory_space<hbm>>
    %dma_start3A_183 = tpu.memref_slice %arg3[%dma_start3A_180, %select_n3A, %mul3A_179] : memref<2x16x16384xi32, #tpu.memory_space<hbm>> -> memref<1x1x2048xi32, #tpu.memory_space<hbm>>
    %dma_start3A_184 = tpu.memref_squeeze %dma_start3A_183 : memref<1x1x2048xi32, #tpu.memory_space<hbm>> -> memref<2048xi32, #tpu.memory_space<hbm>>
    tpu.enqueue_dma source(%dma_start3A_184 : memref<2048xi32, #tpu.memory_space<hbm>>) target(%arg8 : memref<2048xi32, #tpu.memory_space<vmem>>) target_semaphore(%arg14 : memref<!tpu.dma_semaphore, #tpu.memory_space<semaphore_mem>>)
    %scan3A_185 = arith.constant 0 : i32
    %scan3A_186 = arith.constant 0 : i32
    %scan3A_187 = arith.constant 8 : i32
    %scan3A_188 = arith.addi %scan3A_186, %scan3A_187 : i32
    %scan3A_189 = arith.constant 1 : i32
    scf.for %scan3A_295 = %scan3A_186 to %scan3A_188 step %scan3A_189  : i32 {
      %mul3A_296 = arith.constant 16 : i32
      %mul3A_297 = arith.muli %scan3A_295, %mul3A_296 : i32
      %add3A_298 = vector.broadcast %mul3A_297 : i32 to vector<16xi32>
      %add3A_299 = arith.addi %add3A_298, %iota3A : vector<16xi32>
      %mul3A_300 = arith.constant 16 : i32
      %mul3A_301 = vector.broadcast %mul3A_300 : i32 to vector<16xi32>
      %mul3A_302 = arith.muli %add3A_299, %mul3A_301 : vector<16xi32>
      %add3A_303 = arith.constant 0 : i32
      %add3A_304 = vector.broadcast %add3A_303 : i32 to vector<16xi32>
      %add3A_305 = arith.addi %mul3A_302, %add3A_304 : vector<16xi32>
      %gather3A = tpu.vector_load_idx %arg9[%add3A_305] : memref<2048xi32, #tpu.memory_space<vmem>>[vector<16xi32>], vector<16xi32>,
      %mul3A_306 = arith.constant 16 : i32
      %mul3A_307 = vector.broadcast %mul3A_306 : i32 to vector<16xi32>
      %mul3A_308 = arith.muli %add3A_299, %mul3A_307 : vector<16xi32>
      %add3A_309 = arith.constant 1 : i32
      %add3A_310 = vector.broadcast %add3A_309 : i32 to vector<16xi32>
      %add3A_311 = arith.addi %mul3A_308, %add3A_310 : vector<16xi32>
      %gather3A_312 = tpu.vector_load_idx %arg9[%add3A_311] : memref<2048xi32, #tpu.memory_space<vmem>>[vector<16xi32>], vector<16xi32>,
      %mul3A_313 = arith.constant 16 : i32
      %mul3A_314 = vector.broadcast %mul3A_313 : i32 to vector<16xi32>
      %mul3A_315 = arith.muli %add3A_299, %mul3A_314 : vector<16xi32>
      %add3A_316 = arith.constant 2 : i32
      %add3A_317 = vector.broadcast %add3A_316 : i32 to vector<16xi32>
      %add3A_318 = arith.addi %mul3A_315, %add3A_317 : vector<16xi32>
      %gather3A_319 = tpu.vector_load_idx %arg9[%add3A_318] : memref<2048xi32, #tpu.memory_space<vmem>>[vector<16xi32>], vector<16xi32>,
      %mul3A_320 = arith.constant 16 : i32
      %mul3A_321 = vector.broadcast %mul3A_320 : i32 to vector<16xi32>
      %mul3A_322 = arith.muli %add3A_299, %mul3A_321 : vector<16xi32>
      %add3A_323 = arith.constant 3 : i32
      %add3A_324 = vector.broadcast %add3A_323 : i32 to vector<16xi32>
      %add3A_325 = arith.addi %mul3A_322, %add3A_324 : vector<16xi32>
      %gather3A_326 = tpu.vector_load_idx %arg9[%add3A_325] : memref<2048xi32, #tpu.memory_space<vmem>>[vector<16xi32>], vector<16xi32>,
      %mul3A_327 = arith.constant 16 : i32
      %mul3A_328 = vector.broadcast %mul3A_327 : i32 to vector<16xi32>
      %mul3A_329 = arith.muli %add3A_299, %mul3A_328 : vector<16xi32>
      %add3A_330 = arith.constant 4 : i32
      %add3A_331 = vector.broadcast %add3A_330 : i32 to vector<16xi32>
      %add3A_332 = arith.addi %mul3A_329, %add3A_331 : vector<16xi32>
      %gather3A_333 = tpu.vector_load_idx %arg9[%add3A_332] : memref<2048xi32, #tpu.memory_space<vmem>>[vector<16xi32>], vector<16xi32>,
      %mul3A_334 = arith.constant 16 : i32
      %mul3A_335 = vector.broadcast %mul3A_334 : i32 to vector<16xi32>
      %mul3A_336 = arith.muli %add3A_299, %mul3A_335 : vector<16xi32>
      %add3A_337 = arith.constant 5 : i32
      %add3A_338 = vector.broadcast %add3A_337 : i32 to vector<16xi32>
      %add3A_339 = arith.addi %mul3A_336, %add3A_338 : vector<16xi32>
      %gather3A_340 = tpu.vector_load_idx %arg9[%add3A_339] : memref<2048xi32, #tpu.memory_space<vmem>>[vector<16xi32>], vector<16xi32>,
      %mul3A_341 = arith.constant 16 : i32
      %mul3A_342 = vector.broadcast %mul3A_341 : i32 to vector<16xi32>
      %mul3A_343 = arith.muli %add3A_299, %mul3A_342 : vector<16xi32>
      %add3A_344 = arith.constant 6 : i32
      %add3A_345 = vector.broadcast %add3A_344 : i32 to vector<16xi32>
      %add3A_346 = arith.addi %mul3A_343, %add3A_345 : vector<16xi32>
      %gather3A_347 = tpu.vector_load_idx %arg9[%add3A_346] : memref<2048xi32, #tpu.memory_space<vmem>>[vector<16xi32>], vector<16xi32>,
      %mul3A_348 = arith.constant 16 : i32
      %mul3A_349 = vector.broadcast %mul3A_348 : i32 to vector<16xi32>
      %mul3A_350 = arith.muli %add3A_299, %mul3A_349 : vector<16xi32>
      %add3A_351 = arith.constant 7 : i32
      %add3A_352 = vector.broadcast %add3A_351 : i32 to vector<16xi32>
      %add3A_353 = arith.addi %mul3A_350, %add3A_352 : vector<16xi32>
      %gather3A_354 = tpu.vector_load_idx %arg9[%add3A_353] : memref<2048xi32, #tpu.memory_space<vmem>>[vector<16xi32>], vector<16xi32>,
      %mul3A_355 = arith.constant 16 : i32
      %mul3A_356 = vector.broadcast %mul3A_355 : i32 to vector<16xi32>
      %mul3A_357 = arith.muli %add3A_299, %mul3A_356 : vector<16xi32>
      %add3A_358 = arith.constant 0 : i32
      %add3A_359 = vector.broadcast %add3A_358 : i32 to vector<16xi32>
      %add3A_360 = arith.addi %mul3A_357, %add3A_359 : vector<16xi32>
      %gather3A_361 = tpu.vector_load_idx %arg10[%add3A_360] : memref<2048xi32, #tpu.memory_space<vmem>>[vector<16xi32>], vector<16xi32>,
      %mul3A_362 = arith.constant 16 : i32
      %mul3A_363 = vector.broadcast %mul3A_362 : i32 to vector<16xi32>
      %mul3A_364 = arith.muli %add3A_299, %mul3A_363 : vector<16xi32>
      %add3A_365 = arith.constant 1 : i32
      %add3A_366 = vector.broadcast %add3A_365 : i32 to vector<16xi32>
      %add3A_367 = arith.addi %mul3A_364, %add3A_366 : vector<16xi32>
      %gather3A_368 = tpu.vector_load_idx %arg10[%add3A_367] : memref<2048xi32, #tpu.memory_space<vmem>>[vector<16xi32>], vector<16xi32>,
      %mul3A_369 = arith.constant 16 : i32
      %mul3A_370 = vector.broadcast %mul3A_369 : i32 to vector<16xi32>
      %mul3A_371 = arith.muli %add3A_299, %mul3A_370 : vector<16xi32>
      %add3A_372 = arith.constant 2 : i32
      %add3A_373 = vector.broadcast %add3A_372 : i32 to vector<16xi32>
      %add3A_374 = arith.addi %mul3A_371, %add3A_373 : vector<16xi32>
      %gather3A_375 = tpu.vector_load_idx %arg10[%add3A_374] : memref<2048xi32, #tpu.memory_space<vmem>>[vector<16xi32>], vector<16xi32>,
      %mul3A_376 = arith.constant 16 : i32
      %mul3A_377 = vector.broadcast %mul3A_376 : i32 to vector<16xi32>
      %mul3A_378 = arith.muli %add3A_299, %mul3A_377 : vector<16xi32>
      %add3A_379 = arith.constant 3 : i32
      %add3A_380 = vector.broadcast %add3A_379 : i32 to vector<16xi32>
      %add3A_381 = arith.addi %mul3A_378, %add3A_380 : vector<16xi32>
      %gather3A_382 = tpu.vector_load_idx %arg10[%add3A_381] : memref<2048xi32, #tpu.memory_space<vmem>>[vector<16xi32>], vector<16xi32>,
      %mul3A_383 = arith.constant 16 : i32
      %mul3A_384 = vector.broadcast %mul3A_383 : i32 to vector<16xi32>
      %mul3A_385 = arith.muli %add3A_299, %mul3A_384 : vector<16xi32>
      %add3A_386 = arith.constant 4 : i32
      %add3A_387 = vector.broadcast %add3A_386 : i32 to vector<16xi32>
      %add3A_388 = arith.addi %mul3A_385, %add3A_387 : vector<16xi32>
      %gather3A_389 = tpu.vector_load_idx %arg10[%add3A_388] : memref<2048xi32, #tpu.memory_space<vmem>>[vector<16xi32>], vector<16xi32>,
      %mul3A_390 = arith.constant 16 : i32
      %mul3A_391 = vector.broadcast %mul3A_390 : i32 to vector<16xi32>
      %mul3A_392 = arith.muli %add3A_299, %mul3A_391 : vector<16xi32>
      %add3A_393 = arith.constant 5 : i32
      %add3A_394 = vector.broadcast %add3A_393 : i32 to vector<16xi32>
      %add3A_395 = arith.addi %mul3A_392, %add3A_394 : vector<16xi32>
      %gather3A_396 = tpu.vector_load_idx %arg10[%add3A_395] : memref<2048xi32, #tpu.memory_space<vmem>>[vector<16xi32>], vector<16xi32>,
      %mul3A_397 = arith.constant 16 : i32
      %mul3A_398 = vector.broadcast %mul3A_397 : i32 to vector<16xi32>
      %mul3A_399 = arith.muli %add3A_299, %mul3A_398 : vector<16xi32>
      %add3A_400 = arith.constant 6 : i32
      %add3A_401 = vector.broadcast %add3A_400 : i32 to vector<16xi32>
      %add3A_402 = arith.addi %mul3A_399, %add3A_401 : vector<16xi32>
      %gather3A_403 = tpu.vector_load_idx %arg10[%add3A_402] : memref<2048xi32, #tpu.memory_space<vmem>>[vector<16xi32>], vector<16xi32>,
      %mul3A_404 = arith.constant 16 : i32
      %mul3A_405 = vector.broadcast %mul3A_404 : i32 to vector<16xi32>
      %mul3A_406 = arith.muli %add3A_299, %mul3A_405 : vector<16xi32>
      %add3A_407 = arith.constant 7 : i32
      %add3A_408 = vector.broadcast %add3A_407 : i32 to vector<16xi32>
      %add3A_409 = arith.addi %mul3A_406, %add3A_408 : vector<16xi32>
      %gather3A_410 = tpu.vector_load_idx %arg10[%add3A_409] : memref<2048xi32, #tpu.memory_space<vmem>>[vector<16xi32>], vector<16xi32>,
      %scan3A_411 = arith.constant 0 : i32
      %scan3A_412 = arith.constant 0 : i32
      %scan3A_413 = arith.constant 48 : i32
      %scan3A_414 = arith.addi %scan3A_412, %scan3A_413 : i32
      %scan3A_415 = arith.constant 1 : i32
      scf.for %scan3A_535 = %scan3A_412 to %scan3A_414 step %scan3A_415  : i32 {
        %broadcast_in_dim3A_536 = vector.broadcast %scan3A_535 : i32 to vector<16xi32>
        %gather3A_537 = tpu.vector_load_idx %arg6[%broadcast_in_dim3A_536, %gather3A] : memref<48x1024xi32, #tpu.memory_space<vmem>>[vector<16xi32>, vector<16xi32>], vector<16xi32>,
        %gather3A_538 = tpu.vector_load_idx %arg6[%broadcast_in_dim3A_536, %gather3A_361] : memref<48x1024xi32, #tpu.memory_space<vmem>>[vector<16xi32>, vector<16xi32>], vector<16xi32>,
        %bitcast3A = vector.bitcast %gather3A_537 : vector<16xi32> to vector<32xbf16>
        %bitcast3A_539 = vector.bitcast %gather3A_538 : vector<16xi32> to vector<32xbf16>
        %sub3A_540 = arith.subf %bitcast3A, %bitcast3A_539 : vector<32xbf16>
        %max3A = arith.maximumf %broadcast_in_dim3A_31, %sub3A_540 : vector<32xbf16>
        %gather3A_541 = tpu.vector_load_idx %arg6[%broadcast_in_dim3A_536, %gather3A_312] : memref<48x1024xi32, #tpu.memory_space<vmem>>[vector<16xi32>, vector<16xi32>], vector<16xi32>,
        %gather3A_542 = tpu.vector_load_idx %arg6[%broadcast_in_dim3A_536, %gather3A_368] : memref<48x1024xi32, #tpu.memory_space<vmem>>[vector<16xi32>, vector<16xi32>], vector<16xi32>,
        %bitcast3A_543 = vector.bitcast %gather3A_541 : vector<16xi32> to vector<32xbf16>
        %bitcast3A_544 = vector.bitcast %gather3A_542 : vector<16xi32> to vector<32xbf16>
        %sub3A_545 = arith.subf %bitcast3A_543, %bitcast3A_544 : vector<32xbf16>
        %max3A_546 = arith.maximumf %max3A, %sub3A_545 : vector<32xbf16>
        %gather3A_547 = tpu.vector_load_idx %arg6[%broadcast_in_dim3A_536, %gather3A_319] : memref<48x1024xi32, #tpu.memory_space<vmem>>[vector<16xi32>, vector<16xi32>], vector<16xi32>,
        %gather3A_548 = tpu.vector_load_idx %arg6[%broadcast_in_dim3A_536, %gather3A_375] : memref<48x1024xi32, #tpu.memory_space<vmem>>[vector<16xi32>, vector<16xi32>], vector<16xi32>,
        %bitcast3A_549 = vector.bitcast %gather3A_547 : vector<16xi32> to vector<32xbf16>
        %bitcast3A_550 = vector.bitcast %gather3A_548 : vector<16xi32> to vector<32xbf16>
        %sub3A_551 = arith.subf %bitcast3A_549, %bitcast3A_550 : vector<32xbf16>
        %max3A_552 = arith.maximumf %max3A_546, %sub3A_551 : vector<32xbf16>
        %gather3A_553 = tpu.vector_load_idx %arg6[%broadcast_in_dim3A_536, %gather3A_326] : memref<48x1024xi32, #tpu.memory_space<vmem>>[vector<16xi32>, vector<16xi32>], vector<16xi32>,
        %gather3A_554 = tpu.vector_load_idx %arg6[%broadcast_in_dim3A_536, %gather3A_382] : memref<48x1024xi32, #tpu.memory_space<vmem>>[vector<16xi32>, vector<16xi32>], vector<16xi32>,
        %bitcast3A_555 = vector.bitcast %gather3A_553 : vector<16xi32> to vector<32xbf16>
        %bitcast3A_556 = vector.bitcast %gather3A_554 : vector<16xi32> to vector<32xbf16>
        %sub3A_557 = arith.subf %bitcast3A_555, %bitcast3A_556 : vector<32xbf16>
        %max3A_558 = arith.maximumf %max3A_552, %sub3A_557 : vector<32xbf16>
        %gather3A_559 = tpu.vector_load_idx %arg6[%broadcast_in_dim3A_536, %gather3A_333] : memref<48x1024xi32, #tpu.memory_space<vmem>>[vector<16xi32>, vector<16xi32>], vector<16xi32>,
        %gather3A_560 = tpu.vector_load_idx %arg6[%broadcast_in_dim3A_536, %gather3A_389] : memref<48x1024xi32, #tpu.memory_space<vmem>>[vector<16xi32>, vector<16xi32>], vector<16xi32>,
        %bitcast3A_561 = vector.bitcast %gather3A_559 : vector<16xi32> to vector<32xbf16>
        %bitcast3A_562 = vector.bitcast %gather3A_560 : vector<16xi32> to vector<32xbf16>
        %sub3A_563 = arith.subf %bitcast3A_561, %bitcast3A_562 : vector<32xbf16>
        %max3A_564 = arith.maximumf %max3A_558, %sub3A_563 : vector<32xbf16>
        %gather3A_565 = tpu.vector_load_idx %arg6[%broadcast_in_dim3A_536, %gather3A_340] : memref<48x1024xi32, #tpu.memory_space<vmem>>[vector<16xi32>, vector<16xi32>], vector<16xi32>,
        %gather3A_566 = tpu.vector_load_idx %arg6[%broadcast_in_dim3A_536, %gather3A_396] : memref<48x1024xi32, #tpu.memory_space<vmem>>[vector<16xi32>, vector<16xi32>], vector<16xi32>,
        %bitcast3A_567 = vector.bitcast %gather3A_565 : vector<16xi32> to vector<32xbf16>
        %bitcast3A_568 = vector.bitcast %gather3A_566 : vector<16xi32> to vector<32xbf16>
        %sub3A_569 = arith.subf %bitcast3A_567, %bitcast3A_568 : vector<32xbf16>
        %max3A_570 = arith.maximumf %max3A_564, %sub3A_569 : vector<32xbf16>
        %gather3A_571 = tpu.vector_load_idx %arg6[%broadcast_in_dim3A_536, %gather3A_347] : memref<48x1024xi32, #tpu.memory_space<vmem>>[vector<16xi32>, vector<16xi32>], vector<16xi32>,
        %gather3A_572 = tpu.vector_load_idx %arg6[%broadcast_in_dim3A_536, %gather3A_403] : memref<48x1024xi32, #tpu.memory_space<vmem>>[vector<16xi32>, vector<16xi32>], vector<16xi32>,
        %bitcast3A_573 = vector.bitcast %gather3A_571 : vector<16xi32> to vector<32xbf16>
        %bitcast3A_574 = vector.bitcast %gather3A_572 : vector<16xi32> to vector<32xbf16>
        %sub3A_575 = arith.subf %bitcast3A_573, %bitcast3A_574 : vector<32xbf16>
        %max3A_576 = arith.maximumf %max3A_570, %sub3A_575 : vector<32xbf16>
        %gather3A_577 = tpu.vector_load_idx %arg6[%broadcast_in_dim3A_536, %gather3A_354] : memref<48x1024xi32, #tpu.memory_space<vmem>>[vector<16xi32>, vector<16xi32>], vector<16xi32>,
        %gather3A_578 = tpu.vector_load_idx %arg6[%broadcast_in_dim3A_536, %gather3A_410] : memref<48x1024xi32, #tpu.memory_space<vmem>>[vector<16xi32>, vector<16xi32>], vector<16xi32>,
        %bitcast3A_579 = vector.bitcast %gather3A_577 : vector<16xi32> to vector<32xbf16>
        %bitcast3A_580 = vector.bitcast %gather3A_578 : vector<16xi32> to vector<32xbf16>
        %sub3A_581 = arith.subf %bitcast3A_579, %bitcast3A_580 : vector<32xbf16>
        %max3A_582 = arith.maximumf %max3A_576, %sub3A_581 : vector<32xbf16>
        %bitcast3A_583 = vector.bitcast %max3A_582 : vector<32xbf16> to vector<16xi32>
        tpu.vector_store_idx %arg12[%broadcast_in_dim3A_536, %add3A_299], %bitcast3A_583 : memref<48x128xi32, #tpu.memory_space<vmem>>[vector<16xi32>, vector<16xi32>], vector<16xi32>,
      }
      %scan3A_416 = arith.constant 48 : i32
      %mul3A_417 = arith.constant 16 : i32
      %mul3A_418 = vector.broadcast %mul3A_417 : i32 to vector<16xi32>
      %mul3A_419 = arith.muli %add3A_299, %mul3A_418 : vector<16xi32>
      %add3A_420 = arith.constant 8 : i32
      %add3A_421 = vector.broadcast %add3A_420 : i32 to vector<16xi32>
      %add3A_422 = arith.addi %mul3A_419, %add3A_421 : vector<16xi32>
      %gather3A_423 = tpu.vector_load_idx %arg9[%add3A_422] : memref<2048xi32, #tpu.memory_space<vmem>>[vector<16xi32>], vector<16xi32>,
      %mul3A_424 = arith.constant 16 : i32
      %mul3A_425 = vector.broadcast %mul3A_424 : i32 to vector<16xi32>
      %mul3A_426 = arith.muli %add3A_299, %mul3A_425 : vector<16xi32>
      %add3A_427 = arith.constant 9 : i32
      %add3A_428 = vector.broadcast %add3A_427 : i32 to vector<16xi32>
      %add3A_429 = arith.addi %mul3A_426, %add3A_428 : vector<16xi32>
      %gather3A_430 = tpu.vector_load_idx %arg9[%add3A_429] : memref<2048xi32, #tpu.memory_space<vmem>>[vector<16xi32>], vector<16xi32>,
      %mul3A_431 = arith.constant 16 : i32
      %mul3A_432 = vector.broadcast %mul3A_431 : i32 to vector<16xi32>
      %mul3A_433 = arith.muli %add3A_299, %mul3A_432 : vector<16xi32>
      %add3A_434 = arith.constant 10 : i32
      %add3A_435 = vector.broadcast %add3A_434 : i32 to vector<16xi32>
      %add3A_436 = arith.addi %mul3A_433, %add3A_435 : vector<16xi32>
      %gather3A_437 = tpu.vector_load_idx %arg9[%add3A_436] : memref<2048xi32, #tpu.memory_space<vmem>>[vector<16xi32>], vector<16xi32>,
      %mul3A_438 = arith.constant 16 : i32
      %mul3A_439 = vector.broadcast %mul3A_438 : i32 to vector<16xi32>
      %mul3A_440 = arith.muli %add3A_299, %mul3A_439 : vector<16xi32>
      %add3A_441 = arith.constant 11 : i32
      %add3A_442 = vector.broadcast %add3A_441 : i32 to vector<16xi32>
      %add3A_443 = arith.addi %mul3A_440, %add3A_442 : vector<16xi32>
      %gather3A_444 = tpu.vector_load_idx %arg9[%add3A_443] : memref<2048xi32, #tpu.memory_space<vmem>>[vector<16xi32>], vector<16xi32>,
      %mul3A_445 = arith.constant 16 : i32
      %mul3A_446 = vector.broadcast %mul3A_445 : i32 to vector<16xi32>
      %mul3A_447 = arith.muli %add3A_299, %mul3A_446 : vector<16xi32>
      %add3A_448 = arith.constant 12 : i32
      %add3A_449 = vector.broadcast %add3A_448 : i32 to vector<16xi32>
      %add3A_450 = arith.addi %mul3A_447, %add3A_449 : vector<16xi32>
      %gather3A_451 = tpu.vector_load_idx %arg9[%add3A_450] : memref<2048xi32, #tpu.memory_space<vmem>>[vector<16xi32>], vector<16xi32>,
      %mul3A_452 = arith.constant 16 : i32
      %mul3A_453 = vector.broadcast %mul3A_452 : i32 to vector<16xi32>
      %mul3A_454 = arith.muli %add3A_299, %mul3A_453 : vector<16xi32>
      %add3A_455 = arith.constant 13 : i32
      %add3A_456 = vector.broadcast %add3A_455 : i32 to vector<16xi32>
      %add3A_457 = arith.addi %mul3A_454, %add3A_456 : vector<16xi32>
      %gather3A_458 = tpu.vector_load_idx %arg9[%add3A_457] : memref<2048xi32, #tpu.memory_space<vmem>>[vector<16xi32>], vector<16xi32>,
      %mul3A_459 = arith.constant 16 : i32
      %mul3A_460 = vector.broadcast %mul3A_459 : i32 to vector<16xi32>
      %mul3A_461 = arith.muli %add3A_299, %mul3A_460 : vector<16xi32>
      %add3A_462 = arith.constant 14 : i32
      %add3A_463 = vector.broadcast %add3A_462 : i32 to vector<16xi32>
      %add3A_464 = arith.addi %mul3A_461, %add3A_463 : vector<16xi32>
      %gather3A_465 = tpu.vector_load_idx %arg9[%add3A_464] : memref<2048xi32, #tpu.memory_space<vmem>>[vector<16xi32>], vector<16xi32>,
      %mul3A_466 = arith.constant 16 : i32
      %mul3A_467 = vector.broadcast %mul3A_466 : i32 to vector<16xi32>
      %mul3A_468 = arith.muli %add3A_299, %mul3A_467 : vector<16xi32>
      %add3A_469 = arith.constant 15 : i32
      %add3A_470 = vector.broadcast %add3A_469 : i32 to vector<16xi32>
      %add3A_471 = arith.addi %mul3A_468, %add3A_470 : vector<16xi32>
      %gather3A_472 = tpu.vector_load_idx %arg9[%add3A_471] : memref<2048xi32, #tpu.memory_space<vmem>>[vector<16xi32>], vector<16xi32>,
      %mul3A_473 = arith.constant 16 : i32
      %mul3A_474 = vector.broadcast %mul3A_473 : i32 to vector<16xi32>
      %mul3A_475 = arith.muli %add3A_299, %mul3A_474 : vector<16xi32>
      %add3A_476 = arith.constant 8 : i32
      %add3A_477 = vector.broadcast %add3A_476 : i32 to vector<16xi32>
      %add3A_478 = arith.addi %mul3A_475, %add3A_477 : vector<16xi32>
      %gather3A_479 = tpu.vector_load_idx %arg10[%add3A_478] : memref<2048xi32, #tpu.memory_space<vmem>>[vector<16xi32>], vector<16xi32>,
      %mul3A_480 = arith.constant 16 : i32
      %mul3A_481 = vector.broadcast %mul3A_480 : i32 to vector<16xi32>
      %mul3A_482 = arith.muli %add3A_299, %mul3A_481 : vector<16xi32>
      %add3A_483 = arith.constant 9 : i32
      %add3A_484 = vector.broadcast %add3A_483 : i32 to vector<16xi32>
      %add3A_485 = arith.addi %mul3A_482, %add3A_484 : vector<16xi32>
      %gather3A_486 = tpu.vector_load_idx %arg10[%add3A_485] : memref<2048xi32, #tpu.memory_space<vmem>>[vector<16xi32>], vector<16xi32>,
      %mul3A_487 = arith.constant 16 : i32
      %mul3A_488 = vector.broadcast %mul3A_487 : i32 to vector<16xi32>
      %mul3A_489 = arith.muli %add3A_299, %mul3A_488 : vector<16xi32>
      %add3A_490 = arith.constant 10 : i32
      %add3A_491 = vector.broadcast %add3A_490 : i32 to vector<16xi32>
      %add3A_492 = arith.addi %mul3A_489, %add3A_491 : vector<16xi32>
      %gather3A_493 = tpu.vector_load_idx %arg10[%add3A_492] : memref<2048xi32, #tpu.memory_space<vmem>>[vector<16xi32>], vector<16xi32>,
      %mul3A_494 = arith.constant 16 : i32
      %mul3A_495 = vector.broadcast %mul3A_494 : i32 to vector<16xi32>
      %mul3A_496 = arith.muli %add3A_299, %mul3A_495 : vector<16xi32>
      %add3A_497 = arith.constant 11 : i32
      %add3A_498 = vector.broadcast %add3A_497 : i32 to vector<16xi32>
      %add3A_499 = arith.addi %mul3A_496, %add3A_498 : vector<16xi32>
      %gather3A_500 = tpu.vector_load_idx %arg10[%add3A_499] : memref<2048xi32, #tpu.memory_space<vmem>>[vector<16xi32>], vector<16xi32>,
      %mul3A_501 = arith.constant 16 : i32
      %mul3A_502 = vector.broadcast %mul3A_501 : i32 to vector<16xi32>
      %mul3A_503 = arith.muli %add3A_299, %mul3A_502 : vector<16xi32>
      %add3A_504 = arith.constant 12 : i32
      %add3A_505 = vector.broadcast %add3A_504 : i32 to vector<16xi32>
      %add3A_506 = arith.addi %mul3A_503, %add3A_505 : vector<16xi32>
      %gather3A_507 = tpu.vector_load_idx %arg10[%add3A_506] : memref<2048xi32, #tpu.memory_space<vmem>>[vector<16xi32>], vector<16xi32>,
      %mul3A_508 = arith.constant 16 : i32
      %mul3A_509 = vector.broadcast %mul3A_508 : i32 to vector<16xi32>
      %mul3A_510 = arith.muli %add3A_299, %mul3A_509 : vector<16xi32>
      %add3A_511 = arith.constant 13 : i32
      %add3A_512 = vector.broadcast %add3A_511 : i32 to vector<16xi32>
      %add3A_513 = arith.addi %mul3A_510, %add3A_512 : vector<16xi32>
      %gather3A_514 = tpu.vector_load_idx %arg10[%add3A_513] : memref<2048xi32, #tpu.memory_space<vmem>>[vector<16xi32>], vector<16xi32>,
      %mul3A_515 = arith.constant 16 : i32
      %mul3A_516 = vector.broadcast %mul3A_515 : i32 to vector<16xi32>
      %mul3A_517 = arith.muli %add3A_299, %mul3A_516 : vector<16xi32>
      %add3A_518 = arith.constant 14 : i32
      %add3A_519 = vector.broadcast %add3A_518 : i32 to vector<16xi32>
      %add3A_520 = arith.addi %mul3A_517, %add3A_519 : vector<16xi32>
      %gather3A_521 = tpu.vector_load_idx %arg10[%add3A_520] : memref<2048xi32, #tpu.memory_space<vmem>>[vector<16xi32>], vector<16xi32>,
      %mul3A_522 = arith.constant 16 : i32
      %mul3A_523 = vector.broadcast %mul3A_522 : i32 to vector<16xi32>
      %mul3A_524 = arith.muli %add3A_299, %mul3A_523 : vector<16xi32>
      %add3A_525 = arith.constant 15 : i32
      %add3A_526 = vector.broadcast %add3A_525 : i32 to vector<16xi32>
      %add3A_527 = arith.addi %mul3A_524, %add3A_526 : vector<16xi32>
      %gather3A_528 = tpu.vector_load_idx %arg10[%add3A_527] : memref<2048xi32, #tpu.memory_space<vmem>>[vector<16xi32>], vector<16xi32>,
      %scan3A_529 = arith.constant 0 : i32
      %scan3A_530 = arith.constant 0 : i32
      %scan3A_531 = arith.constant 48 : i32
      %scan3A_532 = arith.addi %scan3A_530, %scan3A_531 : i32
      %scan3A_533 = arith.constant 1 : i32
      scf.for %scan3A_535 = %scan3A_530 to %scan3A_532 step %scan3A_533  : i32 {
        %broadcast_in_dim3A_536 = vector.broadcast %scan3A_535 : i32 to vector<16xi32>
        %gather3A_537 = tpu.vector_load_idx %arg6[%broadcast_in_dim3A_536, %gather3A_423] : memref<48x1024xi32, #tpu.memory_space<vmem>>[vector<16xi32>, vector<16xi32>], vector<16xi32>,
        %gather3A_538 = tpu.vector_load_idx %arg6[%broadcast_in_dim3A_536, %gather3A_479] : memref<48x1024xi32, #tpu.memory_space<vmem>>[vector<16xi32>, vector<16xi32>], vector<16xi32>,
        %bitcast3A = vector.bitcast %gather3A_537 : vector<16xi32> to vector<32xbf16>
        %bitcast3A_539 = vector.bitcast %gather3A_538 : vector<16xi32> to vector<32xbf16>
        %sub3A_540 = arith.subf %bitcast3A, %bitcast3A_539 : vector<32xbf16>
        %max3A = arith.maximumf %broadcast_in_dim3A_31, %sub3A_540 : vector<32xbf16>
        %gather3A_541 = tpu.vector_load_idx %arg6[%broadcast_in_dim3A_536, %gather3A_430] : memref<48x1024xi32, #tpu.memory_space<vmem>>[vector<16xi32>, vector<16xi32>], vector<16xi32>,
        %gather3A_542 = tpu.vector_load_idx %arg6[%broadcast_in_dim3A_536, %gather3A_486] : memref<48x1024xi32, #tpu.memory_space<vmem>>[vector<16xi32>, vector<16xi32>], vector<16xi32>,
        %bitcast3A_543 = vector.bitcast %gather3A_541 : vector<16xi32> to vector<32xbf16>
        %bitcast3A_544 = vector.bitcast %gather3A_542 : vector<16xi32> to vector<32xbf16>
        %sub3A_545 = arith.subf %bitcast3A_543, %bitcast3A_544 : vector<32xbf16>
        %max3A_546 = arith.maximumf %max3A, %sub3A_545 : vector<32xbf16>
        %gather3A_547 = tpu.vector_load_idx %arg6[%broadcast_in_dim3A_536, %gather3A_437] : memref<48x1024xi32, #tpu.memory_space<vmem>>[vector<16xi32>, vector<16xi32>], vector<16xi32>,
        %gather3A_548 = tpu.vector_load_idx %arg6[%broadcast_in_dim3A_536, %gather3A_493] : memref<48x1024xi32, #tpu.memory_space<vmem>>[vector<16xi32>, vector<16xi32>], vector<16xi32>,
        %bitcast3A_549 = vector.bitcast %gather3A_547 : vector<16xi32> to vector<32xbf16>
        %bitcast3A_550 = vector.bitcast %gather3A_548 : vector<16xi32> to vector<32xbf16>
        %sub3A_551 = arith.subf %bitcast3A_549, %bitcast3A_550 : vector<32xbf16>
        %max3A_552 = arith.maximumf %max3A_546, %sub3A_551 : vector<32xbf16>
        %gather3A_553 = tpu.vector_load_idx %arg6[%broadcast_in_dim3A_536, %gather3A_444] : memref<48x1024xi32, #tpu.memory_space<vmem>>[vector<16xi32>, vector<16xi32>], vector<16xi32>,
        %gather3A_554 = tpu.vector_load_idx %arg6[%broadcast_in_dim3A_536, %gather3A_500] : memref<48x1024xi32, #tpu.memory_space<vmem>>[vector<16xi32>, vector<16xi32>], vector<16xi32>,
        %bitcast3A_555 = vector.bitcast %gather3A_553 : vector<16xi32> to vector<32xbf16>
        %bitcast3A_556 = vector.bitcast %gather3A_554 : vector<16xi32> to vector<32xbf16>
        %sub3A_557 = arith.subf %bitcast3A_555, %bitcast3A_556 : vector<32xbf16>
        %max3A_558 = arith.maximumf %max3A_552, %sub3A_557 : vector<32xbf16>
        %gather3A_559 = tpu.vector_load_idx %arg6[%broadcast_in_dim3A_536, %gather3A_451] : memref<48x1024xi32, #tpu.memory_space<vmem>>[vector<16xi32>, vector<16xi32>], vector<16xi32>,
        %gather3A_560 = tpu.vector_load_idx %arg6[%broadcast_in_dim3A_536, %gather3A_507] : memref<48x1024xi32, #tpu.memory_space<vmem>>[vector<16xi32>, vector<16xi32>], vector<16xi32>,
        %bitcast3A_561 = vector.bitcast %gather3A_559 : vector<16xi32> to vector<32xbf16>
        %bitcast3A_562 = vector.bitcast %gather3A_560 : vector<16xi32> to vector<32xbf16>
        %sub3A_563 = arith.subf %bitcast3A_561, %bitcast3A_562 : vector<32xbf16>
        %max3A_564 = arith.maximumf %max3A_558, %sub3A_563 : vector<32xbf16>
        %gather3A_565 = tpu.vector_load_idx %arg6[%broadcast_in_dim3A_536, %gather3A_458] : memref<48x1024xi32, #tpu.memory_space<vmem>>[vector<16xi32>, vector<16xi32>], vector<16xi32>,
        %gather3A_566 = tpu.vector_load_idx %arg6[%broadcast_in_dim3A_536, %gather3A_514] : memref<48x1024xi32, #tpu.memory_space<vmem>>[vector<16xi32>, vector<16xi32>], vector<16xi32>,
        %bitcast3A_567 = vector.bitcast %gather3A_565 : vector<16xi32> to vector<32xbf16>
        %bitcast3A_568 = vector.bitcast %gather3A_566 : vector<16xi32> to vector<32xbf16>
        %sub3A_569 = arith.subf %bitcast3A_567, %bitcast3A_568 : vector<32xbf16>
        %max3A_570 = arith.maximumf %max3A_564, %sub3A_569 : vector<32xbf16>
        %gather3A_571 = tpu.vector_load_idx %arg6[%broadcast_in_dim3A_536, %gather3A_465] : memref<48x1024xi32, #tpu.memory_space<vmem>>[vector<16xi32>, vector<16xi32>], vector<16xi32>,
        %gather3A_572 = tpu.vector_load_idx %arg6[%broadcast_in_dim3A_536, %gather3A_521] : memref<48x1024xi32, #tpu.memory_space<vmem>>[vector<16xi32>, vector<16xi32>], vector<16xi32>,
        %bitcast3A_573 = vector.bitcast %gather3A_571 : vector<16xi32> to vector<32xbf16>
        %bitcast3A_574 = vector.bitcast %gather3A_572 : vector<16xi32> to vector<32xbf16>
        %sub3A_575 = arith.subf %bitcast3A_573, %bitcast3A_574 : vector<32xbf16>
        %max3A_576 = arith.maximumf %max3A_570, %sub3A_575 : vector<32xbf16>
        %gather3A_577 = tpu.vector_load_idx %arg6[%broadcast_in_dim3A_536, %gather3A_472] : memref<48x1024xi32, #tpu.memory_space<vmem>>[vector<16xi32>, vector<16xi32>], vector<16xi32>,
        %gather3A_578 = tpu.vector_load_idx %arg6[%broadcast_in_dim3A_536, %gather3A_528] : memref<48x1024xi32, #tpu.memory_space<vmem>>[vector<16xi32>, vector<16xi32>], vector<16xi32>,
        %bitcast3A_579 = vector.bitcast %gather3A_577 : vector<16xi32> to vector<32xbf16>
        %bitcast3A_580 = vector.bitcast %gather3A_578 : vector<16xi32> to vector<32xbf16>
        %sub3A_581 = arith.subf %bitcast3A_579, %bitcast3A_580 : vector<32xbf16>
        %max3A_582 = arith.maximumf %max3A_576, %sub3A_581 : vector<32xbf16>
        %gather3A_583 = tpu.vector_load_idx %arg12[%broadcast_in_dim3A_536, %add3A_299] : memref<48x128xi32, #tpu.memory_space<vmem>>[vector<16xi32>, vector<16xi32>], vector<16xi32>,
        %bitcast3A_584 = vector.bitcast %gather3A_583 : vector<16xi32> to vector<32xbf16>
        %max3A_585 = arith.maximumf %max3A_582, %bitcast3A_584 : vector<32xbf16>
        %bitcast3A_586 = vector.bitcast %max3A_585 : vector<32xbf16> to vector<16xi32>
        tpu.vector_store_idx %arg12[%broadcast_in_dim3A_536, %add3A_299], %bitcast3A_586 : memref<48x128xi32, #tpu.memory_space<vmem>>[vector<16xi32>, vector<16xi32>], vector<16xi32>,
      }
      %scan3A_534 = arith.constant 48 : i32
    }
    %scan3A_190 = arith.constant 8 : i32
    %mul3A_191 = arith.constant 512 : i32
    %mul3A_192 = arith.muli %select_n3A_30, %mul3A_191 : i32
    %add3A_193 = arith.constant 128 : i32
    %add3A_194 = arith.addi %mul3A_192, %add3A_193 : i32
    %dma_start3A_195 = arith.constant 0 : i32
    %dma_start3A_196 = tpu.memref_slice %arg4[%select_n3A, %dma_start3A_195, %add3A_194] : memref<16x48x1024xi32, #tpu.memory_space<hbm>> -> memref<1x48x128xi32, #tpu.memory_space<hbm>>
    %dma_start3A_197 = tpu.memref_squeeze %dma_start3A_196 : memref<1x48x128xi32, #tpu.memory_space<hbm>> -> memref<48x128xi32, #tpu.memory_space<hbm>>
    %dma_start3A_198 = arith.constant 0 : i32
    %dma_start3A_199 = tpu.memref_slice %arg4[%select_n3A, %dma_start3A_198, %add3A_194] : memref<16x48x1024xi32, #tpu.memory_space<hbm>> -> memref<1x48x128xi32, #tpu.memory_space<hbm>>
    %dma_start3A_200 = tpu.memref_squeeze %dma_start3A_199 : memref<1x48x128xi32, #tpu.memory_space<hbm>> -> memref<48x128xi32, #tpu.memory_space<hbm>>
    tpu.enqueue_dma source(%arg12 : memref<48x128xi32, #tpu.memory_space<vmem>>) target(%dma_start3A_200 : memref<48x128xi32, #tpu.memory_space<hbm>>) target_semaphore(%arg17 : memref<!tpu.dma_semaphore, #tpu.memory_space<semaphore_mem>>)
    %dma_wait3A_201 = arith.constant 0 : i32
    %dma_wait3A_202 = tpu.memref_slice %arg3[%dma_wait3A_201, %select_n3A, %mul3A_172] : memref<2x16x16384xi32, #tpu.memory_space<hbm>> -> memref<1x1x2048xi32, #tpu.memory_space<hbm>>
    %dma_wait3A_203 = tpu.memref_squeeze %dma_wait3A_202 : memref<1x1x2048xi32, #tpu.memory_space<hbm>> -> memref<2048xi32, #tpu.memory_space<hbm>>
    %dma_wait3A_204 = tpu.memref_slice %arg3[%dma_wait3A_201, %select_n3A, %mul3A_172] : memref<2x16x16384xi32, #tpu.memory_space<hbm>> -> memref<1x1x2048xi32, #tpu.memory_space<hbm>>
    %dma_wait3A_205 = tpu.memref_squeeze %dma_wait3A_204 : memref<1x1x2048xi32, #tpu.memory_space<hbm>> -> memref<2048xi32, #tpu.memory_space<hbm>>
    tpu.wait_dma2 semaphore(%arg14 : memref<!tpu.dma_semaphore, #tpu.memory_space<semaphore_mem>>) src(%dma_wait3A_205 : memref<2048xi32, #tpu.memory_space<hbm>>) dst(%arg7 : memref<2048xi32, #tpu.memory_space<vmem>>)
    %dma_wait3A_206 = arith.constant 1 : i32
    %dma_wait3A_207 = tpu.memref_slice %arg3[%dma_wait3A_206, %select_n3A, %mul3A_179] : memref<2x16x16384xi32, #tpu.memory_space<hbm>> -> memref<1x1x2048xi32, #tpu.memory_space<hbm>>
    %dma_wait3A_208 = tpu.memref_squeeze %dma_wait3A_207 : memref<1x1x2048xi32, #tpu.memory_space<hbm>> -> memref<2048xi32, #tpu.memory_space<hbm>>
    %dma_wait3A_209 = tpu.memref_slice %arg3[%dma_wait3A_206, %select_n3A, %mul3A_179] : memref<2x16x16384xi32, #tpu.memory_space<hbm>> -> memref<1x1x2048xi32, #tpu.memory_space<hbm>>
    %dma_wait3A_210 = tpu.memref_squeeze %dma_wait3A_209 : memref<1x1x2048xi32, #tpu.memory_space<hbm>> -> memref<2048xi32, #tpu.memory_space<hbm>>
    tpu.wait_dma2 semaphore(%arg14 : memref<!tpu.dma_semaphore, #tpu.memory_space<semaphore_mem>>) src(%dma_wait3A_210 : memref<2048xi32, #tpu.memory_space<hbm>>) dst(%arg8 : memref<2048xi32, #tpu.memory_space<vmem>>)
    %mul3A_211 = arith.constant 512 : i32
    %mul3A_212 = arith.muli %select_n3A_30, %mul3A_211 : i32
    %add3A_213 = arith.constant 384 : i32
    %add3A_214 = arith.addi %mul3A_212, %add3A_213 : i32
    %mul3A_215 = arith.constant 16 : i32
    %mul3A_216 = arith.muli %add3A_214, %mul3A_215 : i32
    %dma_start3A_217 = arith.constant 0 : i32
    %dma_start3A_218 = tpu.memref_slice %arg3[%dma_start3A_217, %select_n3A, %mul3A_216] : memref<2x16x16384xi32, #tpu.memory_space<hbm>> -> memref<1x1x2048xi32, #tpu.memory_space<hbm>>
    %dma_start3A_219 = tpu.memref_squeeze %dma_start3A_218 : memref<1x1x2048xi32, #tpu.memory_space<hbm>> -> memref<2048xi32, #tpu.memory_space<hbm>>
    %dma_start3A_220 = tpu.memref_slice %arg3[%dma_start3A_217, %select_n3A, %mul3A_216] : memref<2x16x16384xi32, #tpu.memory_space<hbm>> -> memref<1x1x2048xi32, #tpu.memory_space<hbm>>
    %dma_start3A_221 = tpu.memref_squeeze %dma_start3A_220 : memref<1x1x2048xi32, #tpu.memory_space<hbm>> -> memref<2048xi32, #tpu.memory_space<hbm>>
    tpu.enqueue_dma source(%dma_start3A_221 : memref<2048xi32, #tpu.memory_space<hbm>>) target(%arg9 : memref<2048xi32, #tpu.memory_space<vmem>>) target_semaphore(%arg15 : memref<!tpu.dma_semaphore, #tpu.memory_space<semaphore_mem>>)
    %mul3A_222 = arith.constant 16 : i32
    %mul3A_223 = arith.muli %add3A_214, %mul3A_222 : i32
    %dma_start3A_224 = arith.constant 1 : i32
    %dma_start3A_225 = tpu.memref_slice %arg3[%dma_start3A_224, %select_n3A, %mul3A_223] : memref<2x16x16384xi32, #tpu.memory_space<hbm>> -> memref<1x1x2048xi32, #tpu.memory_space<hbm>>
    %dma_start3A_226 = tpu.memref_squeeze %dma_start3A_225 : memref<1x1x2048xi32, #tpu.memory_space<hbm>> -> memref<2048xi32, #tpu.memory_space<hbm>>
    %dma_start3A_227 = tpu.memref_slice %arg3[%dma_start3A_224, %select_n3A, %mul3A_223] : memref<2x16x16384xi32, #tpu.memory_space<hbm>> -> memref<1x1x2048xi32, #tpu.memory_space<hbm>>
    %dma_start3A_228 = tpu.memref_squeeze %dma_start3A_227 : memref<1x1x2048xi32, #tpu.memory_space<hbm>> -> memref<2048xi32, #tpu.memory_space<hbm>>
    tpu.enqueue_dma source(%dma_start3A_228 : memref<2048xi32, #tpu.memory_space<hbm>>) target(%arg10 : memref<2048xi32, #tpu.memory_space<vmem>>) target_semaphore(%arg15 : memref<!tpu.dma_semaphore, #tpu.memory_space<semaphore_mem>>)
    %dma_wait3A_229 = arith.constant 0 : i32
    %dma_wait3A_230 = tpu.memref_slice %arg4[%select_n3A, %dma_wait3A_229, %add3A_150] : memref<16x48x1024xi32, #tpu.memory_space<hbm>> -> memref<1x48x128xi32, #tpu.memory_space<hbm>>
    %dma_wait3A_231 = tpu.memref_squeeze %dma_wait3A_230 : memref<1x48x128xi32, #tpu.memory_space<hbm>> -> memref<48x128xi32, #tpu.memory_space<hbm>>
    %dma_wait3A_232 = arith.constant 0 : i32
    %dma_wait3A_233 = tpu.memref_slice %arg4[%select_n3A, %dma_wait3A_232, %add3A_150] : memref<16x48x1024xi32, #tpu.memory_space<hbm>> -> memref<1x48x128xi32, #tpu.memory_space<hbm>>
    %dma_wait3A_234 = tpu.memref_squeeze %dma_wait3A_233 : memref<1x48x128xi32, #tpu.memory_space<hbm>> -> memref<48x128xi32, #tpu.memory_space<hbm>>
    tpu.wait_dma2 semaphore(%arg16 : memref<!tpu.dma_semaphore, #tpu.memory_space<semaphore_mem>>) src(%arg11 : memref<48x128xi32, #tpu.memory_space<vmem>>) dst(%dma_wait3A_234 : memref<48x128xi32, #tpu.memory_space<hbm>>)
    %scan3A_235 = arith.constant 0 : i32
    %scan3A_236 = arith.constant 0 : i32
    %scan3A_237 = arith.constant 8 : i32
    %scan3A_238 = arith.addi %scan3A_236, %scan3A_237 : i32
    %scan3A_239 = arith.constant 1 : i32
    scf.for %scan3A_295 = %scan3A_236 to %scan3A_238 step %scan3A_239  : i32 {
      %mul3A_296 = arith.constant 16 : i32
      %mul3A_297 = arith.muli %scan3A_295, %mul3A_296 : i32
      %add3A_298 = vector.broadcast %mul3A_297 : i32 to vector<16xi32>
      %add3A_299 = arith.addi %add3A_298, %iota3A : vector<16xi32>
      %mul3A_300 = arith.constant 16 : i32
      %mul3A_301 = vector.broadcast %mul3A_300 : i32 to vector<16xi32>
      %mul3A_302 = arith.muli %add3A_299, %mul3A_301 : vector<16xi32>
      %add3A_303 = arith.constant 0 : i32
      %add3A_304 = vector.broadcast %add3A_303 : i32 to vector<16xi32>
      %add3A_305 = arith.addi %mul3A_302, %add3A_304 : vector<16xi32>
      %gather3A = tpu.vector_load_idx %arg7[%add3A_305] : memref<2048xi32, #tpu.memory_space<vmem>>[vector<16xi32>], vector<16xi32>,
      %mul3A_306 = arith.constant 16 : i32
      %mul3A_307 = vector.broadcast %mul3A_306 : i32 to vector<16xi32>
      %mul3A_308 = arith.muli %add3A_299, %mul3A_307 : vector<16xi32>
      %add3A_309 = arith.constant 1 : i32
      %add3A_310 = vector.broadcast %add3A_309 : i32 to vector<16xi32>
      %add3A_311 = arith.addi %mul3A_308, %add3A_310 : vector<16xi32>
      %gather3A_312 = tpu.vector_load_idx %arg7[%add3A_311] : memref<2048xi32, #tpu.memory_space<vmem>>[vector<16xi32>], vector<16xi32>,
      %mul3A_313 = arith.constant 16 : i32
      %mul3A_314 = vector.broadcast %mul3A_313 : i32 to vector<16xi32>
      %mul3A_315 = arith.muli %add3A_299, %mul3A_314 : vector<16xi32>
      %add3A_316 = arith.constant 2 : i32
      %add3A_317 = vector.broadcast %add3A_316 : i32 to vector<16xi32>
      %add3A_318 = arith.addi %mul3A_315, %add3A_317 : vector<16xi32>
      %gather3A_319 = tpu.vector_load_idx %arg7[%add3A_318] : memref<2048xi32, #tpu.memory_space<vmem>>[vector<16xi32>], vector<16xi32>,
      %mul3A_320 = arith.constant 16 : i32
      %mul3A_321 = vector.broadcast %mul3A_320 : i32 to vector<16xi32>
      %mul3A_322 = arith.muli %add3A_299, %mul3A_321 : vector<16xi32>
      %add3A_323 = arith.constant 3 : i32
      %add3A_324 = vector.broadcast %add3A_323 : i32 to vector<16xi32>
      %add3A_325 = arith.addi %mul3A_322, %add3A_324 : vector<16xi32>
      %gather3A_326 = tpu.vector_load_idx %arg7[%add3A_325] : memref<2048xi32, #tpu.memory_space<vmem>>[vector<16xi32>], vector<16xi32>,
      %mul3A_327 = arith.constant 16 : i32
      %mul3A_328 = vector.broadcast %mul3A_327 : i32 to vector<16xi32>
      %mul3A_329 = arith.muli %add3A_299, %mul3A_328 : vector<16xi32>
      %add3A_330 = arith.constant 4 : i32
      %add3A_331 = vector.broadcast %add3A_330 : i32 to vector<16xi32>
      %add3A_332 = arith.addi %mul3A_329, %add3A_331 : vector<16xi32>
      %gather3A_333 = tpu.vector_load_idx %arg7[%add3A_332] : memref<2048xi32, #tpu.memory_space<vmem>>[vector<16xi32>], vector<16xi32>,
      %mul3A_334 = arith.constant 16 : i32
      %mul3A_335 = vector.broadcast %mul3A_334 : i32 to vector<16xi32>
      %mul3A_336 = arith.muli %add3A_299, %mul3A_335 : vector<16xi32>
      %add3A_337 = arith.constant 5 : i32
      %add3A_338 = vector.broadcast %add3A_337 : i32 to vector<16xi32>
      %add3A_339 = arith.addi %mul3A_336, %add3A_338 : vector<16xi32>
      %gather3A_340 = tpu.vector_load_idx %arg7[%add3A_339] : memref<2048xi32, #tpu.memory_space<vmem>>[vector<16xi32>], vector<16xi32>,
      %mul3A_341 = arith.constant 16 : i32
      %mul3A_342 = vector.broadcast %mul3A_341 : i32 to vector<16xi32>
      %mul3A_343 = arith.muli %add3A_299, %mul3A_342 : vector<16xi32>
      %add3A_344 = arith.constant 6 : i32
      %add3A_345 = vector.broadcast %add3A_344 : i32 to vector<16xi32>
      %add3A_346 = arith.addi %mul3A_343, %add3A_345 : vector<16xi32>
      %gather3A_347 = tpu.vector_load_idx %arg7[%add3A_346] : memref<2048xi32, #tpu.memory_space<vmem>>[vector<16xi32>], vector<16xi32>,
      %mul3A_348 = arith.constant 16 : i32
      %mul3A_349 = vector.broadcast %mul3A_348 : i32 to vector<16xi32>
      %mul3A_350 = arith.muli %add3A_299, %mul3A_349 : vector<16xi32>
      %add3A_351 = arith.constant 7 : i32
      %add3A_352 = vector.broadcast %add3A_351 : i32 to vector<16xi32>
      %add3A_353 = arith.addi %mul3A_350, %add3A_352 : vector<16xi32>
      %gather3A_354 = tpu.vector_load_idx %arg7[%add3A_353] : memref<2048xi32, #tpu.memory_space<vmem>>[vector<16xi32>], vector<16xi32>,
      %mul3A_355 = arith.constant 16 : i32
      %mul3A_356 = vector.broadcast %mul3A_355 : i32 to vector<16xi32>
      %mul3A_357 = arith.muli %add3A_299, %mul3A_356 : vector<16xi32>
      %add3A_358 = arith.constant 0 : i32
      %add3A_359 = vector.broadcast %add3A_358 : i32 to vector<16xi32>
      %add3A_360 = arith.addi %mul3A_357, %add3A_359 : vector<16xi32>
      %gather3A_361 = tpu.vector_load_idx %arg8[%add3A_360] : memref<2048xi32, #tpu.memory_space<vmem>>[vector<16xi32>], vector<16xi32>,
      %mul3A_362 = arith.constant 16 : i32
      %mul3A_363 = vector.broadcast %mul3A_362 : i32 to vector<16xi32>
      %mul3A_364 = arith.muli %add3A_299, %mul3A_363 : vector<16xi32>
      %add3A_365 = arith.constant 1 : i32
      %add3A_366 = vector.broadcast %add3A_365 : i32 to vector<16xi32>
      %add3A_367 = arith.addi %mul3A_364, %add3A_366 : vector<16xi32>
      %gather3A_368 = tpu.vector_load_idx %arg8[%add3A_367] : memref<2048xi32, #tpu.memory_space<vmem>>[vector<16xi32>], vector<16xi32>,
      %mul3A_369 = arith.constant 16 : i32
      %mul3A_370 = vector.broadcast %mul3A_369 : i32 to vector<16xi32>
      %mul3A_371 = arith.muli %add3A_299, %mul3A_370 : vector<16xi32>
      %add3A_372 = arith.constant 2 : i32
      %add3A_373 = vector.broadcast %add3A_372 : i32 to vector<16xi32>
      %add3A_374 = arith.addi %mul3A_371, %add3A_373 : vector<16xi32>
      %gather3A_375 = tpu.vector_load_idx %arg8[%add3A_374] : memref<2048xi32, #tpu.memory_space<vmem>>[vector<16xi32>], vector<16xi32>,
      %mul3A_376 = arith.constant 16 : i32
      %mul3A_377 = vector.broadcast %mul3A_376 : i32 to vector<16xi32>
      %mul3A_378 = arith.muli %add3A_299, %mul3A_377 : vector<16xi32>
      %add3A_379 = arith.constant 3 : i32
      %add3A_380 = vector.broadcast %add3A_379 : i32 to vector<16xi32>
      %add3A_381 = arith.addi %mul3A_378, %add3A_380 : vector<16xi32>
      %gather3A_382 = tpu.vector_load_idx %arg8[%add3A_381] : memref<2048xi32, #tpu.memory_space<vmem>>[vector<16xi32>], vector<16xi32>,
      %mul3A_383 = arith.constant 16 : i32
      %mul3A_384 = vector.broadcast %mul3A_383 : i32 to vector<16xi32>
      %mul3A_385 = arith.muli %add3A_299, %mul3A_384 : vector<16xi32>
      %add3A_386 = arith.constant 4 : i32
      %add3A_387 = vector.broadcast %add3A_386 : i32 to vector<16xi32>
      %add3A_388 = arith.addi %mul3A_385, %add3A_387 : vector<16xi32>
      %gather3A_389 = tpu.vector_load_idx %arg8[%add3A_388] : memref<2048xi32, #tpu.memory_space<vmem>>[vector<16xi32>], vector<16xi32>,
      %mul3A_390 = arith.constant 16 : i32
      %mul3A_391 = vector.broadcast %mul3A_390 : i32 to vector<16xi32>
      %mul3A_392 = arith.muli %add3A_299, %mul3A_391 : vector<16xi32>
      %add3A_393 = arith.constant 5 : i32
      %add3A_394 = vector.broadcast %add3A_393 : i32 to vector<16xi32>
      %add3A_395 = arith.addi %mul3A_392, %add3A_394 : vector<16xi32>
      %gather3A_396 = tpu.vector_load_idx %arg8[%add3A_395] : memref<2048xi32, #tpu.memory_space<vmem>>[vector<16xi32>], vector<16xi32>,
      %mul3A_397 = arith.constant 16 : i32
      %mul3A_398 = vector.broadcast %mul3A_397 : i32 to vector<16xi32>
      %mul3A_399 = arith.muli %add3A_299, %mul3A_398 : vector<16xi32>
      %add3A_400 = arith.constant 6 : i32
      %add3A_401 = vector.broadcast %add3A_400 : i32 to vector<16xi32>
      %add3A_402 = arith.addi %mul3A_399, %add3A_401 : vector<16xi32>
      %gather3A_403 = tpu.vector_load_idx %arg8[%add3A_402] : memref<2048xi32, #tpu.memory_space<vmem>>[vector<16xi32>], vector<16xi32>,
      %mul3A_404 = arith.constant 16 : i32
      %mul3A_405 = vector.broadcast %mul3A_404 : i32 to vector<16xi32>
      %mul3A_406 = arith.muli %add3A_299, %mul3A_405 : vector<16xi32>
      %add3A_407 = arith.constant 7 : i32
      %add3A_408 = vector.broadcast %add3A_407 : i32 to vector<16xi32>
      %add3A_409 = arith.addi %mul3A_406, %add3A_408 : vector<16xi32>
      %gather3A_410 = tpu.vector_load_idx %arg8[%add3A_409] : memref<2048xi32, #tpu.memory_space<vmem>>[vector<16xi32>], vector<16xi32>,
      %scan3A_411 = arith.constant 0 : i32
      %scan3A_412 = arith.constant 0 : i32
      %scan3A_413 = arith.constant 48 : i32
      %scan3A_414 = arith.addi %scan3A_412, %scan3A_413 : i32
      %scan3A_415 = arith.constant 1 : i32
      scf.for %scan3A_535 = %scan3A_412 to %scan3A_414 step %scan3A_415  : i32 {
        %broadcast_in_dim3A_536 = vector.broadcast %scan3A_535 : i32 to vector<16xi32>
        %gather3A_537 = tpu.vector_load_idx %arg6[%broadcast_in_dim3A_536, %gather3A] : memref<48x1024xi32, #tpu.memory_space<vmem>>[vector<16xi32>, vector<16xi32>], vector<16xi32>,
        %gather3A_538 = tpu.vector_load_idx %arg6[%broadcast_in_dim3A_536, %gather3A_361] : memref<48x1024xi32, #tpu.memory_space<vmem>>[vector<16xi32>, vector<16xi32>], vector<16xi32>,
        %bitcast3A = vector.bitcast %gather3A_537 : vector<16xi32> to vector<32xbf16>
        %bitcast3A_539 = vector.bitcast %gather3A_538 : vector<16xi32> to vector<32xbf16>
        %sub3A_540 = arith.subf %bitcast3A, %bitcast3A_539 : vector<32xbf16>
        %max3A = arith.maximumf %broadcast_in_dim3A_31, %sub3A_540 : vector<32xbf16>
        %gather3A_541 = tpu.vector_load_idx %arg6[%broadcast_in_dim3A_536, %gather3A_312] : memref<48x1024xi32, #tpu.memory_space<vmem>>[vector<16xi32>, vector<16xi32>], vector<16xi32>,
        %gather3A_542 = tpu.vector_load_idx %arg6[%broadcast_in_dim3A_536, %gather3A_368] : memref<48x1024xi32, #tpu.memory_space<vmem>>[vector<16xi32>, vector<16xi32>], vector<16xi32>,
        %bitcast3A_543 = vector.bitcast %gather3A_541 : vector<16xi32> to vector<32xbf16>
        %bitcast3A_544 = vector.bitcast %gather3A_542 : vector<16xi32> to vector<32xbf16>
        %sub3A_545 = arith.subf %bitcast3A_543, %bitcast3A_544 : vector<32xbf16>
        %max3A_546 = arith.maximumf %max3A, %sub3A_545 : vector<32xbf16>
        %gather3A_547 = tpu.vector_load_idx %arg6[%broadcast_in_dim3A_536, %gather3A_319] : memref<48x1024xi32, #tpu.memory_space<vmem>>[vector<16xi32>, vector<16xi32>], vector<16xi32>,
        %gather3A_548 = tpu.vector_load_idx %arg6[%broadcast_in_dim3A_536, %gather3A_375] : memref<48x1024xi32, #tpu.memory_space<vmem>>[vector<16xi32>, vector<16xi32>], vector<16xi32>,
        %bitcast3A_549 = vector.bitcast %gather3A_547 : vector<16xi32> to vector<32xbf16>
        %bitcast3A_550 = vector.bitcast %gather3A_548 : vector<16xi32> to vector<32xbf16>
        %sub3A_551 = arith.subf %bitcast3A_549, %bitcast3A_550 : vector<32xbf16>
        %max3A_552 = arith.maximumf %max3A_546, %sub3A_551 : vector<32xbf16>
        %gather3A_553 = tpu.vector_load_idx %arg6[%broadcast_in_dim3A_536, %gather3A_326] : memref<48x1024xi32, #tpu.memory_space<vmem>>[vector<16xi32>, vector<16xi32>], vector<16xi32>,
        %gather3A_554 = tpu.vector_load_idx %arg6[%broadcast_in_dim3A_536, %gather3A_382] : memref<48x1024xi32, #tpu.memory_space<vmem>>[vector<16xi32>, vector<16xi32>], vector<16xi32>,
        %bitcast3A_555 = vector.bitcast %gather3A_553 : vector<16xi32> to vector<32xbf16>
        %bitcast3A_556 = vector.bitcast %gather3A_554 : vector<16xi32> to vector<32xbf16>
        %sub3A_557 = arith.subf %bitcast3A_555, %bitcast3A_556 : vector<32xbf16>
        %max3A_558 = arith.maximumf %max3A_552, %sub3A_557 : vector<32xbf16>
        %gather3A_559 = tpu.vector_load_idx %arg6[%broadcast_in_dim3A_536, %gather3A_333] : memref<48x1024xi32, #tpu.memory_space<vmem>>[vector<16xi32>, vector<16xi32>], vector<16xi32>,
        %gather3A_560 = tpu.vector_load_idx %arg6[%broadcast_in_dim3A_536, %gather3A_389] : memref<48x1024xi32, #tpu.memory_space<vmem>>[vector<16xi32>, vector<16xi32>], vector<16xi32>,
        %bitcast3A_561 = vector.bitcast %gather3A_559 : vector<16xi32> to vector<32xbf16>
        %bitcast3A_562 = vector.bitcast %gather3A_560 : vector<16xi32> to vector<32xbf16>
        %sub3A_563 = arith.subf %bitcast3A_561, %bitcast3A_562 : vector<32xbf16>
        %max3A_564 = arith.maximumf %max3A_558, %sub3A_563 : vector<32xbf16>
        %gather3A_565 = tpu.vector_load_idx %arg6[%broadcast_in_dim3A_536, %gather3A_340] : memref<48x1024xi32, #tpu.memory_space<vmem>>[vector<16xi32>, vector<16xi32>], vector<16xi32>,
        %gather3A_566 = tpu.vector_load_idx %arg6[%broadcast_in_dim3A_536, %gather3A_396] : memref<48x1024xi32, #tpu.memory_space<vmem>>[vector<16xi32>, vector<16xi32>], vector<16xi32>,
        %bitcast3A_567 = vector.bitcast %gather3A_565 : vector<16xi32> to vector<32xbf16>
        %bitcast3A_568 = vector.bitcast %gather3A_566 : vector<16xi32> to vector<32xbf16>
        %sub3A_569 = arith.subf %bitcast3A_567, %bitcast3A_568 : vector<32xbf16>
        %max3A_570 = arith.maximumf %max3A_564, %sub3A_569 : vector<32xbf16>
        %gather3A_571 = tpu.vector_load_idx %arg6[%broadcast_in_dim3A_536, %gather3A_347] : memref<48x1024xi32, #tpu.memory_space<vmem>>[vector<16xi32>, vector<16xi32>], vector<16xi32>,
        %gather3A_572 = tpu.vector_load_idx %arg6[%broadcast_in_dim3A_536, %gather3A_403] : memref<48x1024xi32, #tpu.memory_space<vmem>>[vector<16xi32>, vector<16xi32>], vector<16xi32>,
        %bitcast3A_573 = vector.bitcast %gather3A_571 : vector<16xi32> to vector<32xbf16>
        %bitcast3A_574 = vector.bitcast %gather3A_572 : vector<16xi32> to vector<32xbf16>
        %sub3A_575 = arith.subf %bitcast3A_573, %bitcast3A_574 : vector<32xbf16>
        %max3A_576 = arith.maximumf %max3A_570, %sub3A_575 : vector<32xbf16>
        %gather3A_577 = tpu.vector_load_idx %arg6[%broadcast_in_dim3A_536, %gather3A_354] : memref<48x1024xi32, #tpu.memory_space<vmem>>[vector<16xi32>, vector<16xi32>], vector<16xi32>,
        %gather3A_578 = tpu.vector_load_idx %arg6[%broadcast_in_dim3A_536, %gather3A_410] : memref<48x1024xi32, #tpu.memory_space<vmem>>[vector<16xi32>, vector<16xi32>], vector<16xi32>,
        %bitcast3A_579 = vector.bitcast %gather3A_577 : vector<16xi32> to vector<32xbf16>
        %bitcast3A_580 = vector.bitcast %gather3A_578 : vector<16xi32> to vector<32xbf16>
        %sub3A_581 = arith.subf %bitcast3A_579, %bitcast3A_580 : vector<32xbf16>
        %max3A_582 = arith.maximumf %max3A_576, %sub3A_581 : vector<32xbf16>
        %bitcast3A_583 = vector.bitcast %max3A_582 : vector<32xbf16> to vector<16xi32>
        tpu.vector_store_idx %arg11[%broadcast_in_dim3A_536, %add3A_299], %bitcast3A_583 : memref<48x128xi32, #tpu.memory_space<vmem>>[vector<16xi32>, vector<16xi32>], vector<16xi32>,
      }
      %scan3A_416 = arith.constant 48 : i32
      %mul3A_417 = arith.constant 16 : i32
      %mul3A_418 = vector.broadcast %mul3A_417 : i32 to vector<16xi32>
      %mul3A_419 = arith.muli %add3A_299, %mul3A_418 : vector<16xi32>
      %add3A_420 = arith.constant 8 : i32
      %add3A_421 = vector.broadcast %add3A_420 : i32 to vector<16xi32>
      %add3A_422 = arith.addi %mul3A_419, %add3A_421 : vector<16xi32>
      %gather3A_423 = tpu.vector_load_idx %arg7[%add3A_422] : memref<2048xi32, #tpu.memory_space<vmem>>[vector<16xi32>], vector<16xi32>,
      %mul3A_424 = arith.constant 16 : i32
      %mul3A_425 = vector.broadcast %mul3A_424 : i32 to vector<16xi32>
      %mul3A_426 = arith.muli %add3A_299, %mul3A_425 : vector<16xi32>
      %add3A_427 = arith.constant 9 : i32
      %add3A_428 = vector.broadcast %add3A_427 : i32 to vector<16xi32>
      %add3A_429 = arith.addi %mul3A_426, %add3A_428 : vector<16xi32>
      %gather3A_430 = tpu.vector_load_idx %arg7[%add3A_429] : memref<2048xi32, #tpu.memory_space<vmem>>[vector<16xi32>], vector<16xi32>,
      %mul3A_431 = arith.constant 16 : i32
      %mul3A_432 = vector.broadcast %mul3A_431 : i32 to vector<16xi32>
      %mul3A_433 = arith.muli %add3A_299, %mul3A_432 : vector<16xi32>
      %add3A_434 = arith.constant 10 : i32
      %add3A_435 = vector.broadcast %add3A_434 : i32 to vector<16xi32>
      %add3A_436 = arith.addi %mul3A_433, %add3A_435 : vector<16xi32>
      %gather3A_437 = tpu.vector_load_idx %arg7[%add3A_436] : memref<2048xi32, #tpu.memory_space<vmem>>[vector<16xi32>], vector<16xi32>,
      %mul3A_438 = arith.constant 16 : i32
      %mul3A_439 = vector.broadcast %mul3A_438 : i32 to vector<16xi32>
      %mul3A_440 = arith.muli %add3A_299, %mul3A_439 : vector<16xi32>
      %add3A_441 = arith.constant 11 : i32
      %add3A_442 = vector.broadcast %add3A_441 : i32 to vector<16xi32>
      %add3A_443 = arith.addi %mul3A_440, %add3A_442 : vector<16xi32>
      %gather3A_444 = tpu.vector_load_idx %arg7[%add3A_443] : memref<2048xi32, #tpu.memory_space<vmem>>[vector<16xi32>], vector<16xi32>,
      %mul3A_445 = arith.constant 16 : i32
      %mul3A_446 = vector.broadcast %mul3A_445 : i32 to vector<16xi32>
      %mul3A_447 = arith.muli %add3A_299, %mul3A_446 : vector<16xi32>
      %add3A_448 = arith.constant 12 : i32
      %add3A_449 = vector.broadcast %add3A_448 : i32 to vector<16xi32>
      %add3A_450 = arith.addi %mul3A_447, %add3A_449 : vector<16xi32>
      %gather3A_451 = tpu.vector_load_idx %arg7[%add3A_450] : memref<2048xi32, #tpu.memory_space<vmem>>[vector<16xi32>], vector<16xi32>,
      %mul3A_452 = arith.constant 16 : i32
      %mul3A_453 = vector.broadcast %mul3A_452 : i32 to vector<16xi32>
      %mul3A_454 = arith.muli %add3A_299, %mul3A_453 : vector<16xi32>
      %add3A_455 = arith.constant 13 : i32
      %add3A_456 = vector.broadcast %add3A_455 : i32 to vector<16xi32>
      %add3A_457 = arith.addi %mul3A_454, %add3A_456 : vector<16xi32>
      %gather3A_458 = tpu.vector_load_idx %arg7[%add3A_457] : memref<2048xi32, #tpu.memory_space<vmem>>[vector<16xi32>], vector<16xi32>,
      %mul3A_459 = arith.constant 16 : i32
      %mul3A_460 = vector.broadcast %mul3A_459 : i32 to vector<16xi32>
      %mul3A_461 = arith.muli %add3A_299, %mul3A_460 : vector<16xi32>
      %add3A_462 = arith.constant 14 : i32
      %add3A_463 = vector.broadcast %add3A_462 : i32 to vector<16xi32>
      %add3A_464 = arith.addi %mul3A_461, %add3A_463 : vector<16xi32>
      %gather3A_465 = tpu.vector_load_idx %arg7[%add3A_464] : memref<2048xi32, #tpu.memory_space<vmem>>[vector<16xi32>], vector<16xi32>,
      %mul3A_466 = arith.constant 16 : i32
      %mul3A_467 = vector.broadcast %mul3A_466 : i32 to vector<16xi32>
      %mul3A_468 = arith.muli %add3A_299, %mul3A_467 : vector<16xi32>
      %add3A_469 = arith.constant 15 : i32
      %add3A_470 = vector.broadcast %add3A_469 : i32 to vector<16xi32>
      %add3A_471 = arith.addi %mul3A_468, %add3A_470 : vector<16xi32>
      %gather3A_472 = tpu.vector_load_idx %arg7[%add3A_471] : memref<2048xi32, #tpu.memory_space<vmem>>[vector<16xi32>], vector<16xi32>,
      %mul3A_473 = arith.constant 16 : i32
      %mul3A_474 = vector.broadcast %mul3A_473 : i32 to vector<16xi32>
      %mul3A_475 = arith.muli %add3A_299, %mul3A_474 : vector<16xi32>
      %add3A_476 = arith.constant 8 : i32
      %add3A_477 = vector.broadcast %add3A_476 : i32 to vector<16xi32>
      %add3A_478 = arith.addi %mul3A_475, %add3A_477 : vector<16xi32>
      %gather3A_479 = tpu.vector_load_idx %arg8[%add3A_478] : memref<2048xi32, #tpu.memory_space<vmem>>[vector<16xi32>], vector<16xi32>,
      %mul3A_480 = arith.constant 16 : i32
      %mul3A_481 = vector.broadcast %mul3A_480 : i32 to vector<16xi32>
      %mul3A_482 = arith.muli %add3A_299, %mul3A_481 : vector<16xi32>
      %add3A_483 = arith.constant 9 : i32
      %add3A_484 = vector.broadcast %add3A_483 : i32 to vector<16xi32>
      %add3A_485 = arith.addi %mul3A_482, %add3A_484 : vector<16xi32>
      %gather3A_486 = tpu.vector_load_idx %arg8[%add3A_485] : memref<2048xi32, #tpu.memory_space<vmem>>[vector<16xi32>], vector<16xi32>,
      %mul3A_487 = arith.constant 16 : i32
      %mul3A_488 = vector.broadcast %mul3A_487 : i32 to vector<16xi32>
      %mul3A_489 = arith.muli %add3A_299, %mul3A_488 : vector<16xi32>
      %add3A_490 = arith.constant 10 : i32
      %add3A_491 = vector.broadcast %add3A_490 : i32 to vector<16xi32>
      %add3A_492 = arith.addi %mul3A_489, %add3A_491 : vector<16xi32>
      %gather3A_493 = tpu.vector_load_idx %arg8[%add3A_492] : memref<2048xi32, #tpu.memory_space<vmem>>[vector<16xi32>], vector<16xi32>,
      %mul3A_494 = arith.constant 16 : i32
      %mul3A_495 = vector.broadcast %mul3A_494 : i32 to vector<16xi32>
      %mul3A_496 = arith.muli %add3A_299, %mul3A_495 : vector<16xi32>
      %add3A_497 = arith.constant 11 : i32
      %add3A_498 = vector.broadcast %add3A_497 : i32 to vector<16xi32>
      %add3A_499 = arith.addi %mul3A_496, %add3A_498 : vector<16xi32>
      %gather3A_500 = tpu.vector_load_idx %arg8[%add3A_499] : memref<2048xi32, #tpu.memory_space<vmem>>[vector<16xi32>], vector<16xi32>,
      %mul3A_501 = arith.constant 16 : i32
      %mul3A_502 = vector.broadcast %mul3A_501 : i32 to vector<16xi32>
      %mul3A_503 = arith.muli %add3A_299, %mul3A_502 : vector<16xi32>
      %add3A_504 = arith.constant 12 : i32
      %add3A_505 = vector.broadcast %add3A_504 : i32 to vector<16xi32>
      %add3A_506 = arith.addi %mul3A_503, %add3A_505 : vector<16xi32>
      %gather3A_507 = tpu.vector_load_idx %arg8[%add3A_506] : memref<2048xi32, #tpu.memory_space<vmem>>[vector<16xi32>], vector<16xi32>,
      %mul3A_508 = arith.constant 16 : i32
      %mul3A_509 = vector.broadcast %mul3A_508 : i32 to vector<16xi32>
      %mul3A_510 = arith.muli %add3A_299, %mul3A_509 : vector<16xi32>
      %add3A_511 = arith.constant 13 : i32
      %add3A_512 = vector.broadcast %add3A_511 : i32 to vector<16xi32>
      %add3A_513 = arith.addi %mul3A_510, %add3A_512 : vector<16xi32>
      %gather3A_514 = tpu.vector_load_idx %arg8[%add3A_513] : memref<2048xi32, #tpu.memory_space<vmem>>[vector<16xi32>], vector<16xi32>,
      %mul3A_515 = arith.constant 16 : i32
      %mul3A_516 = vector.broadcast %mul3A_515 : i32 to vector<16xi32>
      %mul3A_517 = arith.muli %add3A_299, %mul3A_516 : vector<16xi32>
      %add3A_518 = arith.constant 14 : i32
      %add3A_519 = vector.broadcast %add3A_518 : i32 to vector<16xi32>
      %add3A_520 = arith.addi %mul3A_517, %add3A_519 : vector<16xi32>
      %gather3A_521 = tpu.vector_load_idx %arg8[%add3A_520] : memref<2048xi32, #tpu.memory_space<vmem>>[vector<16xi32>], vector<16xi32>,
      %mul3A_522 = arith.constant 16 : i32
      %mul3A_523 = vector.broadcast %mul3A_522 : i32 to vector<16xi32>
      %mul3A_524 = arith.muli %add3A_299, %mul3A_523 : vector<16xi32>
      %add3A_525 = arith.constant 15 : i32
      %add3A_526 = vector.broadcast %add3A_525 : i32 to vector<16xi32>
      %add3A_527 = arith.addi %mul3A_524, %add3A_526 : vector<16xi32>
      %gather3A_528 = tpu.vector_load_idx %arg8[%add3A_527] : memref<2048xi32, #tpu.memory_space<vmem>>[vector<16xi32>], vector<16xi32>,
      %scan3A_529 = arith.constant 0 : i32
      %scan3A_530 = arith.constant 0 : i32
      %scan3A_531 = arith.constant 48 : i32
      %scan3A_532 = arith.addi %scan3A_530, %scan3A_531 : i32
      %scan3A_533 = arith.constant 1 : i32
      scf.for %scan3A_535 = %scan3A_530 to %scan3A_532 step %scan3A_533  : i32 {
        %broadcast_in_dim3A_536 = vector.broadcast %scan3A_535 : i32 to vector<16xi32>
        %gather3A_537 = tpu.vector_load_idx %arg6[%broadcast_in_dim3A_536, %gather3A_423] : memref<48x1024xi32, #tpu.memory_space<vmem>>[vector<16xi32>, vector<16xi32>], vector<16xi32>,
        %gather3A_538 = tpu.vector_load_idx %arg6[%broadcast_in_dim3A_536, %gather3A_479] : memref<48x1024xi32, #tpu.memory_space<vmem>>[vector<16xi32>, vector<16xi32>], vector<16xi32>,
        %bitcast3A = vector.bitcast %gather3A_537 : vector<16xi32> to vector<32xbf16>
        %bitcast3A_539 = vector.bitcast %gather3A_538 : vector<16xi32> to vector<32xbf16>
        %sub3A_540 = arith.subf %bitcast3A, %bitcast3A_539 : vector<32xbf16>
        %max3A = arith.maximumf %broadcast_in_dim3A_31, %sub3A_540 : vector<32xbf16>
        %gather3A_541 = tpu.vector_load_idx %arg6[%broadcast_in_dim3A_536, %gather3A_430] : memref<48x1024xi32, #tpu.memory_space<vmem>>[vector<16xi32>, vector<16xi32>], vector<16xi32>,
        %gather3A_542 = tpu.vector_load_idx %arg6[%broadcast_in_dim3A_536, %gather3A_486] : memref<48x1024xi32, #tpu.memory_space<vmem>>[vector<16xi32>, vector<16xi32>], vector<16xi32>,
        %bitcast3A_543 = vector.bitcast %gather3A_541 : vector<16xi32> to vector<32xbf16>
        %bitcast3A_544 = vector.bitcast %gather3A_542 : vector<16xi32> to vector<32xbf16>
        %sub3A_545 = arith.subf %bitcast3A_543, %bitcast3A_544 : vector<32xbf16>
        %max3A_546 = arith.maximumf %max3A, %sub3A_545 : vector<32xbf16>
        %gather3A_547 = tpu.vector_load_idx %arg6[%broadcast_in_dim3A_536, %gather3A_437] : memref<48x1024xi32, #tpu.memory_space<vmem>>[vector<16xi32>, vector<16xi32>], vector<16xi32>,
        %gather3A_548 = tpu.vector_load_idx %arg6[%broadcast_in_dim3A_536, %gather3A_493] : memref<48x1024xi32, #tpu.memory_space<vmem>>[vector<16xi32>, vector<16xi32>], vector<16xi32>,
        %bitcast3A_549 = vector.bitcast %gather3A_547 : vector<16xi32> to vector<32xbf16>
        %bitcast3A_550 = vector.bitcast %gather3A_548 : vector<16xi32> to vector<32xbf16>
        %sub3A_551 = arith.subf %bitcast3A_549, %bitcast3A_550 : vector<32xbf16>
        %max3A_552 = arith.maximumf %max3A_546, %sub3A_551 : vector<32xbf16>
        %gather3A_553 = tpu.vector_load_idx %arg6[%broadcast_in_dim3A_536, %gather3A_444] : memref<48x1024xi32, #tpu.memory_space<vmem>>[vector<16xi32>, vector<16xi32>], vector<16xi32>,
        %gather3A_554 = tpu.vector_load_idx %arg6[%broadcast_in_dim3A_536, %gather3A_500] : memref<48x1024xi32, #tpu.memory_space<vmem>>[vector<16xi32>, vector<16xi32>], vector<16xi32>,
        %bitcast3A_555 = vector.bitcast %gather3A_553 : vector<16xi32> to vector<32xbf16>
        %bitcast3A_556 = vector.bitcast %gather3A_554 : vector<16xi32> to vector<32xbf16>
        %sub3A_557 = arith.subf %bitcast3A_555, %bitcast3A_556 : vector<32xbf16>
        %max3A_558 = arith.maximumf %max3A_552, %sub3A_557 : vector<32xbf16>
        %gather3A_559 = tpu.vector_load_idx %arg6[%broadcast_in_dim3A_536, %gather3A_451] : memref<48x1024xi32, #tpu.memory_space<vmem>>[vector<16xi32>, vector<16xi32>], vector<16xi32>,
        %gather3A_560 = tpu.vector_load_idx %arg6[%broadcast_in_dim3A_536, %gather3A_507] : memref<48x1024xi32, #tpu.memory_space<vmem>>[vector<16xi32>, vector<16xi32>], vector<16xi32>,
        %bitcast3A_561 = vector.bitcast %gather3A_559 : vector<16xi32> to vector<32xbf16>
        %bitcast3A_562 = vector.bitcast %gather3A_560 : vector<16xi32> to vector<32xbf16>
        %sub3A_563 = arith.subf %bitcast3A_561, %bitcast3A_562 : vector<32xbf16>
        %max3A_564 = arith.maximumf %max3A_558, %sub3A_563 : vector<32xbf16>
        %gather3A_565 = tpu.vector_load_idx %arg6[%broadcast_in_dim3A_536, %gather3A_458] : memref<48x1024xi32, #tpu.memory_space<vmem>>[vector<16xi32>, vector<16xi32>], vector<16xi32>,
        %gather3A_566 = tpu.vector_load_idx %arg6[%broadcast_in_dim3A_536, %gather3A_514] : memref<48x1024xi32, #tpu.memory_space<vmem>>[vector<16xi32>, vector<16xi32>], vector<16xi32>,
        %bitcast3A_567 = vector.bitcast %gather3A_565 : vector<16xi32> to vector<32xbf16>
        %bitcast3A_568 = vector.bitcast %gather3A_566 : vector<16xi32> to vector<32xbf16>
        %sub3A_569 = arith.subf %bitcast3A_567, %bitcast3A_568 : vector<32xbf16>
        %max3A_570 = arith.maximumf %max3A_564, %sub3A_569 : vector<32xbf16>
        %gather3A_571 = tpu.vector_load_idx %arg6[%broadcast_in_dim3A_536, %gather3A_465] : memref<48x1024xi32, #tpu.memory_space<vmem>>[vector<16xi32>, vector<16xi32>], vector<16xi32>,
        %gather3A_572 = tpu.vector_load_idx %arg6[%broadcast_in_dim3A_536, %gather3A_521] : memref<48x1024xi32, #tpu.memory_space<vmem>>[vector<16xi32>, vector<16xi32>], vector<16xi32>,
        %bitcast3A_573 = vector.bitcast %gather3A_571 : vector<16xi32> to vector<32xbf16>
        %bitcast3A_574 = vector.bitcast %gather3A_572 : vector<16xi32> to vector<32xbf16>
        %sub3A_575 = arith.subf %bitcast3A_573, %bitcast3A_574 : vector<32xbf16>
        %max3A_576 = arith.maximumf %max3A_570, %sub3A_575 : vector<32xbf16>
        %gather3A_577 = tpu.vector_load_idx %arg6[%broadcast_in_dim3A_536, %gather3A_472] : memref<48x1024xi32, #tpu.memory_space<vmem>>[vector<16xi32>, vector<16xi32>], vector<16xi32>,
        %gather3A_578 = tpu.vector_load_idx %arg6[%broadcast_in_dim3A_536, %gather3A_528] : memref<48x1024xi32, #tpu.memory_space<vmem>>[vector<16xi32>, vector<16xi32>], vector<16xi32>,
        %bitcast3A_579 = vector.bitcast %gather3A_577 : vector<16xi32> to vector<32xbf16>
        %bitcast3A_580 = vector.bitcast %gather3A_578 : vector<16xi32> to vector<32xbf16>
        %sub3A_581 = arith.subf %bitcast3A_579, %bitcast3A_580 : vector<32xbf16>
        %max3A_582 = arith.maximumf %max3A_576, %sub3A_581 : vector<32xbf16>
        %gather3A_583 = tpu.vector_load_idx %arg11[%broadcast_in_dim3A_536, %add3A_299] : memref<48x128xi32, #tpu.memory_space<vmem>>[vector<16xi32>, vector<16xi32>], vector<16xi32>,
        %bitcast3A_584 = vector.bitcast %gather3A_583 : vector<16xi32> to vector<32xbf16>
        %max3A_585 = arith.maximumf %max3A_582, %bitcast3A_584 : vector<32xbf16>
        %bitcast3A_586 = vector.bitcast %max3A_585 : vector<32xbf16> to vector<16xi32>
        tpu.vector_store_idx %arg11[%broadcast_in_dim3A_536, %add3A_299], %bitcast3A_586 : memref<48x128xi32, #tpu.memory_space<vmem>>[vector<16xi32>, vector<16xi32>], vector<16xi32>,
      }
      %scan3A_534 = arith.constant 48 : i32
    }
    %scan3A_240 = arith.constant 8 : i32
    %mul3A_241 = arith.constant 512 : i32
    %mul3A_242 = arith.muli %select_n3A_30, %mul3A_241 : i32
    %add3A_243 = arith.constant 256 : i32
    %add3A_244 = arith.addi %mul3A_242, %add3A_243 : i32
    %dma_start3A_245 = arith.constant 0 : i32
    %dma_start3A_246 = tpu.memref_slice %arg4[%select_n3A, %dma_start3A_245, %add3A_244] : memref<16x48x1024xi32, #tpu.memory_space<hbm>> -> memref<1x48x128xi32, #tpu.memory_space<hbm>>
    %dma_start3A_247 = tpu.memref_squeeze %dma_start3A_246 : memref<1x48x128xi32, #tpu.memory_space<hbm>> -> memref<48x128xi32, #tpu.memory_space<hbm>>
    %dma_start3A_248 = arith.constant 0 : i32
    %dma_start3A_249 = tpu.memref_slice %arg4[%select_n3A, %dma_start3A_248, %add3A_244] : memref<16x48x1024xi32, #tpu.memory_space<hbm>> -> memref<1x48x128xi32, #tpu.memory_space<hbm>>
    %dma_start3A_250 = tpu.memref_squeeze %dma_start3A_249 : memref<1x48x128xi32, #tpu.memory_space<hbm>> -> memref<48x128xi32, #tpu.memory_space<hbm>>
    tpu.enqueue_dma source(%arg11 : memref<48x128xi32, #tpu.memory_space<vmem>>) target(%dma_start3A_250 : memref<48x128xi32, #tpu.memory_space<hbm>>) target_semaphore(%arg16 : memref<!tpu.dma_semaphore, #tpu.memory_space<semaphore_mem>>)
    %dma_wait3A_251 = arith.constant 0 : i32
    %dma_wait3A_252 = tpu.memref_slice %arg3[%dma_wait3A_251, %select_n3A, %mul3A_216] : memref<2x16x16384xi32, #tpu.memory_space<hbm>> -> memref<1x1x2048xi32, #tpu.memory_space<hbm>>
    %dma_wait3A_253 = tpu.memref_squeeze %dma_wait3A_252 : memref<1x1x2048xi32, #tpu.memory_space<hbm>> -> memref<2048xi32, #tpu.memory_space<hbm>>
    %dma_wait3A_254 = tpu.memref_slice %arg3[%dma_wait3A_251, %select_n3A, %mul3A_216] : memref<2x16x16384xi32, #tpu.memory_space<hbm>> -> memref<1x1x2048xi32, #tpu.memory_space<hbm>>
    %dma_wait3A_255 = tpu.memref_squeeze %dma_wait3A_254 : memref<1x1x2048xi32, #tpu.memory_space<hbm>> -> memref<2048xi32, #tpu.memory_space<hbm>>
    tpu.wait_dma2 semaphore(%arg15 : memref<!tpu.dma_semaphore, #tpu.memory_space<semaphore_mem>>) src(%dma_wait3A_255 : memref<2048xi32, #tpu.memory_space<hbm>>) dst(%arg9 : memref<2048xi32, #tpu.memory_space<vmem>>)
    %dma_wait3A_256 = arith.constant 1 : i32
    %dma_wait3A_257 = tpu.memref_slice %arg3[%dma_wait3A_256, %select_n3A, %mul3A_223] : memref<2x16x16384xi32, #tpu.memory_space<hbm>> -> memref<1x1x2048xi32, #tpu.memory_space<hbm>>
    %dma_wait3A_258 = tpu.memref_squeeze %dma_wait3A_257 : memref<1x1x2048xi32, #tpu.memory_space<hbm>> -> memref<2048xi32, #tpu.memory_space<hbm>>
    %dma_wait3A_259 = tpu.memref_slice %arg3[%dma_wait3A_256, %select_n3A, %mul3A_223] : memref<2x16x16384xi32, #tpu.memory_space<hbm>> -> memref<1x1x2048xi32, #tpu.memory_space<hbm>>
    %dma_wait3A_260 = tpu.memref_squeeze %dma_wait3A_259 : memref<1x1x2048xi32, #tpu.memory_space<hbm>> -> memref<2048xi32, #tpu.memory_space<hbm>>
    tpu.wait_dma2 semaphore(%arg15 : memref<!tpu.dma_semaphore, #tpu.memory_space<semaphore_mem>>) src(%dma_wait3A_260 : memref<2048xi32, #tpu.memory_space<hbm>>) dst(%arg10 : memref<2048xi32, #tpu.memory_space<vmem>>)
    %dma_wait3A_261 = arith.constant 0 : i32
    %dma_wait3A_262 = tpu.memref_slice %arg4[%select_n3A, %dma_wait3A_261, %add3A_194] : memref<16x48x1024xi32, #tpu.memory_space<hbm>> -> memref<1x48x128xi32, #tpu.memory_space<hbm>>
    %dma_wait3A_263 = tpu.memref_squeeze %dma_wait3A_262 : memref<1x48x128xi32, #tpu.memory_space<hbm>> -> memref<48x128xi32, #tpu.memory_space<hbm>>
    %dma_wait3A_264 = arith.constant 0 : i32
    %dma_wait3A_265 = tpu.memref_slice %arg4[%select_n3A, %dma_wait3A_264, %add3A_194] : memref<16x48x1024xi32, #tpu.memory_space<hbm>> -> memref<1x48x128xi32, #tpu.memory_space<hbm>>
    %dma_wait3A_266 = tpu.memref_squeeze %dma_wait3A_265 : memref<1x48x128xi32, #tpu.memory_space<hbm>> -> memref<48x128xi32, #tpu.memory_space<hbm>>
    tpu.wait_dma2 semaphore(%arg17 : memref<!tpu.dma_semaphore, #tpu.memory_space<semaphore_mem>>) src(%arg12 : memref<48x128xi32, #tpu.memory_space<vmem>>) dst(%dma_wait3A_266 : memref<48x128xi32, #tpu.memory_space<hbm>>)
    %scan3A_267 = arith.constant 0 : i32
    %scan3A_268 = arith.constant 0 : i32
    %scan3A_269 = arith.constant 8 : i32
    %scan3A_270 = arith.addi %scan3A_268, %scan3A_269 : i32
    %scan3A_271 = arith.constant 1 : i32
    scf.for %scan3A_295 = %scan3A_268 to %scan3A_270 step %scan3A_271  : i32 {
      %mul3A_296 = arith.constant 16 : i32
      %mul3A_297 = arith.muli %scan3A_295, %mul3A_296 : i32
      %add3A_298 = vector.broadcast %mul3A_297 : i32 to vector<16xi32>
      %add3A_299 = arith.addi %add3A_298, %iota3A : vector<16xi32>
      %mul3A_300 = arith.constant 16 : i32
      %mul3A_301 = vector.broadcast %mul3A_300 : i32 to vector<16xi32>
      %mul3A_302 = arith.muli %add3A_299, %mul3A_301 : vector<16xi32>
      %add3A_303 = arith.constant 0 : i32
      %add3A_304 = vector.broadcast %add3A_303 : i32 to vector<16xi32>
      %add3A_305 = arith.addi %mul3A_302, %add3A_304 : vector<16xi32>
      %gather3A = tpu.vector_load_idx %arg9[%add3A_305] : memref<2048xi32, #tpu.memory_space<vmem>>[vector<16xi32>], vector<16xi32>,
      %mul3A_306 = arith.constant 16 : i32
      %mul3A_307 = vector.broadcast %mul3A_306 : i32 to vector<16xi32>
      %mul3A_308 = arith.muli %add3A_299, %mul3A_307 : vector<16xi32>
      %add3A_309 = arith.constant 1 : i32
      %add3A_310 = vector.broadcast %add3A_309 : i32 to vector<16xi32>
      %add3A_311 = arith.addi %mul3A_308, %add3A_310 : vector<16xi32>
      %gather3A_312 = tpu.vector_load_idx %arg9[%add3A_311] : memref<2048xi32, #tpu.memory_space<vmem>>[vector<16xi32>], vector<16xi32>,
      %mul3A_313 = arith.constant 16 : i32
      %mul3A_314 = vector.broadcast %mul3A_313 : i32 to vector<16xi32>
      %mul3A_315 = arith.muli %add3A_299, %mul3A_314 : vector<16xi32>
      %add3A_316 = arith.constant 2 : i32
      %add3A_317 = vector.broadcast %add3A_316 : i32 to vector<16xi32>
      %add3A_318 = arith.addi %mul3A_315, %add3A_317 : vector<16xi32>
      %gather3A_319 = tpu.vector_load_idx %arg9[%add3A_318] : memref<2048xi32, #tpu.memory_space<vmem>>[vector<16xi32>], vector<16xi32>,
      %mul3A_320 = arith.constant 16 : i32
      %mul3A_321 = vector.broadcast %mul3A_320 : i32 to vector<16xi32>
      %mul3A_322 = arith.muli %add3A_299, %mul3A_321 : vector<16xi32>
      %add3A_323 = arith.constant 3 : i32
      %add3A_324 = vector.broadcast %add3A_323 : i32 to vector<16xi32>
      %add3A_325 = arith.addi %mul3A_322, %add3A_324 : vector<16xi32>
      %gather3A_326 = tpu.vector_load_idx %arg9[%add3A_325] : memref<2048xi32, #tpu.memory_space<vmem>>[vector<16xi32>], vector<16xi32>,
      %mul3A_327 = arith.constant 16 : i32
      %mul3A_328 = vector.broadcast %mul3A_327 : i32 to vector<16xi32>
      %mul3A_329 = arith.muli %add3A_299, %mul3A_328 : vector<16xi32>
      %add3A_330 = arith.constant 4 : i32
      %add3A_331 = vector.broadcast %add3A_330 : i32 to vector<16xi32>
      %add3A_332 = arith.addi %mul3A_329, %add3A_331 : vector<16xi32>
      %gather3A_333 = tpu.vector_load_idx %arg9[%add3A_332] : memref<2048xi32, #tpu.memory_space<vmem>>[vector<16xi32>], vector<16xi32>,
      %mul3A_334 = arith.constant 16 : i32
      %mul3A_335 = vector.broadcast %mul3A_334 : i32 to vector<16xi32>
      %mul3A_336 = arith.muli %add3A_299, %mul3A_335 : vector<16xi32>
      %add3A_337 = arith.constant 5 : i32
      %add3A_338 = vector.broadcast %add3A_337 : i32 to vector<16xi32>
      %add3A_339 = arith.addi %mul3A_336, %add3A_338 : vector<16xi32>
      %gather3A_340 = tpu.vector_load_idx %arg9[%add3A_339] : memref<2048xi32, #tpu.memory_space<vmem>>[vector<16xi32>], vector<16xi32>,
      %mul3A_341 = arith.constant 16 : i32
      %mul3A_342 = vector.broadcast %mul3A_341 : i32 to vector<16xi32>
      %mul3A_343 = arith.muli %add3A_299, %mul3A_342 : vector<16xi32>
      %add3A_344 = arith.constant 6 : i32
      %add3A_345 = vector.broadcast %add3A_344 : i32 to vector<16xi32>
      %add3A_346 = arith.addi %mul3A_343, %add3A_345 : vector<16xi32>
      %gather3A_347 = tpu.vector_load_idx %arg9[%add3A_346] : memref<2048xi32, #tpu.memory_space<vmem>>[vector<16xi32>], vector<16xi32>,
      %mul3A_348 = arith.constant 16 : i32
      %mul3A_349 = vector.broadcast %mul3A_348 : i32 to vector<16xi32>
      %mul3A_350 = arith.muli %add3A_299, %mul3A_349 : vector<16xi32>
      %add3A_351 = arith.constant 7 : i32
      %add3A_352 = vector.broadcast %add3A_351 : i32 to vector<16xi32>
      %add3A_353 = arith.addi %mul3A_350, %add3A_352 : vector<16xi32>
      %gather3A_354 = tpu.vector_load_idx %arg9[%add3A_353] : memref<2048xi32, #tpu.memory_space<vmem>>[vector<16xi32>], vector<16xi32>,
      %mul3A_355 = arith.constant 16 : i32
      %mul3A_356 = vector.broadcast %mul3A_355 : i32 to vector<16xi32>
      %mul3A_357 = arith.muli %add3A_299, %mul3A_356 : vector<16xi32>
      %add3A_358 = arith.constant 0 : i32
      %add3A_359 = vector.broadcast %add3A_358 : i32 to vector<16xi32>
      %add3A_360 = arith.addi %mul3A_357, %add3A_359 : vector<16xi32>
      %gather3A_361 = tpu.vector_load_idx %arg10[%add3A_360] : memref<2048xi32, #tpu.memory_space<vmem>>[vector<16xi32>], vector<16xi32>,
      %mul3A_362 = arith.constant 16 : i32
      %mul3A_363 = vector.broadcast %mul3A_362 : i32 to vector<16xi32>
      %mul3A_364 = arith.muli %add3A_299, %mul3A_363 : vector<16xi32>
      %add3A_365 = arith.constant 1 : i32
      %add3A_366 = vector.broadcast %add3A_365 : i32 to vector<16xi32>
      %add3A_367 = arith.addi %mul3A_364, %add3A_366 : vector<16xi32>
      %gather3A_368 = tpu.vector_load_idx %arg10[%add3A_367] : memref<2048xi32, #tpu.memory_space<vmem>>[vector<16xi32>], vector<16xi32>,
      %mul3A_369 = arith.constant 16 : i32
      %mul3A_370 = vector.broadcast %mul3A_369 : i32 to vector<16xi32>
      %mul3A_371 = arith.muli %add3A_299, %mul3A_370 : vector<16xi32>
      %add3A_372 = arith.constant 2 : i32
      %add3A_373 = vector.broadcast %add3A_372 : i32 to vector<16xi32>
      %add3A_374 = arith.addi %mul3A_371, %add3A_373 : vector<16xi32>
      %gather3A_375 = tpu.vector_load_idx %arg10[%add3A_374] : memref<2048xi32, #tpu.memory_space<vmem>>[vector<16xi32>], vector<16xi32>,
      %mul3A_376 = arith.constant 16 : i32
      %mul3A_377 = vector.broadcast %mul3A_376 : i32 to vector<16xi32>
      %mul3A_378 = arith.muli %add3A_299, %mul3A_377 : vector<16xi32>
      %add3A_379 = arith.constant 3 : i32
      %add3A_380 = vector.broadcast %add3A_379 : i32 to vector<16xi32>
      %add3A_381 = arith.addi %mul3A_378, %add3A_380 : vector<16xi32>
      %gather3A_382 = tpu.vector_load_idx %arg10[%add3A_381] : memref<2048xi32, #tpu.memory_space<vmem>>[vector<16xi32>], vector<16xi32>,
      %mul3A_383 = arith.constant 16 : i32
      %mul3A_384 = vector.broadcast %mul3A_383 : i32 to vector<16xi32>
      %mul3A_385 = arith.muli %add3A_299, %mul3A_384 : vector<16xi32>
      %add3A_386 = arith.constant 4 : i32
      %add3A_387 = vector.broadcast %add3A_386 : i32 to vector<16xi32>
      %add3A_388 = arith.addi %mul3A_385, %add3A_387 : vector<16xi32>
      %gather3A_389 = tpu.vector_load_idx %arg10[%add3A_388] : memref<2048xi32, #tpu.memory_space<vmem>>[vector<16xi32>], vector<16xi32>,
      %mul3A_390 = arith.constant 16 : i32
      %mul3A_391 = vector.broadcast %mul3A_390 : i32 to vector<16xi32>
      %mul3A_392 = arith.muli %add3A_299, %mul3A_391 : vector<16xi32>
      %add3A_393 = arith.constant 5 : i32
      %add3A_394 = vector.broadcast %add3A_393 : i32 to vector<16xi32>
      %add3A_395 = arith.addi %mul3A_392, %add3A_394 : vector<16xi32>
      %gather3A_396 = tpu.vector_load_idx %arg10[%add3A_395] : memref<2048xi32, #tpu.memory_space<vmem>>[vector<16xi32>], vector<16xi32>,
      %mul3A_397 = arith.constant 16 : i32
      %mul3A_398 = vector.broadcast %mul3A_397 : i32 to vector<16xi32>
      %mul3A_399 = arith.muli %add3A_299, %mul3A_398 : vector<16xi32>
      %add3A_400 = arith.constant 6 : i32
      %add3A_401 = vector.broadcast %add3A_400 : i32 to vector<16xi32>
      %add3A_402 = arith.addi %mul3A_399, %add3A_401 : vector<16xi32>
      %gather3A_403 = tpu.vector_load_idx %arg10[%add3A_402] : memref<2048xi32, #tpu.memory_space<vmem>>[vector<16xi32>], vector<16xi32>,
      %mul3A_404 = arith.constant 16 : i32
      %mul3A_405 = vector.broadcast %mul3A_404 : i32 to vector<16xi32>
      %mul3A_406 = arith.muli %add3A_299, %mul3A_405 : vector<16xi32>
      %add3A_407 = arith.constant 7 : i32
      %add3A_408 = vector.broadcast %add3A_407 : i32 to vector<16xi32>
      %add3A_409 = arith.addi %mul3A_406, %add3A_408 : vector<16xi32>
      %gather3A_410 = tpu.vector_load_idx %arg10[%add3A_409] : memref<2048xi32, #tpu.memory_space<vmem>>[vector<16xi32>], vector<16xi32>,
      %scan3A_411 = arith.constant 0 : i32
      %scan3A_412 = arith.constant 0 : i32
      %scan3A_413 = arith.constant 48 : i32
      %scan3A_414 = arith.addi %scan3A_412, %scan3A_413 : i32
      %scan3A_415 = arith.constant 1 : i32
      scf.for %scan3A_535 = %scan3A_412 to %scan3A_414 step %scan3A_415  : i32 {
        %broadcast_in_dim3A_536 = vector.broadcast %scan3A_535 : i32 to vector<16xi32>
        %gather3A_537 = tpu.vector_load_idx %arg6[%broadcast_in_dim3A_536, %gather3A] : memref<48x1024xi32, #tpu.memory_space<vmem>>[vector<16xi32>, vector<16xi32>], vector<16xi32>,
        %gather3A_538 = tpu.vector_load_idx %arg6[%broadcast_in_dim3A_536, %gather3A_361] : memref<48x1024xi32, #tpu.memory_space<vmem>>[vector<16xi32>, vector<16xi32>], vector<16xi32>,
        %bitcast3A = vector.bitcast %gather3A_537 : vector<16xi32> to vector<32xbf16>
        %bitcast3A_539 = vector.bitcast %gather3A_538 : vector<16xi32> to vector<32xbf16>
        %sub3A_540 = arith.subf %bitcast3A, %bitcast3A_539 : vector<32xbf16>
        %max3A = arith.maximumf %broadcast_in_dim3A_31, %sub3A_540 : vector<32xbf16>
        %gather3A_541 = tpu.vector_load_idx %arg6[%broadcast_in_dim3A_536, %gather3A_312] : memref<48x1024xi32, #tpu.memory_space<vmem>>[vector<16xi32>, vector<16xi32>], vector<16xi32>,
        %gather3A_542 = tpu.vector_load_idx %arg6[%broadcast_in_dim3A_536, %gather3A_368] : memref<48x1024xi32, #tpu.memory_space<vmem>>[vector<16xi32>, vector<16xi32>], vector<16xi32>,
        %bitcast3A_543 = vector.bitcast %gather3A_541 : vector<16xi32> to vector<32xbf16>
        %bitcast3A_544 = vector.bitcast %gather3A_542 : vector<16xi32> to vector<32xbf16>
        %sub3A_545 = arith.subf %bitcast3A_543, %bitcast3A_544 : vector<32xbf16>
        %max3A_546 = arith.maximumf %max3A, %sub3A_545 : vector<32xbf16>
        %gather3A_547 = tpu.vector_load_idx %arg6[%broadcast_in_dim3A_536, %gather3A_319] : memref<48x1024xi32, #tpu.memory_space<vmem>>[vector<16xi32>, vector<16xi32>], vector<16xi32>,
        %gather3A_548 = tpu.vector_load_idx %arg6[%broadcast_in_dim3A_536, %gather3A_375] : memref<48x1024xi32, #tpu.memory_space<vmem>>[vector<16xi32>, vector<16xi32>], vector<16xi32>,
        %bitcast3A_549 = vector.bitcast %gather3A_547 : vector<16xi32> to vector<32xbf16>
        %bitcast3A_550 = vector.bitcast %gather3A_548 : vector<16xi32> to vector<32xbf16>
        %sub3A_551 = arith.subf %bitcast3A_549, %bitcast3A_550 : vector<32xbf16>
        %max3A_552 = arith.maximumf %max3A_546, %sub3A_551 : vector<32xbf16>
        %gather3A_553 = tpu.vector_load_idx %arg6[%broadcast_in_dim3A_536, %gather3A_326] : memref<48x1024xi32, #tpu.memory_space<vmem>>[vector<16xi32>, vector<16xi32>], vector<16xi32>,
        %gather3A_554 = tpu.vector_load_idx %arg6[%broadcast_in_dim3A_536, %gather3A_382] : memref<48x1024xi32, #tpu.memory_space<vmem>>[vector<16xi32>, vector<16xi32>], vector<16xi32>,
        %bitcast3A_555 = vector.bitcast %gather3A_553 : vector<16xi32> to vector<32xbf16>
        %bitcast3A_556 = vector.bitcast %gather3A_554 : vector<16xi32> to vector<32xbf16>
        %sub3A_557 = arith.subf %bitcast3A_555, %bitcast3A_556 : vector<32xbf16>
        %max3A_558 = arith.maximumf %max3A_552, %sub3A_557 : vector<32xbf16>
        %gather3A_559 = tpu.vector_load_idx %arg6[%broadcast_in_dim3A_536, %gather3A_333] : memref<48x1024xi32, #tpu.memory_space<vmem>>[vector<16xi32>, vector<16xi32>], vector<16xi32>,
        %gather3A_560 = tpu.vector_load_idx %arg6[%broadcast_in_dim3A_536, %gather3A_389] : memref<48x1024xi32, #tpu.memory_space<vmem>>[vector<16xi32>, vector<16xi32>], vector<16xi32>,
        %bitcast3A_561 = vector.bitcast %gather3A_559 : vector<16xi32> to vector<32xbf16>
        %bitcast3A_562 = vector.bitcast %gather3A_560 : vector<16xi32> to vector<32xbf16>
        %sub3A_563 = arith.subf %bitcast3A_561, %bitcast3A_562 : vector<32xbf16>
        %max3A_564 = arith.maximumf %max3A_558, %sub3A_563 : vector<32xbf16>
        %gather3A_565 = tpu.vector_load_idx %arg6[%broadcast_in_dim3A_536, %gather3A_340] : memref<48x1024xi32, #tpu.memory_space<vmem>>[vector<16xi32>, vector<16xi32>], vector<16xi32>,
        %gather3A_566 = tpu.vector_load_idx %arg6[%broadcast_in_dim3A_536, %gather3A_396] : memref<48x1024xi32, #tpu.memory_space<vmem>>[vector<16xi32>, vector<16xi32>], vector<16xi32>,
        %bitcast3A_567 = vector.bitcast %gather3A_565 : vector<16xi32> to vector<32xbf16>
        %bitcast3A_568 = vector.bitcast %gather3A_566 : vector<16xi32> to vector<32xbf16>
        %sub3A_569 = arith.subf %bitcast3A_567, %bitcast3A_568 : vector<32xbf16>
        %max3A_570 = arith.maximumf %max3A_564, %sub3A_569 : vector<32xbf16>
        %gather3A_571 = tpu.vector_load_idx %arg6[%broadcast_in_dim3A_536, %gather3A_347] : memref<48x1024xi32, #tpu.memory_space<vmem>>[vector<16xi32>, vector<16xi32>], vector<16xi32>,
        %gather3A_572 = tpu.vector_load_idx %arg6[%broadcast_in_dim3A_536, %gather3A_403] : memref<48x1024xi32, #tpu.memory_space<vmem>>[vector<16xi32>, vector<16xi32>], vector<16xi32>,
        %bitcast3A_573 = vector.bitcast %gather3A_571 : vector<16xi32> to vector<32xbf16>
        %bitcast3A_574 = vector.bitcast %gather3A_572 : vector<16xi32> to vector<32xbf16>
        %sub3A_575 = arith.subf %bitcast3A_573, %bitcast3A_574 : vector<32xbf16>
        %max3A_576 = arith.maximumf %max3A_570, %sub3A_575 : vector<32xbf16>
        %gather3A_577 = tpu.vector_load_idx %arg6[%broadcast_in_dim3A_536, %gather3A_354] : memref<48x1024xi32, #tpu.memory_space<vmem>>[vector<16xi32>, vector<16xi32>], vector<16xi32>,
        %gather3A_578 = tpu.vector_load_idx %arg6[%broadcast_in_dim3A_536, %gather3A_410] : memref<48x1024xi32, #tpu.memory_space<vmem>>[vector<16xi32>, vector<16xi32>], vector<16xi32>,
        %bitcast3A_579 = vector.bitcast %gather3A_577 : vector<16xi32> to vector<32xbf16>
        %bitcast3A_580 = vector.bitcast %gather3A_578 : vector<16xi32> to vector<32xbf16>
        %sub3A_581 = arith.subf %bitcast3A_579, %bitcast3A_580 : vector<32xbf16>
        %max3A_582 = arith.maximumf %max3A_576, %sub3A_581 : vector<32xbf16>
        %bitcast3A_583 = vector.bitcast %max3A_582 : vector<32xbf16> to vector<16xi32>
        tpu.vector_store_idx %arg12[%broadcast_in_dim3A_536, %add3A_299], %bitcast3A_583 : memref<48x128xi32, #tpu.memory_space<vmem>>[vector<16xi32>, vector<16xi32>], vector<16xi32>,
      }
      %scan3A_416 = arith.constant 48 : i32
      %mul3A_417 = arith.constant 16 : i32
      %mul3A_418 = vector.broadcast %mul3A_417 : i32 to vector<16xi32>
      %mul3A_419 = arith.muli %add3A_299, %mul3A_418 : vector<16xi32>
      %add3A_420 = arith.constant 8 : i32
      %add3A_421 = vector.broadcast %add3A_420 : i32 to vector<16xi32>
      %add3A_422 = arith.addi %mul3A_419, %add3A_421 : vector<16xi32>
      %gather3A_423 = tpu.vector_load_idx %arg9[%add3A_422] : memref<2048xi32, #tpu.memory_space<vmem>>[vector<16xi32>], vector<16xi32>,
      %mul3A_424 = arith.constant 16 : i32
      %mul3A_425 = vector.broadcast %mul3A_424 : i32 to vector<16xi32>
      %mul3A_426 = arith.muli %add3A_299, %mul3A_425 : vector<16xi32>
      %add3A_427 = arith.constant 9 : i32
      %add3A_428 = vector.broadcast %add3A_427 : i32 to vector<16xi32>
      %add3A_429 = arith.addi %mul3A_426, %add3A_428 : vector<16xi32>
      %gather3A_430 = tpu.vector_load_idx %arg9[%add3A_429] : memref<2048xi32, #tpu.memory_space<vmem>>[vector<16xi32>], vector<16xi32>,
      %mul3A_431 = arith.constant 16 : i32
      %mul3A_432 = vector.broadcast %mul3A_431 : i32 to vector<16xi32>
      %mul3A_433 = arith.muli %add3A_299, %mul3A_432 : vector<16xi32>
      %add3A_434 = arith.constant 10 : i32
      %add3A_435 = vector.broadcast %add3A_434 : i32 to vector<16xi32>
      %add3A_436 = arith.addi %mul3A_433, %add3A_435 : vector<16xi32>
      %gather3A_437 = tpu.vector_load_idx %arg9[%add3A_436] : memref<2048xi32, #tpu.memory_space<vmem>>[vector<16xi32>], vector<16xi32>,
      %mul3A_438 = arith.constant 16 : i32
      %mul3A_439 = vector.broadcast %mul3A_438 : i32 to vector<16xi32>
      %mul3A_440 = arith.muli %add3A_299, %mul3A_439 : vector<16xi32>
      %add3A_441 = arith.constant 11 : i32
      %add3A_442 = vector.broadcast %add3A_441 : i32 to vector<16xi32>
      %add3A_443 = arith.addi %mul3A_440, %add3A_442 : vector<16xi32>
      %gather3A_444 = tpu.vector_load_idx %arg9[%add3A_443] : memref<2048xi32, #tpu.memory_space<vmem>>[vector<16xi32>], vector<16xi32>,
      %mul3A_445 = arith.constant 16 : i32
      %mul3A_446 = vector.broadcast %mul3A_445 : i32 to vector<16xi32>
      %mul3A_447 = arith.muli %add3A_299, %mul3A_446 : vector<16xi32>
      %add3A_448 = arith.constant 12 : i32
      %add3A_449 = vector.broadcast %add3A_448 : i32 to vector<16xi32>
      %add3A_450 = arith.addi %mul3A_447, %add3A_449 : vector<16xi32>
      %gather3A_451 = tpu.vector_load_idx %arg9[%add3A_450] : memref<2048xi32, #tpu.memory_space<vmem>>[vector<16xi32>], vector<16xi32>,
      %mul3A_452 = arith.constant 16 : i32
      %mul3A_453 = vector.broadcast %mul3A_452 : i32 to vector<16xi32>
      %mul3A_454 = arith.muli %add3A_299, %mul3A_453 : vector<16xi32>
      %add3A_455 = arith.constant 13 : i32
      %add3A_456 = vector.broadcast %add3A_455 : i32 to vector<16xi32>
      %add3A_457 = arith.addi %mul3A_454, %add3A_456 : vector<16xi32>
      %gather3A_458 = tpu.vector_load_idx %arg9[%add3A_457] : memref<2048xi32, #tpu.memory_space<vmem>>[vector<16xi32>], vector<16xi32>,
      %mul3A_459 = arith.constant 16 : i32
      %mul3A_460 = vector.broadcast %mul3A_459 : i32 to vector<16xi32>
      %mul3A_461 = arith.muli %add3A_299, %mul3A_460 : vector<16xi32>
      %add3A_462 = arith.constant 14 : i32
      %add3A_463 = vector.broadcast %add3A_462 : i32 to vector<16xi32>
      %add3A_464 = arith.addi %mul3A_461, %add3A_463 : vector<16xi32>
      %gather3A_465 = tpu.vector_load_idx %arg9[%add3A_464] : memref<2048xi32, #tpu.memory_space<vmem>>[vector<16xi32>], vector<16xi32>,
      %mul3A_466 = arith.constant 16 : i32
      %mul3A_467 = vector.broadcast %mul3A_466 : i32 to vector<16xi32>
      %mul3A_468 = arith.muli %add3A_299, %mul3A_467 : vector<16xi32>
      %add3A_469 = arith.constant 15 : i32
      %add3A_470 = vector.broadcast %add3A_469 : i32 to vector<16xi32>
      %add3A_471 = arith.addi %mul3A_468, %add3A_470 : vector<16xi32>
      %gather3A_472 = tpu.vector_load_idx %arg9[%add3A_471] : memref<2048xi32, #tpu.memory_space<vmem>>[vector<16xi32>], vector<16xi32>,
      %mul3A_473 = arith.constant 16 : i32
      %mul3A_474 = vector.broadcast %mul3A_473 : i32 to vector<16xi32>
      %mul3A_475 = arith.muli %add3A_299, %mul3A_474 : vector<16xi32>
      %add3A_476 = arith.constant 8 : i32
      %add3A_477 = vector.broadcast %add3A_476 : i32 to vector<16xi32>
      %add3A_478 = arith.addi %mul3A_475, %add3A_477 : vector<16xi32>
      %gather3A_479 = tpu.vector_load_idx %arg10[%add3A_478] : memref<2048xi32, #tpu.memory_space<vmem>>[vector<16xi32>], vector<16xi32>,
      %mul3A_480 = arith.constant 16 : i32
      %mul3A_481 = vector.broadcast %mul3A_480 : i32 to vector<16xi32>
      %mul3A_482 = arith.muli %add3A_299, %mul3A_481 : vector<16xi32>
      %add3A_483 = arith.constant 9 : i32
      %add3A_484 = vector.broadcast %add3A_483 : i32 to vector<16xi32>
      %add3A_485 = arith.addi %mul3A_482, %add3A_484 : vector<16xi32>
      %gather3A_486 = tpu.vector_load_idx %arg10[%add3A_485] : memref<2048xi32, #tpu.memory_space<vmem>>[vector<16xi32>], vector<16xi32>,
      %mul3A_487 = arith.constant 16 : i32
      %mul3A_488 = vector.broadcast %mul3A_487 : i32 to vector<16xi32>
      %mul3A_489 = arith.muli %add3A_299, %mul3A_488 : vector<16xi32>
      %add3A_490 = arith.constant 10 : i32
      %add3A_491 = vector.broadcast %add3A_490 : i32 to vector<16xi32>
      %add3A_492 = arith.addi %mul3A_489, %add3A_491 : vector<16xi32>
      %gather3A_493 = tpu.vector_load_idx %arg10[%add3A_492] : memref<2048xi32, #tpu.memory_space<vmem>>[vector<16xi32>], vector<16xi32>,
      %mul3A_494 = arith.constant 16 : i32
      %mul3A_495 = vector.broadcast %mul3A_494 : i32 to vector<16xi32>
      %mul3A_496 = arith.muli %add3A_299, %mul3A_495 : vector<16xi32>
      %add3A_497 = arith.constant 11 : i32
      %add3A_498 = vector.broadcast %add3A_497 : i32 to vector<16xi32>
      %add3A_499 = arith.addi %mul3A_496, %add3A_498 : vector<16xi32>
      %gather3A_500 = tpu.vector_load_idx %arg10[%add3A_499] : memref<2048xi32, #tpu.memory_space<vmem>>[vector<16xi32>], vector<16xi32>,
      %mul3A_501 = arith.constant 16 : i32
      %mul3A_502 = vector.broadcast %mul3A_501 : i32 to vector<16xi32>
      %mul3A_503 = arith.muli %add3A_299, %mul3A_502 : vector<16xi32>
      %add3A_504 = arith.constant 12 : i32
      %add3A_505 = vector.broadcast %add3A_504 : i32 to vector<16xi32>
      %add3A_506 = arith.addi %mul3A_503, %add3A_505 : vector<16xi32>
      %gather3A_507 = tpu.vector_load_idx %arg10[%add3A_506] : memref<2048xi32, #tpu.memory_space<vmem>>[vector<16xi32>], vector<16xi32>,
      %mul3A_508 = arith.constant 16 : i32
      %mul3A_509 = vector.broadcast %mul3A_508 : i32 to vector<16xi32>
      %mul3A_510 = arith.muli %add3A_299, %mul3A_509 : vector<16xi32>
      %add3A_511 = arith.constant 13 : i32
      %add3A_512 = vector.broadcast %add3A_511 : i32 to vector<16xi32>
      %add3A_513 = arith.addi %mul3A_510, %add3A_512 : vector<16xi32>
      %gather3A_514 = tpu.vector_load_idx %arg10[%add3A_513] : memref<2048xi32, #tpu.memory_space<vmem>>[vector<16xi32>], vector<16xi32>,
      %mul3A_515 = arith.constant 16 : i32
      %mul3A_516 = vector.broadcast %mul3A_515 : i32 to vector<16xi32>
      %mul3A_517 = arith.muli %add3A_299, %mul3A_516 : vector<16xi32>
      %add3A_518 = arith.constant 14 : i32
      %add3A_519 = vector.broadcast %add3A_518 : i32 to vector<16xi32>
      %add3A_520 = arith.addi %mul3A_517, %add3A_519 : vector<16xi32>
      %gather3A_521 = tpu.vector_load_idx %arg10[%add3A_520] : memref<2048xi32, #tpu.memory_space<vmem>>[vector<16xi32>], vector<16xi32>,
      %mul3A_522 = arith.constant 16 : i32
      %mul3A_523 = vector.broadcast %mul3A_522 : i32 to vector<16xi32>
      %mul3A_524 = arith.muli %add3A_299, %mul3A_523 : vector<16xi32>
      %add3A_525 = arith.constant 15 : i32
      %add3A_526 = vector.broadcast %add3A_525 : i32 to vector<16xi32>
      %add3A_527 = arith.addi %mul3A_524, %add3A_526 : vector<16xi32>
      %gather3A_528 = tpu.vector_load_idx %arg10[%add3A_527] : memref<2048xi32, #tpu.memory_space<vmem>>[vector<16xi32>], vector<16xi32>,
      %scan3A_529 = arith.constant 0 : i32
      %scan3A_530 = arith.constant 0 : i32
      %scan3A_531 = arith.constant 48 : i32
      %scan3A_532 = arith.addi %scan3A_530, %scan3A_531 : i32
      %scan3A_533 = arith.constant 1 : i32
      scf.for %scan3A_535 = %scan3A_530 to %scan3A_532 step %scan3A_533  : i32 {
        %broadcast_in_dim3A_536 = vector.broadcast %scan3A_535 : i32 to vector<16xi32>
        %gather3A_537 = tpu.vector_load_idx %arg6[%broadcast_in_dim3A_536, %gather3A_423] : memref<48x1024xi32, #tpu.memory_space<vmem>>[vector<16xi32>, vector<16xi32>], vector<16xi32>,
        %gather3A_538 = tpu.vector_load_idx %arg6[%broadcast_in_dim3A_536, %gather3A_479] : memref<48x1024xi32, #tpu.memory_space<vmem>>[vector<16xi32>, vector<16xi32>], vector<16xi32>,
        %bitcast3A = vector.bitcast %gather3A_537 : vector<16xi32> to vector<32xbf16>
        %bitcast3A_539 = vector.bitcast %gather3A_538 : vector<16xi32> to vector<32xbf16>
        %sub3A_540 = arith.subf %bitcast3A, %bitcast3A_539 : vector<32xbf16>
        %max3A = arith.maximumf %broadcast_in_dim3A_31, %sub3A_540 : vector<32xbf16>
        %gather3A_541 = tpu.vector_load_idx %arg6[%broadcast_in_dim3A_536, %gather3A_430] : memref<48x1024xi32, #tpu.memory_space<vmem>>[vector<16xi32>, vector<16xi32>], vector<16xi32>,
        %gather3A_542 = tpu.vector_load_idx %arg6[%broadcast_in_dim3A_536, %gather3A_486] : memref<48x1024xi32, #tpu.memory_space<vmem>>[vector<16xi32>, vector<16xi32>], vector<16xi32>,
        %bitcast3A_543 = vector.bitcast %gather3A_541 : vector<16xi32> to vector<32xbf16>
        %bitcast3A_544 = vector.bitcast %gather3A_542 : vector<16xi32> to vector<32xbf16>
        %sub3A_545 = arith.subf %bitcast3A_543, %bitcast3A_544 : vector<32xbf16>
        %max3A_546 = arith.maximumf %max3A, %sub3A_545 : vector<32xbf16>
        %gather3A_547 = tpu.vector_load_idx %arg6[%broadcast_in_dim3A_536, %gather3A_437] : memref<48x1024xi32, #tpu.memory_space<vmem>>[vector<16xi32>, vector<16xi32>], vector<16xi32>,
        %gather3A_548 = tpu.vector_load_idx %arg6[%broadcast_in_dim3A_536, %gather3A_493] : memref<48x1024xi32, #tpu.memory_space<vmem>>[vector<16xi32>, vector<16xi32>], vector<16xi32>,
        %bitcast3A_549 = vector.bitcast %gather3A_547 : vector<16xi32> to vector<32xbf16>
        %bitcast3A_550 = vector.bitcast %gather3A_548 : vector<16xi32> to vector<32xbf16>
        %sub3A_551 = arith.subf %bitcast3A_549, %bitcast3A_550 : vector<32xbf16>
        %max3A_552 = arith.maximumf %max3A_546, %sub3A_551 : vector<32xbf16>
        %gather3A_553 = tpu.vector_load_idx %arg6[%broadcast_in_dim3A_536, %gather3A_444] : memref<48x1024xi32, #tpu.memory_space<vmem>>[vector<16xi32>, vector<16xi32>], vector<16xi32>,
        %gather3A_554 = tpu.vector_load_idx %arg6[%broadcast_in_dim3A_536, %gather3A_500] : memref<48x1024xi32, #tpu.memory_space<vmem>>[vector<16xi32>, vector<16xi32>], vector<16xi32>,
        %bitcast3A_555 = vector.bitcast %gather3A_553 : vector<16xi32> to vector<32xbf16>
        %bitcast3A_556 = vector.bitcast %gather3A_554 : vector<16xi32> to vector<32xbf16>
        %sub3A_557 = arith.subf %bitcast3A_555, %bitcast3A_556 : vector<32xbf16>
        %max3A_558 = arith.maximumf %max3A_552, %sub3A_557 : vector<32xbf16>
        %gather3A_559 = tpu.vector_load_idx %arg6[%broadcast_in_dim3A_536, %gather3A_451] : memref<48x1024xi32, #tpu.memory_space<vmem>>[vector<16xi32>, vector<16xi32>], vector<16xi32>,
        %gather3A_560 = tpu.vector_load_idx %arg6[%broadcast_in_dim3A_536, %gather3A_507] : memref<48x1024xi32, #tpu.memory_space<vmem>>[vector<16xi32>, vector<16xi32>], vector<16xi32>,
        %bitcast3A_561 = vector.bitcast %gather3A_559 : vector<16xi32> to vector<32xbf16>
        %bitcast3A_562 = vector.bitcast %gather3A_560 : vector<16xi32> to vector<32xbf16>
        %sub3A_563 = arith.subf %bitcast3A_561, %bitcast3A_562 : vector<32xbf16>
        %max3A_564 = arith.maximumf %max3A_558, %sub3A_563 : vector<32xbf16>
        %gather3A_565 = tpu.vector_load_idx %arg6[%broadcast_in_dim3A_536, %gather3A_458] : memref<48x1024xi32, #tpu.memory_space<vmem>>[vector<16xi32>, vector<16xi32>], vector<16xi32>,
        %gather3A_566 = tpu.vector_load_idx %arg6[%broadcast_in_dim3A_536, %gather3A_514] : memref<48x1024xi32, #tpu.memory_space<vmem>>[vector<16xi32>, vector<16xi32>], vector<16xi32>,
        %bitcast3A_567 = vector.bitcast %gather3A_565 : vector<16xi32> to vector<32xbf16>
        %bitcast3A_568 = vector.bitcast %gather3A_566 : vector<16xi32> to vector<32xbf16>
        %sub3A_569 = arith.subf %bitcast3A_567, %bitcast3A_568 : vector<32xbf16>
        %max3A_570 = arith.maximumf %max3A_564, %sub3A_569 : vector<32xbf16>
        %gather3A_571 = tpu.vector_load_idx %arg6[%broadcast_in_dim3A_536, %gather3A_465] : memref<48x1024xi32, #tpu.memory_space<vmem>>[vector<16xi32>, vector<16xi32>], vector<16xi32>,
        %gather3A_572 = tpu.vector_load_idx %arg6[%broadcast_in_dim3A_536, %gather3A_521] : memref<48x1024xi32, #tpu.memory_space<vmem>>[vector<16xi32>, vector<16xi32>], vector<16xi32>,
        %bitcast3A_573 = vector.bitcast %gather3A_571 : vector<16xi32> to vector<32xbf16>
        %bitcast3A_574 = vector.bitcast %gather3A_572 : vector<16xi32> to vector<32xbf16>
        %sub3A_575 = arith.subf %bitcast3A_573, %bitcast3A_574 : vector<32xbf16>
        %max3A_576 = arith.maximumf %max3A_570, %sub3A_575 : vector<32xbf16>
        %gather3A_577 = tpu.vector_load_idx %arg6[%broadcast_in_dim3A_536, %gather3A_472] : memref<48x1024xi32, #tpu.memory_space<vmem>>[vector<16xi32>, vector<16xi32>], vector<16xi32>,
        %gather3A_578 = tpu.vector_load_idx %arg6[%broadcast_in_dim3A_536, %gather3A_528] : memref<48x1024xi32, #tpu.memory_space<vmem>>[vector<16xi32>, vector<16xi32>], vector<16xi32>,
        %bitcast3A_579 = vector.bitcast %gather3A_577 : vector<16xi32> to vector<32xbf16>
        %bitcast3A_580 = vector.bitcast %gather3A_578 : vector<16xi32> to vector<32xbf16>
        %sub3A_581 = arith.subf %bitcast3A_579, %bitcast3A_580 : vector<32xbf16>
        %max3A_582 = arith.maximumf %max3A_576, %sub3A_581 : vector<32xbf16>
        %gather3A_583 = tpu.vector_load_idx %arg12[%broadcast_in_dim3A_536, %add3A_299] : memref<48x128xi32, #tpu.memory_space<vmem>>[vector<16xi32>, vector<16xi32>], vector<16xi32>,
        %bitcast3A_584 = vector.bitcast %gather3A_583 : vector<16xi32> to vector<32xbf16>
        %max3A_585 = arith.maximumf %max3A_582, %bitcast3A_584 : vector<32xbf16>
        %bitcast3A_586 = vector.bitcast %max3A_585 : vector<32xbf16> to vector<16xi32>
        tpu.vector_store_idx %arg12[%broadcast_in_dim3A_536, %add3A_299], %bitcast3A_586 : memref<48x128xi32, #tpu.memory_space<vmem>>[vector<16xi32>, vector<16xi32>], vector<16xi32>,
      }
      %scan3A_534 = arith.constant 48 : i32
    }
    %scan3A_272 = arith.constant 8 : i32
    %mul3A_273 = arith.constant 512 : i32
    %mul3A_274 = arith.muli %select_n3A_30, %mul3A_273 : i32
    %add3A_275 = arith.constant 384 : i32
    %add3A_276 = arith.addi %mul3A_274, %add3A_275 : i32
    %dma_start3A_277 = arith.constant 0 : i32
    %dma_start3A_278 = tpu.memref_slice %arg4[%select_n3A, %dma_start3A_277, %add3A_276] : memref<16x48x1024xi32, #tpu.memory_space<hbm>> -> memref<1x48x128xi32, #tpu.memory_space<hbm>>
    %dma_start3A_279 = tpu.memref_squeeze %dma_start3A_278 : memref<1x48x128xi32, #tpu.memory_space<hbm>> -> memref<48x128xi32, #tpu.memory_space<hbm>>
    %dma_start3A_280 = arith.constant 0 : i32
    %dma_start3A_281 = tpu.memref_slice %arg4[%select_n3A, %dma_start3A_280, %add3A_276] : memref<16x48x1024xi32, #tpu.memory_space<hbm>> -> memref<1x48x128xi32, #tpu.memory_space<hbm>>
    %dma_start3A_282 = tpu.memref_squeeze %dma_start3A_281 : memref<1x48x128xi32, #tpu.memory_space<hbm>> -> memref<48x128xi32, #tpu.memory_space<hbm>>
    tpu.enqueue_dma source(%arg12 : memref<48x128xi32, #tpu.memory_space<vmem>>) target(%dma_start3A_282 : memref<48x128xi32, #tpu.memory_space<hbm>>) target_semaphore(%arg17 : memref<!tpu.dma_semaphore, #tpu.memory_space<semaphore_mem>>)
    %dma_wait3A_283 = arith.constant 0 : i32
    %dma_wait3A_284 = tpu.memref_slice %arg4[%select_n3A, %dma_wait3A_283, %add3A_244] : memref<16x48x1024xi32, #tpu.memory_space<hbm>> -> memref<1x48x128xi32, #tpu.memory_space<hbm>>
    %dma_wait3A_285 = tpu.memref_squeeze %dma_wait3A_284 : memref<1x48x128xi32, #tpu.memory_space<hbm>> -> memref<48x128xi32, #tpu.memory_space<hbm>>
    %dma_wait3A_286 = arith.constant 0 : i32
    %dma_wait3A_287 = tpu.memref_slice %arg4[%select_n3A, %dma_wait3A_286, %add3A_244] : memref<16x48x1024xi32, #tpu.memory_space<hbm>> -> memref<1x48x128xi32, #tpu.memory_space<hbm>>
    %dma_wait3A_288 = tpu.memref_squeeze %dma_wait3A_287 : memref<1x48x128xi32, #tpu.memory_space<hbm>> -> memref<48x128xi32, #tpu.memory_space<hbm>>
    tpu.wait_dma2 semaphore(%arg16 : memref<!tpu.dma_semaphore, #tpu.memory_space<semaphore_mem>>) src(%arg11 : memref<48x128xi32, #tpu.memory_space<vmem>>) dst(%dma_wait3A_288 : memref<48x128xi32, #tpu.memory_space<hbm>>)
    %dma_wait3A_289 = arith.constant 0 : i32
    %dma_wait3A_290 = tpu.memref_slice %arg4[%select_n3A, %dma_wait3A_289, %add3A_276] : memref<16x48x1024xi32, #tpu.memory_space<hbm>> -> memref<1x48x128xi32, #tpu.memory_space<hbm>>
    %dma_wait3A_291 = tpu.memref_squeeze %dma_wait3A_290 : memref<1x48x128xi32, #tpu.memory_space<hbm>> -> memref<48x128xi32, #tpu.memory_space<hbm>>
    %dma_wait3A_292 = arith.constant 0 : i32
    %dma_wait3A_293 = tpu.memref_slice %arg4[%select_n3A, %dma_wait3A_292, %add3A_276] : memref<16x48x1024xi32, #tpu.memory_space<hbm>> -> memref<1x48x128xi32, #tpu.memory_space<hbm>>
    %dma_wait3A_294 = tpu.memref_squeeze %dma_wait3A_293 : memref<1x48x128xi32, #tpu.memory_space<hbm>> -> memref<48x128xi32, #tpu.memory_space<hbm>>
    tpu.wait_dma2 semaphore(%arg17 : memref<!tpu.dma_semaphore, #tpu.memory_space<semaphore_mem>>) src(%arg12 : memref<48x128xi32, #tpu.memory_space<vmem>>) dst(%dma_wait3A_294 : memref<48x128xi32, #tpu.memory_space<hbm>>)
    return
  }
}

module attributes {stable_mosaic.version = 14 : i64} {
  func.func @_mlp(%arg0: i32, %arg1: i32, %arg2: memref<1x96x1024xf32, #tpu.memory_space<vmem>>, %arg3: memref<1x48x1024xi32, #tpu.memory_space<vmem>>, %arg4: memref<192x96xf32, #tpu.memory_space<vmem>>, %arg5: memref<192x48xf32, #tpu.memory_space<vmem>>, %arg6: memref<192x48xf32, #tpu.memory_space<vmem>>, %arg7: memref<192x1xf32, #tpu.memory_space<vmem>>, %arg8: memref<192x1xf32, #tpu.memory_space<vmem>>, %arg9: memref<192x1xf32, #tpu.memory_space<vmem>>, %arg10: memref<96x192xf32, #tpu.memory_space<vmem>>, %arg11: memref<96x1xf32, #tpu.memory_space<vmem>>, %arg12: memref<96x1xf32, #tpu.memory_space<vmem>>, %arg13: memref<96x1xf32, #tpu.memory_space<vmem>>, %arg14: memref<1x96x1024xf32, #tpu.memory_space<vmem>>, %arg15: memref<192x2xf32, #tpu.memory_space<vmem>>, %arg16: memref<96x2xf32, #tpu.memory_space<vmem>>, %arg17: memref<16x96x1024xf32, #tpu.memory_space<vmem>>) attributes {dimension_semantics = [#tpu.dimension_semantics<arbitrary>, #tpu.dimension_semantics<arbitrary>], iteration_bounds = array<i64: 3, 16>, scalar_prefetch = 0 : i64, scratch_operands = 3 : i64, tpu.core_type = #tpu.core_type<tc>, window_params = [{transform_indices = @transform_0, window_bounds = array<i64: 1, 96, 1024>}, {transform_indices = @transform_1, window_bounds = array<i64: 1, 48, 1024>}, {pipeline_mode = #tpu.pipeline_mode<synchronous>, transform_indices = @transform_2, window_bounds = array<i64: 192, 96>}, {pipeline_mode = #tpu.pipeline_mode<synchronous>, transform_indices = @transform_3, window_bounds = array<i64: 192, 48>}, {pipeline_mode = #tpu.pipeline_mode<synchronous>, transform_indices = @transform_4, window_bounds = array<i64: 192, 48>}, {pipeline_mode = #tpu.pipeline_mode<synchronous>, transform_indices = @transform_5, window_bounds = array<i64: 192, 1>}, {pipeline_mode = #tpu.pipeline_mode<synchronous>, transform_indices = @transform_6, window_bounds = array<i64: 192, 1>}, {pipeline_mode = #tpu.pipeline_mode<synchronous>, transform_indices = @transform_7, window_bounds = array<i64: 192, 1>}, {pipeline_mode = #tpu.pipeline_mode<synchronous>, transform_indices = @transform_8, window_bounds = array<i64: 96, 192>}, {pipeline_mode = #tpu.pipeline_mode<synchronous>, transform_indices = @transform_9, window_bounds = array<i64: 96, 1>}, {pipeline_mode = #tpu.pipeline_mode<synchronous>, transform_indices = @transform_10, window_bounds = array<i64: 96, 1>}, {pipeline_mode = #tpu.pipeline_mode<synchronous>, transform_indices = @transform_11, window_bounds = array<i64: 96, 1>}, {transform_indices = @transform_12, window_bounds = array<i64: 1, 96, 1024>}]} {
    %eq3A = arith.constant 0 : i32
    %eq3A_0 = arith.cmpi eq, %arg0, %eq3A : i32
    %convert_element_type3A = arith.extui %eq3A_0 : i1 to i32
    %cond3A = arith.constant 0 : i32
    %cond3A_1 = arith.cmpi ne, %convert_element_type3A, %cond3A : i32
    scf.if %cond3A_1 {
      %get3A = arith.constant 0 : index
      %get3A_12 = arith.constant 0 : index
      %get3A_13 = arith.constant 0 : index
      %get3A_14 = vector.load %arg3[%get3A, %get3A_12, %get3A_13] : memref<1x48x1024xi32, #tpu.memory_space<vmem>>, vector<1x48x1024xi32>
      %get3A_15 = vector.shape_cast %get3A_14 : vector<1x48x1024xi32> to vector<48x1024xi32>
      %shift_left3A = arith.constant 16 : i32
      %shift_left3A_16 = vector.broadcast %shift_left3A : i32 to vector<48x1024xi32>
      %shift_left3A_17 = arith.shli %get3A_15, %shift_left3A_16 : vector<48x1024xi32>
      %bitcast_convert_type3A = tpu.bitcast %shift_left3A_17 : vector<48x1024xi32> -> vector<48x1024xf32>
      %and3A = arith.constant -65536 : i32
      %and3A_18 = vector.broadcast %and3A : i32 to vector<48x1024xi32>
      %and3A_19 = arith.andi %get3A_15, %and3A_18 : vector<48x1024xi32>
      %bitcast_convert_type3A_20 = tpu.bitcast %and3A_19 : vector<48x1024xi32> -> vector<48x1024xf32>
      %get3A_21 = arith.constant 0 : index
      %get3A_22 = arith.constant 0 : index
      %get3A_23 = vector.load %arg4[%get3A_21, %get3A_22] : memref<192x96xf32, #tpu.memory_space<vmem>>, vector<192x96xf32>
      %get3A_24 = arith.constant 0 : index
      %get3A_25 = arith.constant 0 : index
      %get3A_26 = arith.constant 0 : index
      %get3A_27 = vector.load %arg2[%get3A_24, %get3A_25, %get3A_26] : memref<1x96x1024xf32, #tpu.memory_space<vmem>>, vector<1x96x1024xf32>
      %get3A_28 = vector.shape_cast %get3A_27 : vector<1x96x1024xf32> to vector<96x1024xf32>
      %dot_general3A = arith.constant dense<0.000000e+00> : vector<192x1024xf32>
      %dot_general3A_29 = tpu.matmul %get3A_23, %get3A_28, %dot_general3A {dimension_numbers = #tpu.dot_dimension_numbers<[1], [0], [0], [1], [0, 0, 1, 1], [], []>, precision = #tpu.contract_precision<fp32>, transpose_lhs_hint = false} : vector<192x96xf32>, vector<96x1024xf32>, vector<192x1024xf32> -> vector<192x1024xf32>
      %get3A_30 = arith.constant 0 : index
      %get3A_31 = arith.constant 0 : index
      %get3A_32 = vector.load %arg5[%get3A_30, %get3A_31] : memref<192x48xf32, #tpu.memory_space<vmem>>, vector<192x48xf32>
      %dot_general3A_33 = arith.constant dense<0.000000e+00> : vector<192x1024xf32>
      %dot_general3A_34 = tpu.matmul %get3A_32, %bitcast_convert_type3A, %dot_general3A_33 {dimension_numbers = #tpu.dot_dimension_numbers<[1], [0], [0], [1], [0, 0, 1, 1], [], []>, precision = #tpu.contract_precision<fp32>, transpose_lhs_hint = false} : vector<192x48xf32>, vector<48x1024xf32>, vector<192x1024xf32> -> vector<192x1024xf32>
      %add3A = arith.addf %dot_general3A_29, %dot_general3A_34 : vector<192x1024xf32>
      %get3A_35 = arith.constant 0 : index
      %get3A_36 = arith.constant 0 : index
      %get3A_37 = vector.load %arg6[%get3A_35, %get3A_36] : memref<192x48xf32, #tpu.memory_space<vmem>>, vector<192x48xf32>
      %dot_general3A_38 = arith.constant dense<0.000000e+00> : vector<192x1024xf32>
      %dot_general3A_39 = tpu.matmul %get3A_37, %bitcast_convert_type3A_20, %dot_general3A_38 {dimension_numbers = #tpu.dot_dimension_numbers<[1], [0], [0], [1], [0, 0, 1, 1], [], []>, precision = #tpu.contract_precision<fp32>, transpose_lhs_hint = false} : vector<192x48xf32>, vector<48x1024xf32>, vector<192x1024xf32> -> vector<192x1024xf32>
      %add3A_40 = arith.addf %add3A, %dot_general3A_39 : vector<192x1024xf32>
      %get3A_41 = arith.constant 0 : index
      %get3A_42 = arith.constant 0 : index
      %get3A_43 = vector.load %arg7[%get3A_41, %get3A_42] : memref<192x1xf32, #tpu.memory_space<vmem>>, vector<192x1xf32>
      %add3A_44 = vector.broadcast %get3A_43 : vector<192x1xf32> to vector<192x1024xf32>
      %add3A_45 = arith.addf %add3A_40, %add3A_44 : vector<192x1024xf32>
      %eq3A_46 = arith.constant 0 : i32
      %eq3A_47 = arith.cmpi eq, %arg1, %eq3A_46 : i32
      %convert_element_type3A_48 = arith.extui %eq3A_47 : i1 to i32
      %cond3A_49 = arith.constant 0 : i32
      %cond3A_50 = arith.cmpi ne, %convert_element_type3A_48, %cond3A_49 : i32
      scf.if %cond3A_50 {
        %broadcast_in_dim3A_61 = arith.constant 0.000000e+00 : f32
        %broadcast_in_dim3A_62 = vector.broadcast %broadcast_in_dim3A_61 : f32 to vector<192x2xf32>
        %swap3A_63 = arith.constant 0 : index
        %swap3A_64 = arith.constant 0 : index
        %swap3A_65 = vector.load %arg15[%swap3A_63, %swap3A_64] : memref<192x2xf32, #tpu.memory_space<vmem>>, vector<192x2xf32>
        tpu.vector_store %arg15[%swap3A_63, %swap3A_64], %broadcast_in_dim3A_62 {strides = array<i32>} : memref<192x2xf32, #tpu.memory_space<vmem>>, vector<192x2xf32>,
      } else {
      }
      %get3A_51 = arith.constant 0 : index
      %get3A_52 = arith.constant 0 : index
      %get3A_53 = vector.load %arg15[%get3A_51, %get3A_52] : memref<192x2xf32, #tpu.memory_space<vmem>>, vector<192x2xf32>
      %reduce_sum3A = arith.constant dense<0.000000e+00> : vector<192xf32>
      %reduce_sum3A_54 = vector.multi_reduction <add>, %add3A_45, %reduce_sum3A [1] : vector<192x1024xf32> to vector<192xf32>
      %broadcast_in_dim3A = vector.shape_cast %reduce_sum3A_54 : vector<192xf32> to vector<192x1xf32>
      %mul3A = arith.mulf %add3A_45, %add3A_45 : vector<192x1024xf32>
      %reduce_sum3A_55 = arith.constant dense<0.000000e+00> : vector<192xf32>
      %reduce_sum3A_56 = vector.multi_reduction <add>, %mul3A, %reduce_sum3A_55 [1] : vector<192x1024xf32> to vector<192xf32>
      %broadcast_in_dim3A_57 = vector.shape_cast %reduce_sum3A_56 : vector<192xf32> to vector<192x1xf32>
      %concatenate3A = tpu.concatenate %broadcast_in_dim3A, %broadcast_in_dim3A_57 in 1 : vector<192x1xf32>, vector<192x1xf32> -> vector<192x2xf32>
      %add3A_58 = arith.addf %get3A_53, %concatenate3A : vector<192x2xf32>
      %swap3A = arith.constant 0 : index
      %swap3A_59 = arith.constant 0 : index
      %swap3A_60 = vector.load %arg15[%swap3A, %swap3A_59] : memref<192x2xf32, #tpu.memory_space<vmem>>, vector<192x2xf32>
      tpu.vector_store %arg15[%swap3A, %swap3A_59], %add3A_58 {strides = array<i32>} : memref<192x2xf32, #tpu.memory_space<vmem>>, vector<192x2xf32>,
    } else {
    }
    %eq3A_2 = arith.constant 1 : i32
    %eq3A_3 = arith.cmpi eq, %arg0, %eq3A_2 : i32
    %convert_element_type3A_4 = arith.extui %eq3A_3 : i1 to i32
    %cond3A_5 = arith.constant 0 : i32
    %cond3A_6 = arith.cmpi ne, %convert_element_type3A_4, %cond3A_5 : i32
    scf.if %cond3A_6 {
      %get3A = arith.constant 0 : index
      %get3A_12 = arith.constant 0 : index
      %get3A_13 = arith.constant 0 : index
      %get3A_14 = vector.load %arg3[%get3A, %get3A_12, %get3A_13] : memref<1x48x1024xi32, #tpu.memory_space<vmem>>, vector<1x48x1024xi32>
      %get3A_15 = vector.shape_cast %get3A_14 : vector<1x48x1024xi32> to vector<48x1024xi32>
      %shift_left3A = arith.constant 16 : i32
      %shift_left3A_16 = vector.broadcast %shift_left3A : i32 to vector<48x1024xi32>
      %shift_left3A_17 = arith.shli %get3A_15, %shift_left3A_16 : vector<48x1024xi32>
      %bitcast_convert_type3A = tpu.bitcast %shift_left3A_17 : vector<48x1024xi32> -> vector<48x1024xf32>
      %and3A = arith.constant -65536 : i32
      %and3A_18 = vector.broadcast %and3A : i32 to vector<48x1024xi32>
      %and3A_19 = arith.andi %get3A_15, %and3A_18 : vector<48x1024xi32>
      %bitcast_convert_type3A_20 = tpu.bitcast %and3A_19 : vector<48x1024xi32> -> vector<48x1024xf32>
      %get3A_21 = arith.constant 0 : index
      %get3A_22 = arith.constant 0 : index
      %get3A_23 = vector.load %arg4[%get3A_21, %get3A_22] : memref<192x96xf32, #tpu.memory_space<vmem>>, vector<192x96xf32>
      %get3A_24 = arith.constant 0 : index
      %get3A_25 = arith.constant 0 : index
      %get3A_26 = arith.constant 0 : index
      %get3A_27 = vector.load %arg2[%get3A_24, %get3A_25, %get3A_26] : memref<1x96x1024xf32, #tpu.memory_space<vmem>>, vector<1x96x1024xf32>
      %get3A_28 = vector.shape_cast %get3A_27 : vector<1x96x1024xf32> to vector<96x1024xf32>
      %dot_general3A = arith.constant dense<0.000000e+00> : vector<192x1024xf32>
      %dot_general3A_29 = tpu.matmul %get3A_23, %get3A_28, %dot_general3A {dimension_numbers = #tpu.dot_dimension_numbers<[1], [0], [0], [1], [0, 0, 1, 1], [], []>, precision = #tpu.contract_precision<fp32>, transpose_lhs_hint = false} : vector<192x96xf32>, vector<96x1024xf32>, vector<192x1024xf32> -> vector<192x1024xf32>
      %get3A_30 = arith.constant 0 : index
      %get3A_31 = arith.constant 0 : index
      %get3A_32 = vector.load %arg5[%get3A_30, %get3A_31] : memref<192x48xf32, #tpu.memory_space<vmem>>, vector<192x48xf32>
      %dot_general3A_33 = arith.constant dense<0.000000e+00> : vector<192x1024xf32>
      %dot_general3A_34 = tpu.matmul %get3A_32, %bitcast_convert_type3A, %dot_general3A_33 {dimension_numbers = #tpu.dot_dimension_numbers<[1], [0], [0], [1], [0, 0, 1, 1], [], []>, precision = #tpu.contract_precision<fp32>, transpose_lhs_hint = false} : vector<192x48xf32>, vector<48x1024xf32>, vector<192x1024xf32> -> vector<192x1024xf32>
      %add3A = arith.addf %dot_general3A_29, %dot_general3A_34 : vector<192x1024xf32>
      %get3A_35 = arith.constant 0 : index
      %get3A_36 = arith.constant 0 : index
      %get3A_37 = vector.load %arg6[%get3A_35, %get3A_36] : memref<192x48xf32, #tpu.memory_space<vmem>>, vector<192x48xf32>
      %dot_general3A_38 = arith.constant dense<0.000000e+00> : vector<192x1024xf32>
      %dot_general3A_39 = tpu.matmul %get3A_37, %bitcast_convert_type3A_20, %dot_general3A_38 {dimension_numbers = #tpu.dot_dimension_numbers<[1], [0], [0], [1], [0, 0, 1, 1], [], []>, precision = #tpu.contract_precision<fp32>, transpose_lhs_hint = false} : vector<192x48xf32>, vector<48x1024xf32>, vector<192x1024xf32> -> vector<192x1024xf32>
      %add3A_40 = arith.addf %add3A, %dot_general3A_39 : vector<192x1024xf32>
      %get3A_41 = arith.constant 0 : index
      %get3A_42 = arith.constant 0 : index
      %get3A_43 = vector.load %arg7[%get3A_41, %get3A_42] : memref<192x1xf32, #tpu.memory_space<vmem>>, vector<192x1xf32>
      %add3A_44 = vector.broadcast %get3A_43 : vector<192x1xf32> to vector<192x1024xf32>
      %add3A_45 = arith.addf %add3A_40, %add3A_44 : vector<192x1024xf32>
      %get3A_46 = arith.constant 0 : index
      %get3A_47 = arith.constant 0 : index
      %get3A_48 = vector.load %arg15[%get3A_46, %get3A_47] : memref<192x2xf32, #tpu.memory_space<vmem>>, vector<192x1xf32>
      %mul3A = arith.constant 6.10351563E-5 : f32
      %mul3A_49 = vector.broadcast %mul3A : f32 to vector<192x1xf32>
      %mul3A_50 = arith.mulf %get3A_48, %mul3A_49 : vector<192x1xf32>
      %get3A_51 = arith.constant 0 : index
      %get3A_52 = arith.constant 1 : index
      %get3A_53 = vector.load %arg15[%get3A_51, %get3A_52] : memref<192x2xf32, #tpu.memory_space<vmem>>, vector<192x1xf32>
      %mul3A_54 = arith.constant 6.10351563E-5 : f32
      %mul3A_55 = vector.broadcast %mul3A_54 : f32 to vector<192x1xf32>
      %mul3A_56 = arith.mulf %get3A_53, %mul3A_55 : vector<192x1xf32>
      %mul3A_57 = arith.mulf %mul3A_50, %mul3A_50 : vector<192x1xf32>
      %sub3A = arith.subf %mul3A_56, %mul3A_57 : vector<192x1xf32>
      %get3A_58 = arith.constant 0 : index
      %get3A_59 = arith.constant 0 : index
      %get3A_60 = vector.load %arg8[%get3A_58, %get3A_59] : memref<192x1xf32, #tpu.memory_space<vmem>>, vector<192x1xf32>
      %add3A_61 = arith.constant 9.99999974E-6 : f32
      %add3A_62 = vector.broadcast %add3A_61 : f32 to vector<192x1xf32>
      %add3A_63 = arith.addf %sub3A, %add3A_62 : vector<192x1xf32>
      %rsqrt3A = math.rsqrt %add3A_63 : vector<192x1xf32>
      %mul3A_64 = arith.mulf %get3A_60, %rsqrt3A : vector<192x1xf32>
      %sub3A_65 = vector.broadcast %mul3A_50 : vector<192x1xf32> to vector<192x1024xf32>
      %sub3A_66 = arith.subf %add3A_45, %sub3A_65 : vector<192x1024xf32>
      %mul3A_67 = vector.broadcast %mul3A_64 : vector<192x1xf32> to vector<192x1024xf32>
      %mul3A_68 = arith.mulf %sub3A_66, %mul3A_67 : vector<192x1024xf32>
      %get3A_69 = arith.constant 0 : index
      %get3A_70 = arith.constant 0 : index
      %get3A_71 = vector.load %arg9[%get3A_69, %get3A_70] : memref<192x1xf32, #tpu.memory_space<vmem>>, vector<192x1xf32>
      %add3A_72 = vector.broadcast %get3A_71 : vector<192x1xf32> to vector<192x1024xf32>
      %add3A_73 = arith.addf %mul3A_68, %add3A_72 : vector<192x1024xf32>
      %mul3A_74 = arith.constant 5.000000e-01 : f32
      %mul3A_75 = vector.broadcast %mul3A_74 : f32 to vector<192x1024xf32>
      %mul3A_76 = arith.mulf %mul3A_75, %add3A_73 : vector<192x1024xf32>
      %mul3A_77 = arith.constant 0.707106769 : f32
      %mul3A_78 = vector.broadcast %mul3A_77 : f32 to vector<192x1024xf32>
      %mul3A_79 = arith.mulf %add3A_73, %mul3A_78 : vector<192x1024xf32>
      %erf3A = math.erf %mul3A_79 : vector<192x1024xf32>
      %add3A_80 = arith.constant 1.000000e+00 : f32
      %add3A_81 = vector.broadcast %add3A_80 : f32 to vector<192x1024xf32>
      %add3A_82 = arith.addf %add3A_81, %erf3A : vector<192x1024xf32>
      %mul3A_83 = arith.mulf %mul3A_76, %add3A_82 : vector<192x1024xf32>
      %get3A_84 = arith.constant 0 : index
      %get3A_85 = arith.constant 0 : index
      %get3A_86 = vector.load %arg10[%get3A_84, %get3A_85] : memref<96x192xf32, #tpu.memory_space<vmem>>, vector<96x192xf32>
      %dot_general3A_87 = arith.constant dense<0.000000e+00> : vector<96x1024xf32>
      %dot_general3A_88 = tpu.matmul %get3A_86, %mul3A_83, %dot_general3A_87 {dimension_numbers = #tpu.dot_dimension_numbers<[1], [0], [0], [1], [0, 0, 1, 1], [], []>, precision = #tpu.contract_precision<fp32>, transpose_lhs_hint = false} : vector<96x192xf32>, vector<192x1024xf32>, vector<96x1024xf32> -> vector<96x1024xf32>
      %get3A_89 = arith.constant 0 : index
      %get3A_90 = arith.constant 0 : index
      %get3A_91 = vector.load %arg11[%get3A_89, %get3A_90] : memref<96x1xf32, #tpu.memory_space<vmem>>, vector<96x1xf32>
      %add3A_92 = vector.broadcast %get3A_91 : vector<96x1xf32> to vector<96x1024xf32>
      %add3A_93 = arith.addf %dot_general3A_88, %add3A_92 : vector<96x1024xf32>
      %swap3A = arith.index_cast %arg1 : i32 to index
      %swap3A_94 = arith.constant 0 : index
      %swap3A_95 = arith.constant 0 : index
      %swap3A_96 = vector.load %arg17[%swap3A, %swap3A_94, %swap3A_95] : memref<16x96x1024xf32, #tpu.memory_space<vmem>>, vector<1x96x1024xf32>
      %swap3A_97 = vector.shape_cast %swap3A_96 : vector<1x96x1024xf32> to vector<96x1024xf32>
      %swap3A_98 = vector.shape_cast %add3A_93 : vector<96x1024xf32> to vector<1x96x1024xf32>
      tpu.vector_store %arg17[%swap3A, %swap3A_94, %swap3A_95], %swap3A_98 {strides = array<i32>} : memref<16x96x1024xf32, #tpu.memory_space<vmem>>, vector<1x96x1024xf32>,
      %eq3A_99 = arith.constant 0 : i32
      %eq3A_100 = arith.cmpi eq, %arg1, %eq3A_99 : i32
      %convert_element_type3A_101 = arith.extui %eq3A_100 : i1 to i32
      %cond3A_102 = arith.constant 0 : i32
      %cond3A_103 = arith.cmpi ne, %convert_element_type3A_101, %cond3A_102 : i32
      scf.if %cond3A_103 {
        %broadcast_in_dim3A_116 = arith.constant 0.000000e+00 : f32
        %broadcast_in_dim3A_117 = vector.broadcast %broadcast_in_dim3A_116 : f32 to vector<96x2xf32>
        %swap3A_118 = arith.constant 0 : index
        %swap3A_119 = arith.constant 0 : index
        %swap3A_120 = vector.load %arg16[%swap3A_118, %swap3A_119] : memref<96x2xf32, #tpu.memory_space<vmem>>, vector<96x2xf32>
        tpu.vector_store %arg16[%swap3A_118, %swap3A_119], %broadcast_in_dim3A_117 {strides = array<i32>} : memref<96x2xf32, #tpu.memory_space<vmem>>, vector<96x2xf32>,
      } else {
      }
      %get3A_104 = arith.constant 0 : index
      %get3A_105 = arith.constant 0 : index
      %get3A_106 = vector.load %arg16[%get3A_104, %get3A_105] : memref<96x2xf32, #tpu.memory_space<vmem>>, vector<96x2xf32>
      %reduce_sum3A = arith.constant dense<0.000000e+00> : vector<96xf32>
      %reduce_sum3A_107 = vector.multi_reduction <add>, %add3A_93, %reduce_sum3A [1] : vector<96x1024xf32> to vector<96xf32>
      %broadcast_in_dim3A = vector.shape_cast %reduce_sum3A_107 : vector<96xf32> to vector<96x1xf32>
      %mul3A_108 = arith.mulf %add3A_93, %add3A_93 : vector<96x1024xf32>
      %reduce_sum3A_109 = arith.constant dense<0.000000e+00> : vector<96xf32>
      %reduce_sum3A_110 = vector.multi_reduction <add>, %mul3A_108, %reduce_sum3A_109 [1] : vector<96x1024xf32> to vector<96xf32>
      %broadcast_in_dim3A_111 = vector.shape_cast %reduce_sum3A_110 : vector<96xf32> to vector<96x1xf32>
      %concatenate3A = tpu.concatenate %broadcast_in_dim3A, %broadcast_in_dim3A_111 in 1 : vector<96x1xf32>, vector<96x1xf32> -> vector<96x2xf32>
      %add3A_112 = arith.addf %get3A_106, %concatenate3A : vector<96x2xf32>
      %swap3A_113 = arith.constant 0 : index
      %swap3A_114 = arith.constant 0 : index
      %swap3A_115 = vector.load %arg16[%swap3A_113, %swap3A_114] : memref<96x2xf32, #tpu.memory_space<vmem>>, vector<96x2xf32>
      tpu.vector_store %arg16[%swap3A_113, %swap3A_114], %add3A_112 {strides = array<i32>} : memref<96x2xf32, #tpu.memory_space<vmem>>, vector<96x2xf32>,
    } else {
    }
    %eq3A_7 = arith.constant 2 : i32
    %eq3A_8 = arith.cmpi eq, %arg0, %eq3A_7 : i32
    %convert_element_type3A_9 = arith.extui %eq3A_8 : i1 to i32
    %cond3A_10 = arith.constant 0 : i32
    %cond3A_11 = arith.cmpi ne, %convert_element_type3A_9, %cond3A_10 : i32
    scf.if %cond3A_11 {
      %get3A = arith.index_cast %arg1 : i32 to index
      %get3A_12 = arith.constant 0 : index
      %get3A_13 = arith.constant 0 : index
      %get3A_14 = vector.load %arg17[%get3A, %get3A_12, %get3A_13] : memref<16x96x1024xf32, #tpu.memory_space<vmem>>, vector<1x96x1024xf32>
      %get3A_15 = vector.shape_cast %get3A_14 : vector<1x96x1024xf32> to vector<96x1024xf32>
      %get3A_16 = arith.constant 0 : index
      %get3A_17 = arith.constant 0 : index
      %get3A_18 = vector.load %arg16[%get3A_16, %get3A_17] : memref<96x2xf32, #tpu.memory_space<vmem>>, vector<96x1xf32>
      %mul3A = arith.constant 6.10351563E-5 : f32
      %mul3A_19 = vector.broadcast %mul3A : f32 to vector<96x1xf32>
      %mul3A_20 = arith.mulf %get3A_18, %mul3A_19 : vector<96x1xf32>
      %get3A_21 = arith.constant 0 : index
      %get3A_22 = arith.constant 1 : index
      %get3A_23 = vector.load %arg16[%get3A_21, %get3A_22] : memref<96x2xf32, #tpu.memory_space<vmem>>, vector<96x1xf32>
      %mul3A_24 = arith.constant 6.10351563E-5 : f32
      %mul3A_25 = vector.broadcast %mul3A_24 : f32 to vector<96x1xf32>
      %mul3A_26 = arith.mulf %get3A_23, %mul3A_25 : vector<96x1xf32>
      %mul3A_27 = arith.mulf %mul3A_20, %mul3A_20 : vector<96x1xf32>
      %sub3A = arith.subf %mul3A_26, %mul3A_27 : vector<96x1xf32>
      %get3A_28 = arith.constant 0 : index
      %get3A_29 = arith.constant 0 : index
      %get3A_30 = vector.load %arg12[%get3A_28, %get3A_29] : memref<96x1xf32, #tpu.memory_space<vmem>>, vector<96x1xf32>
      %add3A = arith.constant 9.99999974E-6 : f32
      %add3A_31 = vector.broadcast %add3A : f32 to vector<96x1xf32>
      %add3A_32 = arith.addf %sub3A, %add3A_31 : vector<96x1xf32>
      %rsqrt3A = math.rsqrt %add3A_32 : vector<96x1xf32>
      %mul3A_33 = arith.mulf %get3A_30, %rsqrt3A : vector<96x1xf32>
      %sub3A_34 = vector.broadcast %mul3A_20 : vector<96x1xf32> to vector<96x1024xf32>
      %sub3A_35 = arith.subf %get3A_15, %sub3A_34 : vector<96x1024xf32>
      %mul3A_36 = vector.broadcast %mul3A_33 : vector<96x1xf32> to vector<96x1024xf32>
      %mul3A_37 = arith.mulf %sub3A_35, %mul3A_36 : vector<96x1024xf32>
      %get3A_38 = arith.constant 0 : index
      %get3A_39 = arith.constant 0 : index
      %get3A_40 = vector.load %arg13[%get3A_38, %get3A_39] : memref<96x1xf32, #tpu.memory_space<vmem>>, vector<96x1xf32>
      %add3A_41 = vector.broadcast %get3A_40 : vector<96x1xf32> to vector<96x1024xf32>
      %add3A_42 = arith.addf %mul3A_37, %add3A_41 : vector<96x1024xf32>
      %mul3A_43 = arith.constant 5.000000e-01 : f32
      %mul3A_44 = vector.broadcast %mul3A_43 : f32 to vector<96x1024xf32>
      %mul3A_45 = arith.mulf %mul3A_44, %add3A_42 : vector<96x1024xf32>
      %mul3A_46 = arith.constant 0.707106769 : f32
      %mul3A_47 = vector.broadcast %mul3A_46 : f32 to vector<96x1024xf32>
      %mul3A_48 = arith.mulf %add3A_42, %mul3A_47 : vector<96x1024xf32>
      %erf3A = math.erf %mul3A_48 : vector<96x1024xf32>
      %add3A_49 = arith.constant 1.000000e+00 : f32
      %add3A_50 = vector.broadcast %add3A_49 : f32 to vector<96x1024xf32>
      %add3A_51 = arith.addf %add3A_50, %erf3A : vector<96x1024xf32>
      %mul3A_52 = arith.mulf %mul3A_45, %add3A_51 : vector<96x1024xf32>
      %swap3A = arith.constant 0 : index
      %swap3A_53 = arith.constant 0 : index
      %swap3A_54 = arith.constant 0 : index
      %swap3A_55 = vector.load %arg14[%swap3A, %swap3A_53, %swap3A_54] : memref<1x96x1024xf32, #tpu.memory_space<vmem>>, vector<1x96x1024xf32>
      %swap3A_56 = vector.shape_cast %swap3A_55 : vector<1x96x1024xf32> to vector<96x1024xf32>
      %swap3A_57 = vector.shape_cast %mul3A_52 : vector<96x1024xf32> to vector<1x96x1024xf32>
      tpu.vector_store %arg14[%swap3A, %swap3A_53, %swap3A_54], %swap3A_57 {strides = array<i32>} : memref<1x96x1024xf32, #tpu.memory_space<vmem>>, vector<1x96x1024xf32>,
    } else {
    }
    return
  }
  func.func @transform_0(%arg0: i32, %arg1: i32) -> (i32, i32, i32) {
    %c0_i32 = arith.constant 0 : i32
    %c0_i32_0 = arith.constant 0 : i32
    %c0_i32_1 = arith.constant 0 : i32
    return %arg1, %c0_i32, %c0_i32_0 : i32, i32, i32
  }
  func.func @transform_1(%arg0: i32, %arg1: i32) -> (i32, i32, i32) {
    %c0_i32 = arith.constant 0 : i32
    %c0_i32_0 = arith.constant 0 : i32
    %c0_i32_1 = arith.constant 0 : i32
    return %arg1, %c0_i32, %c0_i32_0 : i32, i32, i32
  }
  func.func @transform_2(%arg0: i32, %arg1: i32) -> (i32, i32) {
    %c0_i32 = arith.constant 0 : i32
    %c0_i32_0 = arith.constant 0 : i32
    %c0_i32_1 = arith.constant 0 : i32
    return %c0_i32, %c0_i32_0 : i32, i32
  }
  func.func @transform_3(%arg0: i32, %arg1: i32) -> (i32, i32) {
    %c0_i32 = arith.constant 0 : i32
    %c0_i32_0 = arith.constant 0 : i32
    %c0_i32_1 = arith.constant 0 : i32
    return %c0_i32, %c0_i32_0 : i32, i32
  }
  func.func @transform_4(%arg0: i32, %arg1: i32) -> (i32, i32) {
    %c0_i32 = arith.constant 0 : i32
    %c0_i32_0 = arith.constant 0 : i32
    %c0_i32_1 = arith.constant 0 : i32
    return %c0_i32, %c0_i32_0 : i32, i32
  }
  func.func @transform_5(%arg0: i32, %arg1: i32) -> (i32, i32) {
    %c0_i32 = arith.constant 0 : i32
    %c0_i32_0 = arith.constant 0 : i32
    %c0_i32_1 = arith.constant 0 : i32
    return %c0_i32, %c0_i32_0 : i32, i32
  }
  func.func @transform_6(%arg0: i32, %arg1: i32) -> (i32, i32) {
    %c0_i32 = arith.constant 0 : i32
    %c0_i32_0 = arith.constant 0 : i32
    %c0_i32_1 = arith.constant 0 : i32
    return %c0_i32, %c0_i32_0 : i32, i32
  }
  func.func @transform_7(%arg0: i32, %arg1: i32) -> (i32, i32) {
    %c0_i32 = arith.constant 0 : i32
    %c0_i32_0 = arith.constant 0 : i32
    %c0_i32_1 = arith.constant 0 : i32
    return %c0_i32, %c0_i32_0 : i32, i32
  }
  func.func @transform_8(%arg0: i32, %arg1: i32) -> (i32, i32) {
    %c0_i32 = arith.constant 0 : i32
    %c0_i32_0 = arith.constant 0 : i32
    %c0_i32_1 = arith.constant 0 : i32
    return %c0_i32, %c0_i32_0 : i32, i32
  }
  func.func @transform_9(%arg0: i32, %arg1: i32) -> (i32, i32) {
    %c0_i32 = arith.constant 0 : i32
    %c0_i32_0 = arith.constant 0 : i32
    %c0_i32_1 = arith.constant 0 : i32
    return %c0_i32, %c0_i32_0 : i32, i32
  }
  func.func @transform_10(%arg0: i32, %arg1: i32) -> (i32, i32) {
    %c0_i32 = arith.constant 0 : i32
    %c0_i32_0 = arith.constant 0 : i32
    %c0_i32_1 = arith.constant 0 : i32
    return %c0_i32, %c0_i32_0 : i32, i32
  }
  func.func @transform_11(%arg0: i32, %arg1: i32) -> (i32, i32) {
    %c0_i32 = arith.constant 0 : i32
    %c0_i32_0 = arith.constant 0 : i32
    %c0_i32_1 = arith.constant 0 : i32
    return %c0_i32, %c0_i32_0 : i32, i32
  }
  func.func @transform_12(%arg0: i32, %arg1: i32) -> (i32, i32, i32) {
    %c0_i32 = arith.constant 0 : i32
    %c0_i32_0 = arith.constant 0 : i32
    %c0_i32_1 = arith.constant 0 : i32
    return %arg1, %c0_i32, %c0_i32_0 : i32, i32, i32
  }
}

</mosaic_0001>

<sc_bundles>
// kernel: kernel.4.cloned.1.call-start
scs
__scs_entry_jumppad:
0x0: {  	(pc) =	sbr.rel $0x88, $3  }
0x1: {  	(tag) =	ssettag $0x0;
	lr =	simm.s32 $0x1  }
0x2: {  	[smem:$0x3F97] =	sst lr;
	_ =	strace $0xD0000000  }
0x3: {  	_ = 	snop  }
0x4: {  	_ = 	snop  }
0x5: {  	_ = 	snop  }
0x6: {  	_ = 	snop  }
0x7: {  	_ = 	snop  }
__scs_overlays_trampoline_lowered:
0x8: {  	[smem:$0x3FA6] =	sst s0  }
0x9: {  	[smem:$0x3FA7] =	sst s1  }
0xa: {  	[smem:$0x3FA8] =	sst s2  }
0xb: {  	[smem:$0x3FA9] =	sst s3  }
0xc: {  	[smem:$0x3FAA] =	sst s4  }
0xd: {  	[smem:$0x3FAB] =	sst s5  }
0xe: {  	[smem:$0x3FAC] =	sst s6  }
0xf: {  	[smem:$0x3FAD] =	sst s7  }
0x10: {  	[smem:$0x3FAE] =	sst s8  }
0x11: {  	[smem:$0x3FAF] =	sst s9;
	s0 =	simm.s32 @!p0 $0x0  }
0x12: {  	s1 =	sld [smem:$0x3F95];
	s0 =	simm.s32 @p0 $0x1  }
0x13: {  	[smem:$0x3FB0] =	sst s0;
	s0 =	simm.s32 @!p1 $0x0  }
0x14: {  	s2 =	sld [smem:$0x3F94];
	s0 =	simm.s32 @p1 $0x1  }
0x15: {  	[smem:$0x3FB1] =	sst s0;
	s0 =	simm.s32 @!p2 $0x0  }
0x16: {  	s3 =	sld [smem:$0x3FDB];
	s0 =	simm.s32 @p2 $0x1  }
0x17: {  	s4 =	simm.s32 $0x1BF5;
	[smem:$0x3FB3] =	sst s0  }
0x18: {  	s0 =	sld [smem:$0x3F96];
	_ =	swait.ge [sflag:s4], $0x0  }
0x19: {  	s7 =	sld [smem:$0x3F97]  }
0x1a: {  	s8 =	sadd.s32 $0xFFFFE003, lr  }
0x1b: {  	s9 =	sadd.s32 $0xFFFFFEF7, lr;
	s5 =	simm.s32 $0xFFFFFFFF;
	p2 =	slt.u32 s8, $0xFFFFF086  }
0x1c: {  	p1 =	slt.u32 s9, $0xF7A;
	s5 =	simm.s32 @!p2 $0x0  }
0x1d: {  	s5 =	simm.s32 @p1 $0x1;
	p0 =	seq.s32 s7, s2  }
0x1e: {  	s7 =	smul.u32 @!p0 $0xF7A, s2;
	p2 =	seq.s32 @!p0 s5, $0x0  }
0x1f: {  	s9 =	smul.u32 $0xF7A, s1;
	s8 =	simm.s32 @!p0 $0x1BF5;
	p2 =	por !p2, p0  }
0x20: {  	[sflag:s8] =	ssyncset.s32 @!p0 $0xFFFFF086;
	s6 =	sadd.s32 @!p0 s3, s7;
	s7 =	simm.s32 @!p0 $0x108  }
0x21: {  	s3 =	sadd.s32 s3, s9;
	s6 =	sadd.s32 @!p0 $0x88, s6;
	s7 =	simm.s32 @p2 $0x1082  }
0x22: {  	[simem:s7], [sflag:s8] =	dma.local @!p0 [hbm:s6], $0xF7A  }
0x23: {  	s9 =	sor.u32 $0xD0000000, s2;
	s6 =	simm.s32 $0x108;
	_ =	swait.ge @!p0 [sflag:s8], $0x0  }
0x24: {  	s3 =	sadd.s32 $0x88, s3;
	s6 =	simm.s32 @!p1 $0x1082;
	[sflag:s4] =	ssyncset.s32 $0xFFFFF086  }
0x25: {  	[simem:s6], [sflag:s4] =	dma.local [hbm:s3], $0xF7A  }
0x26: {  	[smem:$0x3F97] =	sst s1;
	(tag) =	ssettag s2;
	_ =	strace s9  }
0x27: {  	s1 =	sld [smem:$0x3FA7]  }
0x28: {  	s2 =	sld [smem:$0x3FA8]  }
0x29: {  	s4 =	sld [smem:$0x3FAA]  }
0x2a: {  	p0 =	seq.s32 s5, $0x0;
	s5 =	sld [smem:$0x3FAB]  }
0x2b: {  	s6 =	sld [smem:$0x3FAC]  }
0x2c: {  	s7 =	sld [smem:$0x3FAD]  }
0x2d: {  	s3 =	simm.s32 $0x108;
	s8 =	sld [smem:$0x3FAE]  }
0x2e: {  	s3 =	simm.s32 @!p0 $0x1082;
	s9 =	sld [smem:$0x3FAF]  }
0x2f: {  	lr =	sadd.s32 s0, s3;
	s0 =	sld [smem:$0x3FA6]  }
0x30: {  	s3 =	sld [smem:$0x3FA9]  }
0x31: {  	[smem:$0x3FB2] =	sst s10  }
0x32: {  	s10 =	sld [smem:$0x3FB0];
	_ =	sdelay $0x3  }
0x33: {  	p0 =	seq.s32 s10, $0x1;
	s10 =	sld [smem:$0x3FB2];
	_ =	sdelay $0x3  }
0x34: {  	[smem:$0x3FB2] =	sst s10  }
0x35: {  	s10 =	sld [smem:$0x3FB1];
	_ =	sdelay $0x3  }
0x36: {  	p1 =	seq.s32 s10, $0x1;
	s10 =	sld [smem:$0x3FB2];
	_ =	sdelay $0x3  }
0x37: {  	[smem:$0x3FB2] =	sst s10  }
0x38: {  	s10 =	sld [smem:$0x3FB3]  }
0x39: {  	_ = 	snop;
	(pc) =	sbr.ind lr, $3  }
0x3a: {  	_ = 	snop  }
0x3b: {  	_ = 	snop  }
0x3c: {  	p2 =	seq.s32 s10, $0x1;
	s10 =	sld [smem:$0x3FB2]  }
0x3d: {  	_ =	shalt  }
0x3e: {  	_ =	shalt  }
0x3f: {  	_ =	shalt  }
0x40: {  	_ =	shalt  }
0x41: {  	_ =	shalt  }
0x42: {  	_ =	shalt  }
0x43: {  	_ =	shalt  }
0x44: {  	_ =	shalt  }
0x45: {  	_ =	shalt  }
0x46: {  	_ =	shalt  }
0x47: {  	_ =	shalt  }
0x48: {  	_ =	shalt  }
0x49: {  	_ =	shalt  }
0x4a: {  	_ =	shalt  }
0x4b: {  	_ =	shalt  }
0x4c: {  	_ =	shalt  }
0x4d: {  	_ =	shalt  }
0x4e: {  	_ =	shalt  }
0x4f: {  	_ =	shalt  }
0x50: {  	_ =	shalt  }
0x51: {  	_ =	shalt  }
0x52: {  	_ =	shalt  }
0x53: {  	_ =	shalt  }
0x54: {  	_ =	shalt  }
0x55: {  	_ =	shalt  }
0x56: {  	_ =	shalt  }
0x57: {  	_ =	shalt  }
0x58: {  	_ =	shalt  }
0x59: {  	_ =	shalt  }
0x5a: {  	_ =	shalt  }
0x5b: {  	_ =	shalt  }
0x5c: {  	_ =	shalt  }
0x5d: {  	_ =	shalt  }
0x5e: {  	_ =	shalt  }
0x5f: {  	_ =	shalt  }
0x60: {  	_ =	shalt  }
0x61: {  	_ =	shalt  }
0x62: {  	_ =	shalt  }
0x63: {  	_ =	shalt  }
0x64: {  	_ =	shalt  }
0x65: {  	_ =	shalt  }
0x66: {  	_ =	shalt  }
0x67: {  	_ =	shalt  }
0x68: {  	_ =	shalt  }
0x69: {  	_ =	shalt  }
0x6a: {  	_ =	shalt  }
0x6b: {  	_ =	shalt  }
0x6c: {  	_ =	shalt  }
0x6d: {  	_ =	shalt  }
0x6e: {  	_ =	shalt  }
0x6f: {  	_ =	shalt  }
0x70: {  	_ =	shalt  }
0x71: {  	_ =	shalt  }
0x72: {  	_ =	shalt  }
0x73: {  	_ =	shalt  }
0x74: {  	_ =	shalt  }
0x75: {  	_ =	shalt  }
0x76: {  	_ =	shalt  }
0x77: {  	_ =	shalt  }
0x78: {  	_ =	shalt  }
0x79: {  	_ =	shalt  }
0x7a: {  	_ =	shalt  }
0x7b: {  	_ =	shalt  }
0x7c: {  	_ =	shalt  }
0x7d: {  	_ =	shalt  }
0x7e: {  	_ =	shalt  }
0x7f: {  	_ =	shalt  }
0x80: {  	_ =	shalt  }
0x81: {  	_ =	shalt  }
0x82: {  	_ =	shalt  }
0x83: {  	_ =	shalt  }
0x84: {  	_ =	shalt  }
0x85: {  	_ =	shalt  }
0x86: {  	_ =	shalt  }
0x87: {  	_ =	shalt  }
.Lfunc_end0:
.L_simem_size_0:
called_computation_lowered:
.L_overlay_start_0:
0x88: {  	s2 =	sld [smem:$0x3FD9]  }
0x89: {  	s3 =	sld [smem:$0x3FFE];
	_ =	sdelay $0x1  }
0x8a: {  	s1 =	srdreg.scid  }
0x8b: {  	s0 =	sand.u32 $0x1, s1  }
0x8c: {  	s17 =	sshll.u32 s0, $0xA;
	s2 =	sadd.s32 s3, s2  }
0x8d: {  	s2 =	sadd.s32 s2, s17  }
0x8e: {  	[smem:$0x3FBE] =	sst s2  }
0x8f: {  	_ = 	snop  }
0x90: {  	s2 =	sld [smem:$0x3FD0];
	(tm) =	ssettm $0x1  }
0x91: {  	s18 =	sld [smem:$0x3FFB];
	_ =	sdelay $0x3  }
0x92: {  	_ =	strace s18  }
0x93: {  	s3 =	sld [smem:$0x3FFC];
	_ =	sdelay $0x3  }
0x94: {  	_ =	strace s3  }
0x95: {  	s3 =	sld [smem:$0x3FFD];
	_ =	sdelay $0x3  }
0x96: {  	_ =	strace s3  }
0x97: {  	_ =	strace $0x8FFFFFFF  }
0x98: {  	s19 =	sld [smem:$0x3FDB];
	_ =	sdelay $0x1  }
0x99: {  	s4 =	simm.s32 $_scs_section_size  }
0x9a: {  	s5 =	simm.s32 $_size__tile_overlayer_lowered;
	s6 =	simm.s32 $_tile_overlayer_lowered  }
0x9b: {  	s22 =	simm.s32 $0x1BFF;
	s21 =	sshll.u32 s6, $0x1;
	s3 =	sadd.s32 s4, s19  }
0x9c: {  	s7 =	simm.s32 $0x0;
	s20 =	sshll.u32 s5, $0x1;
	s5 =	sadd.s32 s21, s3  }
0x9d: {  	[timem:s7], [sflag:s22] =	dma.local [hbm:s5], s20  }
0x9e: {  	_ =	swait.ge [sflag:s22], s20  }
0x9f: {  	s4 =	ssub.s32 $0x0, s20;
	[sflag:s22] =	ssyncset.done $0x0  }
0xa0: {  	[sflag:s22] =	ssyncadd.s32 s4;
	_ =	sdelay $0x1  }
0xa1: {  	s23 =	simm.s32 $0x1B8B  }
0xa2: {  	_ =	swait.ge [sflag:s23], $0x1  }
0xa3: {  	[sflag:s23] =	ssyncset.done $0x0  }
0xa4: {  	s25 =	simm.s32 $0x1B8E;
	s24 =	sld [smem:$0x3FFE];
	[sflag:s23] =	ssyncadd.s32 $0xFFFFFFFF  }
0xa5: {  	s26 =	simm.s32 $execute0_lowered;
	[smem:$0x3FD2] =	sst s25  }
0xa6: {  	s5 =	sshll.u32 s26, $0x1;
	_ =	strace $0x80000046;
	[dreg:$0x1] =	wrdreg $0xFFFFFFFF  }
0xa7: {  	s28 =	simm.s32 $_size_execute0_lowered;
	s3 =	sadd.s32 s3, s5;
	[dreg:$0x0] =	wrdreg $0x0  }
0xa8: {  	s5 =	sshll.u32 s28, $0x1;
	[dreg:$0x2] =	wrdreg s3  }
0xa9: {  	[dreg:$0x3] =	wrdreg s5  }
0xaa: {  	[dreg:$0x4] =	wrdreg $0xC0  }
0xab: {  	_ =	task [dreg:s7], $0x5FFFF  }
0xac: {  	[dreg:$0x1] =	wrdreg $0xFFFFFFFF  }
0xad: {  	[dreg:$0x0] =	wrdreg $0x60  }
0xae: {  	[dreg:$0x2] =	wrdreg s2  }
0xaf: {  	[dreg:$0x3] =	wrdreg s24  }
0xb0: {  	[dreg:$0x4] =	wrdreg $0x9  }
0xb1: {  	_ =	task.clear_ibuf [dreg:s7], $0x5FFFF;
	_ =	strace $0x90000046  }
0xb2: {  	s29 =	simm.s32 $0x9;
	_ =	strace $0x80000048  }
0xb3: {  	_ =	swait.ge [sflag:s29], $0x1  }
0xb4: {  	[sflag:s29] =	ssyncadd.s32 $0xFFFFFFFF  }
0xb5: {  	_ =	strace $0x90000048  }
0xb6: {  	_ =	sfence  }
0xb7: {  	s30 =	sld [smem:$0x0];
	_ =	sdelay $0x2  }
0xb8: {  	s31 =	sshll.u32 s1, $0xD;
	s1 =	sshrl.u32 s1, $0x2  }
0xb9: {  	s3 =	sand.u32 $0x4000, s31;
	s1 =	sadd.s32 s1, s30  }
0xba: {  	s0 =	sor.u32 s3, s0;
	s1 =	sshll.u32 s1, $0x11  }
0xbb: {  	s0 =	sor.u32 s1, s0  }
0xbc: {  	s0 =	sadd.s32 $0x8F2B, s0  }
0xbd: {  	[sflag:s0] =	ssyncadd.remote.s32 $0x1  }
0xbe: {  	_ =	sfence.sel $0xFFFF  }
0xbf: {  	[dreg:$0x0] =	wrdreg $0xFFFFFFFF;
	(pc) =	sbr.abs _section_cstart, $3  }
0xc0: {  	[dreg:$0x1] =	wrdreg $0xFFFFFFFF  }
0xc1: {  	_ =	task.clear_ibuf [dreg:s7], $0x2FFFF;
	_ =	strace $0x9FFFFFFF  }
0xc2: {  	(tm) =	ssettm $0x7FFFFFFF  }
0xc3: {  	_ =	shalt  }
tec
execute0_lowered:
.L_overlay_start_1:
0x0: {  	(tag) =	ssettag $0x1  }
0x1: {  	s0 =	srdreg.scid  }
0x2: {  	s5 =	stileid.u32;
	s1 =	rddreg [dreg:$0x0]  }
0x3: {  	s3 =	rddreg [dreg:$0x1];
	s4 =	simm.s32 $0x1;
	s28 =	simm.s32 $0x8000  }
0x4: {  	s29 =	simm.s32 $0x16000;
	s30 =	simm.s32 $0x2000;
	s31 =	simm.s32 $0x3  }
0x5: {  	s0 =	sand.u32 $0x1, s0;
	s16 =	sadd.s32 $0x2000, s3;
	s9 =	sadd.s32 $0x12000, s3  }
0x6: {  	s3 =	simm.s32 $0x1;
	s2 =	sor.u32 s0, s5;
	p1 =	seq.s32 s0, $0x1  }
0x7: {  	s8 =	ssub.s32 $0x2, s0;
	s20 =	sshll.u32 s0, $0x10;
	p0 =	seq.s32 s2, $0x0  }
0x8: {  	s21 =	sshll.u32 s0, $0x9;
	s0 =	sshll.u32 s0, $0xC;
	p0 =	por !p0, !p1  }
0x9: {  	s2 =	simm.s32 $0x0;
	s19 =	sshrl.u32 s8, $0x1;
	p0 =	por !p0, !p0  }
0xa: {  	s14 =	sor.u32 $0x80, s21;
	[smem:$0x7FF] =	sst s2;
	s4 =	simm.s32 @!p0 $0x0  }
0xb: {  	s24 =	sshll.u32 s14, $0x7;
	_ =	strace $0x80000047;
	s4 =	ssub.s32 s5, s4  }
0xc: {  	s5 =	simm.s32 $0x0;
	s6 =	sshll.u32 s4, $0xE;
	s7 =	sshll.u32 s4, $0x7  }
0xd: {  	s12 =	smul.u32 $0x18000, s4;
	s6 =	sand.u32 $0xFFFE0000, s6;
	s7 =	sand.u32 $0x380, s7  }
0xe: {  	s4 =	smul.u32 $0xC000, s4;
	s6 =	sor.u32 s6, s7;
	s7 =	ssub.s32 s8, s19  }
0xf: {  	s22 =	sshrl.u32 s12, $0x3;
	s13 =	sadd.s32 $0x8000, s12;
	s25 =	sadd.s32 $0x10000, s12  }
0x10: {  	s0 =	sor.u32 s0, s4;
	s10 =	sadd.s32 $0x40000, s6;
	s11 =	sor.u32 s20, s6  }
0x11: {  	s23 =	sshrl.u32 s13, $0x3;
	s26 =	sor.u32 s24, s6;
	s13 =	sor.u32 $0x100, s21  }
0x12: {  	s0 =	sshrl.u32 s0, $0x3;
	s8 =	sor.u32 s20, s10;
	s11 =	sshrl.u32 s11, $0x3  }
0x13: {  	s12 =	sshrl.u32 s26, $0x3;
	s17 =	sshll.u32 s13, $0x7;
	s0 =	sadd.s32 s9, s0  }
0x14: {  	s8 =	sshrl.u32 s8, $0x3;
	s11 =	sadd.s32 s16, s11;
	[dreg:$0xa] =	wrdreg s0  }
0x15: {  	s18 =	sor.u32 s17, s6;
	s19 =	sor.u32 s17, s10;
	[dreg:$0x3] =	wrdreg s11  }
0x16: {  	s8 =	sadd.s32 s16, s8;
	s11 =	sadd.s32 s1, s22;
	s0 =	sshrl.u32 s18, $0x3  }
0x17: {  	s20 =	sshrl.u32 s19, $0x3;
	s22 =	sshrl.u32 s4, $0x3;
	[dreg:$0x4] =	wrdreg s8  }
0x18: {  	s19 =	smax.u32 s7, $0x1;
	[dreg:$0x5] =	wrdreg s11;
	s11 =	sadd.s32 s1, s23  }
0x19: {  	s8 =	sor.u32 $0x180, s21;
	s0 =	sadd.s32 s16, s0;
	[dreg:$0x6] =	wrdreg s11  }
0x1a: {  	s11 =	sshrl.u32 s25, $0x3;
	[dreg:$0xb] =	wrdreg s0;
	s21 =	sshll.u32 s8, $0x7  }
0x1b: {  	s0 =	sadd.s32 s16, s20;
	s25 =	sadd.s32 s9, s13;
	s26 =	sadd.s32 s9, s8  }
0x1c: {  	s20 =	simm.s32 $0x80;
	s1 =	sadd.s32 s1, s11;
	s11 =	sadd.s32 s16, s12  }
0x1d: {  	s12 =	sor.u32 s24, s10;
	[dreg:$0xc] =	wrdreg s0;
	s23 =	sor.u32 s21, s6  }
0x1e: {  	s24 =	sadd.s32 s9, s14;
	s17 =	sadd.s32 s22, s25;
	s18 =	sadd.s32 s22, s26  }
0x1f: {  	s25 =	simm.s32 $0x15000;
	s26 =	simm.s32 $0x15800;
	[dreg:$0x7] =	wrdreg s1  }
0x20: {  	s0 =	simm.s32 $0x4;
	[dreg:$0x8] =	wrdreg s11;
	s1 =	sshrl.u32 s12, $0x3  }
0x21: {  	s4 =	sshrl.u32 s23, $0x3;
	s6 =	sadd.s32 s22, s24;
	s22 =	simm.s32 $0x14000  }
0x22: {  	s23 =	simm.s32 $0x14800;
	s1 =	sadd.s32 s16, s1;
	[dreg:$0xd] =	wrdreg s6  }
0x23: {  	s24 =	simm.s32 $0x2;
	[dreg:$0x9] =	wrdreg s1;
	s1 =	sor.u32 s21, s10  }
0x24: {  	s15 =	sadd.s32 s16, s4;
	s4 =	simm.s32 $0x5;
	s1 =	sshrl.u32 s1, $0x3  }
0x25: {  	v0 =	vlaneseq.u32;
	s21 =	simm.s32 $0x400;
	s16 =	sadd.s32 s16, s1;
	s1 =	simm.s32 $0x17800  }
.LBB2_1:
0x26: {  	s6 =	rddreg [dreg:$0x3]  }
0x27: {  	[tilespmem:s22], [sflag:$0x2] =	stream.strided.gather [hbm4b:s6+s20], $0x800, s21, s20, $0x38;
	[tilespmem:$0x19000] =	vst v63  }
0x28: {  	s9 =	rddreg [dreg:$0x4]  }
0x29: {  	[tilespmem:s23], [sflag:$0x2] =	stream.strided.gather [hbm4b:s9+s20], $0x800, s21, s20, $0x38;
	[tilespmem:$0x19000] =	vst v63  }
0x2a: {  	s10 =	rddreg [dreg:$0x5]  }
0x2b: {  	[tilespmem:s2], [sflag:$0x1] =	stream.linear.gather [hbm4b:s10+s2], $0x8000, $0x38;
	[tilespmem:$0x19000] =	vst v63  }
0x2c: {  	_ =	swait.ge [sflag:s3], $0x8000  }
0x2d: {  	s11 =	sand.u32 $0x70, s2;
	s7 =	sand.u32 $0x1C00, s2;
	[sflag:s3] =	ssyncset.done $0x0  }
0x2e: {  	s6 =	sor.u32 s11, s7;
	[sflag:s3] =	ssyncadd.s32 $0xFFFF8000  }
0x2f: {  	v1 =	vld [tilespmem:s6+$0x0]  }
0x30: {  	v2 =	vld [tilespmem:s6+$0x80]  }
0x31: {  	v3 =	vld [tilespmem:s6+$0x100]  }
0x32: {  	v4 =	vld [tilespmem:s6+$0x180]  }
0x33: {  	v5 =	vld [tilespmem:s6+$0x200]  }
0x34: {  	v6 =	vld [tilespmem:s6+$0x280]  }
0x35: {  	v7 =	vld [tilespmem:s6+$0x2080]  }
0x36: {  	v8 =	vld [tilespmem:s6+$0x2180]  }
0x37: {  	v3 =	vpack.i.f32.bf16 v4, v3;
	v4 =	vld [tilespmem:s6+$0x2280]  }
0x38: {  	v1 =	vpack.i.f32.bf16 v2, v1;
	v2 =	vld [tilespmem:s6+$0x2100]  }
0x39: {  	[tilespmem:s6+$0x8080] =	vst v3;
	v3 =	vld [tilespmem:s6+$0x2200]  }
0x3a: {  	s12 =	sor.u32 s2, s2;
	[tilespmem:s6+$0x8000] =	vst v1;
	v1 =	vpack.i.f32.bf16 v6, v5;
	v5 =	vld [tilespmem:s6+$0x2000]  }
0x3b: {  	s8 =	sor.u32 $0x380, s12;
	[tilespmem:s6+$0x8100] =	vst v1;
	v1 =	vld [tilespmem:s6+$0x300]  }
0x3c: {  	v6 =	vld [tilespmem:s8+$0x0];
	_ =	sdelay $0x1  }
0x3d: {  	v2 =	vpack.i.f32.bf16 v8, v2  }
0x3e: {  	v3 =	vpack.i.f32.bf16 v4, v3;
	[tilespmem:s6+$0x8280] =	vst v2  }
0x3f: {  	[tilespmem:s6+$0x8300] =	vst v3;
	v3 =	vpack.i.f32.bf16 v7, v5  }
0x40: {  	[tilespmem:s6+$0x8200] =	vst v3;
	v1 =	vpack.i.f32.bf16 v6, v1  }
0x41: {  	s11 =	sor.u32 $0x2380, s12;
	[tilespmem:s6+$0x8180] =	vst v1;
	v1 =	vld [tilespmem:s6+$0x2300]  }
0x42: {  	v2 =	vld [tilespmem:s11+$0x0];
	_ =	sdelay $0x4  }
0x43: {  	v1 =	vpack.i.f32.bf16 v2, v1  }
0x44: {  	[tilespmem:s8+$0x8000] =	vst v1  }
0x45: {  	v1 =	vld [tilespmem:s6+$0x4000]  }
0x46: {  	v2 =	vld [tilespmem:s6+$0x6280]  }
0x47: {  	v4 =	vld [tilespmem:s6+$0x4100]  }
0x48: {  	v5 =	vld [tilespmem:s6+$0x4180]  }
0x49: {  	v6 =	vld [tilespmem:s6+$0x4200]  }
0x4a: {  	v3 =	vld [tilespmem:s6+$0x4300]  }
0x4b: {  	v7 =	vld [tilespmem:s6+$0x4280]  }
0x4c: {  	v9 =	vld [tilespmem:s6+$0x6000]  }
0x4d: {  	v10 =	vld [tilespmem:s6+$0x6080]  }
0x4e: {  	v8 =	vld [tilespmem:s6+$0x4380]  }
0x4f: {  	v4 =	vpack.i.f32.bf16 v5, v4;
	v5 =	vld [tilespmem:s6+$0x6180]  }
0x50: {  	v6 =	vpack.i.f32.bf16 v7, v6;
	v7 =	vld [tilespmem:s6+$0x4080]  }
0x51: {  	s13 =	simm.s32 $0x10;
	s9 =	simm.s32 $0x80;
	[tilespmem:s6+$0xA080] =	vst v4;
	v4 =	vld [tilespmem:s6+$0x6100]  }
0x52: {  	s14 =	sand.u32 $0x70, s13;
	s12 =	sand.u32 $0x1C00, s9;
	v9 =	vpack.i.f32.bf16 v10, v9;
	[tilespmem:s6+$0xA100] =	vst v6;
	v6 =	vld [tilespmem:s6+$0x6200]  }
0x53: {  	s7 =	sor.u32 s13, s9;
	s10 =	simm.s32 $0x20;
	s8 =	sor.u32 s14, s12;
	[tilespmem:s6+$0xA200] =	vst v9;
	v9 =	vld [tilespmem:s6+$0x6300]  }
.LBB2_2:
0x54: {  	p0 =	sne.s32 s10, $0x3F0  }
0x55: {  	s9 =	sadd.s32 $0x80, s9;
	v10 =	vld [tilespmem:s6+$0x6380];
	s13 =	smov.u32 s10;
	s10 =	sadd.s32 $0x10, s10  }
0x56: {  	v4 =	vpack.i.f32.bf16 v5, v4;
	s12 =	sor.u32 s13, s9;
	v3 =	vpack.i.f32.bf16 v8, v3  }
0x57: {  	[tilespmem:s6+$0xA180] =	vst v3;
	v2 =	vpack.i.f32.bf16 v2, v6  }
0x58: {  	v1 =	vpack.i.f32.bf16 v7, v1;
	[tilespmem:s6+$0xA300] =	vst v2  }
0x59: {  	[tilespmem:s6+$0xA280] =	vst v4  }
0x5a: {  	[tilespmem:s6+$0xA000] =	vst v1;
	v1 =	vpack.i.f32.bf16 v10, v9;
	s6 =	smov.u32 s8  }
0x5b: {  	[tilespmem:s11+$0x8000] =	vst v1  }
0x5c: {  	v1 =	vld [tilespmem:s6+$0x0]  }
0x5d: {  	v2 =	vld [tilespmem:s6+$0x80]  }
0x5e: {  	v3 =	vld [tilespmem:s6+$0x100]  }
0x5f: {  	v4 =	vld [tilespmem:s6+$0x180]  }
0x60: {  	v5 =	vld [tilespmem:s6+$0x200]  }
0x61: {  	v6 =	vld [tilespmem:s6+$0x280]  }
0x62: {  	v7 =	vld [tilespmem:s6+$0x2080]  }
0x63: {  	v8 =	vld [tilespmem:s6+$0x2180]  }
0x64: {  	v3 =	vpack.i.f32.bf16 v4, v3;
	v4 =	vld [tilespmem:s6+$0x2280]  }
0x65: {  	[tilespmem:s6+$0x8080] =	vst v3;
	v3 =	vld [tilespmem:s6+$0x2200]  }
0x66: {  	v1 =	vpack.i.f32.bf16 v2, v1;
	v2 =	vpack.i.f32.bf16 v6, v5;
	v5 =	vld [tilespmem:s6+$0x2100]  }
0x67: {  	[tilespmem:s6+$0x8000] =	vst v1;
	v1 =	vld [tilespmem:s6+$0x2000]  }
0x68: {  	s8 =	sand.u32 $0x70, s13;
	s13 =	sor.u32 $0x380, s7;
	s11 =	sand.u32 $0x1C00, s9;
	[tilespmem:s6+$0x8100] =	vst v2;
	v2 =	vld [tilespmem:s6+$0x300]  }
0x69: {  	s8 =	sor.u32 s8, s11;
	v6 =	vld [tilespmem:s13+$0x0]  }
0x6a: {  	v3 =	vpack.i.f32.bf16 v4, v3  }
0x6b: {  	v4 =	vpack.i.f32.bf16 v8, v5;
	[tilespmem:s6+$0x8300] =	vst v3  }
0x6c: {  	v1 =	vpack.i.f32.bf16 v7, v1;
	[tilespmem:s6+$0x8280] =	vst v4  }
0x6d: {  	[tilespmem:s6+$0x8200] =	vst v1  }
0x6e: {  	v1 =	vpack.i.f32.bf16 v6, v2  }
0x6f: {  	s11 =	sor.u32 $0x2380, s7;
	s7 =	smov.u32 s12;
	[tilespmem:s6+$0x8180] =	vst v1;
	v1 =	vld [tilespmem:s6+$0x2300]  }
0x70: {  	v2 =	vld [tilespmem:s11+$0x0];
	_ =	sdelay $0x4  }
0x71: {  	v1 =	vpack.i.f32.bf16 v2, v1  }
0x72: {  	[tilespmem:s13+$0x8000] =	vst v1  }
0x73: {  	v1 =	vld [tilespmem:s6+$0x4000]  }
0x74: {  	v2 =	vld [tilespmem:s6+$0x6280]  }
0x75: {  	v4 =	vld [tilespmem:s6+$0x4100]  }
0x76: {  	v5 =	vld [tilespmem:s6+$0x4180]  }
0x77: {  	v6 =	vld [tilespmem:s6+$0x4200]  }
0x78: {  	v3 =	vld [tilespmem:s6+$0x4300]  }
0x79: {  	v7 =	vld [tilespmem:s6+$0x4280]  }
0x7a: {  	v9 =	vld [tilespmem:s6+$0x6000]  }
0x7b: {  	v4 =	vpack.i.f32.bf16 v5, v4;
	v10 =	vld [tilespmem:s6+$0x6080]  }
0x7c: {  	[tilespmem:s6+$0xA080] =	vst v4;
	v4 =	vld [tilespmem:s6+$0x6100]  }
.Ltmp0:
0x7d: {  	v5 =	vld [tilespmem:s6+$0x6180];
	(pc) =	sbr.rel @p0 .LBB2_2-.Ltmp0, $4  }
0x7e: {  	v6 =	vpack.i.f32.bf16 v7, v6;
	v8 =	vld [tilespmem:s6+$0x4380]  }
0x7f: {  	[tilespmem:s6+$0xA100] =	vst v6;
	v6 =	vld [tilespmem:s6+$0x6200]  }
0x80: {  	v7 =	vld [tilespmem:s6+$0x4080];
	v9 =	vpack.i.f32.bf16 v10, v9  }
0x81: {  	[tilespmem:s6+$0xA200] =	vst v9;
	v9 =	vld [tilespmem:s6+$0x6300]  }
0x82: {  	v10 =	vld [tilespmem:s6+$0x6380]  }
0x83: {  	v3 =	vpack.i.f32.bf16 v8, v3  }
0x84: {  	[tilespmem:s6+$0xA180] =	vst v3;
	v2 =	vpack.i.f32.bf16 v2, v6  }
0x85: {  	v3 =	vpack.i.f32.bf16 v5, v4;
	[tilespmem:s6+$0xA300] =	vst v2  }
0x86: {  	v1 =	vpack.i.f32.bf16 v7, v1;
	[tilespmem:s6+$0xA280] =	vst v3  }
0x87: {  	[tilespmem:s6+$0xA000] =	vst v1;
	v1 =	vpack.i.f32.bf16 v10, v9  }
0x88: {  	[tilespmem:s11+$0x8000] =	vst v1  }
0x89: {  	v1 =	vld [tilespmem:s8+$0x0]  }
0x8a: {  	v2 =	vld [tilespmem:s8+$0x80]  }
0x8b: {  	v3 =	vld [tilespmem:s8+$0x100]  }
0x8c: {  	v27 =	vld [tilespmem:s8+$0x180]  }
0x8d: {  	v28 =	vld [tilespmem:s8+$0x200]  }
0x8e: {  	v29 =	vld [tilespmem:s8+$0x280]  }
0x8f: {  	v30 =	vld [tilespmem:s8+$0x2080]  }
0x90: {  	v31 =	vld [tilespmem:s8+$0x2180]  }
0x91: {  	v32 =	vld [tilespmem:s8+$0x2280]  }
0x92: {  	v33 =	vld [tilespmem:s8+$0x2000];
	v3 =	vpack.i.f32.bf16 v27, v3  }
0x93: {  	v1 =	vpack.i.f32.bf16 v2, v1;
	v2 =	vld [tilespmem:s8+$0x2100];
	[tilespmem:s8+$0x8080] =	vst v3  }
0x94: {  	v3 =	vld [tilespmem:s8+$0x2200];
	[tilespmem:s8+$0x8000] =	vst v1;
	v1 =	vpack.i.f32.bf16 v29, v28  }
0x95: {  	s13 =	sor.u32 $0x380, s7;
	[tilespmem:s8+$0x8100] =	vst v1;
	v1 =	vld [tilespmem:s8+$0x300]  }
0x96: {  	v34 =	vld [tilespmem:s13+$0x0];
	_ =	sdelay $0x1  }
0x97: {  	v2 =	vpack.i.f32.bf16 v31, v2  }
0x98: {  	v3 =	vpack.i.f32.bf16 v32, v3;
	[tilespmem:s8+$0x8280] =	vst v2  }
0x99: {  	[tilespmem:s8+$0x8300] =	vst v3;
	v3 =	vpack.i.f32.bf16 v30, v33  }
0x9a: {  	[tilespmem:s8+$0x8200] =	vst v3;
	v1 =	vpack.i.f32.bf16 v34, v1  }
0x9b: {  	s14 =	sor.u32 $0x2380, s7;
	[tilespmem:s8+$0x8180] =	vst v1;
	v1 =	vld [tilespmem:s8+$0x2300]  }
0x9c: {  	v2 =	vld [tilespmem:s14+$0x0];
	_ =	sdelay $0x4  }
0x9d: {  	v1 =	vpack.i.f32.bf16 v2, v1  }
0x9e: {  	[tilespmem:s13+$0x8000] =	vst v1  }
0x9f: {  	v1 =	vld [tilespmem:s8+$0x4000]  }
0xa0: {  	v2 =	vld [tilespmem:s8+$0x6280]  }
0xa1: {  	v3 =	vld [tilespmem:s8+$0x4100]  }
0xa2: {  	v35 =	vld [tilespmem:s8+$0x4180]  }
0xa3: {  	v36 =	vld [tilespmem:s8+$0x4200]  }
0xa4: {  	v37 =	vld [tilespmem:s8+$0x4300]  }
0xa5: {  	v38 =	vld [tilespmem:s8+$0x4280]  }
0xa6: {  	v39 =	vld [tilespmem:s8+$0x6000]  }
0xa7: {  	v40 =	vld [tilespmem:s8+$0x6080]  }
0xa8: {  	v41 =	vld [tilespmem:s8+$0x6180]  }
0xa9: {  	v42 =	vld [tilespmem:s8+$0x4380]  }
0xaa: {  	v43 =	vld [tilespmem:s8+$0x6200]  }
0xab: {  	v44 =	vld [tilespmem:s8+$0x4080]  }
0xac: {  	v45 =	vld [tilespmem:s8+$0x6300];
	v3 =	vpack.i.f32.bf16 v35, v3  }
0xad: {  	v5 =	vpack.i.f32.bf16 v38, v36;
	[tilespmem:s8+$0xA080] =	vst v3;
	v3 =	vld [tilespmem:s8+$0x6100]  }
0xae: {  	v46 =	vld [tilespmem:s8+$0x6380];
	v4 =	vpack.i.f32.bf16 v40, v39;
	[tilespmem:s8+$0xA100] =	vst v5  }
0xaf: {  	v6 =	vpack.i.f32.bf16 v42, v37;
	[tilespmem:s8+$0xA200] =	vst v4  }
0xb0: {  	v2 =	vpack.i.f32.bf16 v2, v43;
	[tilespmem:s8+$0xA180] =	vst v6  }
0xb1: {  	v1 =	vpack.i.f32.bf16 v44, v1;
	[tilespmem:s8+$0xA300] =	vst v2  }
0xb2: {  	[tilespmem:s8+$0xA000] =	vst v1;
	v3 =	vpack.i.f32.bf16 v41, v3  }
0xb3: {  	v1 =	vpack.i.f32.bf16 v46, v45;
	[tilespmem:s8+$0xA280] =	vst v3  }
0xb4: {  	s9 =	simm.s32 $0x0;
	s10 =	rddreg [dreg:$0x6];
	[tilespmem:s14+$0x8000] =	vst v1  }
0xb5: {  	[tilespmem:s9], [sflag:$0x1] =	stream.linear.gather [hbm4b:s10+s9], $0x8000, $0x38;
	[tilespmem:$0x19000] =	vst v63  }
0xb6: {  	_ =	swait.ge [sflag:s3], $0x8000  }
0xb7: {  	s12 =	sand.u32 $0x1C00, s9;
	s11 =	sand.u32 $0x70, s9;
	[sflag:s3] =	ssyncset.done $0x0  }
0xb8: {  	s7 =	sor.u32 s11, s12;
	[sflag:s3] =	ssyncadd.s32 $0xFFFF8000  }
0xb9: {  	v1 =	vld [tilespmem:s7+$0x200]  }
0xba: {  	v2 =	vld [tilespmem:s7+$0x2080]  }
0xbb: {  	v3 =	vld [tilespmem:s7+$0x0]  }
0xbc: {  	v47 =	vld [tilespmem:s7+$0x280]  }
0xbd: {  	v48 =	vld [tilespmem:s7+$0x100]  }
0xbe: {  	v49 =	vld [tilespmem:s7+$0x80]  }
0xbf: {  	v50 =	vld [tilespmem:s7+$0x180]  }
0xc0: {  	v51 =	vld [tilespmem:s7+$0x2280]  }
0xc1: {  	v52 =	vld [tilespmem:s7+$0x2200]  }
0xc2: {  	v53 =	vld [tilespmem:s7+$0x2000]  }
0xc3: {  	v54 =	vld [tilespmem:s7+$0x2380];
	v1 =	vpack.i.f32.bf16 v47, v1  }
0xc4: {  	v55 =	vld [tilespmem:s7+$0x300];
	[tilespmem:s7+$0xC100] =	vst v1;
	v1 =	vpack.i.f32.bf16 v50, v48  }
0xc5: {  	s8 =	sor.u32 s9, s9;
	[tilespmem:s7+$0xC080] =	vst v1;
	v1 =	vpack.i.f32.bf16 v49, v3;
	v3 =	vld [tilespmem:s7+$0x2180]  }
0xc6: {  	s6 =	sor.u32 $0x380, s8;
	[tilespmem:s7+$0xC000] =	vst v1;
	v1 =	vld [tilespmem:s7+$0x2100]  }
0xc7: {  	v2 =	vpack.i.f32.bf16 v2, v53;
	v56 =	vld [tilespmem:s6+$0x0]  }
0xc8: {  	[tilespmem:s7+$0xC200] =	vst v2;
	v2 =	vld [tilespmem:s7+$0x2300];
	_ =	sdelay $0x1  }
0xc9: {  	v57 =	vpack.i.f32.bf16 v51, v52  }
0xca: {  	[tilespmem:s7+$0xC300] =	vst v57;
	v1 =	vpack.i.f32.bf16 v3, v1  }
0xcb: {  	v3 =	vpack.i.f32.bf16 v56, v55;
	[tilespmem:s7+$0xC280] =	vst v1  }
0xcc: {  	s13 =	sor.u32 $0x4380, s8;
	v1 =	vpack.i.f32.bf16 v54, v2;
	[tilespmem:s7+$0xC180] =	vst v3  }
0xcd: {  	[tilespmem:s13+$0x8000] =	vst v1  }
0xce: {  	v1 =	vld [tilespmem:s7+$0x4000]  }
0xcf: {  	v2 =	vld [tilespmem:s7+$0x4080]  }
0xd0: {  	v3 =	vld [tilespmem:s7+$0x4200]  }
0xd1: {  	v58 =	vld [tilespmem:s7+$0x4280]  }
0xd2: {  	v59 =	vld [tilespmem:s7+$0x6000]  }
0xd3: {  	v60 =	vld [tilespmem:s7+$0x6080]  }
0xd4: {  	v61 =	vld [tilespmem:s7+$0x6100]  }
0xd5: {  	v1 =	vpack.i.f32.bf16 v2, v1;
	v2 =	vld [tilespmem:s7+$0x4180]  }
0xd6: {  	[tilespmem:s7+$0xE000] =	vst v1;
	v1 =	vld [tilespmem:s7+$0x4100]  }
0xd7: {  	v62 =	vld [tilespmem:s7+$0x6200];
	v3 =	vpack.i.f32.bf16 v58, v3  }
0xd8: {  	[tilespmem:s7+$0xE100] =	vst v3;
	v3 =	vld [tilespmem:s7+$0x6180]  }
0xd9: {  	v63 =	vld [tilespmem:s7+$0x6280];
	_ =	sdelay $0x1  }
0xda: {  	v1 =	vpack.i.f32.bf16 v2, v1  }
0xdb: {  	v5 =	vpack.i.f32.bf16 v60, v59;
	[tilespmem:s7+$0xE080] =	vst v1;
	v1 =	vld [tilespmem:s7+$0x4300]  }
0xdc: {  	s14 =	simm.s32 $0x10;
	s10 =	simm.s32 $0x80;
	v3 =	vpack.i.f32.bf16 v3, v61;
	v2 =	vld [tilespmem:s13+$0x0];
	[tilespmem:s7+$0xE200] =	vst v5  }
0xdd: {  	s9 =	sand.u32 $0x70, s14;
	s12 =	sand.u32 $0x1C00, s10;
	[tilespmem:s7+$0xE280] =	vst v3;
	v3 =	vpack.i.f32.bf16 v63, v62  }
0xde: {  	s11 =	simm.s32 $0x20;
	s9 =	sor.u32 s9, s12;
	s6 =	sor.u32 s14, s10;
	[tilespmem:s7+$0xE300] =	vst v3  }
.LBB2_4:
0xdf: {  	p0 =	sne.s32 s11, $0x3F0  }
0xe0: {  	s10 =	sadd.s32 $0x80, s10;
	s12 =	smov.u32 s11;
	s11 =	sadd.s32 $0x10, s11  }
0xe1: {  	s13 =	sor.u32 s12, s10;
	v1 =	vpack.i.f32.bf16 v2, v1  }
0xe2: {  	s14 =	sor.u32 $0x6380, s8;
	s8 =	smov.u32 s6;
	[tilespmem:s7+$0xE180] =	vst v1;
	v1 =	vld [tilespmem:s7+$0x6300];
	s6 =	smov.u32 s13  }
0xe3: {  	s7 =	smov.u32 s9;
	v2 =	vld [tilespmem:s14+$0x0];
	_ =	sdelay $0x4  }
0xe4: {  	v1 =	vpack.i.f32.bf16 v2, v1  }
0xe5: {  	[tilespmem:s14+$0x8000] =	vst v1  }
0xe6: {  	v1 =	vld [tilespmem:s7+$0x200]  }
0xe7: {  	v2 =	vld [tilespmem:s7+$0x2080]  }
0xe8: {  	v3 =	vld [tilespmem:s7+$0x0]  }
0xe9: {  	s9 =	sand.u32 $0x70, s12;
	s12 =	sand.u32 $0x1C00, s10;
	v4 =	vld [tilespmem:s7+$0x280]  }
0xea: {  	s9 =	sor.u32 s9, s12;
	v5 =	vld [tilespmem:s7+$0x100]  }
0xeb: {  	v6 =	vld [tilespmem:s7+$0x80]  }
0xec: {  	v7 =	vld [tilespmem:s7+$0x180]  }
0xed: {  	v8 =	vld [tilespmem:s7+$0x2280]  }
0xee: {  	v9 =	vld [tilespmem:s7+$0x2200]  }
0xef: {  	v10 =	vld [tilespmem:s7+$0x2000]  }
0xf0: {  	v1 =	vpack.i.f32.bf16 v4, v1;
	v3 =	vpack.i.f32.bf16 v6, v3;
	v4 =	vld [tilespmem:s7+$0x2380]  }
0xf1: {  	v5 =	vpack.i.f32.bf16 v7, v5;
	[tilespmem:s7+$0xC100] =	vst v1;
	v1 =	vld [tilespmem:s7+$0x300]  }
0xf2: {  	[tilespmem:s7+$0xC080] =	vst v5;
	v5 =	vld [tilespmem:s7+$0x2180]  }
0xf3: {  	s12 =	sor.u32 $0x380, s8;
	[tilespmem:s7+$0xC000] =	vst v3;
	v3 =	vld [tilespmem:s7+$0x2100];
	v6 =	vpack.i.f32.bf16 v8, v9  }
0xf4: {  	v7 =	vld [tilespmem:s12+$0x0];
	v2 =	vpack.i.f32.bf16 v2, v10  }
0xf5: {  	[tilespmem:s7+$0xC200] =	vst v2;
	v2 =	vld [tilespmem:s7+$0x2300];
	_ =	sdelay $0x2  }
0xf6: {  	v3 =	vpack.i.f32.bf16 v5, v3;
	[tilespmem:s7+$0xC300] =	vst v6  }
0xf7: {  	v1 =	vpack.i.f32.bf16 v7, v1;
	[tilespmem:s7+$0xC280] =	vst v3  }
0xf8: {  	s12 =	sor.u32 $0x4380, s8;
	[tilespmem:s7+$0xC180] =	vst v1;
	v1 =	vpack.i.f32.bf16 v4, v2  }
0xf9: {  	[tilespmem:s12+$0x8000] =	vst v1  }
0xfa: {  	v1 =	vld [tilespmem:s7+$0x4000]  }
0xfb: {  	v2 =	vld [tilespmem:s7+$0x4080]  }
0xfc: {  	v3 =	vld [tilespmem:s7+$0x4200]  }
0xfd: {  	v4 =	vld [tilespmem:s7+$0x4280]  }
0xfe: {  	v5 =	vld [tilespmem:s7+$0x6000]  }
0xff: {  	v6 =	vld [tilespmem:s7+$0x6080]  }
0x100: {  	v1 =	vpack.i.f32.bf16 v2, v1;
	v2 =	vld [tilespmem:s7+$0x4180]  }
0x101: {  	[tilespmem:s7+$0xE000] =	vst v1;
	v1 =	vld [tilespmem:s7+$0x4100]  }
0x102: {  	v3 =	vpack.i.f32.bf16 v4, v3;
	v4 =	vld [tilespmem:s7+$0x6100]  }
0x103: {  	[tilespmem:s7+$0xE100] =	vst v3;
	v3 =	vld [tilespmem:s7+$0x6180]  }
0x104: {  	v5 =	vpack.i.f32.bf16 v6, v5;
	v6 =	vld [tilespmem:s7+$0x6200]  }
0x105: {  	v7 =	vld [tilespmem:s7+$0x6280]  }
0x106: {  	v1 =	vpack.i.f32.bf16 v2, v1  }
.Ltmp1:
0x107: {  	[tilespmem:s7+$0xE080] =	vst v1;
	v1 =	vld [tilespmem:s7+$0x4300];
	(pc) =	sbr.rel @p0 .LBB2_4-.Ltmp1, $4  }
0x108: {  	v2 =	vld [tilespmem:s12+$0x0];
	v3 =	vpack.i.f32.bf16 v3, v4  }
0x109: {  	[tilespmem:s7+$0xE200] =	vst v5  }
0x10a: {  	[tilespmem:s7+$0xE280] =	vst v3;
	v3 =	vpack.i.f32.bf16 v7, v6  }
0x10b: {  	[tilespmem:s7+$0xE300] =	vst v3  }
0x10c: {  	_ = 	snop  }
0x10d: {  	v1 =	vpack.i.f32.bf16 v2, v1  }
0x10e: {  	s14 =	sor.u32 $0x6380, s8;
	[tilespmem:s7+$0xE180] =	vst v1;
	v1 =	vld [tilespmem:s7+$0x6300]  }
0x10f: {  	v2 =	vld [tilespmem:s14+$0x0];
	_ =	sdelay $0x4  }
0x110: {  	v1 =	vpack.i.f32.bf16 v2, v1  }
0x111: {  	[tilespmem:s14+$0x8000] =	vst v1  }
0x112: {  	v1 =	vld [tilespmem:s9+$0x200]  }
0x113: {  	v2 =	vld [tilespmem:s9+$0x2080]  }
0x114: {  	v3 =	vld [tilespmem:s9+$0x0]  }
0x115: {  	v4 =	vld [tilespmem:s9+$0x280]  }
0x116: {  	v5 =	vld [tilespmem:s9+$0x100]  }
0x117: {  	v6 =	vld [tilespmem:s9+$0x80]  }
0x118: {  	v7 =	vld [tilespmem:s9+$0x180]  }
0x119: {  	v8 =	vld [tilespmem:s9+$0x2280]  }
0x11a: {  	v9 =	vld [tilespmem:s9+$0x2200]  }
0x11b: {  	v10 =	vld [tilespmem:s9+$0x2000]  }
0x11c: {  	v1 =	vpack.i.f32.bf16 v4, v1;
	v4 =	vld [tilespmem:s9+$0x2380]  }
0x11d: {  	[tilespmem:s9+$0xC100] =	vst v1;
	v1 =	vpack.i.f32.bf16 v7, v5;
	v5 =	vld [tilespmem:s9+$0x300]  }
0x11e: {  	[tilespmem:s9+$0xC080] =	vst v1;
	v1 =	vpack.i.f32.bf16 v6, v3;
	v3 =	vld [tilespmem:s9+$0x2180]  }
0x11f: {  	s8 =	sor.u32 $0x380, s6;
	[tilespmem:s9+$0xC000] =	vst v1;
	v1 =	vld [tilespmem:s9+$0x2100]  }
0x120: {  	v2 =	vpack.i.f32.bf16 v2, v10;
	v6 =	vld [tilespmem:s8+$0x0]  }
0x121: {  	[tilespmem:s9+$0xC200] =	vst v2;
	v2 =	vld [tilespmem:s9+$0x2300];
	_ =	sdelay $0x1  }
0x122: {  	v7 =	vpack.i.f32.bf16 v8, v9  }
0x123: {  	[tilespmem:s9+$0xC300] =	vst v7;
	v1 =	vpack.i.f32.bf16 v3, v1  }
0x124: {  	v3 =	vpack.i.f32.bf16 v6, v5;
	[tilespmem:s9+$0xC280] =	vst v1  }
0x125: {  	s10 =	sor.u32 $0x4380, s6;
	v1 =	vpack.i.f32.bf16 v4, v2;
	[tilespmem:s9+$0xC180] =	vst v3  }
0x126: {  	[tilespmem:s10+$0x8000] =	vst v1  }
0x127: {  	v1 =	vld [tilespmem:s9+$0x4000]  }
0x128: {  	v2 =	vld [tilespmem:s9+$0x4080];
	_ =	sdelay $0x1  }
0x129: {  	v3 =	vld [tilespmem:s9+$0x4200]  }
0x12a: {  	v4 =	vld [tilespmem:s9+$0x4280]  }
0x12b: {  	v5 =	vld [tilespmem:s9+$0x6000]  }
0x12c: {  	v1 =	vpack.i.f32.bf16 v2, v1;
	v2 =	vld [tilespmem:s9+$0x4180]  }
0x12d: {  	[tilespmem:s9+$0xE000] =	vst v1;
	v1 =	vld [tilespmem:s9+$0x4100]  }
0x12e: {  	v6 =	vld [tilespmem:s9+$0x6080]  }
0x12f: {  	v7 =	vld [tilespmem:s9+$0x6200]  }
0x130: {  	v8 =	vld [tilespmem:s9+$0x6280]  }
0x131: {  	v3 =	vpack.i.f32.bf16 v4, v3;
	v4 =	vld [tilespmem:s9+$0x6100]  }
0x132: {  	[tilespmem:s9+$0xE100] =	vst v3;
	v3 =	vld [tilespmem:s9+$0x6180];
	v1 =	vpack.i.f32.bf16 v2, v1  }
0x133: {  	[tilespmem:s9+$0xE080] =	vst v1;
	v1 =	vld [tilespmem:s9+$0x4300]  }
0x134: {  	v2 =	vld [tilespmem:s10+$0x0];
	_ =	sdelay $0x1  }
0x135: {  	v5 =	vpack.i.f32.bf16 v6, v5  }
0x136: {  	v3 =	vpack.i.f32.bf16 v3, v4;
	[tilespmem:s9+$0xE200] =	vst v5  }
0x137: {  	[tilespmem:s9+$0xE280] =	vst v3;
	v3 =	vpack.i.f32.bf16 v8, v7  }
0x138: {  	[tilespmem:s9+$0xE300] =	vst v3;
	v1 =	vpack.i.f32.bf16 v2, v1  }
0x139: {  	s11 =	sor.u32 $0x6380, s6;
	[tilespmem:s9+$0xE180] =	vst v1;
	v1 =	vld [tilespmem:s9+$0x6300]  }
0x13a: {  	v2 =	vld [tilespmem:s11+$0x0];
	_ =	sdelay $0x4  }
0x13b: {  	v1 =	vpack.i.f32.bf16 v2, v1  }
0x13c: {  	s12 =	rddreg [dreg:$0x7];
	s7 =	simm.s32 $0x0;
	[tilespmem:s11+$0x8000] =	vst v1  }
0x13d: {  	[tilespmem:s7], [sflag:$0x1] =	stream.linear.gather [hbm4b:s12+s7], $0x8000, $0x38;
	[tilespmem:$0x19000] =	vst v63  }
0x13e: {  	_ =	swait.ge [sflag:s3], $0x8000  }
0x13f: {  	s13 =	sand.u32 $0x70, s7;
	s14 =	sand.u32 $0x1C00, s7;
	[sflag:s3] =	ssyncset.done $0x0  }
0x140: {  	s6 =	sor.u32 s13, s14;
	[sflag:s3] =	ssyncadd.s32 $0xFFFF8000  }
0x141: {  	v1 =	vld [tilespmem:s6+$0x300]  }
0x142: {  	v2 =	vld [tilespmem:s6+$0x2000]  }
0x143: {  	v4 =	vld [tilespmem:s6+$0x2080]  }
0x144: {  	v3 =	vld [tilespmem:s6+$0x2100]  }
0x145: {  	v6 =	vld [tilespmem:s6+$0x2180]  }
0x146: {  	v7 =	vld [tilespmem:s6+$0x2200]  }
0x147: {  	v13 =	vld [tilespmem:s6+$0x2280]  }
0x148: {  	v9 =	vld [tilespmem:s6+$0x2300]  }
0x149: {  	v12 =	vld [tilespmem:s6+$0x2380]  }
0x14a: {  	v8 =	vld [tilespmem:s6+$0x4000]  }
0x14b: {  	v11 =	vld [tilespmem:s6+$0x4080]  }
0x14c: {  	v5 =	vld [tilespmem:s6+$0x4100]  }
0x14d: {  	v10 =	vld [tilespmem:s6+$0x4180]  }
0x14e: {  	v14 =	vld [tilespmem:s6+$0x0]  }
0x14f: {  	v16 =	vld [tilespmem:s6+$0x100]  }
0x150: {  	v17 =	vld [tilespmem:s6+$0x180]  }
0x151: {  	s8 =	simm.s32 $0x0;
	s9 =	simm.s32 $0x10;
	v15 =	vld [tilespmem:s6+$0x200]  }
.LBB2_6:
0x152: {  	p0 =	sne.s32 s9, $0x3F0;
	v18 =	vld [tilespmem:s6+$0x280]  }
0x153: {  	v19 =	vld [tilespmem:s6+$0x80]  }
0x154: {  	v20 =	vld [tilespmem:s6+$0x4200]  }
0x155: {  	v21 =	vld [tilespmem:s6+$0x4280]  }
0x156: {  	v16 =	vpack.i.f32.bf16 v17, v16;
	v17 =	vld [tilespmem:s6+$0x4300]  }
0x157: {  	[tilespmem:s6+$0x10080] =	vst v16;
	v15 =	vpack.i.f32.bf16 v18, v15;
	v16 =	vld [tilespmem:s6+$0x4380]  }
0x158: {  	s10 =	sor.u32 s8, s7;
	s7 =	smov.u32 s9;
	v14 =	vpack.i.f32.bf16 v19, v14;
	[tilespmem:s6+$0x10100] =	vst v15;
	v15 =	vld [tilespmem:s6+$0x6000]  }
0x159: {  	v2 =	vpack.i.f32.bf16 v4, v2;
	s10 =	sor.u32 $0x380, s10;
	[tilespmem:s6+$0x10000] =	vst v14;
	v4 =	vld [tilespmem:s6+$0x6080]  }
0x15a: {  	v14 =	vld [tilespmem:s10+$0x0];
	[tilespmem:s6+$0x10200] =	vst v2;
	v2 =	vpack.i.f32.bf16 v6, v3  }
0x15b: {  	[tilespmem:s6+$0x10280] =	vst v2;
	v2 =	vpack.i.f32.bf16 v13, v7;
	v3 =	vld [tilespmem:s6+$0x6100]  }
0x15c: {  	[tilespmem:s6+$0x10300] =	vst v2;
	v2 =	vpack.i.f32.bf16 v12, v9;
	v6 =	vld [tilespmem:s6+$0x6180]  }
0x15d: {  	[tilespmem:s6+$0x10380] =	vst v2;
	v2 =	vpack.i.f32.bf16 v11, v8;
	v7 =	vld [tilespmem:s6+$0x6200]  }
0x15e: {  	s8 =	sadd.s32 $0x80, s8;
	[tilespmem:s6+$0x12000] =	vst v2;
	v2 =	vpack.i.f32.bf16 v10, v5;
	v5 =	vld [tilespmem:s6+$0x6280]  }
0x15f: {  	s11 =	sand.u32 $0x1C00, s8;
	s10 =	sand.u32 $0x70, s9;
	v1 =	vpack.i.f32.bf16 v14, v1;
	[tilespmem:s6+$0x12080] =	vst v2;
	v8 =	vld [tilespmem:s6+$0x6300]  }
0x160: {  	s10 =	sor.u32 s10, s11;
	v2 =	vpack.i.f32.bf16 v21, v20;
	[tilespmem:s6+$0x10180] =	vst v1;
	v9 =	vld [tilespmem:s6+$0x6380]  }
0x161: {  	v10 =	vpack.i.f32.bf16 v16, v17;
	v1 =	vld [tilespmem:s10+$0x300];
	[tilespmem:s6+$0x12100] =	vst v2  }
0x162: {  	v2 =	vld [tilespmem:s10+$0x2000];
	[tilespmem:s6+$0x12180] =	vst v10;
	v10 =	vpack.i.f32.bf16 v4, v15  }
0x163: {  	v6 =	vpack.i.f32.bf16 v6, v3;
	v4 =	vld [tilespmem:s10+$0x2080];
	[tilespmem:s6+$0x12200] =	vst v10  }
0x164: {  	v5 =	vpack.i.f32.bf16 v5, v7;
	v3 =	vld [tilespmem:s10+$0x2100];
	[tilespmem:s6+$0x12280] =	vst v6  }
0x165: {  	v6 =	vld [tilespmem:s10+$0x2180];
	[tilespmem:s6+$0x12300] =	vst v5;
	v5 =	vpack.i.f32.bf16 v9, v8  }
0x166: {  	v7 =	vld [tilespmem:s10+$0x2200];
	[tilespmem:s6+$0x12380] =	vst v5;
	s6 =	smov.u32 s10  }
0x167: {  	v13 =	vld [tilespmem:s6+$0x2280]  }
0x168: {  	v9 =	vld [tilespmem:s6+$0x2300]  }
0x169: {  	v12 =	vld [tilespmem:s6+$0x2380]  }
0x16a: {  	v8 =	vld [tilespmem:s6+$0x4000]  }
0x16b: {  	v11 =	vld [tilespmem:s6+$0x4080]  }
0x16c: {  	v5 =	vld [tilespmem:s6+$0x4100]  }
.Ltmp2:
0x16d: {  	v10 =	vld [tilespmem:s6+$0x4180];
	(pc) =	sbr.rel @p0 .LBB2_6-.Ltmp2, $4  }
0x16e: {  	v14 =	vld [tilespmem:s6+$0x0]  }
0x16f: {  	v16 =	vld [tilespmem:s6+$0x100]  }
0x170: {  	v17 =	vld [tilespmem:s6+$0x180]  }
0x171: {  	s9 =	sadd.s32 $0x10, s9;
	v15 =	vld [tilespmem:s6+$0x200]  }
0x172: {  	v18 =	vld [tilespmem:s6+$0x280]  }
0x173: {  	v19 =	vld [tilespmem:s6+$0x80]  }
0x174: {  	v20 =	vld [tilespmem:s6+$0x4200]  }
0x175: {  	v21 =	vld [tilespmem:s6+$0x4280]  }
0x176: {  	v55 =	vld [tilespmem:s6+$0x4300];
	v16 =	vpack.i.f32.bf16 v17, v16  }
0x177: {  	v56 =	vld [tilespmem:s6+$0x4380];
	[tilespmem:s6+$0x10080] =	vst v16;
	v15 =	vpack.i.f32.bf16 v18, v15  }
0x178: {  	v57 =	vld [tilespmem:s6+$0x6000];
	s7 =	sor.u32 s8, s7;
	v14 =	vpack.i.f32.bf16 v19, v14;
	[tilespmem:s6+$0x10100] =	vst v15  }
0x179: {  	v58 =	vld [tilespmem:s6+$0x6080];
	v2 =	vpack.i.f32.bf16 v4, v2;
	s7 =	sor.u32 $0x380, s7;
	[tilespmem:s6+$0x10000] =	vst v14  }
0x17a: {  	v59 =	vld [tilespmem:s7+$0x0];
	[tilespmem:s6+$0x10200] =	vst v2;
	v2 =	vpack.i.f32.bf16 v6, v3  }
0x17b: {  	v60 =	vld [tilespmem:s6+$0x6180];
	[tilespmem:s6+$0x10280] =	vst v2;
	v2 =	vpack.i.f32.bf16 v13, v7  }
0x17c: {  	v61 =	vld [tilespmem:s6+$0x6200];
	[tilespmem:s6+$0x10300] =	vst v2;
	v2 =	vpack.i.f32.bf16 v12, v9  }
0x17d: {  	v62 =	vld [tilespmem:s6+$0x6280];
	[tilespmem:s6+$0x10380] =	vst v2;
	v2 =	vpack.i.f32.bf16 v11, v8  }
0x17e: {  	v3 =	vld [tilespmem:s6+$0x6100];
	[tilespmem:s6+$0x12000] =	vst v2;
	v2 =	vpack.i.f32.bf16 v10, v5  }
0x17f: {  	v63 =	vld [tilespmem:s6+$0x6380];
	[tilespmem:s6+$0x12080] =	vst v2;
	v1 =	vpack.i.f32.bf16 v59, v1  }
0x180: {  	v2 =	vld [tilespmem:s6+$0x6300];
	[tilespmem:s6+$0x10180] =	vst v1;
	v1 =	vpack.i.f32.bf16 v21, v20  }
0x181: {  	[tilespmem:s6+$0x12100] =	vst v1;
	v1 =	vpack.i.f32.bf16 v56, v55  }
0x182: {  	[tilespmem:s6+$0x12180] =	vst v1;
	v1 =	vpack.i.f32.bf16 v58, v57  }
0x183: {  	[tilespmem:s6+$0x12200] =	vst v1;
	v1 =	vpack.i.f32.bf16 v60, v3  }
0x184: {  	[tilespmem:s6+$0x12280] =	vst v1;
	v1 =	vpack.i.f32.bf16 v62, v61  }
0x185: {  	[tilespmem:s6+$0x12300] =	vst v1;
	v1 =	vpack.i.f32.bf16 v63, v2  }
0x186: {  	[tilespmem:s6+$0x12380] =	vst v1  }
0x187: {  	_ =	swait.ge [sflag:s24], $0x800  }
0x188: {  	[sflag:s24] =	ssyncset.done $0x0  }
0x189: {  	[sflag:s24] =	ssyncadd.s32 $0xFFFFF800  }
0x18a: {  	_ =	swait.ge [sflag:s24], $0x800  }
0x18b: {  	[sflag:s24] =	ssyncset.done $0x0  }
0x18c: {  	s13 =	rddreg [dreg:$0x8];
	[sflag:s24] =	ssyncadd.s32 $0xFFFFF800  }
0x18d: {  	[tilespmem:s25], [sflag:$0x3] =	stream.strided.gather [hbm4b:s13+s20], $0x800, s21, s20, $0x38;
	[tilespmem:$0x19000] =	vst v63  }
0x18e: {  	s7 =	simm.s32 $0x0;
	s6 =	simm.s32 $0x0;
	s14 =	rddreg [dreg:$0x9]  }
0x18f: {  	[tilespmem:s26], [sflag:$0x3] =	stream.strided.gather [hbm4b:s14+s20], $0x800, s21, s20, $0x38;
	[tilespmem:$0x19000] =	vst v63  }
.LBB2_8:
0x190: {  	s8 =	sshll.u32 s7, $0x4  }
0x191: {  	v1 =	vor.u32 s8, v0  }
0x192: {  	v2 =	vshll.u32 v1, $0x4;
	_ =	sdelay $0x1  }
0x193: {  	v3 =	vor.u32 $0x1, v2;
	_ =	sdelay $0x1  }
0x194: {  	v16 =	vor.u32 $0x7, v2  }
0x195: {  	v4 =	vld.idx.msk [tilespmem:v2+s22+$0x0], $0xffff  }
0x196: {  	v5 =	vor.u32 $0x2, v2;
	v8 =	vld.idx.msk [tilespmem:v2+s23+$0x0], $0xffff  }
0x197: {  	v6 =	vld.idx.msk [tilespmem:v3+s22+$0x0], $0xffff  }
0x198: {  	v7 =	vor.u32 $0x3, v2;
	v10 =	vld.idx.msk [tilespmem:v3+s23+$0x0], $0xffff  }
0x199: {  	v21 =	vld.idx.msk [tilespmem:v16+s22+$0x0], $0xffff  }
0x19a: {  	v16 =	vld.idx.msk [tilespmem:v16+s23+$0x0], $0xffff  }
0x19b: {  	v9 =	vor.u32 $0x4, v2;
	v13 =	vor.u32 $0x5, v2;
	v15 =	vor.u32 $0x6, v2;
	v11 =	vld.idx.msk [tilespmem:v5+s22+$0x0], $0xffff  }
0x19c: {  	v14 =	vld.idx.msk [tilespmem:v5+s23+$0x0], $0xffff;
	v3 =	vshll.u32 v4, $0x3;
	v4 =	vand.u32 $0x7F, v4;
	v5 =	vshll.u32 v8, $0x3  }
0x19d: {  	v12 =	vld.idx.msk [tilespmem:v7+s22+$0x0], $0xffff;
	v3 =	vand.u32 $0xFFFFFC00, v3;
	v5 =	vand.u32 $0xFFFFFC00, v5;
	v17 =	vand.u32 $0x7F, v6  }
0x19e: {  	v3 =	vor.u32 v4, v3;
	v4 =	vand.u32 $0x7F, v8;
	v8 =	vshll.u32 v6, $0x3  }
0x19f: {  	v24 =	vshll.u32 v16, $0x3;
	v16 =	vand.u32 $0x7F, v16;
	v8 =	vand.u32 $0xFFFFFC00, v8  }
0x1a0: {  	v18 =	vld.idx.msk [tilespmem:v9+s22+$0x0], $0xffff;
	v6 =	vor.u32 v4, v5;
	v5 =	vshll.u32 v10, $0x3;
	v4 =	vor.u32 v17, v8  }
0x1a1: {  	v8 =	vld.idx.msk [tilespmem:v7+s23+$0x0], $0xffff;
	v7 =	vand.u32 $0x7F, v10;
	v5 =	vand.u32 $0xFFFFFC00, v5;
	v10 =	vshll.u32 v11, $0x3  }
0x1a2: {  	v20 =	vld.idx.msk [tilespmem:v15+s22+$0x0], $0xffff;
	v17 =	vshll.u32 v12, $0x3;
	v12 =	vand.u32 $0x7F, v12;
	v5 =	vor.u32 v7, v5  }
0x1a3: {  	v9 =	vld.idx.msk [tilespmem:v9+s23+$0x0], $0xffff;
	v7 =	vand.u32 $0x7F, v11;
	v11 =	vand.u32 $0x7F, v14;
	v14 =	vshll.u32 v14, $0x3  }
0x1a4: {  	v10 =	vand.u32 $0xFFFFFC00, v10;
	v17 =	vand.u32 $0xFFFFFC00, v17;
	v14 =	vand.u32 $0xFFFFFC00, v14  }
0x1a5: {  	v19 =	vld.idx.msk [tilespmem:v13+s22+$0x0], $0xffff;
	v10 =	vor.u32 v7, v10;
	v12 =	vor.u32 v12, v17;
	v17 =	vand.u32 $0x7F, v18  }
0x1a6: {  	v7 =	vor.u32 v11, v14;
	v11 =	vld.idx.msk [tilespmem:v13+s23+$0x0], $0xffff;
	v13 =	vand.u32 $0x7F, v8;
	v8 =	vshll.u32 v8, $0x3  }
0x1a7: {  	v14 =	vshll.u32 v18, $0x3;
	v18 =	vshll.u32 v20, $0x3;
	v8 =	vand.u32 $0xFFFFFC00, v8  }
0x1a8: {  	v15 =	vld.idx.msk [tilespmem:v15+s23+$0x0], $0xffff;
	v20 =	vand.u32 $0x7F, v20;
	v8 =	vor.u32 v13, v8;
	v13 =	vshll.u32 v9, $0x3  }
0x1a9: {  	v14 =	vand.u32 $0xFFFFFC00, v14;
	v9 =	vand.u32 $0x7F, v9;
	v13 =	vand.u32 $0xFFFFFC00, v13  }
0x1aa: {  	v14 =	vor.u32 v17, v14;
	v17 =	vshll.u32 v19, $0x3;
	v9 =	vor.u32 v9, v13  }
0x1ab: {  	v13 =	vand.u32 $0x7F, v19;
	v19 =	vand.u32 $0x7F, v11;
	v11 =	vshll.u32 v11, $0x3  }
0x1ac: {  	v22 =	vand.u32 $0xFFFFFC00, v18;
	v17 =	vand.u32 $0xFFFFFC00, v17;
	v11 =	vand.u32 $0xFFFFFC00, v11  }
0x1ad: {  	v18 =	vor.u32 v13, v17;
	v17 =	vand.u32 $0x7F, v15;
	v15 =	vshll.u32 v15, $0x3  }
0x1ae: {  	v13 =	vor.u32 v19, v11;
	v19 =	vor.u32 v20, v22;
	v11 =	vshll.u32 v21, $0x3  }
0x1af: {  	v20 =	vmov s6;
	v21 =	vand.u32 $0x7F, v21;
	v15 =	vand.u32 $0xFFFFFC00, v15  }
0x1b0: {  	v11 =	vand.u32 $0xFFFFFC00, v11;
	v23 =	vshll.u32 v20, $0xA;
	v15 =	vor.u32 v17, v15  }
0x1b1: {  	v22 =	vor.u32 v21, v11;
	v11 =	vshll.u32 v20, $0x7;
	v21 =	vand.u32 $0xE000, v23  }
0x1b2: {  	v17 =	vand.u32 $0xFFFFFC00, v24;
	v20 =	vand.u32 $0x380, v11;
	v23 =	vadd.s32 v22, v21  }
0x1b3: {  	v16 =	vor.u32 v16, v17;
	v17 =	vadd.s32 v19, v21;
	v29 =	vor.u32 v20, v23  }
0x1b4: {  	v23 =	vadd.s32 v18, v21;
	v25 =	vor.u32 v20, v17  }
0x1b5: {  	v17 =	vadd.s32 v14, v21;
	v26 =	vor.u32 v20, v23  }
0x1b6: {  	v23 =	vadd.s32 v12, v21;
	v24 =	vor.u32 v20, v17  }
0x1b7: {  	v17 =	vadd.s32 v10, v21;
	v23 =	vor.u32 v20, v23  }
0x1b8: {  	s8 =	simm.s32 $0x1;
	v28 =	vadd.s32 v6, v21;
	v27 =	vor.u32 v20, v17;
	v17 =	vld.idx.msk [tilespmem:v29+s28+$0x0], $0xffff  }
.LBB2_9:
0x1b9: {  	p0 =	sne.s32 s8, $0x2F;
	v29 =	vadd.s32 v3, v21;
	v28 =	vor.u32 v20, v28;
	v25 =	vld.idx.msk [tilespmem:v25+s28+$0x0], $0xffff  }
0x1ba: {  	v30 =	vadd.s32 v4, v21;
	v29 =	vor.u32 v20, v29;
	v26 =	vld.idx.msk [tilespmem:v26+s28+$0x0], $0xffff  }
0x1bb: {  	v31 =	vadd.s32 v5, v21;
	v30 =	vor.u32 v20, v30;
	v24 =	vld.idx.msk [tilespmem:v24+s28+$0x0], $0xffff  }
0x1bc: {  	v32 =	vadd.s32 v7, v21;
	v31 =	vor.u32 v20, v31;
	v23 =	vld.idx.msk [tilespmem:v23+s28+$0x0], $0xffff  }
0x1bd: {  	v33 =	vadd.s32 v8, v21;
	v32 =	vor.u32 v20, v32;
	v27 =	vld.idx.msk [tilespmem:v27+s28+$0x0], $0xffff  }
0x1be: {  	v34 =	vadd.s32 v9, v21;
	v33 =	vor.u32 v20, v33;
	v28 =	vld.idx.msk [tilespmem:v28+s28+$0x0], $0xffff  }
0x1bf: {  	v35 =	vadd.s32 v13, v21;
	v34 =	vor.u32 v20, v34;
	v29 =	vld.idx.msk [tilespmem:v29+s28+$0x0], $0xffff  }
0x1c0: {  	v36 =	vadd.s32 v15, v21;
	v35 =	vor.u32 v20, v35;
	v30 =	vld.idx.msk [tilespmem:v30+s28+$0x0], $0xffff  }
0x1c1: {  	v21 =	vadd.s32 v16, v21;
	v36 =	vor.u32 v20, v36;
	v31 =	vld.idx.msk [tilespmem:v31+s28+$0x0], $0xffff  }
0x1c2: {  	v20 =	vor.u32 v20, v21;
	v32 =	vld.idx.msk [tilespmem:v32+s28+$0x0], $0xffff  }
0x1c3: {  	v33 =	vld.idx.msk [tilespmem:v33+s28+$0x0], $0xffff  }
0x1c4: {  	v34 =	vld.idx.msk [tilespmem:v34+s28+$0x0], $0xffff  }
0x1c5: {  	v21 =	vmov s8;
	v35 =	vld.idx.msk [tilespmem:v35+s28+$0x0], $0xffff  }
0x1c6: {  	v37 =	vshll.u32 v21, $0xA;
	v38 =	vshll.u32 v21, $0x7;
	v36 =	vld.idx.msk [tilespmem:v36+s28+$0x0], $0xffff  }
0x1c7: {  	v28 =	vsub.bf16 v29, v28;
	v29 =	vsub.bf16 v30, v31;
	v31 =	vor.u32 v1, v11;
	v30 =	vld.idx.msk [tilespmem:v20+s28+$0x0], $0xffff  }
0x1c8: {  	v21 =	vand.u32 $0xE000, v37;
	v11 =	vmovc v38;
	v20 =	vand.u32 $0x380, v38;
	v27 =	vsub.bf16 v27, v32  }
0x1c9: {  	v32 =	vadd.s32 v22, v21;
	v28 =	vmax.bf16 v28, v29;
	v23 =	vsub.bf16 v23, v33  }
0x1ca: {  	v29 =	vadd.s32 v19, v21;
	v27 =	vmax.bf16 v28, v27;
	v24 =	vsub.bf16 v24, v34  }
0x1cb: {  	v28 =	vadd.s32 v18, v21;
	v23 =	vmax.bf16 v27, v23;
	v26 =	vsub.bf16 v26, v35  }
0x1cc: {  	v32 =	vor.u32 v20, v32;
	v23 =	vmax.bf16 v23, v24;
	v24 =	vsub.bf16 v25, v36  }
.Ltmp3:
0x1cd: {  	v25 =	vor.u32 v20, v29;
	v23 =	vmax.bf16 v23, v26;
	v17 =	vsub.bf16 v17, v30;
	(pc) =	sbr.rel @p0 .LBB2_9-.Ltmp3, $4  }
0x1ce: {  	v27 =	vadd.s32 v14, v21;
	v26 =	vor.u32 v20, v28;
	v23 =	vmax.bf16 v23, v24  }
0x1cf: {  	v28 =	vadd.s32 v12, v21;
	v24 =	vor.u32 v20, v27;
	v17 =	vmax.bf16 v23, v17  }
0x1d0: {  	v27 =	vadd.s32 v10, v21;
	v23 =	vor.u32 v20, v28;
	[tilespmem:v31+s29+$0x0] =	vst.idx.msk $0xffff, v17  }
0x1d1: {  	s8 =	sadd.s32 $0x1, s8;
	v28 =	vadd.s32 v6, v21;
	v27 =	vor.u32 v20, v27;
	v17 =	vld.idx.msk [tilespmem:v32+s28+$0x0], $0xffff  }
0x1d2: {  	_ =	sdelay $0x3  }
0x1d3: {  	v3 =	vadd.s32 v3, v21;
	v6 =	vor.u32 v20, v28;
	v10 =	vld.idx.msk [tilespmem:v25+s28+$0x0], $0xffff  }
0x1d4: {  	v4 =	vadd.s32 v4, v21;
	v12 =	vld.idx.msk [tilespmem:v26+s28+$0x0], $0xffff;
	v3 =	vor.u32 v20, v3  }
0x1d5: {  	v5 =	vadd.s32 v5, v21;
	v14 =	vld.idx.msk [tilespmem:v24+s28+$0x0], $0xffff;
	v4 =	vor.u32 v20, v4  }
0x1d6: {  	v7 =	vadd.s32 v7, v21;
	v18 =	vld.idx.msk [tilespmem:v23+s28+$0x0], $0xffff;
	v5 =	vor.u32 v20, v5  }
0x1d7: {  	v19 =	vld.idx.msk [tilespmem:v27+s28+$0x0], $0xffff;
	v8 =	vadd.s32 v8, v21;
	v7 =	vor.u32 v20, v7  }
0x1d8: {  	v9 =	vadd.s32 v9, v21;
	v8 =	vor.u32 v20, v8;
	v6 =	vld.idx.msk [tilespmem:v6+s28+$0x0], $0xffff  }
0x1d9: {  	v13 =	vadd.s32 v13, v21;
	v9 =	vor.u32 v20, v9;
	v3 =	vld.idx.msk [tilespmem:v3+s28+$0x0], $0xffff  }
0x1da: {  	v15 =	vadd.s32 v15, v21;
	v13 =	vor.u32 v20, v13;
	v4 =	vld.idx.msk [tilespmem:v4+s28+$0x0], $0xffff  }
0x1db: {  	v16 =	vadd.s32 v16, v21;
	v15 =	vor.u32 v20, v15;
	v5 =	vld.idx.msk [tilespmem:v5+s28+$0x0], $0xffff  }
0x1dc: {  	v16 =	vor.u32 v20, v16;
	v7 =	vld.idx.msk [tilespmem:v7+s28+$0x0], $0xffff  }
0x1dd: {  	v8 =	vld.idx.msk [tilespmem:v8+s28+$0x0], $0xffff  }
0x1de: {  	v9 =	vld.idx.msk [tilespmem:v9+s28+$0x0], $0xffff  }
0x1df: {  	v13 =	vld.idx.msk [tilespmem:v13+s28+$0x0], $0xffff  }
0x1e0: {  	v15 =	vld.idx.msk [tilespmem:v15+s28+$0x0], $0xffff;
	v3 =	vsub.bf16 v3, v6;
	v4 =	vsub.bf16 v4, v5  }
0x1e1: {  	v5 =	vld.idx.msk [tilespmem:v16+s28+$0x0], $0xffff;
	v6 =	vsub.bf16 v19, v7  }
0x1e2: {  	v3 =	vmax.bf16 v3, v4;
	v4 =	vsub.bf16 v18, v8  }
0x1e3: {  	v3 =	vmax.bf16 v3, v6;
	v6 =	vsub.bf16 v14, v9  }
0x1e4: {  	v7 =	vor.u32 v1, v11;
	v3 =	vmax.bf16 v3, v4;
	v4 =	vsub.bf16 v12, v13  }
0x1e5: {  	v8 =	vor.u32 $0x8, v2;
	v3 =	vmax.bf16 v3, v6;
	v6 =	vsub.bf16 v10, v15  }
0x1e6: {  	v3 =	vmax.bf16 v3, v4;
	v4 =	vsub.bf16 v17, v5  }
0x1e7: {  	v14 =	vor.u32 $0xE, v2;
	v3 =	vmax.bf16 v3, v6  }
0x1e8: {  	v3 =	vmax.bf16 v3, v4  }
0x1e9: {  	v5 =	vor.u32 $0x9, v2;
	[tilespmem:v7+s29+$0x0] =	vst.idx.msk $0xffff, v3  }
0x1ea: {  	v3 =	vld.idx.msk [tilespmem:v8+s22+$0x0], $0xffff  }
0x1eb: {  	v4 =	vor.u32 $0xA, v2;
	v8 =	vld.idx.msk [tilespmem:v8+s23+$0x0], $0xffff  }
0x1ec: {  	v20 =	vld.idx.msk [tilespmem:v14+s22+$0x0], $0xffff  }
0x1ed: {  	v14 =	vld.idx.msk [tilespmem:v14+s23+$0x0], $0xffff  }
0x1ee: {  	v6 =	vld.idx.msk [tilespmem:v5+s22+$0x0], $0xffff  }
0x1ef: {  	v7 =	vor.u32 $0xB, v2;
	v10 =	vld.idx.msk [tilespmem:v5+s23+$0x0], $0xffff  }
0x1f0: {  	v9 =	vor.u32 $0xC, v2;
	v12 =	vor.u32 $0xD, v2;
	v15 =	vor.u32 $0xF, v2;
	v11 =	vld.idx.msk [tilespmem:v4+s22+$0x0], $0xffff  }
0x1f1: {  	v16 =	vld.idx.msk [tilespmem:v4+s23+$0x0], $0xffff;
	v5 =	vshll.u32 v3, $0x3;
	v3 =	vand.u32 $0x7F, v3;
	v4 =	vshll.u32 v8, $0x3  }
0x1f2: {  	v22 =	vand.u32 $0x7F, v14;
	v14 =	vshll.u32 v14, $0x3;
	v5 =	vand.u32 $0xFFFFFC00, v5  }
0x1f3: {  	v4 =	vand.u32 $0xFFFFFC00, v4;
	v14 =	vand.u32 $0xFFFFFC00, v14;
	v2 =	vor.u32 v3, v5  }
0x1f4: {  	v13 =	vld.idx.msk [tilespmem:v7+s22+$0x0], $0xffff;
	v3 =	vand.u32 $0x7F, v8;
	v5 =	vshll.u32 v6, $0x3;
	v6 =	vand.u32 $0x7F, v6  }
0x1f5: {  	v7 =	vld.idx.msk [tilespmem:v7+s23+$0x0], $0xffff;
	v8 =	vand.u32 $0xFFFFFC00, v5;
	v5 =	vor.u32 v3, v4;
	v4 =	vshll.u32 v10, $0x3  }
0x1f6: {  	v3 =	vor.u32 v6, v8;
	v6 =	vand.u32 $0x7F, v10;
	v4 =	vand.u32 $0xFFFFFC00, v4  }
0x1f7: {  	v17 =	vld.idx.msk [tilespmem:v9+s22+$0x0], $0xffff;
	v8 =	vshll.u32 v11, $0x3;
	v10 =	vand.u32 $0x7F, v16;
	v4 =	vor.u32 v6, v4  }
0x1f8: {  	v6 =	vand.u32 $0x7F, v11;
	v8 =	vand.u32 $0xFFFFFC00, v8;
	v11 =	vld.idx.msk [tilespmem:v9+s23+$0x0], $0xffff;
	v9 =	vshll.u32 v16, $0x3  }
0x1f9: {  	v18 =	vld.idx.msk [tilespmem:v12+s22+$0x0], $0xffff;
	v16 =	vshll.u32 v13, $0x3;
	v13 =	vand.u32 $0x7F, v13;
	v19 =	vand.u32 $0xFFFFFC00, v9  }
0x1fa: {  	v16 =	vand.u32 $0xFFFFFC00, v16;
	v9 =	vor.u32 v6, v8;
	v8 =	vand.u32 $0x7F, v7  }
0x1fb: {  	v7 =	vshll.u32 v7, $0x3;
	v6 =	vor.u32 v10, v19;
	v10 =	vor.u32 v13, v16;
	v13 =	vld.idx.msk [tilespmem:v12+s23+$0x0], $0xffff  }
0x1fc: {  	v14 =	vor.u32 v22, v14;
	v12 =	vshll.u32 v17, $0x3;
	v7 =	vand.u32 $0xFFFFFC00, v7;
	v19 =	vld.idx.msk [tilespmem:v15+s22+$0x0], $0xffff  }
0x1fd: {  	v16 =	vand.u32 $0x7F, v17;
	v15 =	vld.idx.msk [tilespmem:v15+s23+$0x0], $0xffff;
	v12 =	vand.u32 $0xFFFFFC00, v12;
	v7 =	vor.u32 v8, v7  }
0x1fe: {  	v12 =	vor.u32 v16, v12;
	v16 =	vshll.u32 v18, $0x3;
	v8 =	vshll.u32 v11, $0x3  }
0x1ff: {  	v11 =	vand.u32 $0x7F, v11;
	v16 =	vand.u32 $0xFFFFFC00, v16;
	v8 =	vand.u32 $0xFFFFFC00, v8  }
0x200: {  	v8 =	vor.u32 v11, v8;
	v11 =	vand.u32 $0x7F, v18;
	v17 =	vand.u32 $0x7F, v13  }
0x201: {  	v13 =	vshll.u32 v13, $0x3;
	v18 =	vshll.u32 v20, $0x3;
	v20 =	vand.u32 $0x7F, v20  }
0x202: {  	v23 =	vshll.u32 v15, $0x3;
	v15 =	vand.u32 $0x7F, v15;
	v13 =	vand.u32 $0xFFFFFC00, v13  }
0x203: {  	s8 =	simm.s32 $0x0;
	v18 =	vand.u32 $0xFFFFFC00, v18;
	v16 =	vor.u32 v11, v16;
	v11 =	vor.u32 v17, v13  }
0x204: {  	v17 =	vor.u32 v20, v18;
	v13 =	vshll.u32 v19, $0x3;
	v18 =	vmov s8  }
0x205: {  	v19 =	vand.u32 $0x7F, v19;
	v13 =	vand.u32 $0xFFFFFC00, v13;
	v21 =	vshll.u32 v18, $0xA  }
0x206: {  	v20 =	vor.u32 v19, v13;
	v13 =	vshll.u32 v18, $0x7;
	v21 =	vand.u32 $0xE000, v21  }
0x207: {  	v22 =	vand.u32 $0xFFFFFC00, v23;
	v18 =	vand.u32 $0x380, v13;
	v19 =	vadd.s32 v20, v21  }
0x208: {  	v15 =	vor.u32 v15, v22;
	v22 =	vadd.s32 v17, v21;
	v19 =	vor.u32 v18, v19  }
0x209: {  	v23 =	vadd.s32 v16, v21;
	v25 =	vor.u32 v18, v22  }
0x20a: {  	v22 =	vadd.s32 v12, v21;
	v24 =	vor.u32 v18, v23  }
0x20b: {  	v26 =	vadd.s32 v10, v21;
	v23 =	vor.u32 v18, v22  }
0x20c: {  	v28 =	vadd.s32 v9, v21;
	v22 =	vor.u32 v18, v26  }
0x20d: {  	s8 =	simm.s32 $0x1;
	v27 =	vadd.s32 v5, v21;
	v26 =	vor.u32 v18, v28;
	v19 =	vld.idx.msk [tilespmem:v19+s28+$0x0], $0xffff  }
.LBB2_11:
0x20e: {  	p0 =	sne.s32 s8, $0x2F;
	v28 =	vadd.s32 v2, v21;
	v27 =	vor.u32 v18, v27;
	v25 =	vld.idx.msk [tilespmem:v25+s28+$0x0], $0xffff  }
0x20f: {  	v29 =	vadd.s32 v3, v21;
	v28 =	vor.u32 v18, v28;
	v24 =	vld.idx.msk [tilespmem:v24+s28+$0x0], $0xffff  }
0x210: {  	v30 =	vadd.s32 v4, v21;
	v29 =	vor.u32 v18, v29;
	v23 =	vld.idx.msk [tilespmem:v23+s28+$0x0], $0xffff  }
0x211: {  	v31 =	vadd.s32 v6, v21;
	v30 =	vor.u32 v18, v30;
	v22 =	vld.idx.msk [tilespmem:v22+s28+$0x0], $0xffff  }
0x212: {  	v32 =	vadd.s32 v7, v21;
	v31 =	vor.u32 v18, v31;
	v26 =	vld.idx.msk [tilespmem:v26+s28+$0x0], $0xffff  }
0x213: {  	v33 =	vadd.s32 v8, v21;
	v32 =	vor.u32 v18, v32;
	v27 =	vld.idx.msk [tilespmem:v27+s28+$0x0], $0xffff  }
0x214: {  	v34 =	vadd.s32 v11, v21;
	v33 =	vor.u32 v18, v33;
	v28 =	vld.idx.msk [tilespmem:v28+s28+$0x0], $0xffff  }
0x215: {  	v35 =	vadd.s32 v14, v21;
	v34 =	vor.u32 v18, v34;
	v29 =	vld.idx.msk [tilespmem:v29+s28+$0x0], $0xffff  }
0x216: {  	v21 =	vadd.s32 v15, v21;
	v35 =	vor.u32 v18, v35;
	v30 =	vld.idx.msk [tilespmem:v30+s28+$0x0], $0xffff  }
0x217: {  	v18 =	vor.u32 v18, v21;
	v31 =	vld.idx.msk [tilespmem:v31+s28+$0x0], $0xffff  }
0x218: {  	v21 =	vld.idx.msk [tilespmem:v32+s28+$0x0], $0xffff  }
0x219: {  	v32 =	vld.idx.msk [tilespmem:v33+s28+$0x0], $0xffff  }
0x21a: {  	v33 =	vld.idx.msk [tilespmem:v34+s28+$0x0], $0xffff;
	v34 =	vor.u32 v1, v13  }
0x21b: {  	v35 =	vld.idx.msk [tilespmem:v35+s28+$0x0], $0xffff  }
0x21c: {  	v27 =	vsub.bf16 v28, v27;
	v13 =	vmov s8;
	v28 =	vsub.bf16 v29, v30;
	v29 =	vld.idx.msk [tilespmem:v18+s28+$0x0], $0xffff  }
0x21d: {  	v30 =	vshll.u32 v13, $0xA;
	v13 =	vshll.u32 v13, $0x7;
	v26 =	vsub.bf16 v26, v31  }
0x21e: {  	v18 =	vand.u32 $0x380, v13;
	v27 =	vmax.bf16 v27, v28;
	v22 =	vsub.bf16 v22, v21  }
0x21f: {  	v21 =	vand.u32 $0xE000, v30;
	v26 =	vmax.bf16 v27, v26;
	v23 =	vsub.bf16 v23, v32;
	v27 =	vld.idx.msk [tilespmem:v34+s29+$0x0], $0xffff  }
0x220: {  	v28 =	vadd.s32 v20, v21;
	v22 =	vmax.bf16 v26, v22;
	v24 =	vsub.bf16 v24, v33  }
0x221: {  	v26 =	vadd.s32 v17, v21;
	v22 =	vmax.bf16 v22, v23;
	v23 =	vsub.bf16 v25, v35  }
0x222: {  	v28 =	vor.u32 v18, v28;
	v22 =	vmax.bf16 v22, v24;
	v19 =	vsub.bf16 v19, v29  }
.Ltmp4:
0x223: {  	v25 =	vor.u32 v18, v26;
	v24 =	vadd.s32 v16, v21;
	v22 =	vmax.bf16 v22, v23;
	(pc) =	sbr.rel @p0 .LBB2_11-.Ltmp4, $4  }
0x224: {  	v23 =	vadd.s32 v12, v21;
	v24 =	vor.u32 v18, v24;
	v19 =	vmax.bf16 v22, v19  }
0x225: {  	v22 =	vadd.s32 v10, v21;
	v23 =	vor.u32 v18, v23;
	v19 =	vmax.bf16 v19, v27  }
0x226: {  	v26 =	vadd.s32 v9, v21;
	v22 =	vor.u32 v18, v22;
	[tilespmem:v34+s29+$0x0] =	vst.idx.msk $0xffff, v19  }
0x227: {  	s8 =	sadd.s32 $0x1, s8;
	v26 =	vor.u32 v18, v26;
	v27 =	vadd.s32 v5, v21;
	v19 =	vld.idx.msk [tilespmem:v28+s28+$0x0], $0xffff  }
0x228: {  	_ =	sdelay $0x3  }
0x229: {  	v2 =	vadd.s32 v2, v21;
	v5 =	vor.u32 v18, v27;
	v9 =	vld.idx.msk [tilespmem:v25+s28+$0x0], $0xffff  }
0x22a: {  	v3 =	vadd.s32 v3, v21;
	v10 =	vld.idx.msk [tilespmem:v24+s28+$0x0], $0xffff;
	v2 =	vor.u32 v18, v2  }
0x22b: {  	v4 =	vadd.s32 v4, v21;
	v12 =	vld.idx.msk [tilespmem:v23+s28+$0x0], $0xffff;
	v3 =	vor.u32 v18, v3  }
0x22c: {  	v6 =	vadd.s32 v6, v21;
	v16 =	vld.idx.msk [tilespmem:v22+s28+$0x0], $0xffff;
	v4 =	vor.u32 v18, v4  }
0x22d: {  	v17 =	vld.idx.msk [tilespmem:v26+s28+$0x0], $0xffff;
	v7 =	vadd.s32 v7, v21;
	v6 =	vor.u32 v18, v6  }
0x22e: {  	v8 =	vadd.s32 v8, v21;
	v7 =	vor.u32 v18, v7;
	v5 =	vld.idx.msk [tilespmem:v5+s28+$0x0], $0xffff  }
0x22f: {  	v11 =	vadd.s32 v11, v21;
	v8 =	vor.u32 v18, v8;
	v2 =	vld.idx.msk [tilespmem:v2+s28+$0x0], $0xffff  }
0x230: {  	v14 =	vadd.s32 v14, v21;
	v11 =	vor.u32 v18, v11;
	v3 =	vld.idx.msk [tilespmem:v3+s28+$0x0], $0xffff  }
0x231: {  	v15 =	vadd.s32 v15, v21;
	v14 =	vor.u32 v18, v14;
	v4 =	vld.idx.msk [tilespmem:v4+s28+$0x0], $0xffff  }
0x232: {  	v15 =	vor.u32 v18, v15;
	v6 =	vld.idx.msk [tilespmem:v6+s28+$0x0], $0xffff  }
0x233: {  	v7 =	vld.idx.msk [tilespmem:v7+s28+$0x0], $0xffff  }
0x234: {  	v8 =	vld.idx.msk [tilespmem:v8+s28+$0x0], $0xffff  }
0x235: {  	v1 =	vor.u32 v1, v13;
	v11 =	vld.idx.msk [tilespmem:v11+s28+$0x0], $0xffff  }
0x236: {  	v58 =	vld.idx.msk [tilespmem:v14+s28+$0x0], $0xffff;
	v2 =	vsub.bf16 v2, v5;
	v3 =	vsub.bf16 v3, v4  }
0x237: {  	v59 =	vld.idx.msk [tilespmem:v15+s28+$0x0], $0xffff;
	v60 =	vsub.bf16 v17, v6  }
0x238: {  	v2 =	vmax.bf16 v2, v3;
	v3 =	vsub.bf16 v16, v7  }
0x239: {  	v61 =	vsub.bf16 v12, v8;
	v2 =	vmax.bf16 v2, v60  }
0x23a: {  	s7 =	sadd.s32 $0x1, s7;
	v62 =	vld.idx.msk [tilespmem:v1+s29+$0x0], $0xffff;
	v2 =	vmax.bf16 v2, v3;
	v3 =	vsub.bf16 v10, v11  }
0x23b: {  	p0 =	sne.s32 s7, $0x8;
	v63 =	vsub.bf16 v9, v58;
	v2 =	vmax.bf16 v2, v61  }
.Ltmp5:
0x23c: {  	v2 =	vmax.bf16 v2, v3;
	v3 =	vsub.bf16 v19, v59;
	(pc) =	sbr.rel @p0 .LBB2_8-.Ltmp5, $4  }
0x23d: {  	v2 =	vmax.bf16 v2, v63  }
0x23e: {  	v2 =	vmax.bf16 v2, v3  }
0x23f: {  	v2 =	vmax.bf16 v2, v62  }
0x240: {  	[tilespmem:v1+s29+$0x0] =	vst.idx.msk $0xffff, v2  }
0x241: {  	s6 =	rddreg [dreg:$0xa]  }
0x242: {  	[hbm4b:s6+s21] =	stream.strided.scatter [tilespmem:s29], [sflag:$0x4], $0x1800, s30, s21, $0x38;
	[tilespmem:$0x19000] =	vst v63  }
0x243: {  	_ =	swait.ge [sflag:s31], $0x800  }
0x244: {  	[sflag:s31] =	ssyncset.done $0x0  }
0x245: {  	[sflag:s31] =	ssyncadd.s32 $0xFFFFF800  }
0x246: {  	_ =	swait.ge [sflag:s31], $0x800  }
0x247: {  	[sflag:s31] =	ssyncset.done $0x0  }
0x248: {  	s13 =	rddreg [dreg:$0xb];
	[sflag:s31] =	ssyncadd.s32 $0xFFFFF800  }
0x249: {  	[tilespmem:s22], [sflag:$0x2] =	stream.strided.gather [hbm4b:s13+s20], $0x800, s21, s20, $0x38;
	[tilespmem:$0x19000] =	vst v63  }
0x24a: {  	s7 =	simm.s32 $0x0;
	s6 =	simm.s32 $0x0;
	s14 =	rddreg [dreg:$0xc]  }
0x24b: {  	[tilespmem:s23], [sflag:$0x2] =	stream.strided.gather [hbm4b:s14+s20], $0x800, s21, s20, $0x38;
	[tilespmem:$0x19000] =	vst v63  }
.LBB2_14:
0x24c: {  	s8 =	sshll.u32 s7, $0x4  }
0x24d: {  	v1 =	vor.u32 s8, v0  }
0x24e: {  	v2 =	vshll.u32 v1, $0x4;
	_ =	sdelay $0x1  }
0x24f: {  	v3 =	vor.u32 $0x1, v2;
	_ =	sdelay $0x1  }
0x250: {  	v16 =	vor.u32 $0x7, v2  }
0x251: {  	v4 =	vld.idx.msk [tilespmem:v2+s25+$0x0], $0xffff  }
0x252: {  	v5 =	vor.u32 $0x2, v2;
	v8 =	vld.idx.msk [tilespmem:v2+s26+$0x0], $0xffff  }
0x253: {  	v6 =	vld.idx.msk [tilespmem:v3+s25+$0x0], $0xffff  }
0x254: {  	v7 =	vor.u32 $0x3, v2;
	v10 =	vld.idx.msk [tilespmem:v3+s26+$0x0], $0xffff  }
0x255: {  	v21 =	vld.idx.msk [tilespmem:v16+s25+$0x0], $0xffff  }
0x256: {  	v16 =	vld.idx.msk [tilespmem:v16+s26+$0x0], $0xffff  }
0x257: {  	v9 =	vor.u32 $0x4, v2;
	v13 =	vor.u32 $0x5, v2;
	v15 =	vor.u32 $0x6, v2;
	v11 =	vld.idx.msk [tilespmem:v5+s25+$0x0], $0xffff  }
0x258: {  	v14 =	vld.idx.msk [tilespmem:v5+s26+$0x0], $0xffff;
	v3 =	vshll.u32 v4, $0x3;
	v4 =	vand.u32 $0x7F, v4;
	v5 =	vshll.u32 v8, $0x3  }
0x259: {  	v12 =	vld.idx.msk [tilespmem:v7+s25+$0x0], $0xffff;
	v3 =	vand.u32 $0xFFFFFC00, v3;
	v5 =	vand.u32 $0xFFFFFC00, v5;
	v17 =	vand.u32 $0x7F, v6  }
0x25a: {  	v3 =	vor.u32 v4, v3;
	v4 =	vand.u32 $0x7F, v8;
	v8 =	vshll.u32 v6, $0x3  }
0x25b: {  	v24 =	vshll.u32 v16, $0x3;
	v16 =	vand.u32 $0x7F, v16;
	v8 =	vand.u32 $0xFFFFFC00, v8  }
0x25c: {  	v18 =	vld.idx.msk [tilespmem:v9+s25+$0x0], $0xffff;
	v6 =	vor.u32 v4, v5;
	v5 =	vshll.u32 v10, $0x3;
	v4 =	vor.u32 v17, v8  }
0x25d: {  	v8 =	vld.idx.msk [tilespmem:v7+s26+$0x0], $0xffff;
	v7 =	vand.u32 $0x7F, v10;
	v5 =	vand.u32 $0xFFFFFC00, v5;
	v10 =	vshll.u32 v11, $0x3  }
0x25e: {  	v20 =	vld.idx.msk [tilespmem:v15+s25+$0x0], $0xffff;
	v17 =	vshll.u32 v12, $0x3;
	v12 =	vand.u32 $0x7F, v12;
	v5 =	vor.u32 v7, v5  }
0x25f: {  	v9 =	vld.idx.msk [tilespmem:v9+s26+$0x0], $0xffff;
	v7 =	vand.u32 $0x7F, v11;
	v11 =	vand.u32 $0x7F, v14;
	v14 =	vshll.u32 v14, $0x3  }
0x260: {  	v10 =	vand.u32 $0xFFFFFC00, v10;
	v17 =	vand.u32 $0xFFFFFC00, v17;
	v14 =	vand.u32 $0xFFFFFC00, v14  }
0x261: {  	v19 =	vld.idx.msk [tilespmem:v13+s25+$0x0], $0xffff;
	v10 =	vor.u32 v7, v10;
	v12 =	vor.u32 v12, v17;
	v17 =	vand.u32 $0x7F, v18  }
0x262: {  	v7 =	vor.u32 v11, v14;
	v11 =	vld.idx.msk [tilespmem:v13+s26+$0x0], $0xffff;
	v13 =	vand.u32 $0x7F, v8;
	v8 =	vshll.u32 v8, $0x3  }
0x263: {  	v14 =	vshll.u32 v18, $0x3;
	v18 =	vshll.u32 v20, $0x3;
	v8 =	vand.u32 $0xFFFFFC00, v8  }
0x264: {  	v15 =	vld.idx.msk [tilespmem:v15+s26+$0x0], $0xffff;
	v20 =	vand.u32 $0x7F, v20;
	v8 =	vor.u32 v13, v8;
	v13 =	vshll.u32 v9, $0x3  }
0x265: {  	v14 =	vand.u32 $0xFFFFFC00, v14;
	v9 =	vand.u32 $0x7F, v9;
	v13 =	vand.u32 $0xFFFFFC00, v13  }
0x266: {  	v14 =	vor.u32 v17, v14;
	v17 =	vshll.u32 v19, $0x3;
	v9 =	vor.u32 v9, v13  }
0x267: {  	v13 =	vand.u32 $0x7F, v19;
	v19 =	vand.u32 $0x7F, v11;
	v11 =	vshll.u32 v11, $0x3  }
0x268: {  	v22 =	vand.u32 $0xFFFFFC00, v18;
	v17 =	vand.u32 $0xFFFFFC00, v17;
	v11 =	vand.u32 $0xFFFFFC00, v11  }
0x269: {  	v18 =	vor.u32 v13, v17;
	v17 =	vand.u32 $0x7F, v15;
	v15 =	vshll.u32 v15, $0x3  }
0x26a: {  	v13 =	vor.u32 v19, v11;
	v19 =	vor.u32 v20, v22;
	v11 =	vshll.u32 v21, $0x3  }
0x26b: {  	v20 =	vmov s6;
	v21 =	vand.u32 $0x7F, v21;
	v15 =	vand.u32 $0xFFFFFC00, v15  }
0x26c: {  	v11 =	vand.u32 $0xFFFFFC00, v11;
	v23 =	vshll.u32 v20, $0xA;
	v15 =	vor.u32 v17, v15  }
0x26d: {  	v22 =	vor.u32 v21, v11;
	v11 =	vshll.u32 v20, $0x7;
	v21 =	vand.u32 $0xE000, v23  }
0x26e: {  	v17 =	vand.u32 $0xFFFFFC00, v24;
	v20 =	vand.u32 $0x380, v11;
	v23 =	vadd.s32 v22, v21  }
0x26f: {  	v16 =	vor.u32 v16, v17;
	v17 =	vadd.s32 v19, v21;
	v29 =	vor.u32 v20, v23  }
0x270: {  	v23 =	vadd.s32 v18, v21;
	v25 =	vor.u32 v20, v17  }
0x271: {  	v17 =	vadd.s32 v14, v21;
	v26 =	vor.u32 v20, v23  }
0x272: {  	v23 =	vadd.s32 v12, v21;
	v24 =	vor.u32 v20, v17  }
0x273: {  	v17 =	vadd.s32 v10, v21;
	v23 =	vor.u32 v20, v23  }
0x274: {  	s8 =	simm.s32 $0x1;
	v28 =	vadd.s32 v6, v21;
	v27 =	vor.u32 v20, v17;
	v17 =	vld.idx.msk [tilespmem:v29+s28+$0x0], $0xffff  }
.LBB2_15:
0x275: {  	p0 =	sne.s32 s8, $0x2F;
	v29 =	vadd.s32 v3, v21;
	v28 =	vor.u32 v20, v28;
	v25 =	vld.idx.msk [tilespmem:v25+s28+$0x0], $0xffff  }
0x276: {  	v30 =	vadd.s32 v4, v21;
	v29 =	vor.u32 v20, v29;
	v26 =	vld.idx.msk [tilespmem:v26+s28+$0x0], $0xffff  }
0x277: {  	v31 =	vadd.s32 v5, v21;
	v30 =	vor.u32 v20, v30;
	v24 =	vld.idx.msk [tilespmem:v24+s28+$0x0], $0xffff  }
0x278: {  	v32 =	vadd.s32 v7, v21;
	v31 =	vor.u32 v20, v31;
	v23 =	vld.idx.msk [tilespmem:v23+s28+$0x0], $0xffff  }
0x279: {  	v33 =	vadd.s32 v8, v21;
	v32 =	vor.u32 v20, v32;
	v27 =	vld.idx.msk [tilespmem:v27+s28+$0x0], $0xffff  }
0x27a: {  	v34 =	vadd.s32 v9, v21;
	v33 =	vor.u32 v20, v33;
	v28 =	vld.idx.msk [tilespmem:v28+s28+$0x0], $0xffff  }
0x27b: {  	v35 =	vadd.s32 v13, v21;
	v34 =	vor.u32 v20, v34;
	v29 =	vld.idx.msk [tilespmem:v29+s28+$0x0], $0xffff  }
0x27c: {  	v36 =	vadd.s32 v15, v21;
	v35 =	vor.u32 v20, v35;
	v30 =	vld.idx.msk [tilespmem:v30+s28+$0x0], $0xffff  }
0x27d: {  	v21 =	vadd.s32 v16, v21;
	v36 =	vor.u32 v20, v36;
	v31 =	vld.idx.msk [tilespmem:v31+s28+$0x0], $0xffff  }
0x27e: {  	v20 =	vor.u32 v20, v21;
	v32 =	vld.idx.msk [tilespmem:v32+s28+$0x0], $0xffff  }
0x27f: {  	v33 =	vld.idx.msk [tilespmem:v33+s28+$0x0], $0xffff  }
0x280: {  	v34 =	vld.idx.msk [tilespmem:v34+s28+$0x0], $0xffff  }
0x281: {  	v21 =	vmov s8;
	v35 =	vld.idx.msk [tilespmem:v35+s28+$0x0], $0xffff  }
0x282: {  	v37 =	vshll.u32 v21, $0xA;
	v38 =	vshll.u32 v21, $0x7;
	v36 =	vld.idx.msk [tilespmem:v36+s28+$0x0], $0xffff  }
0x283: {  	v28 =	vsub.bf16 v29, v28;
	v29 =	vsub.bf16 v30, v31;
	v31 =	vor.u32 v1, v11;
	v30 =	vld.idx.msk [tilespmem:v20+s28+$0x0], $0xffff  }
0x284: {  	v21 =	vand.u32 $0xE000, v37;
	v11 =	vmovc v38;
	v20 =	vand.u32 $0x380, v38;
	v27 =	vsub.bf16 v27, v32  }
0x285: {  	v32 =	vadd.s32 v22, v21;
	v28 =	vmax.bf16 v28, v29;
	v23 =	vsub.bf16 v23, v33  }
0x286: {  	v29 =	vadd.s32 v19, v21;
	v27 =	vmax.bf16 v28, v27;
	v24 =	vsub.bf16 v24, v34  }
0x287: {  	v28 =	vadd.s32 v18, v21;
	v23 =	vmax.bf16 v27, v23;
	v26 =	vsub.bf16 v26, v35  }
0x288: {  	v32 =	vor.u32 v20, v32;
	v23 =	vmax.bf16 v23, v24;
	v24 =	vsub.bf16 v25, v36  }
.Ltmp6:
0x289: {  	v25 =	vor.u32 v20, v29;
	v23 =	vmax.bf16 v23, v26;
	v17 =	vsub.bf16 v17, v30;
	(pc) =	sbr.rel @p0 .LBB2_15-.Ltmp6, $4  }
0x28a: {  	v27 =	vadd.s32 v14, v21;
	v26 =	vor.u32 v20, v28;
	v23 =	vmax.bf16 v23, v24  }
0x28b: {  	v28 =	vadd.s32 v12, v21;
	v24 =	vor.u32 v20, v27;
	v17 =	vmax.bf16 v23, v17  }
0x28c: {  	v27 =	vadd.s32 v10, v21;
	v23 =	vor.u32 v20, v28;
	[tilespmem:v31+s1+$0x0] =	vst.idx.msk $0xffff, v17  }
0x28d: {  	s8 =	sadd.s32 $0x1, s8;
	v28 =	vadd.s32 v6, v21;
	v27 =	vor.u32 v20, v27;
	v17 =	vld.idx.msk [tilespmem:v32+s28+$0x0], $0xffff  }
0x28e: {  	_ =	sdelay $0x3  }
0x28f: {  	v3 =	vadd.s32 v3, v21;
	v6 =	vor.u32 v20, v28;
	v10 =	vld.idx.msk [tilespmem:v25+s28+$0x0], $0xffff  }
0x290: {  	v4 =	vadd.s32 v4, v21;
	v12 =	vld.idx.msk [tilespmem:v26+s28+$0x0], $0xffff;
	v3 =	vor.u32 v20, v3  }
0x291: {  	v5 =	vadd.s32 v5, v21;
	v14 =	vld.idx.msk [tilespmem:v24+s28+$0x0], $0xffff;
	v4 =	vor.u32 v20, v4  }
0x292: {  	v7 =	vadd.s32 v7, v21;
	v18 =	vld.idx.msk [tilespmem:v23+s28+$0x0], $0xffff;
	v5 =	vor.u32 v20, v5  }
0x293: {  	v19 =	vld.idx.msk [tilespmem:v27+s28+$0x0], $0xffff;
	v8 =	vadd.s32 v8, v21;
	v7 =	vor.u32 v20, v7  }
0x294: {  	v9 =	vadd.s32 v9, v21;
	v8 =	vor.u32 v20, v8;
	v6 =	vld.idx.msk [tilespmem:v6+s28+$0x0], $0xffff  }
0x295: {  	v13 =	vadd.s32 v13, v21;
	v9 =	vor.u32 v20, v9;
	v3 =	vld.idx.msk [tilespmem:v3+s28+$0x0], $0xffff  }
0x296: {  	v15 =	vadd.s32 v15, v21;
	v13 =	vor.u32 v20, v13;
	v4 =	vld.idx.msk [tilespmem:v4+s28+$0x0], $0xffff  }
0x297: {  	v16 =	vadd.s32 v16, v21;
	v15 =	vor.u32 v20, v15;
	v5 =	vld.idx.msk [tilespmem:v5+s28+$0x0], $0xffff  }
0x298: {  	v16 =	vor.u32 v20, v16;
	v7 =	vld.idx.msk [tilespmem:v7+s28+$0x0], $0xffff  }
0x299: {  	v8 =	vld.idx.msk [tilespmem:v8+s28+$0x0], $0xffff  }
0x29a: {  	v9 =	vld.idx.msk [tilespmem:v9+s28+$0x0], $0xffff  }
0x29b: {  	v13 =	vld.idx.msk [tilespmem:v13+s28+$0x0], $0xffff  }
0x29c: {  	v15 =	vld.idx.msk [tilespmem:v15+s28+$0x0], $0xffff;
	v3 =	vsub.bf16 v3, v6;
	v4 =	vsub.bf16 v4, v5  }
0x29d: {  	v5 =	vld.idx.msk [tilespmem:v16+s28+$0x0], $0xffff;
	v6 =	vsub.bf16 v19, v7  }
0x29e: {  	v3 =	vmax.bf16 v3, v4;
	v4 =	vsub.bf16 v18, v8  }
0x29f: {  	v3 =	vmax.bf16 v3, v6;
	v6 =	vsub.bf16 v14, v9  }
0x2a0: {  	v7 =	vor.u32 v1, v11;
	v3 =	vmax.bf16 v3, v4;
	v4 =	vsub.bf16 v12, v13  }
0x2a1: {  	v8 =	vor.u32 $0x8, v2;
	v3 =	vmax.bf16 v3, v6;
	v6 =	vsub.bf16 v10, v15  }
0x2a2: {  	v3 =	vmax.bf16 v3, v4;
	v4 =	vsub.bf16 v17, v5  }
0x2a3: {  	v14 =	vor.u32 $0xE, v2;
	v3 =	vmax.bf16 v3, v6  }
0x2a4: {  	v3 =	vmax.bf16 v3, v4  }
0x2a5: {  	v5 =	vor.u32 $0x9, v2;
	[tilespmem:v7+s1+$0x0] =	vst.idx.msk $0xffff, v3  }
0x2a6: {  	v3 =	vld.idx.msk [tilespmem:v8+s25+$0x0], $0xffff  }
0x2a7: {  	v4 =	vor.u32 $0xA, v2;
	v8 =	vld.idx.msk [tilespmem:v8+s26+$0x0], $0xffff  }
0x2a8: {  	v20 =	vld.idx.msk [tilespmem:v14+s25+$0x0], $0xffff  }
0x2a9: {  	v14 =	vld.idx.msk [tilespmem:v14+s26+$0x0], $0xffff  }
0x2aa: {  	v6 =	vld.idx.msk [tilespmem:v5+s25+$0x0], $0xffff  }
0x2ab: {  	v7 =	vor.u32 $0xB, v2;
	v10 =	vld.idx.msk [tilespmem:v5+s26+$0x0], $0xffff  }
0x2ac: {  	v9 =	vor.u32 $0xC, v2;
	v12 =	vor.u32 $0xD, v2;
	v15 =	vor.u32 $0xF, v2;
	v11 =	vld.idx.msk [tilespmem:v4+s25+$0x0], $0xffff  }
0x2ad: {  	v16 =	vld.idx.msk [tilespmem:v4+s26+$0x0], $0xffff;
	v5 =	vshll.u32 v3, $0x3;
	v3 =	vand.u32 $0x7F, v3;
	v4 =	vshll.u32 v8, $0x3  }
0x2ae: {  	v22 =	vand.u32 $0x7F, v14;
	v14 =	vshll.u32 v14, $0x3;
	v5 =	vand.u32 $0xFFFFFC00, v5  }
0x2af: {  	v4 =	vand.u32 $0xFFFFFC00, v4;
	v14 =	vand.u32 $0xFFFFFC00, v14;
	v2 =	vor.u32 v3, v5  }
0x2b0: {  	v13 =	vld.idx.msk [tilespmem:v7+s25+$0x0], $0xffff;
	v3 =	vand.u32 $0x7F, v8;
	v5 =	vshll.u32 v6, $0x3;
	v6 =	vand.u32 $0x7F, v6  }
0x2b1: {  	v7 =	vld.idx.msk [tilespmem:v7+s26+$0x0], $0xffff;
	v8 =	vand.u32 $0xFFFFFC00, v5;
	v5 =	vor.u32 v3, v4;
	v4 =	vshll.u32 v10, $0x3  }
0x2b2: {  	v3 =	vor.u32 v6, v8;
	v6 =	vand.u32 $0x7F, v10;
	v4 =	vand.u32 $0xFFFFFC00, v4  }
0x2b3: {  	v17 =	vld.idx.msk [tilespmem:v9+s25+$0x0], $0xffff;
	v8 =	vshll.u32 v11, $0x3;
	v10 =	vand.u32 $0x7F, v16;
	v4 =	vor.u32 v6, v4  }
0x2b4: {  	v6 =	vand.u32 $0x7F, v11;
	v8 =	vand.u32 $0xFFFFFC00, v8;
	v11 =	vld.idx.msk [tilespmem:v9+s26+$0x0], $0xffff;
	v9 =	vshll.u32 v16, $0x3  }
0x2b5: {  	v18 =	vld.idx.msk [tilespmem:v12+s25+$0x0], $0xffff;
	v16 =	vshll.u32 v13, $0x3;
	v13 =	vand.u32 $0x7F, v13;
	v19 =	vand.u32 $0xFFFFFC00, v9  }
0x2b6: {  	v16 =	vand.u32 $0xFFFFFC00, v16;
	v9 =	vor.u32 v6, v8;
	v8 =	vand.u32 $0x7F, v7  }
0x2b7: {  	v7 =	vshll.u32 v7, $0x3;
	v6 =	vor.u32 v10, v19;
	v10 =	vor.u32 v13, v16;
	v13 =	vld.idx.msk [tilespmem:v12+s26+$0x0], $0xffff  }
0x2b8: {  	v14 =	vor.u32 v22, v14;
	v12 =	vshll.u32 v17, $0x3;
	v7 =	vand.u32 $0xFFFFFC00, v7;
	v19 =	vld.idx.msk [tilespmem:v15+s25+$0x0], $0xffff  }
0x2b9: {  	v16 =	vand.u32 $0x7F, v17;
	v15 =	vld.idx.msk [tilespmem:v15+s26+$0x0], $0xffff;
	v12 =	vand.u32 $0xFFFFFC00, v12;
	v7 =	vor.u32 v8, v7  }
0x2ba: {  	v12 =	vor.u32 v16, v12;
	v16 =	vshll.u32 v18, $0x3;
	v8 =	vshll.u32 v11, $0x3  }
0x2bb: {  	v11 =	vand.u32 $0x7F, v11;
	v16 =	vand.u32 $0xFFFFFC00, v16;
	v8 =	vand.u32 $0xFFFFFC00, v8  }
0x2bc: {  	v8 =	vor.u32 v11, v8;
	v11 =	vand.u32 $0x7F, v18;
	v17 =	vand.u32 $0x7F, v13  }
0x2bd: {  	v13 =	vshll.u32 v13, $0x3;
	v18 =	vshll.u32 v20, $0x3;
	v20 =	vand.u32 $0x7F, v20  }
0x2be: {  	v23 =	vshll.u32 v15, $0x3;
	v15 =	vand.u32 $0x7F, v15;
	v13 =	vand.u32 $0xFFFFFC00, v13  }
0x2bf: {  	s8 =	simm.s32 $0x0;
	v18 =	vand.u32 $0xFFFFFC00, v18;
	v16 =	vor.u32 v11, v16;
	v11 =	vor.u32 v17, v13  }
0x2c0: {  	v17 =	vor.u32 v20, v18;
	v13 =	vshll.u32 v19, $0x3;
	v18 =	vmov s8  }
0x2c1: {  	v19 =	vand.u32 $0x7F, v19;
	v13 =	vand.u32 $0xFFFFFC00, v13;
	v21 =	vshll.u32 v18, $0xA  }
0x2c2: {  	v20 =	vor.u32 v19, v13;
	v13 =	vshll.u32 v18, $0x7;
	v21 =	vand.u32 $0xE000, v21  }
0x2c3: {  	v22 =	vand.u32 $0xFFFFFC00, v23;
	v18 =	vand.u32 $0x380, v13;
	v19 =	vadd.s32 v20, v21  }
0x2c4: {  	v15 =	vor.u32 v15, v22;
	v22 =	vadd.s32 v17, v21;
	v19 =	vor.u32 v18, v19  }
0x2c5: {  	v23 =	vadd.s32 v16, v21;
	v25 =	vor.u32 v18, v22  }
0x2c6: {  	v22 =	vadd.s32 v12, v21;
	v24 =	vor.u32 v18, v23  }
0x2c7: {  	v26 =	vadd.s32 v10, v21;
	v23 =	vor.u32 v18, v22  }
0x2c8: {  	v28 =	vadd.s32 v9, v21;
	v22 =	vor.u32 v18, v26  }
0x2c9: {  	s8 =	simm.s32 $0x1;
	v27 =	vadd.s32 v5, v21;
	v26 =	vor.u32 v18, v28;
	v19 =	vld.idx.msk [tilespmem:v19+s28+$0x0], $0xffff  }
.LBB2_17:
0x2ca: {  	p0 =	sne.s32 s8, $0x2F;
	v28 =	vadd.s32 v2, v21;
	v27 =	vor.u32 v18, v27;
	v25 =	vld.idx.msk [tilespmem:v25+s28+$0x0], $0xffff  }
0x2cb: {  	v29 =	vadd.s32 v3, v21;
	v28 =	vor.u32 v18, v28;
	v24 =	vld.idx.msk [tilespmem:v24+s28+$0x0], $0xffff  }
0x2cc: {  	v30 =	vadd.s32 v4, v21;
	v29 =	vor.u32 v18, v29;
	v23 =	vld.idx.msk [tilespmem:v23+s28+$0x0], $0xffff  }
0x2cd: {  	v31 =	vadd.s32 v6, v21;
	v30 =	vor.u32 v18, v30;
	v22 =	vld.idx.msk [tilespmem:v22+s28+$0x0], $0xffff  }
0x2ce: {  	v32 =	vadd.s32 v7, v21;
	v31 =	vor.u32 v18, v31;
	v26 =	vld.idx.msk [tilespmem:v26+s28+$0x0], $0xffff  }
0x2cf: {  	v33 =	vadd.s32 v8, v21;
	v32 =	vor.u32 v18, v32;
	v27 =	vld.idx.msk [tilespmem:v27+s28+$0x0], $0xffff  }
0x2d0: {  	v34 =	vadd.s32 v11, v21;
	v33 =	vor.u32 v18, v33;
	v28 =	vld.idx.msk [tilespmem:v28+s28+$0x0], $0xffff  }
0x2d1: {  	v35 =	vadd.s32 v14, v21;
	v34 =	vor.u32 v18, v34;
	v29 =	vld.idx.msk [tilespmem:v29+s28+$0x0], $0xffff  }
0x2d2: {  	v21 =	vadd.s32 v15, v21;
	v35 =	vor.u32 v18, v35;
	v30 =	vld.idx.msk [tilespmem:v30+s28+$0x0], $0xffff  }
0x2d3: {  	v18 =	vor.u32 v18, v21;
	v31 =	vld.idx.msk [tilespmem:v31+s28+$0x0], $0xffff  }
0x2d4: {  	v21 =	vld.idx.msk [tilespmem:v32+s28+$0x0], $0xffff  }
0x2d5: {  	v32 =	vld.idx.msk [tilespmem:v33+s28+$0x0], $0xffff  }
0x2d6: {  	v33 =	vld.idx.msk [tilespmem:v34+s28+$0x0], $0xffff;
	v34 =	vor.u32 v1, v13  }
0x2d7: {  	v35 =	vld.idx.msk [tilespmem:v35+s28+$0x0], $0xffff  }
0x2d8: {  	v27 =	vsub.bf16 v28, v27;
	v13 =	vmov s8;
	v28 =	vsub.bf16 v29, v30;
	v29 =	vld.idx.msk [tilespmem:v18+s28+$0x0], $0xffff  }
0x2d9: {  	v30 =	vshll.u32 v13, $0xA;
	v13 =	vshll.u32 v13, $0x7;
	v26 =	vsub.bf16 v26, v31  }
0x2da: {  	v18 =	vand.u32 $0x380, v13;
	v27 =	vmax.bf16 v27, v28;
	v22 =	vsub.bf16 v22, v21  }
0x2db: {  	v21 =	vand.u32 $0xE000, v30;
	v26 =	vmax.bf16 v27, v26;
	v23 =	vsub.bf16 v23, v32;
	v27 =	vld.idx.msk [tilespmem:v34+s1+$0x0], $0xffff  }
0x2dc: {  	v28 =	vadd.s32 v20, v21;
	v22 =	vmax.bf16 v26, v22;
	v24 =	vsub.bf16 v24, v33  }
0x2dd: {  	v26 =	vadd.s32 v17, v21;
	v22 =	vmax.bf16 v22, v23;
	v23 =	vsub.bf16 v25, v35  }
0x2de: {  	v28 =	vor.u32 v18, v28;
	v22 =	vmax.bf16 v22, v24;
	v19 =	vsub.bf16 v19, v29  }
.Ltmp7:
0x2df: {  	v25 =	vor.u32 v18, v26;
	v24 =	vadd.s32 v16, v21;
	v22 =	vmax.bf16 v22, v23;
	(pc) =	sbr.rel @p0 .LBB2_17-.Ltmp7, $4  }
0x2e0: {  	v23 =	vadd.s32 v12, v21;
	v24 =	vor.u32 v18, v24;
	v19 =	vmax.bf16 v22, v19  }
0x2e1: {  	v22 =	vadd.s32 v10, v21;
	v23 =	vor.u32 v18, v23;
	v19 =	vmax.bf16 v19, v27  }
0x2e2: {  	v26 =	vadd.s32 v9, v21;
	v22 =	vor.u32 v18, v22;
	[tilespmem:v34+s1+$0x0] =	vst.idx.msk $0xffff, v19  }
0x2e3: {  	s8 =	sadd.s32 $0x1, s8;
	v26 =	vor.u32 v18, v26;
	v27 =	vadd.s32 v5, v21;
	v19 =	vld.idx.msk [tilespmem:v28+s28+$0x0], $0xffff  }
0x2e4: {  	_ =	sdelay $0x3  }
0x2e5: {  	v2 =	vadd.s32 v2, v21;
	v5 =	vor.u32 v18, v27;
	v9 =	vld.idx.msk [tilespmem:v25+s28+$0x0], $0xffff  }
0x2e6: {  	v3 =	vadd.s32 v3, v21;
	v10 =	vld.idx.msk [tilespmem:v24+s28+$0x0], $0xffff;
	v2 =	vor.u32 v18, v2  }
0x2e7: {  	v4 =	vadd.s32 v4, v21;
	v12 =	vld.idx.msk [tilespmem:v23+s28+$0x0], $0xffff;
	v3 =	vor.u32 v18, v3  }
0x2e8: {  	v6 =	vadd.s32 v6, v21;
	v16 =	vld.idx.msk [tilespmem:v22+s28+$0x0], $0xffff;
	v4 =	vor.u32 v18, v4  }
0x2e9: {  	v17 =	vld.idx.msk [tilespmem:v26+s28+$0x0], $0xffff;
	v7 =	vadd.s32 v7, v21;
	v6 =	vor.u32 v18, v6  }
0x2ea: {  	v8 =	vadd.s32 v8, v21;
	v7 =	vor.u32 v18, v7;
	v5 =	vld.idx.msk [tilespmem:v5+s28+$0x0], $0xffff  }
0x2eb: {  	v11 =	vadd.s32 v11, v21;
	v8 =	vor.u32 v18, v8;
	v2 =	vld.idx.msk [tilespmem:v2+s28+$0x0], $0xffff  }
0x2ec: {  	v14 =	vadd.s32 v14, v21;
	v11 =	vor.u32 v18, v11;
	v3 =	vld.idx.msk [tilespmem:v3+s28+$0x0], $0xffff  }
0x2ed: {  	v15 =	vadd.s32 v15, v21;
	v14 =	vor.u32 v18, v14;
	v4 =	vld.idx.msk [tilespmem:v4+s28+$0x0], $0xffff  }
0x2ee: {  	v15 =	vor.u32 v18, v15;
	v6 =	vld.idx.msk [tilespmem:v6+s28+$0x0], $0xffff  }
0x2ef: {  	v7 =	vld.idx.msk [tilespmem:v7+s28+$0x0], $0xffff  }
0x2f0: {  	v8 =	vld.idx.msk [tilespmem:v8+s28+$0x0], $0xffff  }
0x2f1: {  	v1 =	vor.u32 v1, v13;
	v11 =	vld.idx.msk [tilespmem:v11+s28+$0x0], $0xffff  }
0x2f2: {  	v58 =	vld.idx.msk [tilespmem:v14+s28+$0x0], $0xffff;
	v2 =	vsub.bf16 v2, v5;
	v3 =	vsub.bf16 v3, v4  }
0x2f3: {  	v59 =	vld.idx.msk [tilespmem:v15+s28+$0x0], $0xffff;
	v60 =	vsub.bf16 v17, v6  }
0x2f4: {  	v2 =	vmax.bf16 v2, v3;
	v3 =	vsub.bf16 v16, v7  }
0x2f5: {  	v61 =	vsub.bf16 v12, v8;
	v2 =	vmax.bf16 v2, v60  }
0x2f6: {  	s7 =	sadd.s32 $0x1, s7;
	v62 =	vld.idx.msk [tilespmem:v1+s1+$0x0], $0xffff;
	v2 =	vmax.bf16 v2, v3;
	v3 =	vsub.bf16 v10, v11  }
0x2f7: {  	p0 =	sne.s32 s7, $0x8;
	v63 =	vsub.bf16 v9, v58;
	v2 =	vmax.bf16 v2, v61  }
.Ltmp8:
0x2f8: {  	v2 =	vmax.bf16 v2, v3;
	v3 =	vsub.bf16 v19, v59;
	(pc) =	sbr.rel @p0 .LBB2_14-.Ltmp8, $4  }
0x2f9: {  	v2 =	vmax.bf16 v2, v63  }
0x2fa: {  	v2 =	vmax.bf16 v2, v3  }
0x2fb: {  	v2 =	vmax.bf16 v2, v62  }
0x2fc: {  	[tilespmem:v1+s1+$0x0] =	vst.idx.msk $0xffff, v2  }
0x2fd: {  	s6 =	rddreg [dreg:$0xd]  }
0x2fe: {  	[hbm4b:s6+s21] =	stream.strided.scatter [tilespmem:s1], [sflag:$0x5], $0x1800, s30, s21, $0x38;
	[tilespmem:$0x19000] =	vst v63  }
0x2ff: {  	_ =	swait.ge [sflag:s24], $0x800  }
0x300: {  	[sflag:s24] =	ssyncset.done $0x0  }
0x301: {  	[sflag:s24] =	ssyncadd.s32 $0xFFFFF800  }
0x302: {  	_ =	swait.ge [sflag:s24], $0x800  }
0x303: {  	[sflag:s24] =	ssyncset.done $0x0  }
0x304: {  	[sflag:s24] =	ssyncadd.s32 $0xFFFFF800  }
0x305: {  	[tilespmem:s25], [sflag:$0x3] =	stream.strided.gather [hbm4b:s15+s20], $0x800, s21, s20, $0x38;
	[tilespmem:$0x19000] =	vst v63  }
0x306: {  	_ = 	snop  }
0x307: {  	[tilespmem:s26], [sflag:$0x3] =	stream.strided.gather [hbm4b:s16+s20], $0x800, s21, s20, $0x38;
	[tilespmem:$0x19000] =	vst v63  }
0x308: {  	_ =	swait.ge [sflag:s0], $0x1800  }
0x309: {  	[sflag:s0] =	ssyncset.done $0x0  }
0x30a: {  	s7 =	simm.s32 $0x0;
	s6 =	simm.s32 $0x0;
	[sflag:s0] =	ssyncadd.s32 $0xFFFFE800  }
.LBB2_20:
0x30b: {  	s8 =	sshll.u32 s7, $0x4  }
0x30c: {  	v1 =	vor.u32 s8, v0  }
0x30d: {  	v2 =	vshll.u32 v1, $0x4;
	_ =	sdelay $0x1  }
0x30e: {  	v3 =	vor.u32 $0x1, v2;
	_ =	sdelay $0x1  }
0x30f: {  	v16 =	vor.u32 $0x7, v2  }
0x310: {  	v4 =	vld.idx.msk [tilespmem:v2+s22+$0x0], $0xffff  }
0x311: {  	v5 =	vor.u32 $0x2, v2;
	v8 =	vld.idx.msk [tilespmem:v2+s23+$0x0], $0xffff  }
0x312: {  	v6 =	vld.idx.msk [tilespmem:v3+s22+$0x0], $0xffff  }
0x313: {  	v7 =	vor.u32 $0x3, v2;
	v10 =	vld.idx.msk [tilespmem:v3+s23+$0x0], $0xffff  }
0x314: {  	v21 =	vld.idx.msk [tilespmem:v16+s22+$0x0], $0xffff  }
0x315: {  	v16 =	vld.idx.msk [tilespmem:v16+s23+$0x0], $0xffff  }
0x316: {  	v9 =	vor.u32 $0x4, v2;
	v13 =	vor.u32 $0x5, v2;
	v15 =	vor.u32 $0x6, v2;
	v11 =	vld.idx.msk [tilespmem:v5+s22+$0x0], $0xffff  }
0x317: {  	v14 =	vld.idx.msk [tilespmem:v5+s23+$0x0], $0xffff;
	v3 =	vshll.u32 v4, $0x3;
	v4 =	vand.u32 $0x7F, v4;
	v5 =	vshll.u32 v8, $0x3  }
0x318: {  	v12 =	vld.idx.msk [tilespmem:v7+s22+$0x0], $0xffff;
	v3 =	vand.u32 $0xFFFFFC00, v3;
	v5 =	vand.u32 $0xFFFFFC00, v5;
	v17 =	vand.u32 $0x7F, v6  }
0x319: {  	v3 =	vor.u32 v4, v3;
	v4 =	vand.u32 $0x7F, v8;
	v8 =	vshll.u32 v6, $0x3  }
0x31a: {  	v24 =	vshll.u32 v16, $0x3;
	v16 =	vand.u32 $0x7F, v16;
	v8 =	vand.u32 $0xFFFFFC00, v8  }
0x31b: {  	v18 =	vld.idx.msk [tilespmem:v9+s22+$0x0], $0xffff;
	v6 =	vor.u32 v4, v5;
	v5 =	vshll.u32 v10, $0x3;
	v4 =	vor.u32 v17, v8  }
0x31c: {  	v8 =	vld.idx.msk [tilespmem:v7+s23+$0x0], $0xffff;
	v7 =	vand.u32 $0x7F, v10;
	v5 =	vand.u32 $0xFFFFFC00, v5;
	v10 =	vshll.u32 v11, $0x3  }
0x31d: {  	v20 =	vld.idx.msk [tilespmem:v15+s22+$0x0], $0xffff;
	v17 =	vshll.u32 v12, $0x3;
	v12 =	vand.u32 $0x7F, v12;
	v5 =	vor.u32 v7, v5  }
0x31e: {  	v9 =	vld.idx.msk [tilespmem:v9+s23+$0x0], $0xffff;
	v7 =	vand.u32 $0x7F, v11;
	v11 =	vand.u32 $0x7F, v14;
	v14 =	vshll.u32 v14, $0x3  }
0x31f: {  	v10 =	vand.u32 $0xFFFFFC00, v10;
	v17 =	vand.u32 $0xFFFFFC00, v17;
	v14 =	vand.u32 $0xFFFFFC00, v14  }
0x320: {  	v19 =	vld.idx.msk [tilespmem:v13+s22+$0x0], $0xffff;
	v10 =	vor.u32 v7, v10;
	v12 =	vor.u32 v12, v17;
	v17 =	vand.u32 $0x7F, v18  }
0x321: {  	v7 =	vor.u32 v11, v14;
	v11 =	vld.idx.msk [tilespmem:v13+s23+$0x0], $0xffff;
	v13 =	vand.u32 $0x7F, v8;
	v8 =	vshll.u32 v8, $0x3  }
0x322: {  	v14 =	vshll.u32 v18, $0x3;
	v18 =	vshll.u32 v20, $0x3;
	v8 =	vand.u32 $0xFFFFFC00, v8  }
0x323: {  	v15 =	vld.idx.msk [tilespmem:v15+s23+$0x0], $0xffff;
	v20 =	vand.u32 $0x7F, v20;
	v8 =	vor.u32 v13, v8;
	v13 =	vshll.u32 v9, $0x3  }
0x324: {  	v14 =	vand.u32 $0xFFFFFC00, v14;
	v9 =	vand.u32 $0x7F, v9;
	v13 =	vand.u32 $0xFFFFFC00, v13  }
0x325: {  	v14 =	vor.u32 v17, v14;
	v17 =	vshll.u32 v19, $0x3;
	v9 =	vor.u32 v9, v13  }
0x326: {  	v13 =	vand.u32 $0x7F, v19;
	v19 =	vand.u32 $0x7F, v11;
	v11 =	vshll.u32 v11, $0x3  }
0x327: {  	v22 =	vand.u32 $0xFFFFFC00, v18;
	v17 =	vand.u32 $0xFFFFFC00, v17;
	v11 =	vand.u32 $0xFFFFFC00, v11  }
0x328: {  	v18 =	vor.u32 v13, v17;
	v17 =	vand.u32 $0x7F, v15;
	v15 =	vshll.u32 v15, $0x3  }
0x329: {  	v13 =	vor.u32 v19, v11;
	v19 =	vor.u32 v20, v22;
	v11 =	vshll.u32 v21, $0x3  }
0x32a: {  	v20 =	vmov s6;
	v21 =	vand.u32 $0x7F, v21;
	v15 =	vand.u32 $0xFFFFFC00, v15  }
0x32b: {  	v11 =	vand.u32 $0xFFFFFC00, v11;
	v23 =	vshll.u32 v20, $0xA;
	v15 =	vor.u32 v17, v15  }
0x32c: {  	v22 =	vor.u32 v21, v11;
	v11 =	vshll.u32 v20, $0x7;
	v21 =	vand.u32 $0xE000, v23  }
0x32d: {  	v17 =	vand.u32 $0xFFFFFC00, v24;
	v20 =	vand.u32 $0x380, v11;
	v23 =	vadd.s32 v22, v21  }
0x32e: {  	v16 =	vor.u32 v16, v17;
	v17 =	vadd.s32 v19, v21;
	v29 =	vor.u32 v20, v23  }
0x32f: {  	v23 =	vadd.s32 v18, v21;
	v25 =	vor.u32 v20, v17  }
0x330: {  	v17 =	vadd.s32 v14, v21;
	v26 =	vor.u32 v20, v23  }
0x331: {  	v23 =	vadd.s32 v12, v21;
	v24 =	vor.u32 v20, v17  }
0x332: {  	v17 =	vadd.s32 v10, v21;
	v23 =	vor.u32 v20, v23  }
0x333: {  	s8 =	simm.s32 $0x1;
	v28 =	vadd.s32 v6, v21;
	v27 =	vor.u32 v20, v17;
	v17 =	vld.idx.msk [tilespmem:v29+s28+$0x0], $0xffff  }
.LBB2_21:
0x334: {  	p0 =	sne.s32 s8, $0x2F;
	v29 =	vadd.s32 v3, v21;
	v28 =	vor.u32 v20, v28;
	v25 =	vld.idx.msk [tilespmem:v25+s28+$0x0], $0xffff  }
0x335: {  	v30 =	vadd.s32 v4, v21;
	v29 =	vor.u32 v20, v29;
	v26 =	vld.idx.msk [tilespmem:v26+s28+$0x0], $0xffff  }
0x336: {  	v31 =	vadd.s32 v5, v21;
	v30 =	vor.u32 v20, v30;
	v24 =	vld.idx.msk [tilespmem:v24+s28+$0x0], $0xffff  }
0x337: {  	v32 =	vadd.s32 v7, v21;
	v31 =	vor.u32 v20, v31;
	v23 =	vld.idx.msk [tilespmem:v23+s28+$0x0], $0xffff  }
0x338: {  	v33 =	vadd.s32 v8, v21;
	v32 =	vor.u32 v20, v32;
	v27 =	vld.idx.msk [tilespmem:v27+s28+$0x0], $0xffff  }
0x339: {  	v34 =	vadd.s32 v9, v21;
	v33 =	vor.u32 v20, v33;
	v28 =	vld.idx.msk [tilespmem:v28+s28+$0x0], $0xffff  }
0x33a: {  	v35 =	vadd.s32 v13, v21;
	v34 =	vor.u32 v20, v34;
	v29 =	vld.idx.msk [tilespmem:v29+s28+$0x0], $0xffff  }
0x33b: {  	v36 =	vadd.s32 v15, v21;
	v35 =	vor.u32 v20, v35;
	v30 =	vld.idx.msk [tilespmem:v30+s28+$0x0], $0xffff  }
0x33c: {  	v21 =	vadd.s32 v16, v21;
	v36 =	vor.u32 v20, v36;
	v31 =	vld.idx.msk [tilespmem:v31+s28+$0x0], $0xffff  }
0x33d: {  	v20 =	vor.u32 v20, v21;
	v32 =	vld.idx.msk [tilespmem:v32+s28+$0x0], $0xffff  }
0x33e: {  	v33 =	vld.idx.msk [tilespmem:v33+s28+$0x0], $0xffff  }
0x33f: {  	v34 =	vld.idx.msk [tilespmem:v34+s28+$0x0], $0xffff  }
0x340: {  	v21 =	vmov s8;
	v35 =	vld.idx.msk [tilespmem:v35+s28+$0x0], $0xffff  }
0x341: {  	v37 =	vshll.u32 v21, $0xA;
	v38 =	vshll.u32 v21, $0x7;
	v36 =	vld.idx.msk [tilespmem:v36+s28+$0x0], $0xffff  }
0x342: {  	v28 =	vsub.bf16 v29, v28;
	v29 =	vsub.bf16 v30, v31;
	v31 =	vor.u32 v1, v11;
	v30 =	vld.idx.msk [tilespmem:v20+s28+$0x0], $0xffff  }
0x343: {  	v21 =	vand.u32 $0xE000, v37;
	v11 =	vmovc v38;
	v20 =	vand.u32 $0x380, v38;
	v27 =	vsub.bf16 v27, v32  }
0x344: {  	v32 =	vadd.s32 v22, v21;
	v28 =	vmax.bf16 v28, v29;
	v23 =	vsub.bf16 v23, v33  }
0x345: {  	v29 =	vadd.s32 v19, v21;
	v27 =	vmax.bf16 v28, v27;
	v24 =	vsub.bf16 v24, v34  }
0x346: {  	v28 =	vadd.s32 v18, v21;
	v23 =	vmax.bf16 v27, v23;
	v26 =	vsub.bf16 v26, v35  }
0x347: {  	v32 =	vor.u32 v20, v32;
	v23 =	vmax.bf16 v23, v24;
	v24 =	vsub.bf16 v25, v36  }
.Ltmp9:
0x348: {  	v25 =	vor.u32 v20, v29;
	v23 =	vmax.bf16 v23, v26;
	v17 =	vsub.bf16 v17, v30;
	(pc) =	sbr.rel @p0 .LBB2_21-.Ltmp9, $4  }
0x349: {  	v27 =	vadd.s32 v14, v21;
	v26 =	vor.u32 v20, v28;
	v23 =	vmax.bf16 v23, v24  }
0x34a: {  	v28 =	vadd.s32 v12, v21;
	v24 =	vor.u32 v20, v27;
	v17 =	vmax.bf16 v23, v17  }
0x34b: {  	v27 =	vadd.s32 v10, v21;
	v23 =	vor.u32 v20, v28;
	[tilespmem:v31+s29+$0x0] =	vst.idx.msk $0xffff, v17  }
0x34c: {  	s8 =	sadd.s32 $0x1, s8;
	v28 =	vadd.s32 v6, v21;
	v27 =	vor.u32 v20, v27;
	v17 =	vld.idx.msk [tilespmem:v32+s28+$0x0], $0xffff  }
0x34d: {  	_ =	sdelay $0x3  }
0x34e: {  	v3 =	vadd.s32 v3, v21;
	v6 =	vor.u32 v20, v28;
	v10 =	vld.idx.msk [tilespmem:v25+s28+$0x0], $0xffff  }
0x34f: {  	v4 =	vadd.s32 v4, v21;
	v12 =	vld.idx.msk [tilespmem:v26+s28+$0x0], $0xffff;
	v3 =	vor.u32 v20, v3  }
0x350: {  	v5 =	vadd.s32 v5, v21;
	v14 =	vld.idx.msk [tilespmem:v24+s28+$0x0], $0xffff;
	v4 =	vor.u32 v20, v4  }
0x351: {  	v7 =	vadd.s32 v7, v21;
	v18 =	vld.idx.msk [tilespmem:v23+s28+$0x0], $0xffff;
	v5 =	vor.u32 v20, v5  }
0x352: {  	v19 =	vld.idx.msk [tilespmem:v27+s28+$0x0], $0xffff;
	v8 =	vadd.s32 v8, v21;
	v7 =	vor.u32 v20, v7  }
0x353: {  	v9 =	vadd.s32 v9, v21;
	v8 =	vor.u32 v20, v8;
	v6 =	vld.idx.msk [tilespmem:v6+s28+$0x0], $0xffff  }
0x354: {  	v13 =	vadd.s32 v13, v21;
	v9 =	vor.u32 v20, v9;
	v3 =	vld.idx.msk [tilespmem:v3+s28+$0x0], $0xffff  }
0x355: {  	v15 =	vadd.s32 v15, v21;
	v13 =	vor.u32 v20, v13;
	v4 =	vld.idx.msk [tilespmem:v4+s28+$0x0], $0xffff  }
0x356: {  	v16 =	vadd.s32 v16, v21;
	v15 =	vor.u32 v20, v15;
	v5 =	vld.idx.msk [tilespmem:v5+s28+$0x0], $0xffff  }
0x357: {  	v16 =	vor.u32 v20, v16;
	v7 =	vld.idx.msk [tilespmem:v7+s28+$0x0], $0xffff  }
0x358: {  	v8 =	vld.idx.msk [tilespmem:v8+s28+$0x0], $0xffff  }
0x359: {  	v9 =	vld.idx.msk [tilespmem:v9+s28+$0x0], $0xffff  }
0x35a: {  	v13 =	vld.idx.msk [tilespmem:v13+s28+$0x0], $0xffff  }
0x35b: {  	v15 =	vld.idx.msk [tilespmem:v15+s28+$0x0], $0xffff;
	v3 =	vsub.bf16 v3, v6;
	v4 =	vsub.bf16 v4, v5  }
0x35c: {  	v5 =	vld.idx.msk [tilespmem:v16+s28+$0x0], $0xffff;
	v6 =	vsub.bf16 v19, v7  }
0x35d: {  	v3 =	vmax.bf16 v3, v4;
	v4 =	vsub.bf16 v18, v8  }
0x35e: {  	v3 =	vmax.bf16 v3, v6;
	v6 =	vsub.bf16 v14, v9  }
0x35f: {  	v7 =	vor.u32 v1, v11;
	v3 =	vmax.bf16 v3, v4;
	v4 =	vsub.bf16 v12, v13  }
0x360: {  	v8 =	vor.u32 $0x8, v2;
	v3 =	vmax.bf16 v3, v6;
	v6 =	vsub.bf16 v10, v15  }
0x361: {  	v3 =	vmax.bf16 v3, v4;
	v4 =	vsub.bf16 v17, v5  }
0x362: {  	v14 =	vor.u32 $0xE, v2;
	v3 =	vmax.bf16 v3, v6  }
0x363: {  	v3 =	vmax.bf16 v3, v4  }
0x364: {  	v5 =	vor.u32 $0x9, v2;
	[tilespmem:v7+s29+$0x0] =	vst.idx.msk $0xffff, v3  }
0x365: {  	v3 =	vld.idx.msk [tilespmem:v8+s22+$0x0], $0xffff  }
0x366: {  	v4 =	vor.u32 $0xA, v2;
	v8 =	vld.idx.msk [tilespmem:v8+s23+$0x0], $0xffff  }
0x367: {  	v20 =	vld.idx.msk [tilespmem:v14+s22+$0x0], $0xffff  }
0x368: {  	v14 =	vld.idx.msk [tilespmem:v14+s23+$0x0], $0xffff  }
0x369: {  	v6 =	vld.idx.msk [tilespmem:v5+s22+$0x0], $0xffff  }
0x36a: {  	v7 =	vor.u32 $0xB, v2;
	v10 =	vld.idx.msk [tilespmem:v5+s23+$0x0], $0xffff  }
0x36b: {  	v9 =	vor.u32 $0xC, v2;
	v12 =	vor.u32 $0xD, v2;
	v15 =	vor.u32 $0xF, v2;
	v11 =	vld.idx.msk [tilespmem:v4+s22+$0x0], $0xffff  }
0x36c: {  	v16 =	vld.idx.msk [tilespmem:v4+s23+$0x0], $0xffff;
	v5 =	vshll.u32 v3, $0x3;
	v3 =	vand.u32 $0x7F, v3;
	v4 =	vshll.u32 v8, $0x3  }
0x36d: {  	v22 =	vand.u32 $0x7F, v14;
	v14 =	vshll.u32 v14, $0x3;
	v5 =	vand.u32 $0xFFFFFC00, v5  }
0x36e: {  	v4 =	vand.u32 $0xFFFFFC00, v4;
	v14 =	vand.u32 $0xFFFFFC00, v14;
	v2 =	vor.u32 v3, v5  }
0x36f: {  	v13 =	vld.idx.msk [tilespmem:v7+s22+$0x0], $0xffff;
	v3 =	vand.u32 $0x7F, v8;
	v5 =	vshll.u32 v6, $0x3;
	v6 =	vand.u32 $0x7F, v6  }
0x370: {  	v7 =	vld.idx.msk [tilespmem:v7+s23+$0x0], $0xffff;
	v8 =	vand.u32 $0xFFFFFC00, v5;
	v5 =	vor.u32 v3, v4;
	v4 =	vshll.u32 v10, $0x3  }
0x371: {  	v3 =	vor.u32 v6, v8;
	v6 =	vand.u32 $0x7F, v10;
	v4 =	vand.u32 $0xFFFFFC00, v4  }
0x372: {  	v17 =	vld.idx.msk [tilespmem:v9+s22+$0x0], $0xffff;
	v8 =	vshll.u32 v11, $0x3;
	v10 =	vand.u32 $0x7F, v16;
	v4 =	vor.u32 v6, v4  }
0x373: {  	v6 =	vand.u32 $0x7F, v11;
	v8 =	vand.u32 $0xFFFFFC00, v8;
	v11 =	vld.idx.msk [tilespmem:v9+s23+$0x0], $0xffff;
	v9 =	vshll.u32 v16, $0x3  }
0x374: {  	v18 =	vld.idx.msk [tilespmem:v12+s22+$0x0], $0xffff;
	v16 =	vshll.u32 v13, $0x3;
	v13 =	vand.u32 $0x7F, v13;
	v19 =	vand.u32 $0xFFFFFC00, v9  }
0x375: {  	v16 =	vand.u32 $0xFFFFFC00, v16;
	v9 =	vor.u32 v6, v8;
	v8 =	vand.u32 $0x7F, v7  }
0x376: {  	v7 =	vshll.u32 v7, $0x3;
	v6 =	vor.u32 v10, v19;
	v10 =	vor.u32 v13, v16;
	v13 =	vld.idx.msk [tilespmem:v12+s23+$0x0], $0xffff  }
0x377: {  	v14 =	vor.u32 v22, v14;
	v12 =	vshll.u32 v17, $0x3;
	v7 =	vand.u32 $0xFFFFFC00, v7;
	v19 =	vld.idx.msk [tilespmem:v15+s22+$0x0], $0xffff  }
0x378: {  	v16 =	vand.u32 $0x7F, v17;
	v15 =	vld.idx.msk [tilespmem:v15+s23+$0x0], $0xffff;
	v12 =	vand.u32 $0xFFFFFC00, v12;
	v7 =	vor.u32 v8, v7  }
0x379: {  	v12 =	vor.u32 v16, v12;
	v16 =	vshll.u32 v18, $0x3;
	v8 =	vshll.u32 v11, $0x3  }
0x37a: {  	v11 =	vand.u32 $0x7F, v11;
	v16 =	vand.u32 $0xFFFFFC00, v16;
	v8 =	vand.u32 $0xFFFFFC00, v8  }
0x37b: {  	v8 =	vor.u32 v11, v8;
	v11 =	vand.u32 $0x7F, v18;
	v17 =	vand.u32 $0x7F, v13  }
0x37c: {  	v13 =	vshll.u32 v13, $0x3;
	v18 =	vshll.u32 v20, $0x3;
	v20 =	vand.u32 $0x7F, v20  }
0x37d: {  	v23 =	vshll.u32 v15, $0x3;
	v15 =	vand.u32 $0x7F, v15;
	v13 =	vand.u32 $0xFFFFFC00, v13  }
0x37e: {  	s8 =	simm.s32 $0x0;
	v18 =	vand.u32 $0xFFFFFC00, v18;
	v16 =	vor.u32 v11, v16;
	v11 =	vor.u32 v17, v13  }
0x37f: {  	v17 =	vor.u32 v20, v18;
	v13 =	vshll.u32 v19, $0x3;
	v18 =	vmov s8  }
0x380: {  	v19 =	vand.u32 $0x7F, v19;
	v13 =	vand.u32 $0xFFFFFC00, v13;
	v21 =	vshll.u32 v18, $0xA  }
0x381: {  	v20 =	vor.u32 v19, v13;
	v13 =	vshll.u32 v18, $0x7;
	v21 =	vand.u32 $0xE000, v21  }
0x382: {  	v22 =	vand.u32 $0xFFFFFC00, v23;
	v18 =	vand.u32 $0x380, v13;
	v19 =	vadd.s32 v20, v21  }
0x383: {  	v15 =	vor.u32 v15, v22;
	v22 =	vadd.s32 v17, v21;
	v19 =	vor.u32 v18, v19  }
0x384: {  	v23 =	vadd.s32 v16, v21;
	v25 =	vor.u32 v18, v22  }
0x385: {  	v22 =	vadd.s32 v12, v21;
	v24 =	vor.u32 v18, v23  }
0x386: {  	v26 =	vadd.s32 v10, v21;
	v23 =	vor.u32 v18, v22  }
0x387: {  	v28 =	vadd.s32 v9, v21;
	v22 =	vor.u32 v18, v26  }
0x388: {  	s8 =	simm.s32 $0x1;
	v27 =	vadd.s32 v5, v21;
	v26 =	vor.u32 v18, v28;
	v19 =	vld.idx.msk [tilespmem:v19+s28+$0x0], $0xffff  }
.LBB2_23:
0x389: {  	p0 =	sne.s32 s8, $0x2F;
	v28 =	vadd.s32 v2, v21;
	v27 =	vor.u32 v18, v27;
	v25 =	vld.idx.msk [tilespmem:v25+s28+$0x0], $0xffff  }
0x38a: {  	v29 =	vadd.s32 v3, v21;
	v28 =	vor.u32 v18, v28;
	v24 =	vld.idx.msk [tilespmem:v24+s28+$0x0], $0xffff  }
0x38b: {  	v30 =	vadd.s32 v4, v21;
	v29 =	vor.u32 v18, v29;
	v23 =	vld.idx.msk [tilespmem:v23+s28+$0x0], $0xffff  }
0x38c: {  	v31 =	vadd.s32 v6, v21;
	v30 =	vor.u32 v18, v30;
	v22 =	vld.idx.msk [tilespmem:v22+s28+$0x0], $0xffff  }
0x38d: {  	v32 =	vadd.s32 v7, v21;
	v31 =	vor.u32 v18, v31;
	v26 =	vld.idx.msk [tilespmem:v26+s28+$0x0], $0xffff  }
0x38e: {  	v33 =	vadd.s32 v8, v21;
	v32 =	vor.u32 v18, v32;
	v27 =	vld.idx.msk [tilespmem:v27+s28+$0x0], $0xffff  }
0x38f: {  	v34 =	vadd.s32 v11, v21;
	v33 =	vor.u32 v18, v33;
	v28 =	vld.idx.msk [tilespmem:v28+s28+$0x0], $0xffff  }
0x390: {  	v35 =	vadd.s32 v14, v21;
	v34 =	vor.u32 v18, v34;
	v29 =	vld.idx.msk [tilespmem:v29+s28+$0x0], $0xffff  }
0x391: {  	v21 =	vadd.s32 v15, v21;
	v35 =	vor.u32 v18, v35;
	v30 =	vld.idx.msk [tilespmem:v30+s28+$0x0], $0xffff  }
0x392: {  	v18 =	vor.u32 v18, v21;
	v31 =	vld.idx.msk [tilespmem:v31+s28+$0x0], $0xffff  }
0x393: {  	v21 =	vld.idx.msk [tilespmem:v32+s28+$0x0], $0xffff  }
0x394: {  	v32 =	vld.idx.msk [tilespmem:v33+s28+$0x0], $0xffff  }
0x395: {  	v33 =	vld.idx.msk [tilespmem:v34+s28+$0x0], $0xffff;
	v34 =	vor.u32 v1, v13  }
0x396: {  	v35 =	vld.idx.msk [tilespmem:v35+s28+$0x0], $0xffff  }
0x397: {  	v27 =	vsub.bf16 v28, v27;
	v13 =	vmov s8;
	v28 =	vsub.bf16 v29, v30;
	v29 =	vld.idx.msk [tilespmem:v18+s28+$0x0], $0xffff  }
0x398: {  	v30 =	vshll.u32 v13, $0xA;
	v13 =	vshll.u32 v13, $0x7;
	v26 =	vsub.bf16 v26, v31  }
0x399: {  	v18 =	vand.u32 $0x380, v13;
	v27 =	vmax.bf16 v27, v28;
	v22 =	vsub.bf16 v22, v21  }
0x39a: {  	v21 =	vand.u32 $0xE000, v30;
	v26 =	vmax.bf16 v27, v26;
	v23 =	vsub.bf16 v23, v32;
	v27 =	vld.idx.msk [tilespmem:v34+s29+$0x0], $0xffff  }
0x39b: {  	v28 =	vadd.s32 v20, v21;
	v22 =	vmax.bf16 v26, v22;
	v24 =	vsub.bf16 v24, v33  }
0x39c: {  	v26 =	vadd.s32 v17, v21;
	v22 =	vmax.bf16 v22, v23;
	v23 =	vsub.bf16 v25, v35  }
0x39d: {  	v28 =	vor.u32 v18, v28;
	v22 =	vmax.bf16 v22, v24;
	v19 =	vsub.bf16 v19, v29  }
.Ltmp10:
0x39e: {  	v25 =	vor.u32 v18, v26;
	v24 =	vadd.s32 v16, v21;
	v22 =	vmax.bf16 v22, v23;
	(pc) =	sbr.rel @p0 .LBB2_23-.Ltmp10, $4  }
0x39f: {  	v23 =	vadd.s32 v12, v21;
	v24 =	vor.u32 v18, v24;
	v19 =	vmax.bf16 v22, v19  }
0x3a0: {  	v22 =	vadd.s32 v10, v21;
	v23 =	vor.u32 v18, v23;
	v19 =	vmax.bf16 v19, v27  }
0x3a1: {  	v26 =	vadd.s32 v9, v21;
	v22 =	vor.u32 v18, v22;
	[tilespmem:v34+s29+$0x0] =	vst.idx.msk $0xffff, v19  }
0x3a2: {  	s8 =	sadd.s32 $0x1, s8;
	v26 =	vor.u32 v18, v26;
	v27 =	vadd.s32 v5, v21;
	v19 =	vld.idx.msk [tilespmem:v28+s28+$0x0], $0xffff  }
0x3a3: {  	_ =	sdelay $0x3  }
0x3a4: {  	v2 =	vadd.s32 v2, v21;
	v5 =	vor.u32 v18, v27;
	v9 =	vld.idx.msk [tilespmem:v25+s28+$0x0], $0xffff  }
0x3a5: {  	v3 =	vadd.s32 v3, v21;
	v10 =	vld.idx.msk [tilespmem:v24+s28+$0x0], $0xffff;
	v2 =	vor.u32 v18, v2  }
0x3a6: {  	v4 =	vadd.s32 v4, v21;
	v12 =	vld.idx.msk [tilespmem:v23+s28+$0x0], $0xffff;
	v3 =	vor.u32 v18, v3  }
0x3a7: {  	v6 =	vadd.s32 v6, v21;
	v16 =	vld.idx.msk [tilespmem:v22+s28+$0x0], $0xffff;
	v4 =	vor.u32 v18, v4  }
0x3a8: {  	v17 =	vld.idx.msk [tilespmem:v26+s28+$0x0], $0xffff;
	v7 =	vadd.s32 v7, v21;
	v6 =	vor.u32 v18, v6  }
0x3a9: {  	v8 =	vadd.s32 v8, v21;
	v7 =	vor.u32 v18, v7;
	v5 =	vld.idx.msk [tilespmem:v5+s28+$0x0], $0xffff  }
0x3aa: {  	v11 =	vadd.s32 v11, v21;
	v8 =	vor.u32 v18, v8;
	v2 =	vld.idx.msk [tilespmem:v2+s28+$0x0], $0xffff  }
0x3ab: {  	v14 =	vadd.s32 v14, v21;
	v11 =	vor.u32 v18, v11;
	v3 =	vld.idx.msk [tilespmem:v3+s28+$0x0], $0xffff  }
0x3ac: {  	v15 =	vadd.s32 v15, v21;
	v14 =	vor.u32 v18, v14;
	v4 =	vld.idx.msk [tilespmem:v4+s28+$0x0], $0xffff  }
0x3ad: {  	v15 =	vor.u32 v18, v15;
	v6 =	vld.idx.msk [tilespmem:v6+s28+$0x0], $0xffff  }
0x3ae: {  	v7 =	vld.idx.msk [tilespmem:v7+s28+$0x0], $0xffff  }
0x3af: {  	v8 =	vld.idx.msk [tilespmem:v8+s28+$0x0], $0xffff  }
0x3b0: {  	v1 =	vor.u32 v1, v13;
	v11 =	vld.idx.msk [tilespmem:v11+s28+$0x0], $0xffff  }
0x3b1: {  	v58 =	vld.idx.msk [tilespmem:v14+s28+$0x0], $0xffff;
	v2 =	vsub.bf16 v2, v5;
	v3 =	vsub.bf16 v3, v4  }
0x3b2: {  	v59 =	vld.idx.msk [tilespmem:v15+s28+$0x0], $0xffff;
	v60 =	vsub.bf16 v17, v6  }
0x3b3: {  	v2 =	vmax.bf16 v2, v3;
	v3 =	vsub.bf16 v16, v7  }
0x3b4: {  	v61 =	vsub.bf16 v12, v8;
	v2 =	vmax.bf16 v2, v60  }
0x3b5: {  	s7 =	sadd.s32 $0x1, s7;
	v62 =	vld.idx.msk [tilespmem:v1+s29+$0x0], $0xffff;
	v2 =	vmax.bf16 v2, v3;
	v3 =	vsub.bf16 v10, v11  }
0x3b6: {  	p0 =	sne.s32 s7, $0x8;
	v63 =	vsub.bf16 v9, v58;
	v2 =	vmax.bf16 v2, v61  }
.Ltmp11:
0x3b7: {  	v2 =	vmax.bf16 v2, v3;
	v3 =	vsub.bf16 v19, v59;
	(pc) =	sbr.rel @p0 .LBB2_20-.Ltmp11, $4  }
0x3b8: {  	v2 =	vmax.bf16 v2, v63  }
0x3b9: {  	v2 =	vmax.bf16 v2, v3  }
0x3ba: {  	v2 =	vmax.bf16 v2, v62  }
0x3bb: {  	[tilespmem:v1+s29+$0x0] =	vst.idx.msk $0xffff, v2  }
0x3bc: {  	[hbm4b:s17+s21] =	stream.strided.scatter [tilespmem:s29], [sflag:$0x4], $0x1800, s30, s21, $0x38;
	[tilespmem:$0x19000] =	vst v63  }
0x3bd: {  	_ =	swait.ge [sflag:s31], $0x800  }
0x3be: {  	[sflag:s31] =	ssyncset.done $0x0  }
0x3bf: {  	[sflag:s31] =	ssyncadd.s32 $0xFFFFF800  }
0x3c0: {  	_ =	swait.ge [sflag:s31], $0x800  }
0x3c1: {  	[sflag:s31] =	ssyncset.done $0x0  }
0x3c2: {  	[sflag:s31] =	ssyncadd.s32 $0xFFFFF800  }
0x3c3: {  	_ =	swait.ge [sflag:s4], $0x1800  }
0x3c4: {  	[sflag:s4] =	ssyncset.done $0x0  }
0x3c5: {  	s6 =	simm.s32 $0x0;
	s7 =	simm.s32 $0x0;
	[sflag:s4] =	ssyncadd.s32 $0xFFFFE800  }
.LBB2_26:
0x3c6: {  	s8 =	sshll.u32 s7, $0x4  }
0x3c7: {  	v1 =	vor.u32 s8, v0  }
0x3c8: {  	v2 =	vshll.u32 v1, $0x4;
	_ =	sdelay $0x1  }
0x3c9: {  	v3 =	vor.u32 $0x1, v2;
	_ =	sdelay $0x1  }
0x3ca: {  	v16 =	vor.u32 $0x7, v2  }
0x3cb: {  	v4 =	vld.idx.msk [tilespmem:v2+s25+$0x0], $0xffff  }
0x3cc: {  	v5 =	vor.u32 $0x2, v2;
	v8 =	vld.idx.msk [tilespmem:v2+s26+$0x0], $0xffff  }
0x3cd: {  	v6 =	vld.idx.msk [tilespmem:v3+s25+$0x0], $0xffff  }
0x3ce: {  	v7 =	vor.u32 $0x3, v2;
	v10 =	vld.idx.msk [tilespmem:v3+s26+$0x0], $0xffff  }
0x3cf: {  	v21 =	vld.idx.msk [tilespmem:v16+s25+$0x0], $0xffff  }
0x3d0: {  	v16 =	vld.idx.msk [tilespmem:v16+s26+$0x0], $0xffff  }
0x3d1: {  	v9 =	vor.u32 $0x4, v2;
	v13 =	vor.u32 $0x5, v2;
	v15 =	vor.u32 $0x6, v2;
	v11 =	vld.idx.msk [tilespmem:v5+s25+$0x0], $0xffff  }
0x3d2: {  	v14 =	vld.idx.msk [tilespmem:v5+s26+$0x0], $0xffff;
	v3 =	vshll.u32 v4, $0x3;
	v4 =	vand.u32 $0x7F, v4;
	v5 =	vshll.u32 v8, $0x3  }
0x3d3: {  	v12 =	vld.idx.msk [tilespmem:v7+s25+$0x0], $0xffff;
	v3 =	vand.u32 $0xFFFFFC00, v3;
	v5 =	vand.u32 $0xFFFFFC00, v5;
	v17 =	vand.u32 $0x7F, v6  }
0x3d4: {  	v3 =	vor.u32 v4, v3;
	v4 =	vand.u32 $0x7F, v8;
	v8 =	vshll.u32 v6, $0x3  }
0x3d5: {  	v24 =	vshll.u32 v16, $0x3;
	v16 =	vand.u32 $0x7F, v16;
	v8 =	vand.u32 $0xFFFFFC00, v8  }
0x3d6: {  	v18 =	vld.idx.msk [tilespmem:v9+s25+$0x0], $0xffff;
	v6 =	vor.u32 v4, v5;
	v5 =	vshll.u32 v10, $0x3;
	v4 =	vor.u32 v17, v8  }
0x3d7: {  	v8 =	vld.idx.msk [tilespmem:v7+s26+$0x0], $0xffff;
	v7 =	vand.u32 $0x7F, v10;
	v5 =	vand.u32 $0xFFFFFC00, v5;
	v10 =	vshll.u32 v11, $0x3  }
0x3d8: {  	v20 =	vld.idx.msk [tilespmem:v15+s25+$0x0], $0xffff;
	v17 =	vshll.u32 v12, $0x3;
	v12 =	vand.u32 $0x7F, v12;
	v5 =	vor.u32 v7, v5  }
0x3d9: {  	v9 =	vld.idx.msk [tilespmem:v9+s26+$0x0], $0xffff;
	v7 =	vand.u32 $0x7F, v11;
	v11 =	vand.u32 $0x7F, v14;
	v14 =	vshll.u32 v14, $0x3  }
0x3da: {  	v10 =	vand.u32 $0xFFFFFC00, v10;
	v17 =	vand.u32 $0xFFFFFC00, v17;
	v14 =	vand.u32 $0xFFFFFC00, v14  }
0x3db: {  	v19 =	vld.idx.msk [tilespmem:v13+s25+$0x0], $0xffff;
	v10 =	vor.u32 v7, v10;
	v12 =	vor.u32 v12, v17;
	v17 =	vand.u32 $0x7F, v18  }
0x3dc: {  	v7 =	vor.u32 v11, v14;
	v11 =	vld.idx.msk [tilespmem:v13+s26+$0x0], $0xffff;
	v13 =	vand.u32 $0x7F, v8;
	v8 =	vshll.u32 v8, $0x3  }
0x3dd: {  	v14 =	vshll.u32 v18, $0x3;
	v18 =	vshll.u32 v20, $0x3;
	v8 =	vand.u32 $0xFFFFFC00, v8  }
0x3de: {  	v15 =	vld.idx.msk [tilespmem:v15+s26+$0x0], $0xffff;
	v20 =	vand.u32 $0x7F, v20;
	v8 =	vor.u32 v13, v8;
	v13 =	vshll.u32 v9, $0x3  }
0x3df: {  	v14 =	vand.u32 $0xFFFFFC00, v14;
	v9 =	vand.u32 $0x7F, v9;
	v13 =	vand.u32 $0xFFFFFC00, v13  }
0x3e0: {  	v14 =	vor.u32 v17, v14;
	v17 =	vshll.u32 v19, $0x3;
	v9 =	vor.u32 v9, v13  }
0x3e1: {  	v13 =	vand.u32 $0x7F, v19;
	v19 =	vand.u32 $0x7F, v11;
	v11 =	vshll.u32 v11, $0x3  }
0x3e2: {  	v22 =	vand.u32 $0xFFFFFC00, v18;
	v17 =	vand.u32 $0xFFFFFC00, v17;
	v11 =	vand.u32 $0xFFFFFC00, v11  }
0x3e3: {  	v18 =	vor.u32 v13, v17;
	v17 =	vand.u32 $0x7F, v15;
	v15 =	vshll.u32 v15, $0x3  }
0x3e4: {  	v13 =	vor.u32 v19, v11;
	v19 =	vor.u32 v20, v22;
	v11 =	vshll.u32 v21, $0x3  }
0x3e5: {  	v20 =	vmov s6;
	v21 =	vand.u32 $0x7F, v21;
	v15 =	vand.u32 $0xFFFFFC00, v15  }
0x3e6: {  	v11 =	vand.u32 $0xFFFFFC00, v11;
	v23 =	vshll.u32 v20, $0xA;
	v15 =	vor.u32 v17, v15  }
0x3e7: {  	v22 =	vor.u32 v21, v11;
	v11 =	vshll.u32 v20, $0x7;
	v21 =	vand.u32 $0xE000, v23  }
0x3e8: {  	v17 =	vand.u32 $0xFFFFFC00, v24;
	v20 =	vand.u32 $0x380, v11;
	v23 =	vadd.s32 v22, v21  }
0x3e9: {  	v16 =	vor.u32 v16, v17;
	v17 =	vadd.s32 v19, v21;
	v29 =	vor.u32 v20, v23  }
0x3ea: {  	v23 =	vadd.s32 v18, v21;
	v25 =	vor.u32 v20, v17  }
0x3eb: {  	v17 =	vadd.s32 v14, v21;
	v26 =	vor.u32 v20, v23  }
0x3ec: {  	v23 =	vadd.s32 v12, v21;
	v24 =	vor.u32 v20, v17  }
0x3ed: {  	v17 =	vadd.s32 v10, v21;
	v23 =	vor.u32 v20, v23  }
0x3ee: {  	s8 =	simm.s32 $0x1;
	v28 =	vadd.s32 v6, v21;
	v27 =	vor.u32 v20, v17;
	v17 =	vld.idx.msk [tilespmem:v29+s28+$0x0], $0xffff  }
.LBB2_27:
0x3ef: {  	p0 =	sne.s32 s8, $0x2F;
	v29 =	vadd.s32 v3, v21;
	v28 =	vor.u32 v20, v28;
	v25 =	vld.idx.msk [tilespmem:v25+s28+$0x0], $0xffff  }
0x3f0: {  	v30 =	vadd.s32 v4, v21;
	v29 =	vor.u32 v20, v29;
	v26 =	vld.idx.msk [tilespmem:v26+s28+$0x0], $0xffff  }
0x3f1: {  	v31 =	vadd.s32 v5, v21;
	v30 =	vor.u32 v20, v30;
	v24 =	vld.idx.msk [tilespmem:v24+s28+$0x0], $0xffff  }
0x3f2: {  	v32 =	vadd.s32 v7, v21;
	v31 =	vor.u32 v20, v31;
	v23 =	vld.idx.msk [tilespmem:v23+s28+$0x0], $0xffff  }
0x3f3: {  	v33 =	vadd.s32 v8, v21;
	v32 =	vor.u32 v20, v32;
	v27 =	vld.idx.msk [tilespmem:v27+s28+$0x0], $0xffff  }
0x3f4: {  	v34 =	vadd.s32 v9, v21;
	v33 =	vor.u32 v20, v33;
	v28 =	vld.idx.msk [tilespmem:v28+s28+$0x0], $0xffff  }
0x3f5: {  	v35 =	vadd.s32 v13, v21;
	v34 =	vor.u32 v20, v34;
	v29 =	vld.idx.msk [tilespmem:v29+s28+$0x0], $0xffff  }
0x3f6: {  	v36 =	vadd.s32 v15, v21;
	v35 =	vor.u32 v20, v35;
	v30 =	vld.idx.msk [tilespmem:v30+s28+$0x0], $0xffff  }
0x3f7: {  	v21 =	vadd.s32 v16, v21;
	v36 =	vor.u32 v20, v36;
	v31 =	vld.idx.msk [tilespmem:v31+s28+$0x0], $0xffff  }
0x3f8: {  	v20 =	vor.u32 v20, v21;
	v32 =	vld.idx.msk [tilespmem:v32+s28+$0x0], $0xffff  }
0x3f9: {  	v33 =	vld.idx.msk [tilespmem:v33+s28+$0x0], $0xffff  }
0x3fa: {  	v34 =	vld.idx.msk [tilespmem:v34+s28+$0x0], $0xffff  }
0x3fb: {  	v21 =	vmov s8;
	v35 =	vld.idx.msk [tilespmem:v35+s28+$0x0], $0xffff  }
0x3fc: {  	v37 =	vshll.u32 v21, $0xA;
	v38 =	vshll.u32 v21, $0x7;
	v36 =	vld.idx.msk [tilespmem:v36+s28+$0x0], $0xffff  }
0x3fd: {  	v28 =	vsub.bf16 v29, v28;
	v29 =	vsub.bf16 v30, v31;
	v31 =	vor.u32 v1, v11;
	v30 =	vld.idx.msk [tilespmem:v20+s28+$0x0], $0xffff  }
0x3fe: {  	v21 =	vand.u32 $0xE000, v37;
	v11 =	vmovc v38;
	v20 =	vand.u32 $0x380, v38;
	v27 =	vsub.bf16 v27, v32  }
0x3ff: {  	v32 =	vadd.s32 v22, v21;
	v28 =	vmax.bf16 v28, v29;
	v23 =	vsub.bf16 v23, v33  }
0x400: {  	v29 =	vadd.s32 v19, v21;
	v27 =	vmax.bf16 v28, v27;
	v24 =	vsub.bf16 v24, v34  }
0x401: {  	v28 =	vadd.s32 v18, v21;
	v23 =	vmax.bf16 v27, v23;
	v26 =	vsub.bf16 v26, v35  }
0x402: {  	v32 =	vor.u32 v20, v32;
	v23 =	vmax.bf16 v23, v24;
	v24 =	vsub.bf16 v25, v36  }
.Ltmp12:
0x403: {  	v25 =	vor.u32 v20, v29;
	v23 =	vmax.bf16 v23, v26;
	v17 =	vsub.bf16 v17, v30;
	(pc) =	sbr.rel @p0 .LBB2_27-.Ltmp12, $4  }
0x404: {  	v27 =	vadd.s32 v14, v21;
	v26 =	vor.u32 v20, v28;
	v23 =	vmax.bf16 v23, v24  }
0x405: {  	v28 =	vadd.s32 v12, v21;
	v24 =	vor.u32 v20, v27;
	v17 =	vmax.bf16 v23, v17  }
0x406: {  	v27 =	vadd.s32 v10, v21;
	v23 =	vor.u32 v20, v28;
	[tilespmem:v31+s1+$0x0] =	vst.idx.msk $0xffff, v17  }
0x407: {  	s8 =	sadd.s32 $0x1, s8;
	v28 =	vadd.s32 v6, v21;
	v27 =	vor.u32 v20, v27;
	v17 =	vld.idx.msk [tilespmem:v32+s28+$0x0], $0xffff  }
0x408: {  	_ =	sdelay $0x3  }
0x409: {  	v3 =	vadd.s32 v3, v21;
	v6 =	vor.u32 v20, v28;
	v10 =	vld.idx.msk [tilespmem:v25+s28+$0x0], $0xffff  }
0x40a: {  	v4 =	vadd.s32 v4, v21;
	v12 =	vld.idx.msk [tilespmem:v26+s28+$0x0], $0xffff;
	v3 =	vor.u32 v20, v3  }
0x40b: {  	v5 =	vadd.s32 v5, v21;
	v14 =	vld.idx.msk [tilespmem:v24+s28+$0x0], $0xffff;
	v4 =	vor.u32 v20, v4  }
0x40c: {  	v7 =	vadd.s32 v7, v21;
	v18 =	vld.idx.msk [tilespmem:v23+s28+$0x0], $0xffff;
	v5 =	vor.u32 v20, v5  }
0x40d: {  	v19 =	vld.idx.msk [tilespmem:v27+s28+$0x0], $0xffff;
	v8 =	vadd.s32 v8, v21;
	v7 =	vor.u32 v20, v7  }
0x40e: {  	v9 =	vadd.s32 v9, v21;
	v8 =	vor.u32 v20, v8;
	v6 =	vld.idx.msk [tilespmem:v6+s28+$0x0], $0xffff  }
0x40f: {  	v13 =	vadd.s32 v13, v21;
	v9 =	vor.u32 v20, v9;
	v3 =	vld.idx.msk [tilespmem:v3+s28+$0x0], $0xffff  }
0x410: {  	v15 =	vadd.s32 v15, v21;
	v13 =	vor.u32 v20, v13;
	v4 =	vld.idx.msk [tilespmem:v4+s28+$0x0], $0xffff  }
0x411: {  	v16 =	vadd.s32 v16, v21;
	v15 =	vor.u32 v20, v15;
	v5 =	vld.idx.msk [tilespmem:v5+s28+$0x0], $0xffff  }
0x412: {  	v16 =	vor.u32 v20, v16;
	v7 =	vld.idx.msk [tilespmem:v7+s28+$0x0], $0xffff  }
0x413: {  	v8 =	vld.idx.msk [tilespmem:v8+s28+$0x0], $0xffff  }
0x414: {  	v9 =	vld.idx.msk [tilespmem:v9+s28+$0x0], $0xffff  }
0x415: {  	v13 =	vld.idx.msk [tilespmem:v13+s28+$0x0], $0xffff  }
0x416: {  	v15 =	vld.idx.msk [tilespmem:v15+s28+$0x0], $0xffff;
	v3 =	vsub.bf16 v3, v6;
	v4 =	vsub.bf16 v4, v5  }
0x417: {  	v5 =	vld.idx.msk [tilespmem:v16+s28+$0x0], $0xffff;
	v6 =	vsub.bf16 v19, v7  }
0x418: {  	v3 =	vmax.bf16 v3, v4;
	v4 =	vsub.bf16 v18, v8  }
0x419: {  	v3 =	vmax.bf16 v3, v6;
	v6 =	vsub.bf16 v14, v9  }
0x41a: {  	v7 =	vor.u32 v1, v11;
	v3 =	vmax.bf16 v3, v4;
	v4 =	vsub.bf16 v12, v13  }
0x41b: {  	v8 =	vor.u32 $0x8, v2;
	v3 =	vmax.bf16 v3, v6;
	v6 =	vsub.bf16 v10, v15  }
0x41c: {  	v3 =	vmax.bf16 v3, v4;
	v4 =	vsub.bf16 v17, v5  }
0x41d: {  	v14 =	vor.u32 $0xE, v2;
	v3 =	vmax.bf16 v3, v6  }
0x41e: {  	v3 =	vmax.bf16 v3, v4  }
0x41f: {  	v5 =	vor.u32 $0x9, v2;
	[tilespmem:v7+s1+$0x0] =	vst.idx.msk $0xffff, v3  }
0x420: {  	v3 =	vld.idx.msk [tilespmem:v8+s25+$0x0], $0xffff  }
0x421: {  	v4 =	vor.u32 $0xA, v2;
	v8 =	vld.idx.msk [tilespmem:v8+s26+$0x0], $0xffff  }
0x422: {  	v20 =	vld.idx.msk [tilespmem:v14+s25+$0x0], $0xffff  }
0x423: {  	v14 =	vld.idx.msk [tilespmem:v14+s26+$0x0], $0xffff  }
0x424: {  	v6 =	vld.idx.msk [tilespmem:v5+s25+$0x0], $0xffff  }
0x425: {  	v7 =	vor.u32 $0xB, v2;
	v10 =	vld.idx.msk [tilespmem:v5+s26+$0x0], $0xffff  }
0x426: {  	v9 =	vor.u32 $0xC, v2;
	v12 =	vor.u32 $0xD, v2;
	v15 =	vor.u32 $0xF, v2;
	v11 =	vld.idx.msk [tilespmem:v4+s25+$0x0], $0xffff  }
0x427: {  	v16 =	vld.idx.msk [tilespmem:v4+s26+$0x0], $0xffff;
	v5 =	vshll.u32 v3, $0x3;
	v3 =	vand.u32 $0x7F, v3;
	v4 =	vshll.u32 v8, $0x3  }
0x428: {  	v22 =	vand.u32 $0x7F, v14;
	v14 =	vshll.u32 v14, $0x3;
	v5 =	vand.u32 $0xFFFFFC00, v5  }
0x429: {  	v4 =	vand.u32 $0xFFFFFC00, v4;
	v14 =	vand.u32 $0xFFFFFC00, v14;
	v2 =	vor.u32 v3, v5  }
0x42a: {  	v13 =	vld.idx.msk [tilespmem:v7+s25+$0x0], $0xffff;
	v3 =	vand.u32 $0x7F, v8;
	v5 =	vshll.u32 v6, $0x3;
	v6 =	vand.u32 $0x7F, v6  }
0x42b: {  	v7 =	vld.idx.msk [tilespmem:v7+s26+$0x0], $0xffff;
	v8 =	vand.u32 $0xFFFFFC00, v5;
	v5 =	vor.u32 v3, v4;
	v4 =	vshll.u32 v10, $0x3  }
0x42c: {  	v3 =	vor.u32 v6, v8;
	v6 =	vand.u32 $0x7F, v10;
	v4 =	vand.u32 $0xFFFFFC00, v4  }
0x42d: {  	v17 =	vld.idx.msk [tilespmem:v9+s25+$0x0], $0xffff;
	v8 =	vshll.u32 v11, $0x3;
	v10 =	vand.u32 $0x7F, v16;
	v4 =	vor.u32 v6, v4  }
0x42e: {  	v6 =	vand.u32 $0x7F, v11;
	v8 =	vand.u32 $0xFFFFFC00, v8;
	v11 =	vld.idx.msk [tilespmem:v9+s26+$0x0], $0xffff;
	v9 =	vshll.u32 v16, $0x3  }
0x42f: {  	v18 =	vld.idx.msk [tilespmem:v12+s25+$0x0], $0xffff;
	v16 =	vshll.u32 v13, $0x3;
	v13 =	vand.u32 $0x7F, v13;
	v19 =	vand.u32 $0xFFFFFC00, v9  }
0x430: {  	v16 =	vand.u32 $0xFFFFFC00, v16;
	v9 =	vor.u32 v6, v8;
	v8 =	vand.u32 $0x7F, v7  }
0x431: {  	v7 =	vshll.u32 v7, $0x3;
	v6 =	vor.u32 v10, v19;
	v10 =	vor.u32 v13, v16;
	v13 =	vld.idx.msk [tilespmem:v12+s26+$0x0], $0xffff  }
0x432: {  	v14 =	vor.u32 v22, v14;
	v12 =	vshll.u32 v17, $0x3;
	v7 =	vand.u32 $0xFFFFFC00, v7;
	v19 =	vld.idx.msk [tilespmem:v15+s25+$0x0], $0xffff  }
0x433: {  	v16 =	vand.u32 $0x7F, v17;
	v15 =	vld.idx.msk [tilespmem:v15+s26+$0x0], $0xffff;
	v12 =	vand.u32 $0xFFFFFC00, v12;
	v7 =	vor.u32 v8, v7  }
0x434: {  	v12 =	vor.u32 v16, v12;
	v16 =	vshll.u32 v18, $0x3;
	v8 =	vshll.u32 v11, $0x3  }
0x435: {  	v11 =	vand.u32 $0x7F, v11;
	v16 =	vand.u32 $0xFFFFFC00, v16;
	v8 =	vand.u32 $0xFFFFFC00, v8  }
0x436: {  	v8 =	vor.u32 v11, v8;
	v11 =	vand.u32 $0x7F, v18;
	v17 =	vand.u32 $0x7F, v13  }
0x437: {  	v13 =	vshll.u32 v13, $0x3;
	v18 =	vshll.u32 v20, $0x3;
	v20 =	vand.u32 $0x7F, v20  }
0x438: {  	v23 =	vshll.u32 v15, $0x3;
	v15 =	vand.u32 $0x7F, v15;
	v13 =	vand.u32 $0xFFFFFC00, v13  }
0x439: {  	s8 =	simm.s32 $0x0;
	v18 =	vand.u32 $0xFFFFFC00, v18;
	v16 =	vor.u32 v11, v16;
	v11 =	vor.u32 v17, v13  }
0x43a: {  	v17 =	vor.u32 v20, v18;
	v13 =	vshll.u32 v19, $0x3;
	v18 =	vmov s8  }
0x43b: {  	v19 =	vand.u32 $0x7F, v19;
	v13 =	vand.u32 $0xFFFFFC00, v13;
	v21 =	vshll.u32 v18, $0xA  }
0x43c: {  	v20 =	vor.u32 v19, v13;
	v13 =	vshll.u32 v18, $0x7;
	v21 =	vand.u32 $0xE000, v21  }
0x43d: {  	v22 =	vand.u32 $0xFFFFFC00, v23;
	v18 =	vand.u32 $0x380, v13;
	v19 =	vadd.s32 v20, v21  }
0x43e: {  	v15 =	vor.u32 v15, v22;
	v22 =	vadd.s32 v17, v21;
	v19 =	vor.u32 v18, v19  }
0x43f: {  	v23 =	vadd.s32 v16, v21;
	v25 =	vor.u32 v18, v22  }
0x440: {  	v22 =	vadd.s32 v12, v21;
	v24 =	vor.u32 v18, v23  }
0x441: {  	v26 =	vadd.s32 v10, v21;
	v23 =	vor.u32 v18, v22  }
0x442: {  	v28 =	vadd.s32 v9, v21;
	v22 =	vor.u32 v18, v26  }
0x443: {  	s8 =	simm.s32 $0x1;
	v27 =	vadd.s32 v5, v21;
	v26 =	vor.u32 v18, v28;
	v19 =	vld.idx.msk [tilespmem:v19+s28+$0x0], $0xffff  }
.LBB2_29:
0x444: {  	p0 =	sne.s32 s8, $0x2F;
	v28 =	vadd.s32 v2, v21;
	v27 =	vor.u32 v18, v27;
	v25 =	vld.idx.msk [tilespmem:v25+s28+$0x0], $0xffff  }
0x445: {  	v29 =	vadd.s32 v3, v21;
	v28 =	vor.u32 v18, v28;
	v24 =	vld.idx.msk [tilespmem:v24+s28+$0x0], $0xffff  }
0x446: {  	v30 =	vadd.s32 v4, v21;
	v29 =	vor.u32 v18, v29;
	v23 =	vld.idx.msk [tilespmem:v23+s28+$0x0], $0xffff  }
0x447: {  	v31 =	vadd.s32 v6, v21;
	v30 =	vor.u32 v18, v30;
	v22 =	vld.idx.msk [tilespmem:v22+s28+$0x0], $0xffff  }
0x448: {  	v32 =	vadd.s32 v7, v21;
	v31 =	vor.u32 v18, v31;
	v26 =	vld.idx.msk [tilespmem:v26+s28+$0x0], $0xffff  }
0x449: {  	v33 =	vadd.s32 v8, v21;
	v32 =	vor.u32 v18, v32;
	v27 =	vld.idx.msk [tilespmem:v27+s28+$0x0], $0xffff  }
0x44a: {  	v34 =	vadd.s32 v11, v21;
	v33 =	vor.u32 v18, v33;
	v28 =	vld.idx.msk [tilespmem:v28+s28+$0x0], $0xffff  }
0x44b: {  	v35 =	vadd.s32 v14, v21;
	v34 =	vor.u32 v18, v34;
	v29 =	vld.idx.msk [tilespmem:v29+s28+$0x0], $0xffff  }
0x44c: {  	v21 =	vadd.s32 v15, v21;
	v35 =	vor.u32 v18, v35;
	v30 =	vld.idx.msk [tilespmem:v30+s28+$0x0], $0xffff  }
0x44d: {  	v18 =	vor.u32 v18, v21;
	v31 =	vld.idx.msk [tilespmem:v31+s28+$0x0], $0xffff  }
0x44e: {  	v21 =	vld.idx.msk [tilespmem:v32+s28+$0x0], $0xffff  }
0x44f: {  	v32 =	vld.idx.msk [tilespmem:v33+s28+$0x0], $0xffff  }
0x450: {  	v33 =	vld.idx.msk [tilespmem:v34+s28+$0x0], $0xffff;
	v34 =	vor.u32 v1, v13  }
0x451: {  	v35 =	vld.idx.msk [tilespmem:v35+s28+$0x0], $0xffff  }
0x452: {  	v27 =	vsub.bf16 v28, v27;
	v13 =	vmov s8;
	v28 =	vsub.bf16 v29, v30;
	v29 =	vld.idx.msk [tilespmem:v18+s28+$0x0], $0xffff  }
0x453: {  	v30 =	vshll.u32 v13, $0xA;
	v13 =	vshll.u32 v13, $0x7;
	v26 =	vsub.bf16 v26, v31  }
0x454: {  	v18 =	vand.u32 $0x380, v13;
	v27 =	vmax.bf16 v27, v28;
	v22 =	vsub.bf16 v22, v21  }
0x455: {  	v21 =	vand.u32 $0xE000, v30;
	v26 =	vmax.bf16 v27, v26;
	v23 =	vsub.bf16 v23, v32;
	v27 =	vld.idx.msk [tilespmem:v34+s1+$0x0], $0xffff  }
0x456: {  	v28 =	vadd.s32 v20, v21;
	v22 =	vmax.bf16 v26, v22;
	v24 =	vsub.bf16 v24, v33  }
0x457: {  	v26 =	vadd.s32 v17, v21;
	v22 =	vmax.bf16 v22, v23;
	v23 =	vsub.bf16 v25, v35  }
0x458: {  	v28 =	vor.u32 v18, v28;
	v22 =	vmax.bf16 v22, v24;
	v19 =	vsub.bf16 v19, v29  }
.Ltmp13:
0x459: {  	v25 =	vor.u32 v18, v26;
	v24 =	vadd.s32 v16, v21;
	v22 =	vmax.bf16 v22, v23;
	(pc) =	sbr.rel @p0 .LBB2_29-.Ltmp13, $4  }
0x45a: {  	v23 =	vadd.s32 v12, v21;
	v24 =	vor.u32 v18, v24;
	v19 =	vmax.bf16 v22, v19  }
0x45b: {  	v22 =	vadd.s32 v10, v21;
	v23 =	vor.u32 v18, v23;
	v19 =	vmax.bf16 v19, v27  }
0x45c: {  	v26 =	vadd.s32 v9, v21;
	v22 =	vor.u32 v18, v22;
	[tilespmem:v34+s1+$0x0] =	vst.idx.msk $0xffff, v19  }
0x45d: {  	s8 =	sadd.s32 $0x1, s8;
	v26 =	vor.u32 v18, v26;
	v27 =	vadd.s32 v5, v21;
	v19 =	vld.idx.msk [tilespmem:v28+s28+$0x0], $0xffff  }
0x45e: {  	_ =	sdelay $0x3  }
0x45f: {  	v2 =	vadd.s32 v2, v21;
	v5 =	vor.u32 v18, v27;
	v9 =	vld.idx.msk [tilespmem:v25+s28+$0x0], $0xffff  }
0x460: {  	v3 =	vadd.s32 v3, v21;
	v10 =	vld.idx.msk [tilespmem:v24+s28+$0x0], $0xffff;
	v2 =	vor.u32 v18, v2  }
0x461: {  	v4 =	vadd.s32 v4, v21;
	v12 =	vld.idx.msk [tilespmem:v23+s28+$0x0], $0xffff;
	v3 =	vor.u32 v18, v3  }
0x462: {  	v6 =	vadd.s32 v6, v21;
	v16 =	vld.idx.msk [tilespmem:v22+s28+$0x0], $0xffff;
	v4 =	vor.u32 v18, v4  }
0x463: {  	v17 =	vld.idx.msk [tilespmem:v26+s28+$0x0], $0xffff;
	v7 =	vadd.s32 v7, v21;
	v6 =	vor.u32 v18, v6  }
0x464: {  	v8 =	vadd.s32 v8, v21;
	v7 =	vor.u32 v18, v7;
	v5 =	vld.idx.msk [tilespmem:v5+s28+$0x0], $0xffff  }
0x465: {  	v11 =	vadd.s32 v11, v21;
	v8 =	vor.u32 v18, v8;
	v2 =	vld.idx.msk [tilespmem:v2+s28+$0x0], $0xffff  }
0x466: {  	v14 =	vadd.s32 v14, v21;
	v11 =	vor.u32 v18, v11;
	v3 =	vld.idx.msk [tilespmem:v3+s28+$0x0], $0xffff  }
0x467: {  	v15 =	vadd.s32 v15, v21;
	v14 =	vor.u32 v18, v14;
	v4 =	vld.idx.msk [tilespmem:v4+s28+$0x0], $0xffff  }
0x468: {  	v15 =	vor.u32 v18, v15;
	v6 =	vld.idx.msk [tilespmem:v6+s28+$0x0], $0xffff  }
0x469: {  	v7 =	vld.idx.msk [tilespmem:v7+s28+$0x0], $0xffff  }
0x46a: {  	v8 =	vld.idx.msk [tilespmem:v8+s28+$0x0], $0xffff  }
0x46b: {  	v1 =	vor.u32 v1, v13;
	v11 =	vld.idx.msk [tilespmem:v11+s28+$0x0], $0xffff  }
0x46c: {  	v58 =	vld.idx.msk [tilespmem:v14+s28+$0x0], $0xffff;
	v2 =	vsub.bf16 v2, v5;
	v3 =	vsub.bf16 v3, v4  }
0x46d: {  	v59 =	vld.idx.msk [tilespmem:v15+s28+$0x0], $0xffff;
	v60 =	vsub.bf16 v17, v6  }
0x46e: {  	v2 =	vmax.bf16 v2, v3;
	v3 =	vsub.bf16 v16, v7  }
0x46f: {  	v61 =	vsub.bf16 v12, v8;
	v2 =	vmax.bf16 v2, v60  }
0x470: {  	s7 =	sadd.s32 $0x1, s7;
	v62 =	vld.idx.msk [tilespmem:v1+s1+$0x0], $0xffff;
	v2 =	vmax.bf16 v2, v3;
	v3 =	vsub.bf16 v10, v11  }
0x471: {  	p0 =	sne.s32 s7, $0x8;
	v63 =	vsub.bf16 v9, v58;
	v2 =	vmax.bf16 v2, v61  }
.Ltmp14:
0x472: {  	v2 =	vmax.bf16 v2, v3;
	v3 =	vsub.bf16 v19, v59;
	(pc) =	sbr.rel @p0 .LBB2_26-.Ltmp14, $4  }
0x473: {  	v2 =	vmax.bf16 v2, v63  }
0x474: {  	v2 =	vmax.bf16 v2, v3  }
0x475: {  	v2 =	vmax.bf16 v2, v62  }
0x476: {  	[tilespmem:v1+s1+$0x0] =	vst.idx.msk $0xffff, v2  }
0x477: {  	[hbm4b:s18+s21] =	stream.strided.scatter [tilespmem:s1], [sflag:$0x5], $0x1800, s30, s21, $0x38;
	[tilespmem:$0x19000] =	vst v63  }
0x478: {  	s5 =	sadd.s32 $0x1, s5  }
0x479: {  	_ =	swait.ge [sflag:s0], $0x1800;
	p0 =	sne.s32 s5, s19  }
.Ltmp15:
0x47a: {  	[sflag:s0] =	ssyncset.done $0x0;
	(pc) =	sbr.rel @p0 .LBB2_1-.Ltmp15, $4  }
0x47b: {  	[sflag:s0] =	ssyncadd.s32 $0xFFFFE800  }
0x47c: {  	_ =	swait.ge [sflag:s4], $0x1800  }
0x47d: {  	[sflag:s4] =	ssyncset.done $0x0  }
0x47e: {  	[sflag:s4] =	ssyncadd.s32 $0xFFFFE800  }
0x47f: {  	_ =	sfence.sel $0x180000  }
0x480: {  	[bflag:$0x0] =	sbarrier.arrive $0xFFFF  }
0x481: {  	_ =	strace $0x90000047  }
0x482: {  	s0 =	stileid.u32;
	[bflag:$0x2] =	sbarrier.arrive $0xFFFF  }
0x483: {  	p0 =	sne.s32 s0, $0x0;
	s0 =	rddreg [dreg:$0x2]  }
0x484: {  	s0 =	sadd.s32 @!p0 $0x100000, s0  }
0x485: {  	[sflag:s0] =	ssyncadd.tile.s32 @!p0 $0x1;
	_ =	shalt  }
.Lfunc_end2:
_tile_overlayer_lowered:
.L_overlay_start_2:
0x486: {  	(tag) =	ssettag $0x2  }
0x487: {  	s0 =	rddreg [dreg:$0x0];
	s2 =	stileid.u32  }
0x488: {  	s1 =	rddreg [dreg:$0x1];
	p0 =	sne.s32 s2, $0x0  }
0x489: {  	s3 =	rddreg [dreg:$0x2];
	[bflag:$0x3] =	sbarrier.arrive $0xFFFF;
	s2 =	simm.s32 @!p0 $0x1C06  }
0x48a: {  	[timem:s3], [sflag:s2] =	dma.local @!p0 [hbm:s0], s1  }
0x48b: {  	s0 =	simm.s32 @!p0 $0x6  }
0x48c: {  	_ =	swait.ge @!p0 [sflag:s0], s1  }
0x48d: {  	s1 =	ssub.s32 @!p0 $0x0, s1;
	[sflag:s0] =	ssyncset.done @!p0 $0x0  }
0x48e: {  	[sflag:s0] =	ssyncadd.s32 @!p0 s1  }
0x48f: {  	[bflag:$0x3] =	sbarrier.arrive $0xFFFF  }
0x490: {  	_ =	shalt  }

</sc_bundles>
